<compile_context>
chip_gen: v7x
topology: tpu7x:2x2x1
jax: 0.10.2.dev20260603
libtpu: 0.0.44.dev20260713+nightly
codegen_flags: <defaults>
</compile_context>

<pallas_src>
import functools

import jax
import jax.numpy as jnp
from jax import lax
from jax.experimental import pallas as pl
from jax.experimental.pallas import tpu as pltpu
from jax.experimental.pallas import tpu_sc as plsc

N = 10000
E = 640000
G = 64

NC = 2
NS = 16
NW = NC * NS
CHUNK = 512
CPW = 40
EP = NW * CPW * CHUNK
PAD_SPREAD = 240
N_PAD = 10240
RPT = N_PAD // NS

_mesh = plsc.VectorSubcoreMesh(core_axis_name="c", subcore_axis_name="s")


def _zero_vmem(ref, rows, width):
  zero = jnp.zeros((16,), jnp.float32)

  def body(i, carry):
    for j in range(width // 16):
      ref[i, pl.ds(j * 16, 16)] = zero
    return carry

  lax.fori_loop(0, rows, body, 0)


def _make_sc_agg(d, fp):

  @functools.partial(
      pl.kernel,
      out_type=jax.ShapeDtypeStruct((NC, fp, N_PAD, d), jnp.float32),
      mesh=_mesh,
      compiler_params=pltpu.CompilerParams(use_tc_tiling_on_sc=False),
      scratch_types=[
          pltpu.VMEM((CPW, CHUNK), jnp.int32),
          pltpu.VMEM((CPW, CHUNK), jnp.int32),
          pltpu.VMEM((CHUNK, d), jnp.float32),
          pltpu.VMEM((CHUNK, d), jnp.float32),
          pltpu.VMEM_SHARED((N_PAD, d), jnp.float32),
          pltpu.VMEM_SHARED((N_PAD, d), jnp.float32),
          pltpu.SemaphoreType.DMA,
          pltpu.SemaphoreType.DMA,
          pltpu.SemaphoreType.DMA,
          pltpu.SemaphoreType.DMA,
      ],
  )
  def agg(z_hbm, rows_hbm, cols_hbm, out_hbm, idxr_v, idxc_v, buf_a, buf_b,
          z_sp, acc, gsa, gsb, ssa, ssb):
    c = lax.axis_index("c")
    s = lax.axis_index("s")
    w = s * NC + c

    pltpu.sync_copy(rows_hbm.at[w], idxr_v)
    pltpu.sync_copy(cols_hbm.at[w], idxc_v)

    def gstart(j, buf, sem):
      pltpu.async_copy(z_sp.at[idxr_v.at[j]], buf, sem)

    def gwait(j, buf, sem):
      pltpu.make_async_copy(z_sp.at[idxr_v.at[j]], buf, sem).wait()

    def sstart(j, buf, sem):
      pltpu.async_copy(buf, acc.at[idxc_v.at[j]], sem, add=True)

    def swait(j, buf, sem):
      pltpu.make_async_copy(buf, acc.at[idxc_v.at[j]], sem).wait()

    for f in range(fp):
      pltpu.sync_copy(z_hbm.at[f, pl.ds(s * RPT, RPT // 2)],
                      z_sp.at[pl.ds(s * RPT, RPT // 2)])
      pltpu.sync_copy(z_hbm.at[f, pl.ds(s * RPT + RPT // 2, RPT // 2)],
                      z_sp.at[pl.ds(s * RPT + RPT // 2, RPT // 2)])
      _zero_vmem(buf_a, 512, d)
      pltpu.sync_copy(buf_a.at[pl.ds(0, 512)], acc.at[pl.ds(s * RPT, 512)])
      pltpu.sync_copy(buf_a.at[pl.ds(0, RPT - 512)],
                      acc.at[pl.ds(s * RPT + 512, RPT - 512)])
      plsc.subcore_barrier()

      gstart(0, buf_a, gsa)
      gstart(1, buf_b, gsb)
      gwait(0, buf_a, gsa)
      sstart(0, buf_a, ssa)
      gwait(1, buf_b, gsb)
      sstart(1, buf_b, ssb)

      def ebody(i, carry):
        j0 = 2 * i
        j1 = j0 + 1
        swait(j0 - 2, buf_a, ssa)
        gstart(j0, buf_a, gsa)
        swait(j1 - 2, buf_b, ssb)
        gstart(j1, buf_b, gsb)
        gwait(j0, buf_a, gsa)
        sstart(j0, buf_a, ssa)
        gwait(j1, buf_b, gsb)
        sstart(j1, buf_b, ssb)
        return carry

      lax.fori_loop(1, CPW // 2, ebody, 0)
      swait(CPW - 2, buf_a, ssa)
      swait(CPW - 1, buf_b, ssb)
      plsc.subcore_barrier()

      off = s * RPT
      pltpu.sync_copy(acc.at[pl.ds(off, 512)], buf_a.at[pl.ds(0, 512)])
      pltpu.sync_copy(buf_a.at[pl.ds(0, 512)],
                      out_hbm.at[c, f, pl.ds(off, 512)])
      pltpu.sync_copy(acc.at[pl.ds(off + 512, RPT - 512)],
                      buf_b.at[pl.ds(0, RPT - 512)])
      pltpu.sync_copy(buf_b.at[pl.ds(0, RPT - 512)],
                      out_hbm.at[c, f, pl.ds(off + 512, RPT - 512)])
      plsc.subcore_barrier()

  return agg


_agg16 = _make_sc_agg(16, 1)
_agg32 = _make_sc_agg(32, 1)
_agg32x2 = _make_sc_agg(32, 2)


@functools.partial(
    pl.kernel,
    out_type=jax.ShapeDtypeStruct((NC, N_PAD), jnp.float32),
    mesh=_mesh,
    compiler_params=pltpu.CompilerParams(use_tc_tiling_on_sc=False),
    scratch_types=[
        pltpu.VMEM((CPW, CHUNK), jnp.int32),
        pltpu.VMEM((CHUNK,), jnp.float32),
        pltpu.VMEM((CHUNK,), jnp.float32),
        pltpu.VMEM_SHARED((N_PAD,), jnp.float32),
    ],
)
def _sc_deg(cols_hbm, out_hbm, idxc_v, ones_v, buf_v, acc):
  c = lax.axis_index("c")
  s = lax.axis_index("s")
  w = s * NC + c

  one = jnp.ones((16,), jnp.float32)
  zero = jnp.zeros((16,), jnp.float32)
  for j in range(CHUNK // 16):
    ones_v[pl.ds(j * 16, 16)] = one
    buf_v[pl.ds(j * 16, 16)] = zero

  pltpu.sync_copy(buf_v.at[pl.ds(0, 512)], acc.at[pl.ds(s * RPT, 512)])
  pltpu.sync_copy(buf_v.at[pl.ds(0, RPT - 512)],
                  acc.at[pl.ds(s * RPT + 512, RPT - 512)])
  pltpu.sync_copy(cols_hbm.at[w], idxc_v)
  plsc.subcore_barrier()

  def ebody(j, carry):
    pltpu.sync_copy(ones_v, acc.at[idxc_v.at[j]], add=True)
    return carry

  lax.fori_loop(0, CPW, ebody, 0)
  plsc.subcore_barrier()

  off = s * RPT
  pltpu.sync_copy(acc.at[pl.ds(off, 512)], buf_v.at[pl.ds(0, 512)])
  pltpu.sync_copy(buf_v.at[pl.ds(0, 512)], out_hbm.at[c, pl.ds(off, 512)])
  pltpu.sync_copy(acc.at[pl.ds(off + 512, RPT - 512)],
                  buf_v.at[pl.ds(0, RPT - 512)])
  pltpu.sync_copy(buf_v.at[pl.ds(0, RPT - 512)],
                  out_hbm.at[c, pl.ds(off + 512, RPT - 512)])




def _tc_call(fn, out_shapes):
  return pl.pallas_call(fn, out_shape=out_shapes)


def _tc1_body(deg_ref, x_ref, dinv_ref, xp_ref):
  deg = deg_ref[:, 0:1] + deg_ref[:, 1:2] + 1.0
  rows = lax.broadcasted_iota(jnp.int32, (N_PAD, 1), 0)
  dinv = jnp.where(rows < N, lax.rsqrt(deg), 0.0)
  dinv_ref[...] = dinv
  xp_ref[0] = dinv * x_ref[...]


def _tc2_body(p_ref, xp_ref, dinv_ref, w1_ref, b1_ref, w2_ref, out_ref):
  dinv = dinv_ref[...]
  agg = dinv * (p_ref[0, 0] + p_ref[1, 0] + xp_ref[0])
  h = jnp.maximum(
      jnp.dot(agg, w1_ref[...], preferred_element_type=jnp.float32)
      + b1_ref[...], 0.0)
  out_ref[0] = dinv * jnp.dot(
      h, w2_ref[0], preferred_element_type=jnp.float32)
  out_ref[1] = dinv * jnp.dot(
      h, w2_ref[1], preferred_element_type=jnp.float32)


def _tc3_body(p_ref, z_ref, dinv_ref, b_ref, w_ref, out_ref):
  dinv = dinv_ref[...]
  agg = jnp.concatenate(
      [dinv * (p_ref[0, 0] + p_ref[1, 0] + z_ref[0]),
       dinv * (p_ref[0, 1] + p_ref[1, 1] + z_ref[1])], axis=1)
  h = jnp.maximum(agg + b_ref[...], 0.0)
  out_ref[0] = dinv * jnp.dot(
      h, w_ref[...], preferred_element_type=jnp.float32)


def _tc4_body(p_ref, z_ref, dinv_ref, b_ref, w_ref, out_ref):
  dinv = dinv_ref[...]
  agg = dinv * (p_ref[0, 0] + p_ref[1, 0] + z_ref[0])
  h = jnp.maximum(agg + b_ref[...], 0.0)
  out_ref[0] = dinv * jnp.dot(
      h, w_ref[...], preferred_element_type=jnp.float32)


def _tc5_body(p_ref, z_ref, dinv_ref, b_ref, batch_ref, out_ref):
  h4 = dinv_ref[...] * (p_ref[0, 0] + p_ref[1, 0] + z_ref[0]) + b_ref[...]
  cols = lax.broadcasted_iota(jnp.int32, (N_PAD, 16), 1)
  h4 = jnp.where(cols == 15, 1.0, h4)
  graphs = lax.broadcasted_iota(jnp.int32, (N_PAD, G), 1)
  p = (batch_ref[...] == graphs).astype(jnp.float32)
  sums = lax.dot_general(p, h4, (((0,), (0,)), ((), ())),
                         preferred_element_type=jnp.float32)
  counts = sums[:, 15:16]
  mean = sums[:, 0:3] / jnp.maximum(counts, 1.0)
  zc = mean - jnp.max(mean, axis=1, keepdims=True)
  out_ref[...] = zc - jnp.log(jnp.sum(jnp.exp(zc), axis=1, keepdims=True))


def kernel(x, edge_index, batch, W1, b1, W2, b2, W3, b3, W4, b4):
  f32 = jnp.float32
  row = edge_index[0].astype(jnp.int32)
  col = edge_index[1].astype(jnp.int32)
  pad_idx = N + (jnp.arange(EP - E, dtype=jnp.int32) % PAD_SPREAD)
  rows_p = jnp.concatenate([row, pad_idx]).reshape(NW, CPW, CHUNK)
  cols_p = jnp.concatenate([col, pad_idx]).reshape(NW, CPW, CHUNK)

  x_pad = jnp.pad(x.astype(f32), ((0, N_PAD - N), (0, 16 - x.shape[1])))
  batch_pad = jnp.pad(batch.astype(jnp.int32), (0, N_PAD - N),
                      constant_values=G).reshape(N_PAD, 1)
  w1p = jnp.pad(W1, ((0, 16 - W1.shape[0]), (0, 0)))
  b1r = b1.reshape(1, 128)
  b2r = b2.reshape(1, 64)
  w2s = jnp.stack([W2[:, :32], W2[:, 32:]])
  w3p = jnp.pad(W3, ((0, 0), (0, 32 - W3.shape[1])))
  b3p = jnp.pad(b3, (0, 32 - b3.shape[0])).reshape(1, 32)
  w4p = jnp.pad(W4, ((0, 32 - W4.shape[0]), (0, 16 - W4.shape[1])))
  b4p = jnp.pad(b4, (0, 16 - b4.shape[0])).reshape(1, 16)

  deg_p = _sc_deg(cols_p)
  deg_t = deg_p.T

  dinv, xp = _tc_call(
      _tc1_body,
      (jax.ShapeDtypeStruct((N_PAD, 1), f32),
       jax.ShapeDtypeStruct((1, N_PAD, 16), f32)))(deg_t, x_pad)

  p1 = _agg16(xp, rows_p, cols_p)
  z2 = _tc_call(
      _tc2_body,
      jax.ShapeDtypeStruct((2, N_PAD, 32), f32))(p1, xp, dinv, w1p, b1r, w2s)

  p2 = _agg32x2(z2, rows_p, cols_p)
  z3 = _tc_call(
      _tc3_body,
      jax.ShapeDtypeStruct((1, N_PAD, 32), f32))(p2, z2, dinv, b2r, w3p)

  p3 = _agg32(z3, rows_p, cols_p)
  z4 = _tc_call(
      _tc4_body,
      jax.ShapeDtypeStruct((1, N_PAD, 16), f32))(p3, z3, dinv, b3p, w4p)

  p4 = _agg16(z4, rows_p, cols_p)
  out = _tc_call(
      _tc5_body,
      jax.ShapeDtypeStruct((G, 3), f32))(p4, z4, dinv, b4p, batch_pad)
  return out

# --- scband reference (transcript-rebuilt; emitter-appended) ---
"""Pipeline reference for scband-gcn-32169305047652 (READ-ONLY COPY).

The authoritative reference and input builder live on the scoring server;
editing this copy changes nothing except your own understanding.
"""

import jax, jax.numpy as jnp
import numpy as np

N = 10000
E = 640000
NUM_GRAPHS = 64


def gcn_conv(x, edge_index, W, b):
    n = x.shape[0]
    loops = jnp.arange(n, dtype=edge_index.dtype)
    row = jnp.concatenate([edge_index[0], loops])
    col = jnp.concatenate([edge_index[1], loops])
    ones = jnp.ones(row.shape[0], dtype=x.dtype)
    deg = jnp.zeros((n,), x.dtype).at[col].add(ones)
    deg_inv_sqrt = jnp.where(deg > 0, deg ** -0.5, 0.0)
    norm = deg_inv_sqrt[row] * deg_inv_sqrt[col]
    h = x @ W
    msg = h[row] * norm[:, None]
    out = jnp.zeros((n, W.shape[1]), x.dtype).at[col].add(msg)
    return out + b


def global_mean_pool(x, batch, num_graphs):
    sums = jax.ops.segment_sum(x, batch, num_segments=num_graphs)
    counts = jax.ops.segment_sum(jnp.ones((x.shape[0],), x.dtype), batch, num_segments=num_graphs)
    counts = jnp.maximum(counts, 1.0)
    return sums / counts[:, None]


def setup_inputs(seed: int = 0) -> dict:
    key = jax.random.key(seed)
    ks = [jax.random.fold_in(key, i) for i in range(16)]
    x = jax.random.normal(ks[0], (N, 2), dtype=jnp.float32)
    edge_index = jax.random.randint(ks[1], (2, E), 0, N, dtype=jnp.int64)
    batch = jnp.sort(jax.random.randint(ks[2], (N,), 0, NUM_GRAPHS, dtype=jnp.int64))

    def glorot(k, fan_in, fan_out):
        limit = float(np.sqrt(6.0 / (fan_in + fan_out)))
        return jax.random.uniform(k, (fan_in, fan_out), jnp.float32, -limit, limit)

    W1 = glorot(ks[3], 2, 128);  b1 = jnp.zeros((128,), jnp.float32)
    W2 = glorot(ks[4], 128, 64); b2 = jnp.zeros((64,), jnp.float32)
    W3 = glorot(ks[5], 64, 18);  b3 = jnp.zeros((18,), jnp.float32)
    W4 = glorot(ks[6], 18, 3);   b4 = jnp.zeros((3,), jnp.float32)
    return {"x": x, "edge_index": edge_index, "batch": batch,
            "W1": W1, "b1": b1, "W2": W2, "b2": b2,
            "W3": W3, "b3": b3, "W4": W4, "b4": b4}


def reference(x, edge_index, batch, W1, b1, W2, b2, W3, b3, W4, b4):
    h = jax.nn.relu(gcn_conv(x, edge_index, W1, b1))
    h = jax.nn.relu(gcn_conv(h, edge_index, W2, b2))
    h = jax.nn.relu(gcn_conv(h, edge_index, W3, b3))
    h = gcn_conv(h, edge_index, W4, b4)
    h = global_mean_pool(h, batch, NUM_GRAPHS)
    return jax.nn.log_softmax(h, axis=1)

if __name__ == "__main__":
    import jax
    _d = setup_inputs()
    print(jax.jit(kernel)(*tuple(_d.values())))

</pallas_src>

<mosaic_0001>
#map = affine_map<(d0, d1) -> (0, 0, 0)>
#map1 = affine_map<(d0, d1) -> (0, 0)>
module attributes {stable_mosaic.version = 14 : i64} {
  func.func @_sc_deg(%arg0: i32, %arg1: i32, %arg2: memref<32x40x512xi32, #tpu.memory_space<hbm>>, %arg3: memref<2x10240xf32, #tpu.memory_space<hbm>>, %arg4: memref<40x512xi32, #tpu.memory_space<vmem>>, %arg5: memref<512xf32, #tpu.memory_space<vmem>>, %arg6: memref<512xf32, #tpu.memory_space<vmem>>, %arg7: memref<10240xf32, #tpu.memory_space<vmem_shared>>) attributes {dimension_semantics = [#tpu.dimension_semantics<core_parallel>, #tpu.dimension_semantics<subcore_parallel>], iteration_bounds = array<i64: 2, 16>, scalar_prefetch = 0 : i64, scratch_operands = 4 : i64, tpu.core_type = #tpu.core_type<sc_vector_subcore>, window_params = [{transform_indices = #map}, {transform_indices = #map1}]} {
    %mul3A = arith.constant 2 : i32
    %mul3A_0 = arith.muli %arg1, %mul3A : i32
    %add3A = arith.addi %mul3A_0, %arg0 : i32
    %broadcast_in_dim3A = arith.constant 1.000000e+00 : f32
    %broadcast_in_dim3A_1 = vector.broadcast %broadcast_in_dim3A : f32 to vector<16xf32>
    %broadcast_in_dim3A_2 = arith.constant 0.000000e+00 : f32
    %broadcast_in_dim3A_3 = vector.broadcast %broadcast_in_dim3A_2 : f32 to vector<16xf32>
    %swap3A = arith.constant 0 : index
    %swap3A_4 = tpu.vector_load %arg5[%swap3A] {strides = array<i32>} : memref<512xf32, #tpu.memory_space<vmem>>, vector<16xf32>,
    %swap3A_5 = vector.shape_cast %swap3A_4 : vector<16xf32> to vector<16xf32>
    %swap3A_6 = vector.shape_cast %broadcast_in_dim3A_1 : vector<16xf32> to vector<16xf32>
    tpu.vector_store %arg5[%swap3A], %swap3A_6 {strides = array<i32>} : memref<512xf32, #tpu.memory_space<vmem>>, vector<16xf32>,
    %swap3A_7 = arith.constant 0 : index
    %swap3A_8 = tpu.vector_load %arg6[%swap3A_7] {strides = array<i32>} : memref<512xf32, #tpu.memory_space<vmem>>, vector<16xf32>,
    %swap3A_9 = vector.shape_cast %swap3A_8 : vector<16xf32> to vector<16xf32>
    %swap3A_10 = vector.shape_cast %broadcast_in_dim3A_3 : vector<16xf32> to vector<16xf32>
    tpu.vector_store %arg6[%swap3A_7], %swap3A_10 {strides = array<i32>} : memref<512xf32, #tpu.memory_space<vmem>>, vector<16xf32>,
    %swap3A_11 = arith.constant 16 : index
    %swap3A_12 = tpu.vector_load %arg5[%swap3A_11] {strides = array<i32>} : memref<512xf32, #tpu.memory_space<vmem>>, vector<16xf32>,
    %swap3A_13 = vector.shape_cast %swap3A_12 : vector<16xf32> to vector<16xf32>
    %swap3A_14 = vector.shape_cast %broadcast_in_dim3A_1 : vector<16xf32> to vector<16xf32>
    tpu.vector_store %arg5[%swap3A_11], %swap3A_14 {strides = array<i32>} : memref<512xf32, #tpu.memory_space<vmem>>, vector<16xf32>,
    %swap3A_15 = arith.constant 16 : index
    %swap3A_16 = tpu.vector_load %arg6[%swap3A_15] {strides = array<i32>} : memref<512xf32, #tpu.memory_space<vmem>>, vector<16xf32>,
    %swap3A_17 = vector.shape_cast %swap3A_16 : vector<16xf32> to vector<16xf32>
    %swap3A_18 = vector.shape_cast %broadcast_in_dim3A_3 : vector<16xf32> to vector<16xf32>
    tpu.vector_store %arg6[%swap3A_15], %swap3A_18 {strides = array<i32>} : memref<512xf32, #tpu.memory_space<vmem>>, vector<16xf32>,
    %swap3A_19 = arith.constant 32 : index
    %swap3A_20 = tpu.vector_load %arg5[%swap3A_19] {strides = array<i32>} : memref<512xf32, #tpu.memory_space<vmem>>, vector<16xf32>,
    %swap3A_21 = vector.shape_cast %swap3A_20 : vector<16xf32> to vector<16xf32>
    %swap3A_22 = vector.shape_cast %broadcast_in_dim3A_1 : vector<16xf32> to vector<16xf32>
    tpu.vector_store %arg5[%swap3A_19], %swap3A_22 {strides = array<i32>} : memref<512xf32, #tpu.memory_space<vmem>>, vector<16xf32>,
    %swap3A_23 = arith.constant 32 : index
    %swap3A_24 = tpu.vector_load %arg6[%swap3A_23] {strides = array<i32>} : memref<512xf32, #tpu.memory_space<vmem>>, vector<16xf32>,
    %swap3A_25 = vector.shape_cast %swap3A_24 : vector<16xf32> to vector<16xf32>
    %swap3A_26 = vector.shape_cast %broadcast_in_dim3A_3 : vector<16xf32> to vector<16xf32>
    tpu.vector_store %arg6[%swap3A_23], %swap3A_26 {strides = array<i32>} : memref<512xf32, #tpu.memory_space<vmem>>, vector<16xf32>,
    %swap3A_27 = arith.constant 48 : index
    %swap3A_28 = tpu.vector_load %arg5[%swap3A_27] {strides = array<i32>} : memref<512xf32, #tpu.memory_space<vmem>>, vector<16xf32>,
    %swap3A_29 = vector.shape_cast %swap3A_28 : vector<16xf32> to vector<16xf32>
    %swap3A_30 = vector.shape_cast %broadcast_in_dim3A_1 : vector<16xf32> to vector<16xf32>
    tpu.vector_store %arg5[%swap3A_27], %swap3A_30 {strides = array<i32>} : memref<512xf32, #tpu.memory_space<vmem>>, vector<16xf32>,
    %swap3A_31 = arith.constant 48 : index
    %swap3A_32 = tpu.vector_load %arg6[%swap3A_31] {strides = array<i32>} : memref<512xf32, #tpu.memory_space<vmem>>, vector<16xf32>,
    %swap3A_33 = vector.shape_cast %swap3A_32 : vector<16xf32> to vector<16xf32>
    %swap3A_34 = vector.shape_cast %broadcast_in_dim3A_3 : vector<16xf32> to vector<16xf32>
    tpu.vector_store %arg6[%swap3A_31], %swap3A_34 {strides = array<i32>} : memref<512xf32, #tpu.memory_space<vmem>>, vector<16xf32>,
    %swap3A_35 = arith.constant 64 : index
    %swap3A_36 = tpu.vector_load %arg5[%swap3A_35] {strides = array<i32>} : memref<512xf32, #tpu.memory_space<vmem>>, vector<16xf32>,
    %swap3A_37 = vector.shape_cast %swap3A_36 : vector<16xf32> to vector<16xf32>
    %swap3A_38 = vector.shape_cast %broadcast_in_dim3A_1 : vector<16xf32> to vector<16xf32>
    tpu.vector_store %arg5[%swap3A_35], %swap3A_38 {strides = array<i32>} : memref<512xf32, #tpu.memory_space<vmem>>, vector<16xf32>,
    %swap3A_39 = arith.constant 64 : index
    %swap3A_40 = tpu.vector_load %arg6[%swap3A_39] {strides = array<i32>} : memref<512xf32, #tpu.memory_space<vmem>>, vector<16xf32>,
    %swap3A_41 = vector.shape_cast %swap3A_40 : vector<16xf32> to vector<16xf32>
    %swap3A_42 = vector.shape_cast %broadcast_in_dim3A_3 : vector<16xf32> to vector<16xf32>
    tpu.vector_store %arg6[%swap3A_39], %swap3A_42 {strides = array<i32>} : memref<512xf32, #tpu.memory_space<vmem>>, vector<16xf32>,
    %swap3A_43 = arith.constant 80 : index
    %swap3A_44 = tpu.vector_load %arg5[%swap3A_43] {strides = array<i32>} : memref<512xf32, #tpu.memory_space<vmem>>, vector<16xf32>,
    %swap3A_45 = vector.shape_cast %swap3A_44 : vector<16xf32> to vector<16xf32>
    %swap3A_46 = vector.shape_cast %broadcast_in_dim3A_1 : vector<16xf32> to vector<16xf32>
    tpu.vector_store %arg5[%swap3A_43], %swap3A_46 {strides = array<i32>} : memref<512xf32, #tpu.memory_space<vmem>>, vector<16xf32>,
    %swap3A_47 = arith.constant 80 : index
    %swap3A_48 = tpu.vector_load %arg6[%swap3A_47] {strides = array<i32>} : memref<512xf32, #tpu.memory_space<vmem>>, vector<16xf32>,
    %swap3A_49 = vector.shape_cast %swap3A_48 : vector<16xf32> to vector<16xf32>
    %swap3A_50 = vector.shape_cast %broadcast_in_dim3A_3 : vector<16xf32> to vector<16xf32>
    tpu.vector_store %arg6[%swap3A_47], %swap3A_50 {strides = array<i32>} : memref<512xf32, #tpu.memory_space<vmem>>, vector<16xf32>,
    %swap3A_51 = arith.constant 96 : index
    %swap3A_52 = tpu.vector_load %arg5[%swap3A_51] {strides = array<i32>} : memref<512xf32, #tpu.memory_space<vmem>>, vector<16xf32>,
    %swap3A_53 = vector.shape_cast %swap3A_52 : vector<16xf32> to vector<16xf32>
    %swap3A_54 = vector.shape_cast %broadcast_in_dim3A_1 : vector<16xf32> to vector<16xf32>
    tpu.vector_store %arg5[%swap3A_51], %swap3A_54 {strides = array<i32>} : memref<512xf32, #tpu.memory_space<vmem>>, vector<16xf32>,
    %swap3A_55 = arith.constant 96 : index
    %swap3A_56 = tpu.vector_load %arg6[%swap3A_55] {strides = array<i32>} : memref<512xf32, #tpu.memory_space<vmem>>, vector<16xf32>,
    %swap3A_57 = vector.shape_cast %swap3A_56 : vector<16xf32> to vector<16xf32>
    %swap3A_58 = vector.shape_cast %broadcast_in_dim3A_3 : vector<16xf32> to vector<16xf32>
    tpu.vector_store %arg6[%swap3A_55], %swap3A_58 {strides = array<i32>} : memref<512xf32, #tpu.memory_space<vmem>>, vector<16xf32>,
    %swap3A_59 = arith.constant 112 : index
    %swap3A_60 = tpu.vector_load %arg5[%swap3A_59] {strides = array<i32>} : memref<512xf32, #tpu.memory_space<vmem>>, vector<16xf32>,
    %swap3A_61 = vector.shape_cast %swap3A_60 : vector<16xf32> to vector<16xf32>
    %swap3A_62 = vector.shape_cast %broadcast_in_dim3A_1 : vector<16xf32> to vector<16xf32>
    tpu.vector_store %arg5[%swap3A_59], %swap3A_62 {strides = array<i32>} : memref<512xf32, #tpu.memory_space<vmem>>, vector<16xf32>,
    %swap3A_63 = arith.constant 112 : index
    %swap3A_64 = tpu.vector_load %arg6[%swap3A_63] {strides = array<i32>} : memref<512xf32, #tpu.memory_space<vmem>>, vector<16xf32>,
    %swap3A_65 = vector.shape_cast %swap3A_64 : vector<16xf32> to vector<16xf32>
    %swap3A_66 = vector.shape_cast %broadcast_in_dim3A_3 : vector<16xf32> to vector<16xf32>
    tpu.vector_store %arg6[%swap3A_63], %swap3A_66 {strides = array<i32>} : memref<512xf32, #tpu.memory_space<vmem>>, vector<16xf32>,
    %swap3A_67 = arith.constant 128 : index
    %swap3A_68 = tpu.vector_load %arg5[%swap3A_67] {strides = array<i32>} : memref<512xf32, #tpu.memory_space<vmem>>, vector<16xf32>,
    %swap3A_69 = vector.shape_cast %swap3A_68 : vector<16xf32> to vector<16xf32>
    %swap3A_70 = vector.shape_cast %broadcast_in_dim3A_1 : vector<16xf32> to vector<16xf32>
    tpu.vector_store %arg5[%swap3A_67], %swap3A_70 {strides = array<i32>} : memref<512xf32, #tpu.memory_space<vmem>>, vector<16xf32>,
    %swap3A_71 = arith.constant 128 : index
    %swap3A_72 = tpu.vector_load %arg6[%swap3A_71] {strides = array<i32>} : memref<512xf32, #tpu.memory_space<vmem>>, vector<16xf32>,
    %swap3A_73 = vector.shape_cast %swap3A_72 : vector<16xf32> to vector<16xf32>
    %swap3A_74 = vector.shape_cast %broadcast_in_dim3A_3 : vector<16xf32> to vector<16xf32>
    tpu.vector_store %arg6[%swap3A_71], %swap3A_74 {strides = array<i32>} : memref<512xf32, #tpu.memory_space<vmem>>, vector<16xf32>,
    %swap3A_75 = arith.constant 144 : index
    %swap3A_76 = tpu.vector_load %arg5[%swap3A_75] {strides = array<i32>} : memref<512xf32, #tpu.memory_space<vmem>>, vector<16xf32>,
    %swap3A_77 = vector.shape_cast %swap3A_76 : vector<16xf32> to vector<16xf32>
    %swap3A_78 = vector.shape_cast %broadcast_in_dim3A_1 : vector<16xf32> to vector<16xf32>
    tpu.vector_store %arg5[%swap3A_75], %swap3A_78 {strides = array<i32>} : memref<512xf32, #tpu.memory_space<vmem>>, vector<16xf32>,
    %swap3A_79 = arith.constant 144 : index
    %swap3A_80 = tpu.vector_load %arg6[%swap3A_79] {strides = array<i32>} : memref<512xf32, #tpu.memory_space<vmem>>, vector<16xf32>,
    %swap3A_81 = vector.shape_cast %swap3A_80 : vector<16xf32> to vector<16xf32>
    %swap3A_82 = vector.shape_cast %broadcast_in_dim3A_3 : vector<16xf32> to vector<16xf32>
    tpu.vector_store %arg6[%swap3A_79], %swap3A_82 {strides = array<i32>} : memref<512xf32, #tpu.memory_space<vmem>>, vector<16xf32>,
    %swap3A_83 = arith.constant 160 : index
    %swap3A_84 = tpu.vector_load %arg5[%swap3A_83] {strides = array<i32>} : memref<512xf32, #tpu.memory_space<vmem>>, vector<16xf32>,
    %swap3A_85 = vector.shape_cast %swap3A_84 : vector<16xf32> to vector<16xf32>
    %swap3A_86 = vector.shape_cast %broadcast_in_dim3A_1 : vector<16xf32> to vector<16xf32>
    tpu.vector_store %arg5[%swap3A_83], %swap3A_86 {strides = array<i32>} : memref<512xf32, #tpu.memory_space<vmem>>, vector<16xf32>,
    %swap3A_87 = arith.constant 160 : index
    %swap3A_88 = tpu.vector_load %arg6[%swap3A_87] {strides = array<i32>} : memref<512xf32, #tpu.memory_space<vmem>>, vector<16xf32>,
    %swap3A_89 = vector.shape_cast %swap3A_88 : vector<16xf32> to vector<16xf32>
    %swap3A_90 = vector.shape_cast %broadcast_in_dim3A_3 : vector<16xf32> to vector<16xf32>
    tpu.vector_store %arg6[%swap3A_87], %swap3A_90 {strides = array<i32>} : memref<512xf32, #tpu.memory_space<vmem>>, vector<16xf32>,
    %swap3A_91 = arith.constant 176 : index
    %swap3A_92 = tpu.vector_load %arg5[%swap3A_91] {strides = array<i32>} : memref<512xf32, #tpu.memory_space<vmem>>, vector<16xf32>,
    %swap3A_93 = vector.shape_cast %swap3A_92 : vector<16xf32> to vector<16xf32>
    %swap3A_94 = vector.shape_cast %broadcast_in_dim3A_1 : vector<16xf32> to vector<16xf32>
    tpu.vector_store %arg5[%swap3A_91], %swap3A_94 {strides = array<i32>} : memref<512xf32, #tpu.memory_space<vmem>>, vector<16xf32>,
    %swap3A_95 = arith.constant 176 : index
    %swap3A_96 = tpu.vector_load %arg6[%swap3A_95] {strides = array<i32>} : memref<512xf32, #tpu.memory_space<vmem>>, vector<16xf32>,
    %swap3A_97 = vector.shape_cast %swap3A_96 : vector<16xf32> to vector<16xf32>
    %swap3A_98 = vector.shape_cast %broadcast_in_dim3A_3 : vector<16xf32> to vector<16xf32>
    tpu.vector_store %arg6[%swap3A_95], %swap3A_98 {strides = array<i32>} : memref<512xf32, #tpu.memory_space<vmem>>, vector<16xf32>,
    %swap3A_99 = arith.constant 192 : index
    %swap3A_100 = tpu.vector_load %arg5[%swap3A_99] {strides = array<i32>} : memref<512xf32, #tpu.memory_space<vmem>>, vector<16xf32>,
    %swap3A_101 = vector.shape_cast %swap3A_100 : vector<16xf32> to vector<16xf32>
    %swap3A_102 = vector.shape_cast %broadcast_in_dim3A_1 : vector<16xf32> to vector<16xf32>
    tpu.vector_store %arg5[%swap3A_99], %swap3A_102 {strides = array<i32>} : memref<512xf32, #tpu.memory_space<vmem>>, vector<16xf32>,
    %swap3A_103 = arith.constant 192 : index
    %swap3A_104 = tpu.vector_load %arg6[%swap3A_103] {strides = array<i32>} : memref<512xf32, #tpu.memory_space<vmem>>, vector<16xf32>,
    %swap3A_105 = vector.shape_cast %swap3A_104 : vector<16xf32> to vector<16xf32>
    %swap3A_106 = vector.shape_cast %broadcast_in_dim3A_3 : vector<16xf32> to vector<16xf32>
    tpu.vector_store %arg6[%swap3A_103], %swap3A_106 {strides = array<i32>} : memref<512xf32, #tpu.memory_space<vmem>>, vector<16xf32>,
    %swap3A_107 = arith.constant 208 : index
    %swap3A_108 = tpu.vector_load %arg5[%swap3A_107] {strides = array<i32>} : memref<512xf32, #tpu.memory_space<vmem>>, vector<16xf32>,
    %swap3A_109 = vector.shape_cast %swap3A_108 : vector<16xf32> to vector<16xf32>
    %swap3A_110 = vector.shape_cast %broadcast_in_dim3A_1 : vector<16xf32> to vector<16xf32>
    tpu.vector_store %arg5[%swap3A_107], %swap3A_110 {strides = array<i32>} : memref<512xf32, #tpu.memory_space<vmem>>, vector<16xf32>,
    %swap3A_111 = arith.constant 208 : index
    %swap3A_112 = tpu.vector_load %arg6[%swap3A_111] {strides = array<i32>} : memref<512xf32, #tpu.memory_space<vmem>>, vector<16xf32>,
    %swap3A_113 = vector.shape_cast %swap3A_112 : vector<16xf32> to vector<16xf32>
    %swap3A_114 = vector.shape_cast %broadcast_in_dim3A_3 : vector<16xf32> to vector<16xf32>
    tpu.vector_store %arg6[%swap3A_111], %swap3A_114 {strides = array<i32>} : memref<512xf32, #tpu.memory_space<vmem>>, vector<16xf32>,
    %swap3A_115 = arith.constant 224 : index
    %swap3A_116 = tpu.vector_load %arg5[%swap3A_115] {strides = array<i32>} : memref<512xf32, #tpu.memory_space<vmem>>, vector<16xf32>,
    %swap3A_117 = vector.shape_cast %swap3A_116 : vector<16xf32> to vector<16xf32>
    %swap3A_118 = vector.shape_cast %broadcast_in_dim3A_1 : vector<16xf32> to vector<16xf32>
    tpu.vector_store %arg5[%swap3A_115], %swap3A_118 {strides = array<i32>} : memref<512xf32, #tpu.memory_space<vmem>>, vector<16xf32>,
    %swap3A_119 = arith.constant 224 : index
    %swap3A_120 = tpu.vector_load %arg6[%swap3A_119] {strides = array<i32>} : memref<512xf32, #tpu.memory_space<vmem>>, vector<16xf32>,
    %swap3A_121 = vector.shape_cast %swap3A_120 : vector<16xf32> to vector<16xf32>
    %swap3A_122 = vector.shape_cast %broadcast_in_dim3A_3 : vector<16xf32> to vector<16xf32>
    tpu.vector_store %arg6[%swap3A_119], %swap3A_122 {strides = array<i32>} : memref<512xf32, #tpu.memory_space<vmem>>, vector<16xf32>,
    %swap3A_123 = arith.constant 240 : index
    %swap3A_124 = tpu.vector_load %arg5[%swap3A_123] {strides = array<i32>} : memref<512xf32, #tpu.memory_space<vmem>>, vector<16xf32>,
    %swap3A_125 = vector.shape_cast %swap3A_124 : vector<16xf32> to vector<16xf32>
    %swap3A_126 = vector.shape_cast %broadcast_in_dim3A_1 : vector<16xf32> to vector<16xf32>
    tpu.vector_store %arg5[%swap3A_123], %swap3A_126 {strides = array<i32>} : memref<512xf32, #tpu.memory_space<vmem>>, vector<16xf32>,
    %swap3A_127 = arith.constant 240 : index
    %swap3A_128 = tpu.vector_load %arg6[%swap3A_127] {strides = array<i32>} : memref<512xf32, #tpu.memory_space<vmem>>, vector<16xf32>,
    %swap3A_129 = vector.shape_cast %swap3A_128 : vector<16xf32> to vector<16xf32>
    %swap3A_130 = vector.shape_cast %broadcast_in_dim3A_3 : vector<16xf32> to vector<16xf32>
    tpu.vector_store %arg6[%swap3A_127], %swap3A_130 {strides = array<i32>} : memref<512xf32, #tpu.memory_space<vmem>>, vector<16xf32>,
    %swap3A_131 = arith.constant 256 : index
    %swap3A_132 = tpu.vector_load %arg5[%swap3A_131] {strides = array<i32>} : memref<512xf32, #tpu.memory_space<vmem>>, vector<16xf32>,
    %swap3A_133 = vector.shape_cast %swap3A_132 : vector<16xf32> to vector<16xf32>
    %swap3A_134 = vector.shape_cast %broadcast_in_dim3A_1 : vector<16xf32> to vector<16xf32>
    tpu.vector_store %arg5[%swap3A_131], %swap3A_134 {strides = array<i32>} : memref<512xf32, #tpu.memory_space<vmem>>, vector<16xf32>,
    %swap3A_135 = arith.constant 256 : index
    %swap3A_136 = tpu.vector_load %arg6[%swap3A_135] {strides = array<i32>} : memref<512xf32, #tpu.memory_space<vmem>>, vector<16xf32>,
    %swap3A_137 = vector.shape_cast %swap3A_136 : vector<16xf32> to vector<16xf32>
    %swap3A_138 = vector.shape_cast %broadcast_in_dim3A_3 : vector<16xf32> to vector<16xf32>
    tpu.vector_store %arg6[%swap3A_135], %swap3A_138 {strides = array<i32>} : memref<512xf32, #tpu.memory_space<vmem>>, vector<16xf32>,
    %swap3A_139 = arith.constant 272 : index
    %swap3A_140 = tpu.vector_load %arg5[%swap3A_139] {strides = array<i32>} : memref<512xf32, #tpu.memory_space<vmem>>, vector<16xf32>,
    %swap3A_141 = vector.shape_cast %swap3A_140 : vector<16xf32> to vector<16xf32>
    %swap3A_142 = vector.shape_cast %broadcast_in_dim3A_1 : vector<16xf32> to vector<16xf32>
    tpu.vector_store %arg5[%swap3A_139], %swap3A_142 {strides = array<i32>} : memref<512xf32, #tpu.memory_space<vmem>>, vector<16xf32>,
    %swap3A_143 = arith.constant 272 : index
    %swap3A_144 = tpu.vector_load %arg6[%swap3A_143] {strides = array<i32>} : memref<512xf32, #tpu.memory_space<vmem>>, vector<16xf32>,
    %swap3A_145 = vector.shape_cast %swap3A_144 : vector<16xf32> to vector<16xf32>
    %swap3A_146 = vector.shape_cast %broadcast_in_dim3A_3 : vector<16xf32> to vector<16xf32>
    tpu.vector_store %arg6[%swap3A_143], %swap3A_146 {strides = array<i32>} : memref<512xf32, #tpu.memory_space<vmem>>, vector<16xf32>,
    %swap3A_147 = arith.constant 288 : index
    %swap3A_148 = tpu.vector_load %arg5[%swap3A_147] {strides = array<i32>} : memref<512xf32, #tpu.memory_space<vmem>>, vector<16xf32>,
    %swap3A_149 = vector.shape_cast %swap3A_148 : vector<16xf32> to vector<16xf32>
    %swap3A_150 = vector.shape_cast %broadcast_in_dim3A_1 : vector<16xf32> to vector<16xf32>
    tpu.vector_store %arg5[%swap3A_147], %swap3A_150 {strides = array<i32>} : memref<512xf32, #tpu.memory_space<vmem>>, vector<16xf32>,
    %swap3A_151 = arith.constant 288 : index
    %swap3A_152 = tpu.vector_load %arg6[%swap3A_151] {strides = array<i32>} : memref<512xf32, #tpu.memory_space<vmem>>, vector<16xf32>,
    %swap3A_153 = vector.shape_cast %swap3A_152 : vector<16xf32> to vector<16xf32>
    %swap3A_154 = vector.shape_cast %broadcast_in_dim3A_3 : vector<16xf32> to vector<16xf32>
    tpu.vector_store %arg6[%swap3A_151], %swap3A_154 {strides = array<i32>} : memref<512xf32, #tpu.memory_space<vmem>>, vector<16xf32>,
    %swap3A_155 = arith.constant 304 : index
    %swap3A_156 = tpu.vector_load %arg5[%swap3A_155] {strides = array<i32>} : memref<512xf32, #tpu.memory_space<vmem>>, vector<16xf32>,
    %swap3A_157 = vector.shape_cast %swap3A_156 : vector<16xf32> to vector<16xf32>
    %swap3A_158 = vector.shape_cast %broadcast_in_dim3A_1 : vector<16xf32> to vector<16xf32>
    tpu.vector_store %arg5[%swap3A_155], %swap3A_158 {strides = array<i32>} : memref<512xf32, #tpu.memory_space<vmem>>, vector<16xf32>,
    %swap3A_159 = arith.constant 304 : index
    %swap3A_160 = tpu.vector_load %arg6[%swap3A_159] {strides = array<i32>} : memref<512xf32, #tpu.memory_space<vmem>>, vector<16xf32>,
    %swap3A_161 = vector.shape_cast %swap3A_160 : vector<16xf32> to vector<16xf32>
    %swap3A_162 = vector.shape_cast %broadcast_in_dim3A_3 : vector<16xf32> to vector<16xf32>
    tpu.vector_store %arg6[%swap3A_159], %swap3A_162 {strides = array<i32>} : memref<512xf32, #tpu.memory_space<vmem>>, vector<16xf32>,
    %swap3A_163 = arith.constant 320 : index
    %swap3A_164 = tpu.vector_load %arg5[%swap3A_163] {strides = array<i32>} : memref<512xf32, #tpu.memory_space<vmem>>, vector<16xf32>,
    %swap3A_165 = vector.shape_cast %swap3A_164 : vector<16xf32> to vector<16xf32>
    %swap3A_166 = vector.shape_cast %broadcast_in_dim3A_1 : vector<16xf32> to vector<16xf32>
    tpu.vector_store %arg5[%swap3A_163], %swap3A_166 {strides = array<i32>} : memref<512xf32, #tpu.memory_space<vmem>>, vector<16xf32>,
    %swap3A_167 = arith.constant 320 : index
    %swap3A_168 = tpu.vector_load %arg6[%swap3A_167] {strides = array<i32>} : memref<512xf32, #tpu.memory_space<vmem>>, vector<16xf32>,
    %swap3A_169 = vector.shape_cast %swap3A_168 : vector<16xf32> to vector<16xf32>
    %swap3A_170 = vector.shape_cast %broadcast_in_dim3A_3 : vector<16xf32> to vector<16xf32>
    tpu.vector_store %arg6[%swap3A_167], %swap3A_170 {strides = array<i32>} : memref<512xf32, #tpu.memory_space<vmem>>, vector<16xf32>,
    %swap3A_171 = arith.constant 336 : index
    %swap3A_172 = tpu.vector_load %arg5[%swap3A_171] {strides = array<i32>} : memref<512xf32, #tpu.memory_space<vmem>>, vector<16xf32>,
    %swap3A_173 = vector.shape_cast %swap3A_172 : vector<16xf32> to vector<16xf32>
    %swap3A_174 = vector.shape_cast %broadcast_in_dim3A_1 : vector<16xf32> to vector<16xf32>
    tpu.vector_store %arg5[%swap3A_171], %swap3A_174 {strides = array<i32>} : memref<512xf32, #tpu.memory_space<vmem>>, vector<16xf32>,
    %swap3A_175 = arith.constant 336 : index
    %swap3A_176 = tpu.vector_load %arg6[%swap3A_175] {strides = array<i32>} : memref<512xf32, #tpu.memory_space<vmem>>, vector<16xf32>,
    %swap3A_177 = vector.shape_cast %swap3A_176 : vector<16xf32> to vector<16xf32>
    %swap3A_178 = vector.shape_cast %broadcast_in_dim3A_3 : vector<16xf32> to vector<16xf32>
    tpu.vector_store %arg6[%swap3A_175], %swap3A_178 {strides = array<i32>} : memref<512xf32, #tpu.memory_space<vmem>>, vector<16xf32>,
    %swap3A_179 = arith.constant 352 : index
    %swap3A_180 = tpu.vector_load %arg5[%swap3A_179] {strides = array<i32>} : memref<512xf32, #tpu.memory_space<vmem>>, vector<16xf32>,
    %swap3A_181 = vector.shape_cast %swap3A_180 : vector<16xf32> to vector<16xf32>
    %swap3A_182 = vector.shape_cast %broadcast_in_dim3A_1 : vector<16xf32> to vector<16xf32>
    tpu.vector_store %arg5[%swap3A_179], %swap3A_182 {strides = array<i32>} : memref<512xf32, #tpu.memory_space<vmem>>, vector<16xf32>,
    %swap3A_183 = arith.constant 352 : index
    %swap3A_184 = tpu.vector_load %arg6[%swap3A_183] {strides = array<i32>} : memref<512xf32, #tpu.memory_space<vmem>>, vector<16xf32>,
    %swap3A_185 = vector.shape_cast %swap3A_184 : vector<16xf32> to vector<16xf32>
    %swap3A_186 = vector.shape_cast %broadcast_in_dim3A_3 : vector<16xf32> to vector<16xf32>
    tpu.vector_store %arg6[%swap3A_183], %swap3A_186 {strides = array<i32>} : memref<512xf32, #tpu.memory_space<vmem>>, vector<16xf32>,
    %swap3A_187 = arith.constant 368 : index
    %swap3A_188 = tpu.vector_load %arg5[%swap3A_187] {strides = array<i32>} : memref<512xf32, #tpu.memory_space<vmem>>, vector<16xf32>,
    %swap3A_189 = vector.shape_cast %swap3A_188 : vector<16xf32> to vector<16xf32>
    %swap3A_190 = vector.shape_cast %broadcast_in_dim3A_1 : vector<16xf32> to vector<16xf32>
    tpu.vector_store %arg5[%swap3A_187], %swap3A_190 {strides = array<i32>} : memref<512xf32, #tpu.memory_space<vmem>>, vector<16xf32>,
    %swap3A_191 = arith.constant 368 : index
    %swap3A_192 = tpu.vector_load %arg6[%swap3A_191] {strides = array<i32>} : memref<512xf32, #tpu.memory_space<vmem>>, vector<16xf32>,
    %swap3A_193 = vector.shape_cast %swap3A_192 : vector<16xf32> to vector<16xf32>
    %swap3A_194 = vector.shape_cast %broadcast_in_dim3A_3 : vector<16xf32> to vector<16xf32>
    tpu.vector_store %arg6[%swap3A_191], %swap3A_194 {strides = array<i32>} : memref<512xf32, #tpu.memory_space<vmem>>, vector<16xf32>,
    %swap3A_195 = arith.constant 384 : index
    %swap3A_196 = tpu.vector_load %arg5[%swap3A_195] {strides = array<i32>} : memref<512xf32, #tpu.memory_space<vmem>>, vector<16xf32>,
    %swap3A_197 = vector.shape_cast %swap3A_196 : vector<16xf32> to vector<16xf32>
    %swap3A_198 = vector.shape_cast %broadcast_in_dim3A_1 : vector<16xf32> to vector<16xf32>
    tpu.vector_store %arg5[%swap3A_195], %swap3A_198 {strides = array<i32>} : memref<512xf32, #tpu.memory_space<vmem>>, vector<16xf32>,
    %swap3A_199 = arith.constant 384 : index
    %swap3A_200 = tpu.vector_load %arg6[%swap3A_199] {strides = array<i32>} : memref<512xf32, #tpu.memory_space<vmem>>, vector<16xf32>,
    %swap3A_201 = vector.shape_cast %swap3A_200 : vector<16xf32> to vector<16xf32>
    %swap3A_202 = vector.shape_cast %broadcast_in_dim3A_3 : vector<16xf32> to vector<16xf32>
    tpu.vector_store %arg6[%swap3A_199], %swap3A_202 {strides = array<i32>} : memref<512xf32, #tpu.memory_space<vmem>>, vector<16xf32>,
    %swap3A_203 = arith.constant 400 : index
    %swap3A_204 = tpu.vector_load %arg5[%swap3A_203] {strides = array<i32>} : memref<512xf32, #tpu.memory_space<vmem>>, vector<16xf32>,
    %swap3A_205 = vector.shape_cast %swap3A_204 : vector<16xf32> to vector<16xf32>
    %swap3A_206 = vector.shape_cast %broadcast_in_dim3A_1 : vector<16xf32> to vector<16xf32>
    tpu.vector_store %arg5[%swap3A_203], %swap3A_206 {strides = array<i32>} : memref<512xf32, #tpu.memory_space<vmem>>, vector<16xf32>,
    %swap3A_207 = arith.constant 400 : index
    %swap3A_208 = tpu.vector_load %arg6[%swap3A_207] {strides = array<i32>} : memref<512xf32, #tpu.memory_space<vmem>>, vector<16xf32>,
    %swap3A_209 = vector.shape_cast %swap3A_208 : vector<16xf32> to vector<16xf32>
    %swap3A_210 = vector.shape_cast %broadcast_in_dim3A_3 : vector<16xf32> to vector<16xf32>
    tpu.vector_store %arg6[%swap3A_207], %swap3A_210 {strides = array<i32>} : memref<512xf32, #tpu.memory_space<vmem>>, vector<16xf32>,
    %swap3A_211 = arith.constant 416 : index
    %swap3A_212 = tpu.vector_load %arg5[%swap3A_211] {strides = array<i32>} : memref<512xf32, #tpu.memory_space<vmem>>, vector<16xf32>,
    %swap3A_213 = vector.shape_cast %swap3A_212 : vector<16xf32> to vector<16xf32>
    %swap3A_214 = vector.shape_cast %broadcast_in_dim3A_1 : vector<16xf32> to vector<16xf32>
    tpu.vector_store %arg5[%swap3A_211], %swap3A_214 {strides = array<i32>} : memref<512xf32, #tpu.memory_space<vmem>>, vector<16xf32>,
    %swap3A_215 = arith.constant 416 : index
    %swap3A_216 = tpu.vector_load %arg6[%swap3A_215] {strides = array<i32>} : memref<512xf32, #tpu.memory_space<vmem>>, vector<16xf32>,
    %swap3A_217 = vector.shape_cast %swap3A_216 : vector<16xf32> to vector<16xf32>
    %swap3A_218 = vector.shape_cast %broadcast_in_dim3A_3 : vector<16xf32> to vector<16xf32>
    tpu.vector_store %arg6[%swap3A_215], %swap3A_218 {strides = array<i32>} : memref<512xf32, #tpu.memory_space<vmem>>, vector<16xf32>,
    %swap3A_219 = arith.constant 432 : index
    %swap3A_220 = tpu.vector_load %arg5[%swap3A_219] {strides = array<i32>} : memref<512xf32, #tpu.memory_space<vmem>>, vector<16xf32>,
    %swap3A_221 = vector.shape_cast %swap3A_220 : vector<16xf32> to vector<16xf32>
    %swap3A_222 = vector.shape_cast %broadcast_in_dim3A_1 : vector<16xf32> to vector<16xf32>
    tpu.vector_store %arg5[%swap3A_219], %swap3A_222 {strides = array<i32>} : memref<512xf32, #tpu.memory_space<vmem>>, vector<16xf32>,
    %swap3A_223 = arith.constant 432 : index
    %swap3A_224 = tpu.vector_load %arg6[%swap3A_223] {strides = array<i32>} : memref<512xf32, #tpu.memory_space<vmem>>, vector<16xf32>,
    %swap3A_225 = vector.shape_cast %swap3A_224 : vector<16xf32> to vector<16xf32>
    %swap3A_226 = vector.shape_cast %broadcast_in_dim3A_3 : vector<16xf32> to vector<16xf32>
    tpu.vector_store %arg6[%swap3A_223], %swap3A_226 {strides = array<i32>} : memref<512xf32, #tpu.memory_space<vmem>>, vector<16xf32>,
    %swap3A_227 = arith.constant 448 : index
    %swap3A_228 = tpu.vector_load %arg5[%swap3A_227] {strides = array<i32>} : memref<512xf32, #tpu.memory_space<vmem>>, vector<16xf32>,
    %swap3A_229 = vector.shape_cast %swap3A_228 : vector<16xf32> to vector<16xf32>
    %swap3A_230 = vector.shape_cast %broadcast_in_dim3A_1 : vector<16xf32> to vector<16xf32>
    tpu.vector_store %arg5[%swap3A_227], %swap3A_230 {strides = array<i32>} : memref<512xf32, #tpu.memory_space<vmem>>, vector<16xf32>,
    %swap3A_231 = arith.constant 448 : index
    %swap3A_232 = tpu.vector_load %arg6[%swap3A_231] {strides = array<i32>} : memref<512xf32, #tpu.memory_space<vmem>>, vector<16xf32>,
    %swap3A_233 = vector.shape_cast %swap3A_232 : vector<16xf32> to vector<16xf32>
    %swap3A_234 = vector.shape_cast %broadcast_in_dim3A_3 : vector<16xf32> to vector<16xf32>
    tpu.vector_store %arg6[%swap3A_231], %swap3A_234 {strides = array<i32>} : memref<512xf32, #tpu.memory_space<vmem>>, vector<16xf32>,
    %swap3A_235 = arith.constant 464 : index
    %swap3A_236 = tpu.vector_load %arg5[%swap3A_235] {strides = array<i32>} : memref<512xf32, #tpu.memory_space<vmem>>, vector<16xf32>,
    %swap3A_237 = vector.shape_cast %swap3A_236 : vector<16xf32> to vector<16xf32>
    %swap3A_238 = vector.shape_cast %broadcast_in_dim3A_1 : vector<16xf32> to vector<16xf32>
    tpu.vector_store %arg5[%swap3A_235], %swap3A_238 {strides = array<i32>} : memref<512xf32, #tpu.memory_space<vmem>>, vector<16xf32>,
    %swap3A_239 = arith.constant 464 : index
    %swap3A_240 = tpu.vector_load %arg6[%swap3A_239] {strides = array<i32>} : memref<512xf32, #tpu.memory_space<vmem>>, vector<16xf32>,
    %swap3A_241 = vector.shape_cast %swap3A_240 : vector<16xf32> to vector<16xf32>
    %swap3A_242 = vector.shape_cast %broadcast_in_dim3A_3 : vector<16xf32> to vector<16xf32>
    tpu.vector_store %arg6[%swap3A_239], %swap3A_242 {strides = array<i32>} : memref<512xf32, #tpu.memory_space<vmem>>, vector<16xf32>,
    %swap3A_243 = arith.constant 480 : index
    %swap3A_244 = tpu.vector_load %arg5[%swap3A_243] {strides = array<i32>} : memref<512xf32, #tpu.memory_space<vmem>>, vector<16xf32>,
    %swap3A_245 = vector.shape_cast %swap3A_244 : vector<16xf32> to vector<16xf32>
    %swap3A_246 = vector.shape_cast %broadcast_in_dim3A_1 : vector<16xf32> to vector<16xf32>
    tpu.vector_store %arg5[%swap3A_243], %swap3A_246 {strides = array<i32>} : memref<512xf32, #tpu.memory_space<vmem>>, vector<16xf32>,
    %swap3A_247 = arith.constant 480 : index
    %swap3A_248 = tpu.vector_load %arg6[%swap3A_247] {strides = array<i32>} : memref<512xf32, #tpu.memory_space<vmem>>, vector<16xf32>,
    %swap3A_249 = vector.shape_cast %swap3A_248 : vector<16xf32> to vector<16xf32>
    %swap3A_250 = vector.shape_cast %broadcast_in_dim3A_3 : vector<16xf32> to vector<16xf32>
    tpu.vector_store %arg6[%swap3A_247], %swap3A_250 {strides = array<i32>} : memref<512xf32, #tpu.memory_space<vmem>>, vector<16xf32>,
    %swap3A_251 = arith.constant 496 : index
    %swap3A_252 = tpu.vector_load %arg5[%swap3A_251] {strides = array<i32>} : memref<512xf32, #tpu.memory_space<vmem>>, vector<16xf32>,
    %swap3A_253 = vector.shape_cast %swap3A_252 : vector<16xf32> to vector<16xf32>
    %swap3A_254 = vector.shape_cast %broadcast_in_dim3A_1 : vector<16xf32> to vector<16xf32>
    tpu.vector_store %arg5[%swap3A_251], %swap3A_254 {strides = array<i32>} : memref<512xf32, #tpu.memory_space<vmem>>, vector<16xf32>,
    %swap3A_255 = arith.constant 496 : index
    %swap3A_256 = tpu.vector_load %arg6[%swap3A_255] {strides = array<i32>} : memref<512xf32, #tpu.memory_space<vmem>>, vector<16xf32>,
    %swap3A_257 = vector.shape_cast %swap3A_256 : vector<16xf32> to vector<16xf32>
    %swap3A_258 = vector.shape_cast %broadcast_in_dim3A_3 : vector<16xf32> to vector<16xf32>
    tpu.vector_store %arg6[%swap3A_255], %swap3A_258 {strides = array<i32>} : memref<512xf32, #tpu.memory_space<vmem>>, vector<16xf32>,
    %mul3A_259 = arith.constant 640 : i32
    %mul3A_260 = arith.muli %arg1, %mul3A_259 : i32
    "tpu.region"() ({
      %run_scoped3A = tpu.sem_alloc : memref<!tpu.dma_semaphore, #tpu.memory_space<semaphore_mem>>
      %dma_start3A = arith.constant 0 : i32
      %dma_start3A_277 = tpu.memref_slice %arg6[%dma_start3A] : memref<512xf32, #tpu.memory_space<vmem>> -> memref<512xf32, #tpu.memory_space<vmem>>
      %dma_start3A_278 = tpu.memref_slice %arg7[%mul3A_260] : memref<10240xf32, #tpu.memory_space<vmem_shared>> -> memref<512xf32, #tpu.memory_space<vmem_shared>>
      %dma_start3A_279 = tpu.memref_slice %arg7[%mul3A_260] : memref<10240xf32, #tpu.memory_space<vmem_shared>> -> memref<512xf32, #tpu.memory_space<vmem_shared>>
      %dma_start3A_280 = arith.constant 0 : i32
      %dma_start3A_281 = tpu.memref_slice %arg6[%dma_start3A_280] : memref<512xf32, #tpu.memory_space<vmem>> -> memref<512xf32, #tpu.memory_space<vmem>>
      tpu.enqueue_dma source(%dma_start3A_281 : memref<512xf32, #tpu.memory_space<vmem>>) target(%dma_start3A_279 : memref<512xf32, #tpu.memory_space<vmem_shared>>) target_semaphore(%run_scoped3A : memref<!tpu.dma_semaphore, #tpu.memory_space<semaphore_mem>>)
      %dma_wait3A = arith.constant 0 : i32
      %dma_wait3A_282 = tpu.memref_slice %arg6[%dma_wait3A] : memref<512xf32, #tpu.memory_space<vmem>> -> memref<512xf32, #tpu.memory_space<vmem>>
      %dma_wait3A_283 = tpu.memref_slice %arg7[%mul3A_260] : memref<10240xf32, #tpu.memory_space<vmem_shared>> -> memref<512xf32, #tpu.memory_space<vmem_shared>>
      %dma_wait3A_284 = tpu.memref_slice %arg7[%mul3A_260] : memref<10240xf32, #tpu.memory_space<vmem_shared>> -> memref<512xf32, #tpu.memory_space<vmem_shared>>
      %dma_wait3A_285 = arith.constant 0 : i32
      %dma_wait3A_286 = tpu.memref_slice %arg6[%dma_wait3A_285] : memref<512xf32, #tpu.memory_space<vmem>> -> memref<512xf32, #tpu.memory_space<vmem>>
      tpu.wait_dma2 semaphore(%run_scoped3A : memref<!tpu.dma_semaphore, #tpu.memory_space<semaphore_mem>>) src(%dma_wait3A_286 : memref<512xf32, #tpu.memory_space<vmem>>) dst(%dma_wait3A_284 : memref<512xf32, #tpu.memory_space<vmem_shared>>)
      tpu.yield
    }) : () -> ()
    %mul3A_261 = arith.constant 640 : i32
    %mul3A_262 = arith.muli %arg1, %mul3A_261 : i32
    %add3A_263 = arith.constant 512 : i32
    %add3A_264 = arith.addi %mul3A_262, %add3A_263 : i32
    "tpu.region"() ({
      %run_scoped3A = tpu.sem_alloc : memref<!tpu.dma_semaphore, #tpu.memory_space<semaphore_mem>>
      %dma_start3A = arith.constant 0 : i32
      %dma_start3A_277 = tpu.memref_slice %arg6[%dma_start3A] : memref<512xf32, #tpu.memory_space<vmem>> -> memref<128xf32, #tpu.memory_space<vmem>>
      %dma_start3A_278 = tpu.memref_slice %arg7[%add3A_264] : memref<10240xf32, #tpu.memory_space<vmem_shared>> -> memref<128xf32, #tpu.memory_space<vmem_shared>>
      %dma_start3A_279 = tpu.memref_slice %arg7[%add3A_264] : memref<10240xf32, #tpu.memory_space<vmem_shared>> -> memref<128xf32, #tpu.memory_space<vmem_shared>>
      %dma_start3A_280 = arith.constant 0 : i32
      %dma_start3A_281 = tpu.memref_slice %arg6[%dma_start3A_280] : memref<512xf32, #tpu.memory_space<vmem>> -> memref<128xf32, #tpu.memory_space<vmem>>
      tpu.enqueue_dma source(%dma_start3A_281 : memref<128xf32, #tpu.memory_space<vmem>>) target(%dma_start3A_279 : memref<128xf32, #tpu.memory_space<vmem_shared>>) target_semaphore(%run_scoped3A : memref<!tpu.dma_semaphore, #tpu.memory_space<semaphore_mem>>)
      %dma_wait3A = arith.constant 0 : i32
      %dma_wait3A_282 = tpu.memref_slice %arg6[%dma_wait3A] : memref<512xf32, #tpu.memory_space<vmem>> -> memref<128xf32, #tpu.memory_space<vmem>>
      %dma_wait3A_283 = tpu.memref_slice %arg7[%add3A_264] : memref<10240xf32, #tpu.memory_space<vmem_shared>> -> memref<128xf32, #tpu.memory_space<vmem_shared>>
      %dma_wait3A_284 = tpu.memref_slice %arg7[%add3A_264] : memref<10240xf32, #tpu.memory_space<vmem_shared>> -> memref<128xf32, #tpu.memory_space<vmem_shared>>
      %dma_wait3A_285 = arith.constant 0 : i32
      %dma_wait3A_286 = tpu.memref_slice %arg6[%dma_wait3A_285] : memref<512xf32, #tpu.memory_space<vmem>> -> memref<128xf32, #tpu.memory_space<vmem>>
      tpu.wait_dma2 semaphore(%run_scoped3A : memref<!tpu.dma_semaphore, #tpu.memory_space<semaphore_mem>>) src(%dma_wait3A_286 : memref<128xf32, #tpu.memory_space<vmem>>) dst(%dma_wait3A_284 : memref<128xf32, #tpu.memory_space<vmem_shared>>)
      tpu.yield
    }) : () -> ()
    "tpu.region"() ({
      %run_scoped3A = tpu.sem_alloc : memref<!tpu.dma_semaphore, #tpu.memory_space<semaphore_mem>>
      %dma_start3A = arith.constant 0 : i32
      %dma_start3A_277 = arith.constant 0 : i32
      %dma_start3A_278 = tpu.memref_slice %arg2[%add3A, %dma_start3A, %dma_start3A_277] : memref<32x40x512xi32, #tpu.memory_space<hbm>> -> memref<1x40x512xi32, #tpu.memory_space<hbm>>
      %dma_start3A_279 = tpu.memref_squeeze %dma_start3A_278 : memref<1x40x512xi32, #tpu.memory_space<hbm>> -> memref<40x512xi32, #tpu.memory_space<hbm>>
      %dma_start3A_280 = arith.constant 0 : i32
      %dma_start3A_281 = arith.constant 0 : i32
      %dma_start3A_282 = tpu.memref_slice %arg2[%add3A, %dma_start3A_280, %dma_start3A_281] : memref<32x40x512xi32, #tpu.memory_space<hbm>> -> memref<1x40x512xi32, #tpu.memory_space<hbm>>
      %dma_start3A_283 = tpu.memref_squeeze %dma_start3A_282 : memref<1x40x512xi32, #tpu.memory_space<hbm>> -> memref<40x512xi32, #tpu.memory_space<hbm>>
      tpu.enqueue_dma source(%dma_start3A_283 : memref<40x512xi32, #tpu.memory_space<hbm>>) target(%arg4 : memref<40x512xi32, #tpu.memory_space<vmem>>) target_semaphore(%run_scoped3A : memref<!tpu.dma_semaphore, #tpu.memory_space<semaphore_mem>>)
      %dma_wait3A = arith.constant 0 : i32
      %dma_wait3A_284 = arith.constant 0 : i32
      %dma_wait3A_285 = tpu.memref_slice %arg2[%add3A, %dma_wait3A, %dma_wait3A_284] : memref<32x40x512xi32, #tpu.memory_space<hbm>> -> memref<1x40x512xi32, #tpu.memory_space<hbm>>
      %dma_wait3A_286 = tpu.memref_squeeze %dma_wait3A_285 : memref<1x40x512xi32, #tpu.memory_space<hbm>> -> memref<40x512xi32, #tpu.memory_space<hbm>>
      %dma_wait3A_287 = arith.constant 0 : i32
      %dma_wait3A_288 = arith.constant 0 : i32
      %dma_wait3A_289 = tpu.memref_slice %arg2[%add3A, %dma_wait3A_287, %dma_wait3A_288] : memref<32x40x512xi32, #tpu.memory_space<hbm>> -> memref<1x40x512xi32, #tpu.memory_space<hbm>>
      %dma_wait3A_290 = tpu.memref_squeeze %dma_wait3A_289 : memref<1x40x512xi32, #tpu.memory_space<hbm>> -> memref<40x512xi32, #tpu.memory_space<hbm>>
      tpu.wait_dma2 semaphore(%run_scoped3A : memref<!tpu.dma_semaphore, #tpu.memory_space<semaphore_mem>>) src(%dma_wait3A_290 : memref<40x512xi32, #tpu.memory_space<hbm>>) dst(%arg4 : memref<40x512xi32, #tpu.memory_space<vmem>>)
      tpu.yield
    }) : () -> ()
    %barrier3A = arith.constant 0 : index
    tpu.barrier barrier_id(%barrier3A)
    %scan3A = arith.constant 0 : i32
    %scan3A_265 = arith.constant 0 : i32
    %scan3A_266 = arith.constant 40 : i32
    %scan3A_267 = arith.addi %scan3A_265, %scan3A_266 : i32
    %scan3A_268 = arith.constant 1 : i32
    scf.for %scan3A_277 = %scan3A_265 to %scan3A_267 step %scan3A_268  : i32 {
      "tpu.region"() ({
        %run_scoped3A = tpu.sem_alloc : memref<!tpu.dma_semaphore, #tpu.memory_space<semaphore_mem>>
        %dma_start3A = arith.constant 0 : i32
        %dma_start3A_278 = tpu.memref_slice %arg4[%scan3A_277, %dma_start3A] : memref<40x512xi32, #tpu.memory_space<vmem>> -> memref<1x512xi32, #tpu.memory_space<vmem>>
        %dma_start3A_279 = tpu.memref_squeeze %dma_start3A_278 : memref<1x512xi32, #tpu.memory_space<vmem>> -> memref<512xi32, #tpu.memory_space<vmem>>
        %dma_start3A_280 = arith.constant 0 : i32
        %dma_start3A_281 = tpu.memref_slice %arg7[%dma_start3A_280] : memref<10240xf32, #tpu.memory_space<vmem_shared>> -> memref<10240xf32, #tpu.memory_space<vmem_shared>>
        tpu.enqueue_indirect_dma source(%arg5 : memref<512xf32, #tpu.memory_space<vmem>>) target(%dma_start3A_281 : memref<10240xf32, #tpu.memory_space<vmem_shared>>) offsets(%dma_start3A_279 : memref<512xi32, #tpu.memory_space<vmem>>) semaphore(%run_scoped3A : memref<!tpu.dma_semaphore, #tpu.memory_space<semaphore_mem>>) {add = true}
        %dma_wait3A = arith.constant 0 : i32
        %dma_wait3A_282 = tpu.memref_slice %arg4[%scan3A_277, %dma_wait3A] : memref<40x512xi32, #tpu.memory_space<vmem>> -> memref<1x512xi32, #tpu.memory_space<vmem>>
        %dma_wait3A_283 = tpu.memref_squeeze %dma_wait3A_282 : memref<1x512xi32, #tpu.memory_space<vmem>> -> memref<512xi32, #tpu.memory_space<vmem>>
        %dma_wait3A_284 = arith.constant 0 : i32
        %dma_wait3A_285 = tpu.memref_slice %arg7[%dma_wait3A_284] : memref<10240xf32, #tpu.memory_space<vmem_shared>> -> memref<10240xf32, #tpu.memory_space<vmem_shared>>
        tpu.wait_indirect_dma semaphore(%run_scoped3A : memref<!tpu.dma_semaphore, #tpu.memory_space<semaphore_mem>>) src(%arg5 : memref<512xf32, #tpu.memory_space<vmem>>) dst(%dma_wait3A_285 : memref<10240xf32, #tpu.memory_space<vmem_shared>>)
        tpu.yield
      }) : () -> ()
    }
    %scan3A_269 = arith.constant 40 : i32
    %barrier3A_270 = arith.constant 0 : index
    tpu.barrier barrier_id(%barrier3A_270)
    %mul3A_271 = arith.constant 640 : i32
    %mul3A_272 = arith.muli %arg1, %mul3A_271 : i32
    "tpu.region"() ({
      %run_scoped3A = tpu.sem_alloc : memref<!tpu.dma_semaphore, #tpu.memory_space<semaphore_mem>>
      %dma_start3A = arith.constant 0 : i32
      %dma_start3A_277 = tpu.memref_slice %arg6[%dma_start3A] : memref<512xf32, #tpu.memory_space<vmem>> -> memref<512xf32, #tpu.memory_space<vmem>>
      %dma_start3A_278 = tpu.memref_slice %arg7[%mul3A_272] : memref<10240xf32, #tpu.memory_space<vmem_shared>> -> memref<512xf32, #tpu.memory_space<vmem_shared>>
      %dma_start3A_279 = arith.constant 0 : i32
      %dma_start3A_280 = tpu.memref_slice %arg6[%dma_start3A_279] : memref<512xf32, #tpu.memory_space<vmem>> -> memref<512xf32, #tpu.memory_space<vmem>>
      %dma_start3A_281 = tpu.memref_slice %arg7[%mul3A_272] : memref<10240xf32, #tpu.memory_space<vmem_shared>> -> memref<512xf32, #tpu.memory_space<vmem_shared>>
      tpu.enqueue_dma source(%dma_start3A_281 : memref<512xf32, #tpu.memory_space<vmem_shared>>) target(%dma_start3A_280 : memref<512xf32, #tpu.memory_space<vmem>>) target_semaphore(%run_scoped3A : memref<!tpu.dma_semaphore, #tpu.memory_space<semaphore_mem>>)
      %dma_wait3A = arith.constant 0 : i32
      %dma_wait3A_282 = tpu.memref_slice %arg6[%dma_wait3A] : memref<512xf32, #tpu.memory_space<vmem>> -> memref<512xf32, #tpu.memory_space<vmem>>
      %dma_wait3A_283 = tpu.memref_slice %arg7[%mul3A_272] : memref<10240xf32, #tpu.memory_space<vmem_shared>> -> memref<512xf32, #tpu.memory_space<vmem_shared>>
      %dma_wait3A_284 = arith.constant 0 : i32
      %dma_wait3A_285 = tpu.memref_slice %arg6[%dma_wait3A_284] : memref<512xf32, #tpu.memory_space<vmem>> -> memref<512xf32, #tpu.memory_space<vmem>>
      %dma_wait3A_286 = tpu.memref_slice %arg7[%mul3A_272] : memref<10240xf32, #tpu.memory_space<vmem_shared>> -> memref<512xf32, #tpu.memory_space<vmem_shared>>
      tpu.wait_dma2 semaphore(%run_scoped3A : memref<!tpu.dma_semaphore, #tpu.memory_space<semaphore_mem>>) src(%dma_wait3A_286 : memref<512xf32, #tpu.memory_space<vmem_shared>>) dst(%dma_wait3A_285 : memref<512xf32, #tpu.memory_space<vmem>>)
      tpu.yield
    }) : () -> ()
    "tpu.region"() ({
      %run_scoped3A = tpu.sem_alloc : memref<!tpu.dma_semaphore, #tpu.memory_space<semaphore_mem>>
      %dma_start3A = arith.constant 0 : i32
      %dma_start3A_277 = tpu.memref_slice %arg6[%dma_start3A] : memref<512xf32, #tpu.memory_space<vmem>> -> memref<512xf32, #tpu.memory_space<vmem>>
      %dma_start3A_278 = tpu.memref_slice %arg3[%arg0, %mul3A_272] : memref<2x10240xf32, #tpu.memory_space<hbm>> -> memref<1x512xf32, #tpu.memory_space<hbm>>
      %dma_start3A_279 = tpu.memref_squeeze %dma_start3A_278 : memref<1x512xf32, #tpu.memory_space<hbm>> -> memref<512xf32, #tpu.memory_space<hbm>>
      %dma_start3A_280 = tpu.memref_slice %arg3[%arg0, %mul3A_272] : memref<2x10240xf32, #tpu.memory_space<hbm>> -> memref<1x512xf32, #tpu.memory_space<hbm>>
      %dma_start3A_281 = tpu.memref_squeeze %dma_start3A_280 : memref<1x512xf32, #tpu.memory_space<hbm>> -> memref<512xf32, #tpu.memory_space<hbm>>
      %dma_start3A_282 = arith.constant 0 : i32
      %dma_start3A_283 = tpu.memref_slice %arg6[%dma_start3A_282] : memref<512xf32, #tpu.memory_space<vmem>> -> memref<512xf32, #tpu.memory_space<vmem>>
      tpu.enqueue_dma source(%dma_start3A_283 : memref<512xf32, #tpu.memory_space<vmem>>) target(%dma_start3A_281 : memref<512xf32, #tpu.memory_space<hbm>>) target_semaphore(%run_scoped3A : memref<!tpu.dma_semaphore, #tpu.memory_space<semaphore_mem>>)
      %dma_wait3A = arith.constant 0 : i32
      %dma_wait3A_284 = tpu.memref_slice %arg6[%dma_wait3A] : memref<512xf32, #tpu.memory_space<vmem>> -> memref<512xf32, #tpu.memory_space<vmem>>
      %dma_wait3A_285 = tpu.memref_slice %arg3[%arg0, %mul3A_272] : memref<2x10240xf32, #tpu.memory_space<hbm>> -> memref<1x512xf32, #tpu.memory_space<hbm>>
      %dma_wait3A_286 = tpu.memref_squeeze %dma_wait3A_285 : memref<1x512xf32, #tpu.memory_space<hbm>> -> memref<512xf32, #tpu.memory_space<hbm>>
      %dma_wait3A_287 = tpu.memref_slice %arg3[%arg0, %mul3A_272] : memref<2x10240xf32, #tpu.memory_space<hbm>> -> memref<1x512xf32, #tpu.memory_space<hbm>>
      %dma_wait3A_288 = tpu.memref_squeeze %dma_wait3A_287 : memref<1x512xf32, #tpu.memory_space<hbm>> -> memref<512xf32, #tpu.memory_space<hbm>>
      %dma_wait3A_289 = arith.constant 0 : i32
      %dma_wait3A_290 = tpu.memref_slice %arg6[%dma_wait3A_289] : memref<512xf32, #tpu.memory_space<vmem>> -> memref<512xf32, #tpu.memory_space<vmem>>
      tpu.wait_dma2 semaphore(%run_scoped3A : memref<!tpu.dma_semaphore, #tpu.memory_space<semaphore_mem>>) src(%dma_wait3A_290 : memref<512xf32, #tpu.memory_space<vmem>>) dst(%dma_wait3A_288 : memref<512xf32, #tpu.memory_space<hbm>>)
      tpu.yield
    }) : () -> ()
    %add3A_273 = arith.constant 512 : i32
    %add3A_274 = arith.addi %mul3A_272, %add3A_273 : i32
    "tpu.region"() ({
      %run_scoped3A = tpu.sem_alloc : memref<!tpu.dma_semaphore, #tpu.memory_space<semaphore_mem>>
      %dma_start3A = arith.constant 0 : i32
      %dma_start3A_277 = tpu.memref_slice %arg6[%dma_start3A] : memref<512xf32, #tpu.memory_space<vmem>> -> memref<128xf32, #tpu.memory_space<vmem>>
      %dma_start3A_278 = tpu.memref_slice %arg7[%add3A_274] : memref<10240xf32, #tpu.memory_space<vmem_shared>> -> memref<128xf32, #tpu.memory_space<vmem_shared>>
      %dma_start3A_279 = arith.constant 0 : i32
      %dma_start3A_280 = tpu.memref_slice %arg6[%dma_start3A_279] : memref<512xf32, #tpu.memory_space<vmem>> -> memref<128xf32, #tpu.memory_space<vmem>>
      %dma_start3A_281 = tpu.memref_slice %arg7[%add3A_274] : memref<10240xf32, #tpu.memory_space<vmem_shared>> -> memref<128xf32, #tpu.memory_space<vmem_shared>>
      tpu.enqueue_dma source(%dma_start3A_281 : memref<128xf32, #tpu.memory_space<vmem_shared>>) target(%dma_start3A_280 : memref<128xf32, #tpu.memory_space<vmem>>) target_semaphore(%run_scoped3A : memref<!tpu.dma_semaphore, #tpu.memory_space<semaphore_mem>>)
      %dma_wait3A = arith.constant 0 : i32
      %dma_wait3A_282 = tpu.memref_slice %arg6[%dma_wait3A] : memref<512xf32, #tpu.memory_space<vmem>> -> memref<128xf32, #tpu.memory_space<vmem>>
      %dma_wait3A_283 = tpu.memref_slice %arg7[%add3A_274] : memref<10240xf32, #tpu.memory_space<vmem_shared>> -> memref<128xf32, #tpu.memory_space<vmem_shared>>
      %dma_wait3A_284 = arith.constant 0 : i32
      %dma_wait3A_285 = tpu.memref_slice %arg6[%dma_wait3A_284] : memref<512xf32, #tpu.memory_space<vmem>> -> memref<128xf32, #tpu.memory_space<vmem>>
      %dma_wait3A_286 = tpu.memref_slice %arg7[%add3A_274] : memref<10240xf32, #tpu.memory_space<vmem_shared>> -> memref<128xf32, #tpu.memory_space<vmem_shared>>
      tpu.wait_dma2 semaphore(%run_scoped3A : memref<!tpu.dma_semaphore, #tpu.memory_space<semaphore_mem>>) src(%dma_wait3A_286 : memref<128xf32, #tpu.memory_space<vmem_shared>>) dst(%dma_wait3A_285 : memref<128xf32, #tpu.memory_space<vmem>>)
      tpu.yield
    }) : () -> ()
    %add3A_275 = arith.constant 512 : i32
    %add3A_276 = arith.addi %mul3A_272, %add3A_275 : i32
    "tpu.region"() ({
      %run_scoped3A = tpu.sem_alloc : memref<!tpu.dma_semaphore, #tpu.memory_space<semaphore_mem>>
      %dma_start3A = arith.constant 0 : i32
      %dma_start3A_277 = tpu.memref_slice %arg6[%dma_start3A] : memref<512xf32, #tpu.memory_space<vmem>> -> memref<128xf32, #tpu.memory_space<vmem>>
      %dma_start3A_278 = tpu.memref_slice %arg3[%arg0, %add3A_276] : memref<2x10240xf32, #tpu.memory_space<hbm>> -> memref<1x128xf32, #tpu.memory_space<hbm>>
      %dma_start3A_279 = tpu.memref_squeeze %dma_start3A_278 : memref<1x128xf32, #tpu.memory_space<hbm>> -> memref<128xf32, #tpu.memory_space<hbm>>
      %dma_start3A_280 = tpu.memref_slice %arg3[%arg0, %add3A_276] : memref<2x10240xf32, #tpu.memory_space<hbm>> -> memref<1x128xf32, #tpu.memory_space<hbm>>
      %dma_start3A_281 = tpu.memref_squeeze %dma_start3A_280 : memref<1x128xf32, #tpu.memory_space<hbm>> -> memref<128xf32, #tpu.memory_space<hbm>>
      %dma_start3A_282 = arith.constant 0 : i32
      %dma_start3A_283 = tpu.memref_slice %arg6[%dma_start3A_282] : memref<512xf32, #tpu.memory_space<vmem>> -> memref<128xf32, #tpu.memory_space<vmem>>
      tpu.enqueue_dma source(%dma_start3A_283 : memref<128xf32, #tpu.memory_space<vmem>>) target(%dma_start3A_281 : memref<128xf32, #tpu.memory_space<hbm>>) target_semaphore(%run_scoped3A : memref<!tpu.dma_semaphore, #tpu.memory_space<semaphore_mem>>)
      %dma_wait3A = arith.constant 0 : i32
      %dma_wait3A_284 = tpu.memref_slice %arg6[%dma_wait3A] : memref<512xf32, #tpu.memory_space<vmem>> -> memref<128xf32, #tpu.memory_space<vmem>>
      %dma_wait3A_285 = tpu.memref_slice %arg3[%arg0, %add3A_276] : memref<2x10240xf32, #tpu.memory_space<hbm>> -> memref<1x128xf32, #tpu.memory_space<hbm>>
      %dma_wait3A_286 = tpu.memref_squeeze %dma_wait3A_285 : memref<1x128xf32, #tpu.memory_space<hbm>> -> memref<128xf32, #tpu.memory_space<hbm>>
      %dma_wait3A_287 = tpu.memref_slice %arg3[%arg0, %add3A_276] : memref<2x10240xf32, #tpu.memory_space<hbm>> -> memref<1x128xf32, #tpu.memory_space<hbm>>
      %dma_wait3A_288 = tpu.memref_squeeze %dma_wait3A_287 : memref<1x128xf32, #tpu.memory_space<hbm>> -> memref<128xf32, #tpu.memory_space<hbm>>
      %dma_wait3A_289 = arith.constant 0 : i32
      %dma_wait3A_290 = tpu.memref_slice %arg6[%dma_wait3A_289] : memref<512xf32, #tpu.memory_space<vmem>> -> memref<128xf32, #tpu.memory_space<vmem>>
      tpu.wait_dma2 semaphore(%run_scoped3A : memref<!tpu.dma_semaphore, #tpu.memory_space<semaphore_mem>>) src(%dma_wait3A_290 : memref<128xf32, #tpu.memory_space<vmem>>) dst(%dma_wait3A_288 : memref<128xf32, #tpu.memory_space<hbm>>)
      tpu.yield
    }) : () -> ()
    return
  }
}

#map = affine_map<(d0, d1) -> (0, 0, 0)>
#map1 = affine_map<(d0, d1) -> (0, 0, 0, 0)>
module attributes {stable_mosaic.version = 14 : i64} {
  func.func @agg(%arg0: i32, %arg1: i32, %arg2: memref<1x10240x16xf32, #tpu.memory_space<hbm>>, %arg3: memref<32x40x512xi32, #tpu.memory_space<hbm>>, %arg4: memref<32x40x512xi32, #tpu.memory_space<hbm>>, %arg5: memref<2x1x10240x16xf32, #tpu.memory_space<hbm>>, %arg6: memref<40x512xi32, #tpu.memory_space<vmem>>, %arg7: memref<40x512xi32, #tpu.memory_space<vmem>>, %arg8: memref<512x16xf32, #tpu.memory_space<vmem>>, %arg9: memref<512x16xf32, #tpu.memory_space<vmem>>, %arg10: memref<10240x16xf32, #tpu.memory_space<vmem_shared>>, %arg11: memref<10240x16xf32, #tpu.memory_space<vmem_shared>>, %arg12: memref<!tpu.dma_semaphore, #tpu.memory_space<semaphore_mem>>, %arg13: memref<!tpu.dma_semaphore, #tpu.memory_space<semaphore_mem>>, %arg14: memref<!tpu.dma_semaphore, #tpu.memory_space<semaphore_mem>>, %arg15: memref<!tpu.dma_semaphore, #tpu.memory_space<semaphore_mem>>) attributes {dimension_semantics = [#tpu.dimension_semantics<core_parallel>, #tpu.dimension_semantics<subcore_parallel>], iteration_bounds = array<i64: 2, 16>, scalar_prefetch = 0 : i64, scratch_operands = 10 : i64, tpu.core_type = #tpu.core_type<sc_vector_subcore>, window_params = [{transform_indices = #map}, {transform_indices = #map}, {transform_indices = #map}, {transform_indices = #map1}]} {
    %mul3A = arith.constant 2 : i32
    %mul3A_0 = arith.muli %arg1, %mul3A : i32
    %add3A = arith.addi %mul3A_0, %arg0 : i32
    "tpu.region"() ({
      %run_scoped3A_96 = tpu.sem_alloc : memref<!tpu.dma_semaphore, #tpu.memory_space<semaphore_mem>>
      %dma_start3A_97 = arith.constant 0 : i32
      %dma_start3A_98 = arith.constant 0 : i32
      %dma_start3A_99 = tpu.memref_slice %arg3[%add3A, %dma_start3A_97, %dma_start3A_98] : memref<32x40x512xi32, #tpu.memory_space<hbm>> -> memref<1x40x512xi32, #tpu.memory_space<hbm>>
      %dma_start3A_100 = tpu.memref_squeeze %dma_start3A_99 : memref<1x40x512xi32, #tpu.memory_space<hbm>> -> memref<40x512xi32, #tpu.memory_space<hbm>>
      %dma_start3A_101 = arith.constant 0 : i32
      %dma_start3A_102 = arith.constant 0 : i32
      %dma_start3A_103 = tpu.memref_slice %arg3[%add3A, %dma_start3A_101, %dma_start3A_102] : memref<32x40x512xi32, #tpu.memory_space<hbm>> -> memref<1x40x512xi32, #tpu.memory_space<hbm>>
      %dma_start3A_104 = tpu.memref_squeeze %dma_start3A_103 : memref<1x40x512xi32, #tpu.memory_space<hbm>> -> memref<40x512xi32, #tpu.memory_space<hbm>>
      tpu.enqueue_dma source(%dma_start3A_104 : memref<40x512xi32, #tpu.memory_space<hbm>>) target(%arg6 : memref<40x512xi32, #tpu.memory_space<vmem>>) target_semaphore(%run_scoped3A_96 : memref<!tpu.dma_semaphore, #tpu.memory_space<semaphore_mem>>)
      %dma_wait3A_105 = arith.constant 0 : i32
      %dma_wait3A_106 = arith.constant 0 : i32
      %dma_wait3A_107 = tpu.memref_slice %arg3[%add3A, %dma_wait3A_105, %dma_wait3A_106] : memref<32x40x512xi32, #tpu.memory_space<hbm>> -> memref<1x40x512xi32, #tpu.memory_space<hbm>>
      %dma_wait3A_108 = tpu.memref_squeeze %dma_wait3A_107 : memref<1x40x512xi32, #tpu.memory_space<hbm>> -> memref<40x512xi32, #tpu.memory_space<hbm>>
      %dma_wait3A_109 = arith.constant 0 : i32
      %dma_wait3A_110 = arith.constant 0 : i32
      %dma_wait3A_111 = tpu.memref_slice %arg3[%add3A, %dma_wait3A_109, %dma_wait3A_110] : memref<32x40x512xi32, #tpu.memory_space<hbm>> -> memref<1x40x512xi32, #tpu.memory_space<hbm>>
      %dma_wait3A_112 = tpu.memref_squeeze %dma_wait3A_111 : memref<1x40x512xi32, #tpu.memory_space<hbm>> -> memref<40x512xi32, #tpu.memory_space<hbm>>
      tpu.wait_dma2 semaphore(%run_scoped3A_96 : memref<!tpu.dma_semaphore, #tpu.memory_space<semaphore_mem>>) src(%dma_wait3A_112 : memref<40x512xi32, #tpu.memory_space<hbm>>) dst(%arg6 : memref<40x512xi32, #tpu.memory_space<vmem>>)
      tpu.yield
    }) : () -> ()
    "tpu.region"() ({
      %run_scoped3A_96 = tpu.sem_alloc : memref<!tpu.dma_semaphore, #tpu.memory_space<semaphore_mem>>
      %dma_start3A_97 = arith.constant 0 : i32
      %dma_start3A_98 = arith.constant 0 : i32
      %dma_start3A_99 = tpu.memref_slice %arg4[%add3A, %dma_start3A_97, %dma_start3A_98] : memref<32x40x512xi32, #tpu.memory_space<hbm>> -> memref<1x40x512xi32, #tpu.memory_space<hbm>>
      %dma_start3A_100 = tpu.memref_squeeze %dma_start3A_99 : memref<1x40x512xi32, #tpu.memory_space<hbm>> -> memref<40x512xi32, #tpu.memory_space<hbm>>
      %dma_start3A_101 = arith.constant 0 : i32
      %dma_start3A_102 = arith.constant 0 : i32
      %dma_start3A_103 = tpu.memref_slice %arg4[%add3A, %dma_start3A_101, %dma_start3A_102] : memref<32x40x512xi32, #tpu.memory_space<hbm>> -> memref<1x40x512xi32, #tpu.memory_space<hbm>>
      %dma_start3A_104 = tpu.memref_squeeze %dma_start3A_103 : memref<1x40x512xi32, #tpu.memory_space<hbm>> -> memref<40x512xi32, #tpu.memory_space<hbm>>
      tpu.enqueue_dma source(%dma_start3A_104 : memref<40x512xi32, #tpu.memory_space<hbm>>) target(%arg7 : memref<40x512xi32, #tpu.memory_space<vmem>>) target_semaphore(%run_scoped3A_96 : memref<!tpu.dma_semaphore, #tpu.memory_space<semaphore_mem>>)
      %dma_wait3A_105 = arith.constant 0 : i32
      %dma_wait3A_106 = arith.constant 0 : i32
      %dma_wait3A_107 = tpu.memref_slice %arg4[%add3A, %dma_wait3A_105, %dma_wait3A_106] : memref<32x40x512xi32, #tpu.memory_space<hbm>> -> memref<1x40x512xi32, #tpu.memory_space<hbm>>
      %dma_wait3A_108 = tpu.memref_squeeze %dma_wait3A_107 : memref<1x40x512xi32, #tpu.memory_space<hbm>> -> memref<40x512xi32, #tpu.memory_space<hbm>>
      %dma_wait3A_109 = arith.constant 0 : i32
      %dma_wait3A_110 = arith.constant 0 : i32
      %dma_wait3A_111 = tpu.memref_slice %arg4[%add3A, %dma_wait3A_109, %dma_wait3A_110] : memref<32x40x512xi32, #tpu.memory_space<hbm>> -> memref<1x40x512xi32, #tpu.memory_space<hbm>>
      %dma_wait3A_112 = tpu.memref_squeeze %dma_wait3A_111 : memref<1x40x512xi32, #tpu.memory_space<hbm>> -> memref<40x512xi32, #tpu.memory_space<hbm>>
      tpu.wait_dma2 semaphore(%run_scoped3A_96 : memref<!tpu.dma_semaphore, #tpu.memory_space<semaphore_mem>>) src(%dma_wait3A_112 : memref<40x512xi32, #tpu.memory_space<hbm>>) dst(%arg7 : memref<40x512xi32, #tpu.memory_space<vmem>>)
      tpu.yield
    }) : () -> ()
    %mul3A_1 = arith.constant 640 : i32
    %mul3A_2 = arith.muli %arg1, %mul3A_1 : i32
    %mul3A_3 = arith.constant 640 : i32
    %mul3A_4 = arith.muli %arg1, %mul3A_3 : i32
    %run_scoped3A = arith.constant 0 : i32
    "tpu.region"() ({
      %run_scoped3A_96 = tpu.sem_alloc : memref<!tpu.dma_semaphore, #tpu.memory_space<semaphore_mem>>
      %dma_start3A_97 = arith.constant 0 : i32
      %dma_start3A_98 = tpu.memref_slice %arg10[%mul3A_4, %dma_start3A_97] : memref<10240x16xf32, #tpu.memory_space<vmem_shared>> -> memref<320x16xf32, #tpu.memory_space<vmem_shared>>
      %dma_start3A_99 = arith.constant 0 : i32
      %dma_start3A_100 = tpu.memref_slice %arg2[%run_scoped3A, %mul3A_2, %dma_start3A_99] : memref<1x10240x16xf32, #tpu.memory_space<hbm>> -> memref<1x320x16xf32, #tpu.memory_space<hbm>>
      %dma_start3A_101 = tpu.memref_squeeze %dma_start3A_100 : memref<1x320x16xf32, #tpu.memory_space<hbm>> -> memref<320x16xf32, #tpu.memory_space<hbm>>
      tpu.enqueue_dma source(%dma_start3A_101 : memref<320x16xf32, #tpu.memory_space<hbm>>) target(%dma_start3A_98 : memref<320x16xf32, #tpu.memory_space<vmem_shared>>) target_semaphore(%run_scoped3A_96 : memref<!tpu.dma_semaphore, #tpu.memory_space<semaphore_mem>>)
      %dma_wait3A_102 = arith.constant 0 : i32
      %dma_wait3A_103 = tpu.memref_slice %arg10[%mul3A_4, %dma_wait3A_102] : memref<10240x16xf32, #tpu.memory_space<vmem_shared>> -> memref<320x16xf32, #tpu.memory_space<vmem_shared>>
      %dma_wait3A_104 = arith.constant 0 : i32
      %dma_wait3A_105 = tpu.memref_slice %arg2[%run_scoped3A, %mul3A_2, %dma_wait3A_104] : memref<1x10240x16xf32, #tpu.memory_space<hbm>> -> memref<1x320x16xf32, #tpu.memory_space<hbm>>
      %dma_wait3A_106 = tpu.memref_squeeze %dma_wait3A_105 : memref<1x320x16xf32, #tpu.memory_space<hbm>> -> memref<320x16xf32, #tpu.memory_space<hbm>>
      tpu.wait_dma2 semaphore(%run_scoped3A_96 : memref<!tpu.dma_semaphore, #tpu.memory_space<semaphore_mem>>) src(%dma_wait3A_106 : memref<320x16xf32, #tpu.memory_space<hbm>>) dst(%dma_wait3A_103 : memref<320x16xf32, #tpu.memory_space<vmem_shared>>)
      tpu.yield
    }) : () -> ()
    %mul3A_5 = arith.constant 640 : i32
    %mul3A_6 = arith.muli %arg1, %mul3A_5 : i32
    %add3A_7 = arith.constant 320 : i32
    %add3A_8 = arith.addi %mul3A_6, %add3A_7 : i32
    %mul3A_9 = arith.constant 640 : i32
    %mul3A_10 = arith.muli %arg1, %mul3A_9 : i32
    %add3A_11 = arith.constant 320 : i32
    %add3A_12 = arith.addi %mul3A_10, %add3A_11 : i32
    %run_scoped3A_13 = arith.constant 0 : i32
    "tpu.region"() ({
      %run_scoped3A_96 = tpu.sem_alloc : memref<!tpu.dma_semaphore, #tpu.memory_space<semaphore_mem>>
      %dma_start3A_97 = arith.constant 0 : i32
      %dma_start3A_98 = tpu.memref_slice %arg10[%add3A_12, %dma_start3A_97] : memref<10240x16xf32, #tpu.memory_space<vmem_shared>> -> memref<320x16xf32, #tpu.memory_space<vmem_shared>>
      %dma_start3A_99 = arith.constant 0 : i32
      %dma_start3A_100 = tpu.memref_slice %arg2[%run_scoped3A_13, %add3A_8, %dma_start3A_99] : memref<1x10240x16xf32, #tpu.memory_space<hbm>> -> memref<1x320x16xf32, #tpu.memory_space<hbm>>
      %dma_start3A_101 = tpu.memref_squeeze %dma_start3A_100 : memref<1x320x16xf32, #tpu.memory_space<hbm>> -> memref<320x16xf32, #tpu.memory_space<hbm>>
      tpu.enqueue_dma source(%dma_start3A_101 : memref<320x16xf32, #tpu.memory_space<hbm>>) target(%dma_start3A_98 : memref<320x16xf32, #tpu.memory_space<vmem_shared>>) target_semaphore(%run_scoped3A_96 : memref<!tpu.dma_semaphore, #tpu.memory_space<semaphore_mem>>)
      %dma_wait3A_102 = arith.constant 0 : i32
      %dma_wait3A_103 = tpu.memref_slice %arg10[%add3A_12, %dma_wait3A_102] : memref<10240x16xf32, #tpu.memory_space<vmem_shared>> -> memref<320x16xf32, #tpu.memory_space<vmem_shared>>
      %dma_wait3A_104 = arith.constant 0 : i32
      %dma_wait3A_105 = tpu.memref_slice %arg2[%run_scoped3A_13, %add3A_8, %dma_wait3A_104] : memref<1x10240x16xf32, #tpu.memory_space<hbm>> -> memref<1x320x16xf32, #tpu.memory_space<hbm>>
      %dma_wait3A_106 = tpu.memref_squeeze %dma_wait3A_105 : memref<1x320x16xf32, #tpu.memory_space<hbm>> -> memref<320x16xf32, #tpu.memory_space<hbm>>
      tpu.wait_dma2 semaphore(%run_scoped3A_96 : memref<!tpu.dma_semaphore, #tpu.memory_space<semaphore_mem>>) src(%dma_wait3A_106 : memref<320x16xf32, #tpu.memory_space<hbm>>) dst(%dma_wait3A_103 : memref<320x16xf32, #tpu.memory_space<vmem_shared>>)
      tpu.yield
    }) : () -> ()
    %broadcast_in_dim3A = arith.constant 0.000000e+00 : f32
    %broadcast_in_dim3A_14 = vector.broadcast %broadcast_in_dim3A : f32 to vector<16xf32>
    %scan3A = arith.constant 0 : i32
    %scan3A_15 = arith.constant 0 : i32
    %scan3A_16 = arith.constant 512 : i32
    %scan3A_17 = arith.addi %scan3A_15, %scan3A_16 : i32
    %scan3A_18 = arith.constant 1 : i32
    scf.for %scan3A_96 = %scan3A_15 to %scan3A_17 step %scan3A_18  : i32 {
      %swap3A = arith.index_cast %scan3A_96 : i32 to index
      %swap3A_97 = arith.constant 0 : index
      %swap3A_98 = tpu.vector_load %arg8[%swap3A, %swap3A_97] {strides = array<i32>} : memref<512x16xf32, #tpu.memory_space<vmem>>, vector<1x16xf32>,
      %swap3A_99 = vector.shape_cast %swap3A_98 : vector<1x16xf32> to vector<16xf32>
      %swap3A_100 = vector.shape_cast %broadcast_in_dim3A_14 : vector<16xf32> to vector<1x16xf32>
      tpu.vector_store %arg8[%swap3A, %swap3A_97], %swap3A_100 {strides = array<i32>} : memref<512x16xf32, #tpu.memory_space<vmem>>, vector<1x16xf32>,
    }
    %scan3A_19 = arith.constant 512 : i32
    %mul3A_20 = arith.constant 640 : i32
    %mul3A_21 = arith.muli %arg1, %mul3A_20 : i32
    "tpu.region"() ({
      %run_scoped3A_96 = tpu.sem_alloc : memref<!tpu.dma_semaphore, #tpu.memory_space<semaphore_mem>>
      %dma_start3A_97 = arith.constant 0 : i32
      %dma_start3A_98 = arith.constant 0 : i32
      %dma_start3A_99 = tpu.memref_slice %arg8[%dma_start3A_97, %dma_start3A_98] : memref<512x16xf32, #tpu.memory_space<vmem>> -> memref<512x16xf32, #tpu.memory_space<vmem>>
      %dma_start3A_100 = arith.constant 0 : i32
      %dma_start3A_101 = tpu.memref_slice %arg11[%mul3A_21, %dma_start3A_100] : memref<10240x16xf32, #tpu.memory_space<vmem_shared>> -> memref<512x16xf32, #tpu.memory_space<vmem_shared>>
      %dma_start3A_102 = arith.constant 0 : i32
      %dma_start3A_103 = tpu.memref_slice %arg11[%mul3A_21, %dma_start3A_102] : memref<10240x16xf32, #tpu.memory_space<vmem_shared>> -> memref<512x16xf32, #tpu.memory_space<vmem_shared>>
      %dma_start3A_104 = arith.constant 0 : i32
      %dma_start3A_105 = arith.constant 0 : i32
      %dma_start3A_106 = tpu.memref_slice %arg8[%dma_start3A_104, %dma_start3A_105] : memref<512x16xf32, #tpu.memory_space<vmem>> -> memref<512x16xf32, #tpu.memory_space<vmem>>
      tpu.enqueue_dma source(%dma_start3A_106 : memref<512x16xf32, #tpu.memory_space<vmem>>) target(%dma_start3A_103 : memref<512x16xf32, #tpu.memory_space<vmem_shared>>) target_semaphore(%run_scoped3A_96 : memref<!tpu.dma_semaphore, #tpu.memory_space<semaphore_mem>>)
      %dma_wait3A_107 = arith.constant 0 : i32
      %dma_wait3A_108 = arith.constant 0 : i32
      %dma_wait3A_109 = tpu.memref_slice %arg8[%dma_wait3A_107, %dma_wait3A_108] : memref<512x16xf32, #tpu.memory_space<vmem>> -> memref<512x16xf32, #tpu.memory_space<vmem>>
      %dma_wait3A_110 = arith.constant 0 : i32
      %dma_wait3A_111 = tpu.memref_slice %arg11[%mul3A_21, %dma_wait3A_110] : memref<10240x16xf32, #tpu.memory_space<vmem_shared>> -> memref<512x16xf32, #tpu.memory_space<vmem_shared>>
      %dma_wait3A_112 = arith.constant 0 : i32
      %dma_wait3A_113 = tpu.memref_slice %arg11[%mul3A_21, %dma_wait3A_112] : memref<10240x16xf32, #tpu.memory_space<vmem_shared>> -> memref<512x16xf32, #tpu.memory_space<vmem_shared>>
      %dma_wait3A_114 = arith.constant 0 : i32
      %dma_wait3A_115 = arith.constant 0 : i32
      %dma_wait3A_116 = tpu.memref_slice %arg8[%dma_wait3A_114, %dma_wait3A_115] : memref<512x16xf32, #tpu.memory_space<vmem>> -> memref<512x16xf32, #tpu.memory_space<vmem>>
      tpu.wait_dma2 semaphore(%run_scoped3A_96 : memref<!tpu.dma_semaphore, #tpu.memory_space<semaphore_mem>>) src(%dma_wait3A_116 : memref<512x16xf32, #tpu.memory_space<vmem>>) dst(%dma_wait3A_113 : memref<512x16xf32, #tpu.memory_space<vmem_shared>>)
      tpu.yield
    }) : () -> ()
    %mul3A_22 = arith.constant 640 : i32
    %mul3A_23 = arith.muli %arg1, %mul3A_22 : i32
    %add3A_24 = arith.constant 512 : i32
    %add3A_25 = arith.addi %mul3A_23, %add3A_24 : i32
    "tpu.region"() ({
      %run_scoped3A_96 = tpu.sem_alloc : memref<!tpu.dma_semaphore, #tpu.memory_space<semaphore_mem>>
      %dma_start3A_97 = arith.constant 0 : i32
      %dma_start3A_98 = arith.constant 0 : i32
      %dma_start3A_99 = tpu.memref_slice %arg8[%dma_start3A_97, %dma_start3A_98] : memref<512x16xf32, #tpu.memory_space<vmem>> -> memref<128x16xf32, #tpu.memory_space<vmem>>
      %dma_start3A_100 = arith.constant 0 : i32
      %dma_start3A_101 = tpu.memref_slice %arg11[%add3A_25, %dma_start3A_100] : memref<10240x16xf32, #tpu.memory_space<vmem_shared>> -> memref<128x16xf32, #tpu.memory_space<vmem_shared>>
      %dma_start3A_102 = arith.constant 0 : i32
      %dma_start3A_103 = tpu.memref_slice %arg11[%add3A_25, %dma_start3A_102] : memref<10240x16xf32, #tpu.memory_space<vmem_shared>> -> memref<128x16xf32, #tpu.memory_space<vmem_shared>>
      %dma_start3A_104 = arith.constant 0 : i32
      %dma_start3A_105 = arith.constant 0 : i32
      %dma_start3A_106 = tpu.memref_slice %arg8[%dma_start3A_104, %dma_start3A_105] : memref<512x16xf32, #tpu.memory_space<vmem>> -> memref<128x16xf32, #tpu.memory_space<vmem>>
      tpu.enqueue_dma source(%dma_start3A_106 : memref<128x16xf32, #tpu.memory_space<vmem>>) target(%dma_start3A_103 : memref<128x16xf32, #tpu.memory_space<vmem_shared>>) target_semaphore(%run_scoped3A_96 : memref<!tpu.dma_semaphore, #tpu.memory_space<semaphore_mem>>)
      %dma_wait3A_107 = arith.constant 0 : i32
      %dma_wait3A_108 = arith.constant 0 : i32
      %dma_wait3A_109 = tpu.memref_slice %arg8[%dma_wait3A_107, %dma_wait3A_108] : memref<512x16xf32, #tpu.memory_space<vmem>> -> memref<128x16xf32, #tpu.memory_space<vmem>>
      %dma_wait3A_110 = arith.constant 0 : i32
      %dma_wait3A_111 = tpu.memref_slice %arg11[%add3A_25, %dma_wait3A_110] : memref<10240x16xf32, #tpu.memory_space<vmem_shared>> -> memref<128x16xf32, #tpu.memory_space<vmem_shared>>
      %dma_wait3A_112 = arith.constant 0 : i32
      %dma_wait3A_113 = tpu.memref_slice %arg11[%add3A_25, %dma_wait3A_112] : memref<10240x16xf32, #tpu.memory_space<vmem_shared>> -> memref<128x16xf32, #tpu.memory_space<vmem_shared>>
      %dma_wait3A_114 = arith.constant 0 : i32
      %dma_wait3A_115 = arith.constant 0 : i32
      %dma_wait3A_116 = tpu.memref_slice %arg8[%dma_wait3A_114, %dma_wait3A_115] : memref<512x16xf32, #tpu.memory_space<vmem>> -> memref<128x16xf32, #tpu.memory_space<vmem>>
      tpu.wait_dma2 semaphore(%run_scoped3A_96 : memref<!tpu.dma_semaphore, #tpu.memory_space<semaphore_mem>>) src(%dma_wait3A_116 : memref<128x16xf32, #tpu.memory_space<vmem>>) dst(%dma_wait3A_113 : memref<128x16xf32, #tpu.memory_space<vmem_shared>>)
      tpu.yield
    }) : () -> ()
    %barrier3A = arith.constant 0 : index
    tpu.barrier barrier_id(%barrier3A)
    %dma_start3A = arith.constant 0 : i32
    %dma_start3A_26 = arith.constant 0 : i32
    %dma_start3A_27 = tpu.memref_slice %arg6[%dma_start3A, %dma_start3A_26] : memref<40x512xi32, #tpu.memory_space<vmem>> -> memref<1x512xi32, #tpu.memory_space<vmem>>
    %dma_start3A_28 = tpu.memref_squeeze %dma_start3A_27 : memref<1x512xi32, #tpu.memory_space<vmem>> -> memref<512xi32, #tpu.memory_space<vmem>>
    %dma_start3A_29 = arith.constant 0 : i32
    %dma_start3A_30 = arith.constant 0 : i32
    %dma_start3A_31 = tpu.memref_slice %arg10[%dma_start3A_29, %dma_start3A_30] : memref<10240x16xf32, #tpu.memory_space<vmem_shared>> -> memref<10240x16xf32, #tpu.memory_space<vmem_shared>>
    tpu.enqueue_indirect_dma source(%dma_start3A_31 : memref<10240x16xf32, #tpu.memory_space<vmem_shared>>) target(%arg8 : memref<512x16xf32, #tpu.memory_space<vmem>>) offsets(%dma_start3A_28 : memref<512xi32, #tpu.memory_space<vmem>>) semaphore(%arg12 : memref<!tpu.dma_semaphore, #tpu.memory_space<semaphore_mem>>)
    %dma_start3A_32 = arith.constant 1 : i32
    %dma_start3A_33 = arith.constant 0 : i32
    %dma_start3A_34 = tpu.memref_slice %arg6[%dma_start3A_32, %dma_start3A_33] : memref<40x512xi32, #tpu.memory_space<vmem>> -> memref<1x512xi32, #tpu.memory_space<vmem>>
    %dma_start3A_35 = tpu.memref_squeeze %dma_start3A_34 : memref<1x512xi32, #tpu.memory_space<vmem>> -> memref<512xi32, #tpu.memory_space<vmem>>
    %dma_start3A_36 = arith.constant 0 : i32
    %dma_start3A_37 = arith.constant 0 : i32
    %dma_start3A_38 = tpu.memref_slice %arg10[%dma_start3A_36, %dma_start3A_37] : memref<10240x16xf32, #tpu.memory_space<vmem_shared>> -> memref<10240x16xf32, #tpu.memory_space<vmem_shared>>
    tpu.enqueue_indirect_dma source(%dma_start3A_38 : memref<10240x16xf32, #tpu.memory_space<vmem_shared>>) target(%arg9 : memref<512x16xf32, #tpu.memory_space<vmem>>) offsets(%dma_start3A_35 : memref<512xi32, #tpu.memory_space<vmem>>) semaphore(%arg13 : memref<!tpu.dma_semaphore, #tpu.memory_space<semaphore_mem>>)
    %dma_wait3A = arith.constant 0 : i32
    %dma_wait3A_39 = arith.constant 0 : i32
    %dma_wait3A_40 = tpu.memref_slice %arg6[%dma_wait3A, %dma_wait3A_39] : memref<40x512xi32, #tpu.memory_space<vmem>> -> memref<1x512xi32, #tpu.memory_space<vmem>>
    %dma_wait3A_41 = tpu.memref_squeeze %dma_wait3A_40 : memref<1x512xi32, #tpu.memory_space<vmem>> -> memref<512xi32, #tpu.memory_space<vmem>>
    %dma_wait3A_42 = arith.constant 0 : i32
    %dma_wait3A_43 = arith.constant 0 : i32
    %dma_wait3A_44 = tpu.memref_slice %arg10[%dma_wait3A_42, %dma_wait3A_43] : memref<10240x16xf32, #tpu.memory_space<vmem_shared>> -> memref<10240x16xf32, #tpu.memory_space<vmem_shared>>
    tpu.wait_indirect_dma semaphore(%arg12 : memref<!tpu.dma_semaphore, #tpu.memory_space<semaphore_mem>>) src(%dma_wait3A_44 : memref<10240x16xf32, #tpu.memory_space<vmem_shared>>) dst(%arg8 : memref<512x16xf32, #tpu.memory_space<vmem>>)
    %dma_start3A_45 = arith.constant 0 : i32
    %dma_start3A_46 = arith.constant 0 : i32
    %dma_start3A_47 = tpu.memref_slice %arg7[%dma_start3A_45, %dma_start3A_46] : memref<40x512xi32, #tpu.memory_space<vmem>> -> memref<1x512xi32, #tpu.memory_space<vmem>>
    %dma_start3A_48 = tpu.memref_squeeze %dma_start3A_47 : memref<1x512xi32, #tpu.memory_space<vmem>> -> memref<512xi32, #tpu.memory_space<vmem>>
    %dma_start3A_49 = arith.constant 0 : i32
    %dma_start3A_50 = arith.constant 0 : i32
    %dma_start3A_51 = tpu.memref_slice %arg11[%dma_start3A_49, %dma_start3A_50] : memref<10240x16xf32, #tpu.memory_space<vmem_shared>> -> memref<10240x16xf32, #tpu.memory_space<vmem_shared>>
    tpu.enqueue_indirect_dma source(%arg8 : memref<512x16xf32, #tpu.memory_space<vmem>>) target(%dma_start3A_51 : memref<10240x16xf32, #tpu.memory_space<vmem_shared>>) offsets(%dma_start3A_48 : memref<512xi32, #tpu.memory_space<vmem>>) semaphore(%arg14 : memref<!tpu.dma_semaphore, #tpu.memory_space<semaphore_mem>>) {add = true}
    %dma_wait3A_52 = arith.constant 1 : i32
    %dma_wait3A_53 = arith.constant 0 : i32
    %dma_wait3A_54 = tpu.memref_slice %arg6[%dma_wait3A_52, %dma_wait3A_53] : memref<40x512xi32, #tpu.memory_space<vmem>> -> memref<1x512xi32, #tpu.memory_space<vmem>>
    %dma_wait3A_55 = tpu.memref_squeeze %dma_wait3A_54 : memref<1x512xi32, #tpu.memory_space<vmem>> -> memref<512xi32, #tpu.memory_space<vmem>>
    %dma_wait3A_56 = arith.constant 0 : i32
    %dma_wait3A_57 = arith.constant 0 : i32
    %dma_wait3A_58 = tpu.memref_slice %arg10[%dma_wait3A_56, %dma_wait3A_57] : memref<10240x16xf32, #tpu.memory_space<vmem_shared>> -> memref<10240x16xf32, #tpu.memory_space<vmem_shared>>
    tpu.wait_indirect_dma semaphore(%arg13 : memref<!tpu.dma_semaphore, #tpu.memory_space<semaphore_mem>>) src(%dma_wait3A_58 : memref<10240x16xf32, #tpu.memory_space<vmem_shared>>) dst(%arg9 : memref<512x16xf32, #tpu.memory_space<vmem>>)
    %dma_start3A_59 = arith.constant 1 : i32
    %dma_start3A_60 = arith.constant 0 : i32
    %dma_start3A_61 = tpu.memref_slice %arg7[%dma_start3A_59, %dma_start3A_60] : memref<40x512xi32, #tpu.memory_space<vmem>> -> memref<1x512xi32, #tpu.memory_space<vmem>>
    %dma_start3A_62 = tpu.memref_squeeze %dma_start3A_61 : memref<1x512xi32, #tpu.memory_space<vmem>> -> memref<512xi32, #tpu.memory_space<vmem>>
    %dma_start3A_63 = arith.constant 0 : i32
    %dma_start3A_64 = arith.constant 0 : i32
    %dma_start3A_65 = tpu.memref_slice %arg11[%dma_start3A_63, %dma_start3A_64] : memref<10240x16xf32, #tpu.memory_space<vmem_shared>> -> memref<10240x16xf32, #tpu.memory_space<vmem_shared>>
    tpu.enqueue_indirect_dma source(%arg9 : memref<512x16xf32, #tpu.memory_space<vmem>>) target(%dma_start3A_65 : memref<10240x16xf32, #tpu.memory_space<vmem_shared>>) offsets(%dma_start3A_62 : memref<512xi32, #tpu.memory_space<vmem>>) semaphore(%arg15 : memref<!tpu.dma_semaphore, #tpu.memory_space<semaphore_mem>>) {add = true}
    %scan3A_66 = arith.constant 0 : i32
    %scan3A_67 = arith.constant 1 : i32
    %scan3A_68 = arith.constant 19 : i32
    %scan3A_69 = arith.addi %scan3A_67, %scan3A_68 : i32
    %scan3A_70 = arith.constant 1 : i32
    scf.for %scan3A_96 = %scan3A_67 to %scan3A_69 step %scan3A_70  : i32 {
      %mul3A_97 = arith.constant 2 : i32
      %mul3A_98 = arith.muli %mul3A_97, %scan3A_96 : i32
      %add3A_99 = arith.constant 1 : i32
      %add3A_100 = arith.addi %mul3A_98, %add3A_99 : i32
      %sub3A = arith.constant 2 : i32
      %sub3A_101 = arith.subi %mul3A_98, %sub3A : i32
      %dma_wait3A_102 = arith.constant 0 : i32
      %dma_wait3A_103 = tpu.memref_slice %arg7[%sub3A_101, %dma_wait3A_102] : memref<40x512xi32, #tpu.memory_space<vmem>> -> memref<1x512xi32, #tpu.memory_space<vmem>>
      %dma_wait3A_104 = tpu.memref_squeeze %dma_wait3A_103 : memref<1x512xi32, #tpu.memory_space<vmem>> -> memref<512xi32, #tpu.memory_space<vmem>>
      %dma_wait3A_105 = arith.constant 0 : i32
      %dma_wait3A_106 = arith.constant 0 : i32
      %dma_wait3A_107 = tpu.memref_slice %arg11[%dma_wait3A_105, %dma_wait3A_106] : memref<10240x16xf32, #tpu.memory_space<vmem_shared>> -> memref<10240x16xf32, #tpu.memory_space<vmem_shared>>
      tpu.wait_indirect_dma semaphore(%arg14 : memref<!tpu.dma_semaphore, #tpu.memory_space<semaphore_mem>>) src(%arg8 : memref<512x16xf32, #tpu.memory_space<vmem>>) dst(%dma_wait3A_107 : memref<10240x16xf32, #tpu.memory_space<vmem_shared>>)
      %dma_start3A_108 = arith.constant 0 : i32
      %dma_start3A_109 = tpu.memref_slice %arg6[%mul3A_98, %dma_start3A_108] : memref<40x512xi32, #tpu.memory_space<vmem>> -> memref<1x512xi32, #tpu.memory_space<vmem>>
      %dma_start3A_110 = tpu.memref_squeeze %dma_start3A_109 : memref<1x512xi32, #tpu.memory_space<vmem>> -> memref<512xi32, #tpu.memory_space<vmem>>
      %dma_start3A_111 = arith.constant 0 : i32
      %dma_start3A_112 = arith.constant 0 : i32
      %dma_start3A_113 = tpu.memref_slice %arg10[%dma_start3A_111, %dma_start3A_112] : memref<10240x16xf32, #tpu.memory_space<vmem_shared>> -> memref<10240x16xf32, #tpu.memory_space<vmem_shared>>
      tpu.enqueue_indirect_dma source(%dma_start3A_113 : memref<10240x16xf32, #tpu.memory_space<vmem_shared>>) target(%arg8 : memref<512x16xf32, #tpu.memory_space<vmem>>) offsets(%dma_start3A_110 : memref<512xi32, #tpu.memory_space<vmem>>) semaphore(%arg12 : memref<!tpu.dma_semaphore, #tpu.memory_space<semaphore_mem>>)
      %sub3A_114 = arith.constant 2 : i32
      %sub3A_115 = arith.subi %add3A_100, %sub3A_114 : i32
      %dma_wait3A_116 = arith.constant 0 : i32
      %dma_wait3A_117 = tpu.memref_slice %arg7[%sub3A_115, %dma_wait3A_116] : memref<40x512xi32, #tpu.memory_space<vmem>> -> memref<1x512xi32, #tpu.memory_space<vmem>>
      %dma_wait3A_118 = tpu.memref_squeeze %dma_wait3A_117 : memref<1x512xi32, #tpu.memory_space<vmem>> -> memref<512xi32, #tpu.memory_space<vmem>>
      %dma_wait3A_119 = arith.constant 0 : i32
      %dma_wait3A_120 = arith.constant 0 : i32
      %dma_wait3A_121 = tpu.memref_slice %arg11[%dma_wait3A_119, %dma_wait3A_120] : memref<10240x16xf32, #tpu.memory_space<vmem_shared>> -> memref<10240x16xf32, #tpu.memory_space<vmem_shared>>
      tpu.wait_indirect_dma semaphore(%arg15 : memref<!tpu.dma_semaphore, #tpu.memory_space<semaphore_mem>>) src(%arg9 : memref<512x16xf32, #tpu.memory_space<vmem>>) dst(%dma_wait3A_121 : memref<10240x16xf32, #tpu.memory_space<vmem_shared>>)
      %dma_start3A_122 = arith.constant 0 : i32
      %dma_start3A_123 = tpu.memref_slice %arg6[%add3A_100, %dma_start3A_122] : memref<40x512xi32, #tpu.memory_space<vmem>> -> memref<1x512xi32, #tpu.memory_space<vmem>>
      %dma_start3A_124 = tpu.memref_squeeze %dma_start3A_123 : memref<1x512xi32, #tpu.memory_space<vmem>> -> memref<512xi32, #tpu.memory_space<vmem>>
      %dma_start3A_125 = arith.constant 0 : i32
      %dma_start3A_126 = arith.constant 0 : i32
      %dma_start3A_127 = tpu.memref_slice %arg10[%dma_start3A_125, %dma_start3A_126] : memref<10240x16xf32, #tpu.memory_space<vmem_shared>> -> memref<10240x16xf32, #tpu.memory_space<vmem_shared>>
      tpu.enqueue_indirect_dma source(%dma_start3A_127 : memref<10240x16xf32, #tpu.memory_space<vmem_shared>>) target(%arg9 : memref<512x16xf32, #tpu.memory_space<vmem>>) offsets(%dma_start3A_124 : memref<512xi32, #tpu.memory_space<vmem>>) semaphore(%arg13 : memref<!tpu.dma_semaphore, #tpu.memory_space<semaphore_mem>>)
      %dma_wait3A_128 = arith.constant 0 : i32
      %dma_wait3A_129 = tpu.memref_slice %arg6[%mul3A_98, %dma_wait3A_128] : memref<40x512xi32, #tpu.memory_space<vmem>> -> memref<1x512xi32, #tpu.memory_space<vmem>>
      %dma_wait3A_130 = tpu.memref_squeeze %dma_wait3A_129 : memref<1x512xi32, #tpu.memory_space<vmem>> -> memref<512xi32, #tpu.memory_space<vmem>>
      %dma_wait3A_131 = arith.constant 0 : i32
      %dma_wait3A_132 = arith.constant 0 : i32
      %dma_wait3A_133 = tpu.memref_slice %arg10[%dma_wait3A_131, %dma_wait3A_132] : memref<10240x16xf32, #tpu.memory_space<vmem_shared>> -> memref<10240x16xf32, #tpu.memory_space<vmem_shared>>
      tpu.wait_indirect_dma semaphore(%arg12 : memref<!tpu.dma_semaphore, #tpu.memory_space<semaphore_mem>>) src(%dma_wait3A_133 : memref<10240x16xf32, #tpu.memory_space<vmem_shared>>) dst(%arg8 : memref<512x16xf32, #tpu.memory_space<vmem>>)
      %dma_start3A_134 = arith.constant 0 : i32
      %dma_start3A_135 = tpu.memref_slice %arg7[%mul3A_98, %dma_start3A_134] : memref<40x512xi32, #tpu.memory_space<vmem>> -> memref<1x512xi32, #tpu.memory_space<vmem>>
      %dma_start3A_136 = tpu.memref_squeeze %dma_start3A_135 : memref<1x512xi32, #tpu.memory_space<vmem>> -> memref<512xi32, #tpu.memory_space<vmem>>
      %dma_start3A_137 = arith.constant 0 : i32
      %dma_start3A_138 = arith.constant 0 : i32
      %dma_start3A_139 = tpu.memref_slice %arg11[%dma_start3A_137, %dma_start3A_138] : memref<10240x16xf32, #tpu.memory_space<vmem_shared>> -> memref<10240x16xf32, #tpu.memory_space<vmem_shared>>
      tpu.enqueue_indirect_dma source(%arg8 : memref<512x16xf32, #tpu.memory_space<vmem>>) target(%dma_start3A_139 : memref<10240x16xf32, #tpu.memory_space<vmem_shared>>) offsets(%dma_start3A_136 : memref<512xi32, #tpu.memory_space<vmem>>) semaphore(%arg14 : memref<!tpu.dma_semaphore, #tpu.memory_space<semaphore_mem>>) {add = true}
      %dma_wait3A_140 = arith.constant 0 : i32
      %dma_wait3A_141 = tpu.memref_slice %arg6[%add3A_100, %dma_wait3A_140] : memref<40x512xi32, #tpu.memory_space<vmem>> -> memref<1x512xi32, #tpu.memory_space<vmem>>
      %dma_wait3A_142 = tpu.memref_squeeze %dma_wait3A_141 : memref<1x512xi32, #tpu.memory_space<vmem>> -> memref<512xi32, #tpu.memory_space<vmem>>
      %dma_wait3A_143 = arith.constant 0 : i32
      %dma_wait3A_144 = arith.constant 0 : i32
      %dma_wait3A_145 = tpu.memref_slice %arg10[%dma_wait3A_143, %dma_wait3A_144] : memref<10240x16xf32, #tpu.memory_space<vmem_shared>> -> memref<10240x16xf32, #tpu.memory_space<vmem_shared>>
      tpu.wait_indirect_dma semaphore(%arg13 : memref<!tpu.dma_semaphore, #tpu.memory_space<semaphore_mem>>) src(%dma_wait3A_145 : memref<10240x16xf32, #tpu.memory_space<vmem_shared>>) dst(%arg9 : memref<512x16xf32, #tpu.memory_space<vmem>>)
      %dma_start3A_146 = arith.constant 0 : i32
      %dma_start3A_147 = tpu.memref_slice %arg7[%add3A_100, %dma_start3A_146] : memref<40x512xi32, #tpu.memory_space<vmem>> -> memref<1x512xi32, #tpu.memory_space<vmem>>
      %dma_start3A_148 = tpu.memref_squeeze %dma_start3A_147 : memref<1x512xi32, #tpu.memory_space<vmem>> -> memref<512xi32, #tpu.memory_space<vmem>>
      %dma_start3A_149 = arith.constant 0 : i32
      %dma_start3A_150 = arith.constant 0 : i32
      %dma_start3A_151 = tpu.memref_slice %arg11[%dma_start3A_149, %dma_start3A_150] : memref<10240x16xf32, #tpu.memory_space<vmem_shared>> -> memref<10240x16xf32, #tpu.memory_space<vmem_shared>>
      tpu.enqueue_indirect_dma source(%arg9 : memref<512x16xf32, #tpu.memory_space<vmem>>) target(%dma_start3A_151 : memref<10240x16xf32, #tpu.memory_space<vmem_shared>>) offsets(%dma_start3A_148 : memref<512xi32, #tpu.memory_space<vmem>>) semaphore(%arg15 : memref<!tpu.dma_semaphore, #tpu.memory_space<semaphore_mem>>) {add = true}
    }
    %scan3A_71 = arith.constant 19 : i32
    %dma_wait3A_72 = arith.constant 38 : i32
    %dma_wait3A_73 = arith.constant 0 : i32
    %dma_wait3A_74 = tpu.memref_slice %arg7[%dma_wait3A_72, %dma_wait3A_73] : memref<40x512xi32, #tpu.memory_space<vmem>> -> memref<1x512xi32, #tpu.memory_space<vmem>>
    %dma_wait3A_75 = tpu.memref_squeeze %dma_wait3A_74 : memref<1x512xi32, #tpu.memory_space<vmem>> -> memref<512xi32, #tpu.memory_space<vmem>>
    %dma_wait3A_76 = arith.constant 0 : i32
    %dma_wait3A_77 = arith.constant 0 : i32
    %dma_wait3A_78 = tpu.memref_slice %arg11[%dma_wait3A_76, %dma_wait3A_77] : memref<10240x16xf32, #tpu.memory_space<vmem_shared>> -> memref<10240x16xf32, #tpu.memory_space<vmem_shared>>
    tpu.wait_indirect_dma semaphore(%arg14 : memref<!tpu.dma_semaphore, #tpu.memory_space<semaphore_mem>>) src(%arg8 : memref<512x16xf32, #tpu.memory_space<vmem>>) dst(%dma_wait3A_78 : memref<10240x16xf32, #tpu.memory_space<vmem_shared>>)
    %dma_wait3A_79 = arith.constant 39 : i32
    %dma_wait3A_80 = arith.constant 0 : i32
    %dma_wait3A_81 = tpu.memref_slice %arg7[%dma_wait3A_79, %dma_wait3A_80] : memref<40x512xi32, #tpu.memory_space<vmem>> -> memref<1x512xi32, #tpu.memory_space<vmem>>
    %dma_wait3A_82 = tpu.memref_squeeze %dma_wait3A_81 : memref<1x512xi32, #tpu.memory_space<vmem>> -> memref<512xi32, #tpu.memory_space<vmem>>
    %dma_wait3A_83 = arith.constant 0 : i32
    %dma_wait3A_84 = arith.constant 0 : i32
    %dma_wait3A_85 = tpu.memref_slice %arg11[%dma_wait3A_83, %dma_wait3A_84] : memref<10240x16xf32, #tpu.memory_space<vmem_shared>> -> memref<10240x16xf32, #tpu.memory_space<vmem_shared>>
    tpu.wait_indirect_dma semaphore(%arg15 : memref<!tpu.dma_semaphore, #tpu.memory_space<semaphore_mem>>) src(%arg9 : memref<512x16xf32, #tpu.memory_space<vmem>>) dst(%dma_wait3A_85 : memref<10240x16xf32, #tpu.memory_space<vmem_shared>>)
    %barrier3A_86 = arith.constant 0 : index
    tpu.barrier barrier_id(%barrier3A_86)
    %mul3A_87 = arith.constant 640 : i32
    %mul3A_88 = arith.muli %arg1, %mul3A_87 : i32
    "tpu.region"() ({
      %run_scoped3A_96 = tpu.sem_alloc : memref<!tpu.dma_semaphore, #tpu.memory_space<semaphore_mem>>
      %dma_start3A_97 = arith.constant 0 : i32
      %dma_start3A_98 = arith.constant 0 : i32
      %dma_start3A_99 = tpu.memref_slice %arg8[%dma_start3A_97, %dma_start3A_98] : memref<512x16xf32, #tpu.memory_space<vmem>> -> memref<512x16xf32, #tpu.memory_space<vmem>>
      %dma_start3A_100 = arith.constant 0 : i32
      %dma_start3A_101 = tpu.memref_slice %arg11[%mul3A_88, %dma_start3A_100] : memref<10240x16xf32, #tpu.memory_space<vmem_shared>> -> memref<512x16xf32, #tpu.memory_space<vmem_shared>>
      %dma_start3A_102 = arith.constant 0 : i32
      %dma_start3A_103 = arith.constant 0 : i32
      %dma_start3A_104 = tpu.memref_slice %arg8[%dma_start3A_102, %dma_start3A_103] : memref<512x16xf32, #tpu.memory_space<vmem>> -> memref<512x16xf32, #tpu.memory_space<vmem>>
      %dma_start3A_105 = arith.constant 0 : i32
      %dma_start3A_106 = tpu.memref_slice %arg11[%mul3A_88, %dma_start3A_105] : memref<10240x16xf32, #tpu.memory_space<vmem_shared>> -> memref<512x16xf32, #tpu.memory_space<vmem_shared>>
      tpu.enqueue_dma source(%dma_start3A_106 : memref<512x16xf32, #tpu.memory_space<vmem_shared>>) target(%dma_start3A_104 : memref<512x16xf32, #tpu.memory_space<vmem>>) target_semaphore(%run_scoped3A_96 : memref<!tpu.dma_semaphore, #tpu.memory_space<semaphore_mem>>)
      %dma_wait3A_107 = arith.constant 0 : i32
      %dma_wait3A_108 = arith.constant 0 : i32
      %dma_wait3A_109 = tpu.memref_slice %arg8[%dma_wait3A_107, %dma_wait3A_108] : memref<512x16xf32, #tpu.memory_space<vmem>> -> memref<512x16xf32, #tpu.memory_space<vmem>>
      %dma_wait3A_110 = arith.constant 0 : i32
      %dma_wait3A_111 = tpu.memref_slice %arg11[%mul3A_88, %dma_wait3A_110] : memref<10240x16xf32, #tpu.memory_space<vmem_shared>> -> memref<512x16xf32, #tpu.memory_space<vmem_shared>>
      %dma_wait3A_112 = arith.constant 0 : i32
      %dma_wait3A_113 = arith.constant 0 : i32
      %dma_wait3A_114 = tpu.memref_slice %arg8[%dma_wait3A_112, %dma_wait3A_113] : memref<512x16xf32, #tpu.memory_space<vmem>> -> memref<512x16xf32, #tpu.memory_space<vmem>>
      %dma_wait3A_115 = arith.constant 0 : i32
      %dma_wait3A_116 = tpu.memref_slice %arg11[%mul3A_88, %dma_wait3A_115] : memref<10240x16xf32, #tpu.memory_space<vmem_shared>> -> memref<512x16xf32, #tpu.memory_space<vmem_shared>>
      tpu.wait_dma2 semaphore(%run_scoped3A_96 : memref<!tpu.dma_semaphore, #tpu.memory_space<semaphore_mem>>) src(%dma_wait3A_116 : memref<512x16xf32, #tpu.memory_space<vmem_shared>>) dst(%dma_wait3A_114 : memref<512x16xf32, #tpu.memory_space<vmem>>)
      tpu.yield
    }) : () -> ()
    %run_scoped3A_89 = arith.constant 0 : i32
    "tpu.region"() ({
      %run_scoped3A_96 = tpu.sem_alloc : memref<!tpu.dma_semaphore, #tpu.memory_space<semaphore_mem>>
      %dma_start3A_97 = arith.constant 0 : i32
      %dma_start3A_98 = arith.constant 0 : i32
      %dma_start3A_99 = tpu.memref_slice %arg8[%dma_start3A_97, %dma_start3A_98] : memref<512x16xf32, #tpu.memory_space<vmem>> -> memref<512x16xf32, #tpu.memory_space<vmem>>
      %dma_start3A_100 = arith.constant 0 : i32
      %dma_start3A_101 = tpu.memref_slice %arg5[%arg0, %run_scoped3A_89, %mul3A_88, %dma_start3A_100] : memref<2x1x10240x16xf32, #tpu.memory_space<hbm>> -> memref<1x1x512x16xf32, #tpu.memory_space<hbm>>
      %dma_start3A_102 = tpu.memref_squeeze %dma_start3A_101 : memref<1x1x512x16xf32, #tpu.memory_space<hbm>> -> memref<512x16xf32, #tpu.memory_space<hbm>>
      %dma_start3A_103 = arith.constant 0 : i32
      %dma_start3A_104 = tpu.memref_slice %arg5[%arg0, %run_scoped3A_89, %mul3A_88, %dma_start3A_103] : memref<2x1x10240x16xf32, #tpu.memory_space<hbm>> -> memref<1x1x512x16xf32, #tpu.memory_space<hbm>>
      %dma_start3A_105 = tpu.memref_squeeze %dma_start3A_104 : memref<1x1x512x16xf32, #tpu.memory_space<hbm>> -> memref<512x16xf32, #tpu.memory_space<hbm>>
      %dma_start3A_106 = arith.constant 0 : i32
      %dma_start3A_107 = arith.constant 0 : i32
      %dma_start3A_108 = tpu.memref_slice %arg8[%dma_start3A_106, %dma_start3A_107] : memref<512x16xf32, #tpu.memory_space<vmem>> -> memref<512x16xf32, #tpu.memory_space<vmem>>
      tpu.enqueue_dma source(%dma_start3A_108 : memref<512x16xf32, #tpu.memory_space<vmem>>) target(%dma_start3A_105 : memref<512x16xf32, #tpu.memory_space<hbm>>) target_semaphore(%run_scoped3A_96 : memref<!tpu.dma_semaphore, #tpu.memory_space<semaphore_mem>>)
      %dma_wait3A_109 = arith.constant 0 : i32
      %dma_wait3A_110 = arith.constant 0 : i32
      %dma_wait3A_111 = tpu.memref_slice %arg8[%dma_wait3A_109, %dma_wait3A_110] : memref<512x16xf32, #tpu.memory_space<vmem>> -> memref<512x16xf32, #tpu.memory_space<vmem>>
      %dma_wait3A_112 = arith.constant 0 : i32
      %dma_wait3A_113 = tpu.memref_slice %arg5[%arg0, %run_scoped3A_89, %mul3A_88, %dma_wait3A_112] : memref<2x1x10240x16xf32, #tpu.memory_space<hbm>> -> memref<1x1x512x16xf32, #tpu.memory_space<hbm>>
      %dma_wait3A_114 = tpu.memref_squeeze %dma_wait3A_113 : memref<1x1x512x16xf32, #tpu.memory_space<hbm>> -> memref<512x16xf32, #tpu.memory_space<hbm>>
      %dma_wait3A_115 = arith.constant 0 : i32
      %dma_wait3A_116 = tpu.memref_slice %arg5[%arg0, %run_scoped3A_89, %mul3A_88, %dma_wait3A_115] : memref<2x1x10240x16xf32, #tpu.memory_space<hbm>> -> memref<1x1x512x16xf32, #tpu.memory_space<hbm>>
      %dma_wait3A_117 = tpu.memref_squeeze %dma_wait3A_116 : memref<1x1x512x16xf32, #tpu.memory_space<hbm>> -> memref<512x16xf32, #tpu.memory_space<hbm>>
      %dma_wait3A_118 = arith.constant 0 : i32
      %dma_wait3A_119 = arith.constant 0 : i32
      %dma_wait3A_120 = tpu.memref_slice %arg8[%dma_wait3A_118, %dma_wait3A_119] : memref<512x16xf32, #tpu.memory_space<vmem>> -> memref<512x16xf32, #tpu.memory_space<vmem>>
      tpu.wait_dma2 semaphore(%run_scoped3A_96 : memref<!tpu.dma_semaphore, #tpu.memory_space<semaphore_mem>>) src(%dma_wait3A_120 : memref<512x16xf32, #tpu.memory_space<vmem>>) dst(%dma_wait3A_117 : memref<512x16xf32, #tpu.memory_space<hbm>>)
      tpu.yield
    }) : () -> ()
    %add3A_90 = arith.constant 512 : i32
    %add3A_91 = arith.addi %mul3A_88, %add3A_90 : i32
    "tpu.region"() ({
      %run_scoped3A_96 = tpu.sem_alloc : memref<!tpu.dma_semaphore, #tpu.memory_space<semaphore_mem>>
      %dma_start3A_97 = arith.constant 0 : i32
      %dma_start3A_98 = arith.constant 0 : i32
      %dma_start3A_99 = tpu.memref_slice %arg9[%dma_start3A_97, %dma_start3A_98] : memref<512x16xf32, #tpu.memory_space<vmem>> -> memref<128x16xf32, #tpu.memory_space<vmem>>
      %dma_start3A_100 = arith.constant 0 : i32
      %dma_start3A_101 = tpu.memref_slice %arg11[%add3A_91, %dma_start3A_100] : memref<10240x16xf32, #tpu.memory_space<vmem_shared>> -> memref<128x16xf32, #tpu.memory_space<vmem_shared>>
      %dma_start3A_102 = arith.constant 0 : i32
      %dma_start3A_103 = arith.constant 0 : i32
      %dma_start3A_104 = tpu.memref_slice %arg9[%dma_start3A_102, %dma_start3A_103] : memref<512x16xf32, #tpu.memory_space<vmem>> -> memref<128x16xf32, #tpu.memory_space<vmem>>
      %dma_start3A_105 = arith.constant 0 : i32
      %dma_start3A_106 = tpu.memref_slice %arg11[%add3A_91, %dma_start3A_105] : memref<10240x16xf32, #tpu.memory_space<vmem_shared>> -> memref<128x16xf32, #tpu.memory_space<vmem_shared>>
      tpu.enqueue_dma source(%dma_start3A_106 : memref<128x16xf32, #tpu.memory_space<vmem_shared>>) target(%dma_start3A_104 : memref<128x16xf32, #tpu.memory_space<vmem>>) target_semaphore(%run_scoped3A_96 : memref<!tpu.dma_semaphore, #tpu.memory_space<semaphore_mem>>)
      %dma_wait3A_107 = arith.constant 0 : i32
      %dma_wait3A_108 = arith.constant 0 : i32
      %dma_wait3A_109 = tpu.memref_slice %arg9[%dma_wait3A_107, %dma_wait3A_108] : memref<512x16xf32, #tpu.memory_space<vmem>> -> memref<128x16xf32, #tpu.memory_space<vmem>>
      %dma_wait3A_110 = arith.constant 0 : i32
      %dma_wait3A_111 = tpu.memref_slice %arg11[%add3A_91, %dma_wait3A_110] : memref<10240x16xf32, #tpu.memory_space<vmem_shared>> -> memref<128x16xf32, #tpu.memory_space<vmem_shared>>
      %dma_wait3A_112 = arith.constant 0 : i32
      %dma_wait3A_113 = arith.constant 0 : i32
      %dma_wait3A_114 = tpu.memref_slice %arg9[%dma_wait3A_112, %dma_wait3A_113] : memref<512x16xf32, #tpu.memory_space<vmem>> -> memref<128x16xf32, #tpu.memory_space<vmem>>
      %dma_wait3A_115 = arith.constant 0 : i32
      %dma_wait3A_116 = tpu.memref_slice %arg11[%add3A_91, %dma_wait3A_115] : memref<10240x16xf32, #tpu.memory_space<vmem_shared>> -> memref<128x16xf32, #tpu.memory_space<vmem_shared>>
      tpu.wait_dma2 semaphore(%run_scoped3A_96 : memref<!tpu.dma_semaphore, #tpu.memory_space<semaphore_mem>>) src(%dma_wait3A_116 : memref<128x16xf32, #tpu.memory_space<vmem_shared>>) dst(%dma_wait3A_114 : memref<128x16xf32, #tpu.memory_space<vmem>>)
      tpu.yield
    }) : () -> ()
    %add3A_92 = arith.constant 512 : i32
    %add3A_93 = arith.addi %mul3A_88, %add3A_92 : i32
    %run_scoped3A_94 = arith.constant 0 : i32
    "tpu.region"() ({
      %run_scoped3A_96 = tpu.sem_alloc : memref<!tpu.dma_semaphore, #tpu.memory_space<semaphore_mem>>
      %dma_start3A_97 = arith.constant 0 : i32
      %dma_start3A_98 = arith.constant 0 : i32
      %dma_start3A_99 = tpu.memref_slice %arg9[%dma_start3A_97, %dma_start3A_98] : memref<512x16xf32, #tpu.memory_space<vmem>> -> memref<128x16xf32, #tpu.memory_space<vmem>>
      %dma_start3A_100 = arith.constant 0 : i32
      %dma_start3A_101 = tpu.memref_slice %arg5[%arg0, %run_scoped3A_94, %add3A_93, %dma_start3A_100] : memref<2x1x10240x16xf32, #tpu.memory_space<hbm>> -> memref<1x1x128x16xf32, #tpu.memory_space<hbm>>
      %dma_start3A_102 = tpu.memref_squeeze %dma_start3A_101 : memref<1x1x128x16xf32, #tpu.memory_space<hbm>> -> memref<128x16xf32, #tpu.memory_space<hbm>>
      %dma_start3A_103 = arith.constant 0 : i32
      %dma_start3A_104 = tpu.memref_slice %arg5[%arg0, %run_scoped3A_94, %add3A_93, %dma_start3A_103] : memref<2x1x10240x16xf32, #tpu.memory_space<hbm>> -> memref<1x1x128x16xf32, #tpu.memory_space<hbm>>
      %dma_start3A_105 = tpu.memref_squeeze %dma_start3A_104 : memref<1x1x128x16xf32, #tpu.memory_space<hbm>> -> memref<128x16xf32, #tpu.memory_space<hbm>>
      %dma_start3A_106 = arith.constant 0 : i32
      %dma_start3A_107 = arith.constant 0 : i32
      %dma_start3A_108 = tpu.memref_slice %arg9[%dma_start3A_106, %dma_start3A_107] : memref<512x16xf32, #tpu.memory_space<vmem>> -> memref<128x16xf32, #tpu.memory_space<vmem>>
      tpu.enqueue_dma source(%dma_start3A_108 : memref<128x16xf32, #tpu.memory_space<vmem>>) target(%dma_start3A_105 : memref<128x16xf32, #tpu.memory_space<hbm>>) target_semaphore(%run_scoped3A_96 : memref<!tpu.dma_semaphore, #tpu.memory_space<semaphore_mem>>)
      %dma_wait3A_109 = arith.constant 0 : i32
      %dma_wait3A_110 = arith.constant 0 : i32
      %dma_wait3A_111 = tpu.memref_slice %arg9[%dma_wait3A_109, %dma_wait3A_110] : memref<512x16xf32, #tpu.memory_space<vmem>> -> memref<128x16xf32, #tpu.memory_space<vmem>>
      %dma_wait3A_112 = arith.constant 0 : i32
      %dma_wait3A_113 = tpu.memref_slice %arg5[%arg0, %run_scoped3A_94, %add3A_93, %dma_wait3A_112] : memref<2x1x10240x16xf32, #tpu.memory_space<hbm>> -> memref<1x1x128x16xf32, #tpu.memory_space<hbm>>
      %dma_wait3A_114 = tpu.memref_squeeze %dma_wait3A_113 : memref<1x1x128x16xf32, #tpu.memory_space<hbm>> -> memref<128x16xf32, #tpu.memory_space<hbm>>
      %dma_wait3A_115 = arith.constant 0 : i32
      %dma_wait3A_116 = tpu.memref_slice %arg5[%arg0, %run_scoped3A_94, %add3A_93, %dma_wait3A_115] : memref<2x1x10240x16xf32, #tpu.memory_space<hbm>> -> memref<1x1x128x16xf32, #tpu.memory_space<hbm>>
      %dma_wait3A_117 = tpu.memref_squeeze %dma_wait3A_116 : memref<1x1x128x16xf32, #tpu.memory_space<hbm>> -> memref<128x16xf32, #tpu.memory_space<hbm>>
      %dma_wait3A_118 = arith.constant 0 : i32
      %dma_wait3A_119 = arith.constant 0 : i32
      %dma_wait3A_120 = tpu.memref_slice %arg9[%dma_wait3A_118, %dma_wait3A_119] : memref<512x16xf32, #tpu.memory_space<vmem>> -> memref<128x16xf32, #tpu.memory_space<vmem>>
      tpu.wait_dma2 semaphore(%run_scoped3A_96 : memref<!tpu.dma_semaphore, #tpu.memory_space<semaphore_mem>>) src(%dma_wait3A_120 : memref<128x16xf32, #tpu.memory_space<vmem>>) dst(%dma_wait3A_117 : memref<128x16xf32, #tpu.memory_space<hbm>>)
      tpu.yield
    }) : () -> ()
    %barrier3A_95 = arith.constant 0 : index
    tpu.barrier barrier_id(%barrier3A_95)
    return
  }
}

#map = affine_map<(d0, d1) -> (0, 0, 0)>
#map1 = affine_map<(d0, d1) -> (0, 0, 0, 0)>
module attributes {stable_mosaic.version = 14 : i64} {
  func.func @agg(%arg0: i32, %arg1: i32, %arg2: memref<1x10240x32xf32, #tpu.memory_space<hbm>>, %arg3: memref<32x40x512xi32, #tpu.memory_space<hbm>>, %arg4: memref<32x40x512xi32, #tpu.memory_space<hbm>>, %arg5: memref<2x1x10240x32xf32, #tpu.memory_space<hbm>>, %arg6: memref<40x512xi32, #tpu.memory_space<vmem>>, %arg7: memref<40x512xi32, #tpu.memory_space<vmem>>, %arg8: memref<512x32xf32, #tpu.memory_space<vmem>>, %arg9: memref<512x32xf32, #tpu.memory_space<vmem>>, %arg10: memref<10240x32xf32, #tpu.memory_space<vmem_shared>>, %arg11: memref<10240x32xf32, #tpu.memory_space<vmem_shared>>, %arg12: memref<!tpu.dma_semaphore, #tpu.memory_space<semaphore_mem>>, %arg13: memref<!tpu.dma_semaphore, #tpu.memory_space<semaphore_mem>>, %arg14: memref<!tpu.dma_semaphore, #tpu.memory_space<semaphore_mem>>, %arg15: memref<!tpu.dma_semaphore, #tpu.memory_space<semaphore_mem>>) attributes {dimension_semantics = [#tpu.dimension_semantics<core_parallel>, #tpu.dimension_semantics<subcore_parallel>], iteration_bounds = array<i64: 2, 16>, scalar_prefetch = 0 : i64, scratch_operands = 10 : i64, tpu.core_type = #tpu.core_type<sc_vector_subcore>, window_params = [{transform_indices = #map}, {transform_indices = #map}, {transform_indices = #map}, {transform_indices = #map1}]} {
    %mul3A = arith.constant 2 : i32
    %mul3A_0 = arith.muli %arg1, %mul3A : i32
    %add3A = arith.addi %mul3A_0, %arg0 : i32
    "tpu.region"() ({
      %run_scoped3A_96 = tpu.sem_alloc : memref<!tpu.dma_semaphore, #tpu.memory_space<semaphore_mem>>
      %dma_start3A_97 = arith.constant 0 : i32
      %dma_start3A_98 = arith.constant 0 : i32
      %dma_start3A_99 = tpu.memref_slice %arg3[%add3A, %dma_start3A_97, %dma_start3A_98] : memref<32x40x512xi32, #tpu.memory_space<hbm>> -> memref<1x40x512xi32, #tpu.memory_space<hbm>>
      %dma_start3A_100 = tpu.memref_squeeze %dma_start3A_99 : memref<1x40x512xi32, #tpu.memory_space<hbm>> -> memref<40x512xi32, #tpu.memory_space<hbm>>
      %dma_start3A_101 = arith.constant 0 : i32
      %dma_start3A_102 = arith.constant 0 : i32
      %dma_start3A_103 = tpu.memref_slice %arg3[%add3A, %dma_start3A_101, %dma_start3A_102] : memref<32x40x512xi32, #tpu.memory_space<hbm>> -> memref<1x40x512xi32, #tpu.memory_space<hbm>>
      %dma_start3A_104 = tpu.memref_squeeze %dma_start3A_103 : memref<1x40x512xi32, #tpu.memory_space<hbm>> -> memref<40x512xi32, #tpu.memory_space<hbm>>
      tpu.enqueue_dma source(%dma_start3A_104 : memref<40x512xi32, #tpu.memory_space<hbm>>) target(%arg6 : memref<40x512xi32, #tpu.memory_space<vmem>>) target_semaphore(%run_scoped3A_96 : memref<!tpu.dma_semaphore, #tpu.memory_space<semaphore_mem>>)
      %dma_wait3A_105 = arith.constant 0 : i32
      %dma_wait3A_106 = arith.constant 0 : i32
      %dma_wait3A_107 = tpu.memref_slice %arg3[%add3A, %dma_wait3A_105, %dma_wait3A_106] : memref<32x40x512xi32, #tpu.memory_space<hbm>> -> memref<1x40x512xi32, #tpu.memory_space<hbm>>
      %dma_wait3A_108 = tpu.memref_squeeze %dma_wait3A_107 : memref<1x40x512xi32, #tpu.memory_space<hbm>> -> memref<40x512xi32, #tpu.memory_space<hbm>>
      %dma_wait3A_109 = arith.constant 0 : i32
      %dma_wait3A_110 = arith.constant 0 : i32
      %dma_wait3A_111 = tpu.memref_slice %arg3[%add3A, %dma_wait3A_109, %dma_wait3A_110] : memref<32x40x512xi32, #tpu.memory_space<hbm>> -> memref<1x40x512xi32, #tpu.memory_space<hbm>>
      %dma_wait3A_112 = tpu.memref_squeeze %dma_wait3A_111 : memref<1x40x512xi32, #tpu.memory_space<hbm>> -> memref<40x512xi32, #tpu.memory_space<hbm>>
      tpu.wait_dma2 semaphore(%run_scoped3A_96 : memref<!tpu.dma_semaphore, #tpu.memory_space<semaphore_mem>>) src(%dma_wait3A_112 : memref<40x512xi32, #tpu.memory_space<hbm>>) dst(%arg6 : memref<40x512xi32, #tpu.memory_space<vmem>>)
      tpu.yield
    }) : () -> ()
    "tpu.region"() ({
      %run_scoped3A_96 = tpu.sem_alloc : memref<!tpu.dma_semaphore, #tpu.memory_space<semaphore_mem>>
      %dma_start3A_97 = arith.constant 0 : i32
      %dma_start3A_98 = arith.constant 0 : i32
      %dma_start3A_99 = tpu.memref_slice %arg4[%add3A, %dma_start3A_97, %dma_start3A_98] : memref<32x40x512xi32, #tpu.memory_space<hbm>> -> memref<1x40x512xi32, #tpu.memory_space<hbm>>
      %dma_start3A_100 = tpu.memref_squeeze %dma_start3A_99 : memref<1x40x512xi32, #tpu.memory_space<hbm>> -> memref<40x512xi32, #tpu.memory_space<hbm>>
      %dma_start3A_101 = arith.constant 0 : i32
      %dma_start3A_102 = arith.constant 0 : i32
      %dma_start3A_103 = tpu.memref_slice %arg4[%add3A, %dma_start3A_101, %dma_start3A_102] : memref<32x40x512xi32, #tpu.memory_space<hbm>> -> memref<1x40x512xi32, #tpu.memory_space<hbm>>
      %dma_start3A_104 = tpu.memref_squeeze %dma_start3A_103 : memref<1x40x512xi32, #tpu.memory_space<hbm>> -> memref<40x512xi32, #tpu.memory_space<hbm>>
      tpu.enqueue_dma source(%dma_start3A_104 : memref<40x512xi32, #tpu.memory_space<hbm>>) target(%arg7 : memref<40x512xi32, #tpu.memory_space<vmem>>) target_semaphore(%run_scoped3A_96 : memref<!tpu.dma_semaphore, #tpu.memory_space<semaphore_mem>>)
      %dma_wait3A_105 = arith.constant 0 : i32
      %dma_wait3A_106 = arith.constant 0 : i32
      %dma_wait3A_107 = tpu.memref_slice %arg4[%add3A, %dma_wait3A_105, %dma_wait3A_106] : memref<32x40x512xi32, #tpu.memory_space<hbm>> -> memref<1x40x512xi32, #tpu.memory_space<hbm>>
      %dma_wait3A_108 = tpu.memref_squeeze %dma_wait3A_107 : memref<1x40x512xi32, #tpu.memory_space<hbm>> -> memref<40x512xi32, #tpu.memory_space<hbm>>
      %dma_wait3A_109 = arith.constant 0 : i32
      %dma_wait3A_110 = arith.constant 0 : i32
      %dma_wait3A_111 = tpu.memref_slice %arg4[%add3A, %dma_wait3A_109, %dma_wait3A_110] : memref<32x40x512xi32, #tpu.memory_space<hbm>> -> memref<1x40x512xi32, #tpu.memory_space<hbm>>
      %dma_wait3A_112 = tpu.memref_squeeze %dma_wait3A_111 : memref<1x40x512xi32, #tpu.memory_space<hbm>> -> memref<40x512xi32, #tpu.memory_space<hbm>>
      tpu.wait_dma2 semaphore(%run_scoped3A_96 : memref<!tpu.dma_semaphore, #tpu.memory_space<semaphore_mem>>) src(%dma_wait3A_112 : memref<40x512xi32, #tpu.memory_space<hbm>>) dst(%arg7 : memref<40x512xi32, #tpu.memory_space<vmem>>)
      tpu.yield
    }) : () -> ()
    %mul3A_1 = arith.constant 640 : i32
    %mul3A_2 = arith.muli %arg1, %mul3A_1 : i32
    %mul3A_3 = arith.constant 640 : i32
    %mul3A_4 = arith.muli %arg1, %mul3A_3 : i32
    %run_scoped3A = arith.constant 0 : i32
    "tpu.region"() ({
      %run_scoped3A_96 = tpu.sem_alloc : memref<!tpu.dma_semaphore, #tpu.memory_space<semaphore_mem>>
      %dma_start3A_97 = arith.constant 0 : i32
      %dma_start3A_98 = tpu.memref_slice %arg10[%mul3A_4, %dma_start3A_97] : memref<10240x32xf32, #tpu.memory_space<vmem_shared>> -> memref<320x32xf32, #tpu.memory_space<vmem_shared>>
      %dma_start3A_99 = arith.constant 0 : i32
      %dma_start3A_100 = tpu.memref_slice %arg2[%run_scoped3A, %mul3A_2, %dma_start3A_99] : memref<1x10240x32xf32, #tpu.memory_space<hbm>> -> memref<1x320x32xf32, #tpu.memory_space<hbm>>
      %dma_start3A_101 = tpu.memref_squeeze %dma_start3A_100 : memref<1x320x32xf32, #tpu.memory_space<hbm>> -> memref<320x32xf32, #tpu.memory_space<hbm>>
      tpu.enqueue_dma source(%dma_start3A_101 : memref<320x32xf32, #tpu.memory_space<hbm>>) target(%dma_start3A_98 : memref<320x32xf32, #tpu.memory_space<vmem_shared>>) target_semaphore(%run_scoped3A_96 : memref<!tpu.dma_semaphore, #tpu.memory_space<semaphore_mem>>)
      %dma_wait3A_102 = arith.constant 0 : i32
      %dma_wait3A_103 = tpu.memref_slice %arg10[%mul3A_4, %dma_wait3A_102] : memref<10240x32xf32, #tpu.memory_space<vmem_shared>> -> memref<320x32xf32, #tpu.memory_space<vmem_shared>>
      %dma_wait3A_104 = arith.constant 0 : i32
      %dma_wait3A_105 = tpu.memref_slice %arg2[%run_scoped3A, %mul3A_2, %dma_wait3A_104] : memref<1x10240x32xf32, #tpu.memory_space<hbm>> -> memref<1x320x32xf32, #tpu.memory_space<hbm>>
      %dma_wait3A_106 = tpu.memref_squeeze %dma_wait3A_105 : memref<1x320x32xf32, #tpu.memory_space<hbm>> -> memref<320x32xf32, #tpu.memory_space<hbm>>
      tpu.wait_dma2 semaphore(%run_scoped3A_96 : memref<!tpu.dma_semaphore, #tpu.memory_space<semaphore_mem>>) src(%dma_wait3A_106 : memref<320x32xf32, #tpu.memory_space<hbm>>) dst(%dma_wait3A_103 : memref<320x32xf32, #tpu.memory_space<vmem_shared>>)
      tpu.yield
    }) : () -> ()
    %mul3A_5 = arith.constant 640 : i32
    %mul3A_6 = arith.muli %arg1, %mul3A_5 : i32
    %add3A_7 = arith.constant 320 : i32
    %add3A_8 = arith.addi %mul3A_6, %add3A_7 : i32
    %mul3A_9 = arith.constant 640 : i32
    %mul3A_10 = arith.muli %arg1, %mul3A_9 : i32
    %add3A_11 = arith.constant 320 : i32
    %add3A_12 = arith.addi %mul3A_10, %add3A_11 : i32
    %run_scoped3A_13 = arith.constant 0 : i32
    "tpu.region"() ({
      %run_scoped3A_96 = tpu.sem_alloc : memref<!tpu.dma_semaphore, #tpu.memory_space<semaphore_mem>>
      %dma_start3A_97 = arith.constant 0 : i32
      %dma_start3A_98 = tpu.memref_slice %arg10[%add3A_12, %dma_start3A_97] : memref<10240x32xf32, #tpu.memory_space<vmem_shared>> -> memref<320x32xf32, #tpu.memory_space<vmem_shared>>
      %dma_start3A_99 = arith.constant 0 : i32
      %dma_start3A_100 = tpu.memref_slice %arg2[%run_scoped3A_13, %add3A_8, %dma_start3A_99] : memref<1x10240x32xf32, #tpu.memory_space<hbm>> -> memref<1x320x32xf32, #tpu.memory_space<hbm>>
      %dma_start3A_101 = tpu.memref_squeeze %dma_start3A_100 : memref<1x320x32xf32, #tpu.memory_space<hbm>> -> memref<320x32xf32, #tpu.memory_space<hbm>>
      tpu.enqueue_dma source(%dma_start3A_101 : memref<320x32xf32, #tpu.memory_space<hbm>>) target(%dma_start3A_98 : memref<320x32xf32, #tpu.memory_space<vmem_shared>>) target_semaphore(%run_scoped3A_96 : memref<!tpu.dma_semaphore, #tpu.memory_space<semaphore_mem>>)
      %dma_wait3A_102 = arith.constant 0 : i32
      %dma_wait3A_103 = tpu.memref_slice %arg10[%add3A_12, %dma_wait3A_102] : memref<10240x32xf32, #tpu.memory_space<vmem_shared>> -> memref<320x32xf32, #tpu.memory_space<vmem_shared>>
      %dma_wait3A_104 = arith.constant 0 : i32
      %dma_wait3A_105 = tpu.memref_slice %arg2[%run_scoped3A_13, %add3A_8, %dma_wait3A_104] : memref<1x10240x32xf32, #tpu.memory_space<hbm>> -> memref<1x320x32xf32, #tpu.memory_space<hbm>>
      %dma_wait3A_106 = tpu.memref_squeeze %dma_wait3A_105 : memref<1x320x32xf32, #tpu.memory_space<hbm>> -> memref<320x32xf32, #tpu.memory_space<hbm>>
      tpu.wait_dma2 semaphore(%run_scoped3A_96 : memref<!tpu.dma_semaphore, #tpu.memory_space<semaphore_mem>>) src(%dma_wait3A_106 : memref<320x32xf32, #tpu.memory_space<hbm>>) dst(%dma_wait3A_103 : memref<320x32xf32, #tpu.memory_space<vmem_shared>>)
      tpu.yield
    }) : () -> ()
    %broadcast_in_dim3A = arith.constant 0.000000e+00 : f32
    %broadcast_in_dim3A_14 = vector.broadcast %broadcast_in_dim3A : f32 to vector<16xf32>
    %scan3A = arith.constant 0 : i32
    %scan3A_15 = arith.constant 0 : i32
    %scan3A_16 = arith.constant 512 : i32
    %scan3A_17 = arith.addi %scan3A_15, %scan3A_16 : i32
    %scan3A_18 = arith.constant 1 : i32
    scf.for %scan3A_96 = %scan3A_15 to %scan3A_17 step %scan3A_18  : i32 {
      %swap3A = arith.index_cast %scan3A_96 : i32 to index
      %swap3A_97 = arith.constant 0 : index
      %swap3A_98 = tpu.vector_load %arg8[%swap3A, %swap3A_97] {strides = array<i32>} : memref<512x32xf32, #tpu.memory_space<vmem>>, vector<1x16xf32>,
      %swap3A_99 = vector.shape_cast %swap3A_98 : vector<1x16xf32> to vector<16xf32>
      %swap3A_100 = vector.shape_cast %broadcast_in_dim3A_14 : vector<16xf32> to vector<1x16xf32>
      tpu.vector_store %arg8[%swap3A, %swap3A_97], %swap3A_100 {strides = array<i32>} : memref<512x32xf32, #tpu.memory_space<vmem>>, vector<1x16xf32>,
      %swap3A_101 = arith.index_cast %scan3A_96 : i32 to index
      %swap3A_102 = arith.constant 16 : index
      %swap3A_103 = tpu.vector_load %arg8[%swap3A_101, %swap3A_102] {strides = array<i32>} : memref<512x32xf32, #tpu.memory_space<vmem>>, vector<1x16xf32>,
      %swap3A_104 = vector.shape_cast %swap3A_103 : vector<1x16xf32> to vector<16xf32>
      %swap3A_105 = vector.shape_cast %broadcast_in_dim3A_14 : vector<16xf32> to vector<1x16xf32>
      tpu.vector_store %arg8[%swap3A_101, %swap3A_102], %swap3A_105 {strides = array<i32>} : memref<512x32xf32, #tpu.memory_space<vmem>>, vector<1x16xf32>,
    }
    %scan3A_19 = arith.constant 512 : i32
    %mul3A_20 = arith.constant 640 : i32
    %mul3A_21 = arith.muli %arg1, %mul3A_20 : i32
    "tpu.region"() ({
      %run_scoped3A_96 = tpu.sem_alloc : memref<!tpu.dma_semaphore, #tpu.memory_space<semaphore_mem>>
      %dma_start3A_97 = arith.constant 0 : i32
      %dma_start3A_98 = arith.constant 0 : i32
      %dma_start3A_99 = tpu.memref_slice %arg8[%dma_start3A_97, %dma_start3A_98] : memref<512x32xf32, #tpu.memory_space<vmem>> -> memref<512x32xf32, #tpu.memory_space<vmem>>
      %dma_start3A_100 = arith.constant 0 : i32
      %dma_start3A_101 = tpu.memref_slice %arg11[%mul3A_21, %dma_start3A_100] : memref<10240x32xf32, #tpu.memory_space<vmem_shared>> -> memref<512x32xf32, #tpu.memory_space<vmem_shared>>
      %dma_start3A_102 = arith.constant 0 : i32
      %dma_start3A_103 = tpu.memref_slice %arg11[%mul3A_21, %dma_start3A_102] : memref<10240x32xf32, #tpu.memory_space<vmem_shared>> -> memref<512x32xf32, #tpu.memory_space<vmem_shared>>
      %dma_start3A_104 = arith.constant 0 : i32
      %dma_start3A_105 = arith.constant 0 : i32
      %dma_start3A_106 = tpu.memref_slice %arg8[%dma_start3A_104, %dma_start3A_105] : memref<512x32xf32, #tpu.memory_space<vmem>> -> memref<512x32xf32, #tpu.memory_space<vmem>>
      tpu.enqueue_dma source(%dma_start3A_106 : memref<512x32xf32, #tpu.memory_space<vmem>>) target(%dma_start3A_103 : memref<512x32xf32, #tpu.memory_space<vmem_shared>>) target_semaphore(%run_scoped3A_96 : memref<!tpu.dma_semaphore, #tpu.memory_space<semaphore_mem>>)
      %dma_wait3A_107 = arith.constant 0 : i32
      %dma_wait3A_108 = arith.constant 0 : i32
      %dma_wait3A_109 = tpu.memref_slice %arg8[%dma_wait3A_107, %dma_wait3A_108] : memref<512x32xf32, #tpu.memory_space<vmem>> -> memref<512x32xf32, #tpu.memory_space<vmem>>
      %dma_wait3A_110 = arith.constant 0 : i32
      %dma_wait3A_111 = tpu.memref_slice %arg11[%mul3A_21, %dma_wait3A_110] : memref<10240x32xf32, #tpu.memory_space<vmem_shared>> -> memref<512x32xf32, #tpu.memory_space<vmem_shared>>
      %dma_wait3A_112 = arith.constant 0 : i32
      %dma_wait3A_113 = tpu.memref_slice %arg11[%mul3A_21, %dma_wait3A_112] : memref<10240x32xf32, #tpu.memory_space<vmem_shared>> -> memref<512x32xf32, #tpu.memory_space<vmem_shared>>
      %dma_wait3A_114 = arith.constant 0 : i32
      %dma_wait3A_115 = arith.constant 0 : i32
      %dma_wait3A_116 = tpu.memref_slice %arg8[%dma_wait3A_114, %dma_wait3A_115] : memref<512x32xf32, #tpu.memory_space<vmem>> -> memref<512x32xf32, #tpu.memory_space<vmem>>
      tpu.wait_dma2 semaphore(%run_scoped3A_96 : memref<!tpu.dma_semaphore, #tpu.memory_space<semaphore_mem>>) src(%dma_wait3A_116 : memref<512x32xf32, #tpu.memory_space<vmem>>) dst(%dma_wait3A_113 : memref<512x32xf32, #tpu.memory_space<vmem_shared>>)
      tpu.yield
    }) : () -> ()
    %mul3A_22 = arith.constant 640 : i32
    %mul3A_23 = arith.muli %arg1, %mul3A_22 : i32
    %add3A_24 = arith.constant 512 : i32
    %add3A_25 = arith.addi %mul3A_23, %add3A_24 : i32
    "tpu.region"() ({
      %run_scoped3A_96 = tpu.sem_alloc : memref<!tpu.dma_semaphore, #tpu.memory_space<semaphore_mem>>
      %dma_start3A_97 = arith.constant 0 : i32
      %dma_start3A_98 = arith.constant 0 : i32
      %dma_start3A_99 = tpu.memref_slice %arg8[%dma_start3A_97, %dma_start3A_98] : memref<512x32xf32, #tpu.memory_space<vmem>> -> memref<128x32xf32, #tpu.memory_space<vmem>>
      %dma_start3A_100 = arith.constant 0 : i32
      %dma_start3A_101 = tpu.memref_slice %arg11[%add3A_25, %dma_start3A_100] : memref<10240x32xf32, #tpu.memory_space<vmem_shared>> -> memref<128x32xf32, #tpu.memory_space<vmem_shared>>
      %dma_start3A_102 = arith.constant 0 : i32
      %dma_start3A_103 = tpu.memref_slice %arg11[%add3A_25, %dma_start3A_102] : memref<10240x32xf32, #tpu.memory_space<vmem_shared>> -> memref<128x32xf32, #tpu.memory_space<vmem_shared>>
      %dma_start3A_104 = arith.constant 0 : i32
      %dma_start3A_105 = arith.constant 0 : i32
      %dma_start3A_106 = tpu.memref_slice %arg8[%dma_start3A_104, %dma_start3A_105] : memref<512x32xf32, #tpu.memory_space<vmem>> -> memref<128x32xf32, #tpu.memory_space<vmem>>
      tpu.enqueue_dma source(%dma_start3A_106 : memref<128x32xf32, #tpu.memory_space<vmem>>) target(%dma_start3A_103 : memref<128x32xf32, #tpu.memory_space<vmem_shared>>) target_semaphore(%run_scoped3A_96 : memref<!tpu.dma_semaphore, #tpu.memory_space<semaphore_mem>>)
      %dma_wait3A_107 = arith.constant 0 : i32
      %dma_wait3A_108 = arith.constant 0 : i32
      %dma_wait3A_109 = tpu.memref_slice %arg8[%dma_wait3A_107, %dma_wait3A_108] : memref<512x32xf32, #tpu.memory_space<vmem>> -> memref<128x32xf32, #tpu.memory_space<vmem>>
      %dma_wait3A_110 = arith.constant 0 : i32
      %dma_wait3A_111 = tpu.memref_slice %arg11[%add3A_25, %dma_wait3A_110] : memref<10240x32xf32, #tpu.memory_space<vmem_shared>> -> memref<128x32xf32, #tpu.memory_space<vmem_shared>>
      %dma_wait3A_112 = arith.constant 0 : i32
      %dma_wait3A_113 = tpu.memref_slice %arg11[%add3A_25, %dma_wait3A_112] : memref<10240x32xf32, #tpu.memory_space<vmem_shared>> -> memref<128x32xf32, #tpu.memory_space<vmem_shared>>
      %dma_wait3A_114 = arith.constant 0 : i32
      %dma_wait3A_115 = arith.constant 0 : i32
      %dma_wait3A_116 = tpu.memref_slice %arg8[%dma_wait3A_114, %dma_wait3A_115] : memref<512x32xf32, #tpu.memory_space<vmem>> -> memref<128x32xf32, #tpu.memory_space<vmem>>
      tpu.wait_dma2 semaphore(%run_scoped3A_96 : memref<!tpu.dma_semaphore, #tpu.memory_space<semaphore_mem>>) src(%dma_wait3A_116 : memref<128x32xf32, #tpu.memory_space<vmem>>) dst(%dma_wait3A_113 : memref<128x32xf32, #tpu.memory_space<vmem_shared>>)
      tpu.yield
    }) : () -> ()
    %barrier3A = arith.constant 0 : index
    tpu.barrier barrier_id(%barrier3A)
    %dma_start3A = arith.constant 0 : i32
    %dma_start3A_26 = arith.constant 0 : i32
    %dma_start3A_27 = tpu.memref_slice %arg6[%dma_start3A, %dma_start3A_26] : memref<40x512xi32, #tpu.memory_space<vmem>> -> memref<1x512xi32, #tpu.memory_space<vmem>>
    %dma_start3A_28 = tpu.memref_squeeze %dma_start3A_27 : memref<1x512xi32, #tpu.memory_space<vmem>> -> memref<512xi32, #tpu.memory_space<vmem>>
    %dma_start3A_29 = arith.constant 0 : i32
    %dma_start3A_30 = arith.constant 0 : i32
    %dma_start3A_31 = tpu.memref_slice %arg10[%dma_start3A_29, %dma_start3A_30] : memref<10240x32xf32, #tpu.memory_space<vmem_shared>> -> memref<10240x32xf32, #tpu.memory_space<vmem_shared>>
    tpu.enqueue_indirect_dma source(%dma_start3A_31 : memref<10240x32xf32, #tpu.memory_space<vmem_shared>>) target(%arg8 : memref<512x32xf32, #tpu.memory_space<vmem>>) offsets(%dma_start3A_28 : memref<512xi32, #tpu.memory_space<vmem>>) semaphore(%arg12 : memref<!tpu.dma_semaphore, #tpu.memory_space<semaphore_mem>>)
    %dma_start3A_32 = arith.constant 1 : i32
    %dma_start3A_33 = arith.constant 0 : i32
    %dma_start3A_34 = tpu.memref_slice %arg6[%dma_start3A_32, %dma_start3A_33] : memref<40x512xi32, #tpu.memory_space<vmem>> -> memref<1x512xi32, #tpu.memory_space<vmem>>
    %dma_start3A_35 = tpu.memref_squeeze %dma_start3A_34 : memref<1x512xi32, #tpu.memory_space<vmem>> -> memref<512xi32, #tpu.memory_space<vmem>>
    %dma_start3A_36 = arith.constant 0 : i32
    %dma_start3A_37 = arith.constant 0 : i32
    %dma_start3A_38 = tpu.memref_slice %arg10[%dma_start3A_36, %dma_start3A_37] : memref<10240x32xf32, #tpu.memory_space<vmem_shared>> -> memref<10240x32xf32, #tpu.memory_space<vmem_shared>>
    tpu.enqueue_indirect_dma source(%dma_start3A_38 : memref<10240x32xf32, #tpu.memory_space<vmem_shared>>) target(%arg9 : memref<512x32xf32, #tpu.memory_space<vmem>>) offsets(%dma_start3A_35 : memref<512xi32, #tpu.memory_space<vmem>>) semaphore(%arg13 : memref<!tpu.dma_semaphore, #tpu.memory_space<semaphore_mem>>)
    %dma_wait3A = arith.constant 0 : i32
    %dma_wait3A_39 = arith.constant 0 : i32
    %dma_wait3A_40 = tpu.memref_slice %arg6[%dma_wait3A, %dma_wait3A_39] : memref<40x512xi32, #tpu.memory_space<vmem>> -> memref<1x512xi32, #tpu.memory_space<vmem>>
    %dma_wait3A_41 = tpu.memref_squeeze %dma_wait3A_40 : memref<1x512xi32, #tpu.memory_space<vmem>> -> memref<512xi32, #tpu.memory_space<vmem>>
    %dma_wait3A_42 = arith.constant 0 : i32
    %dma_wait3A_43 = arith.constant 0 : i32
    %dma_wait3A_44 = tpu.memref_slice %arg10[%dma_wait3A_42, %dma_wait3A_43] : memref<10240x32xf32, #tpu.memory_space<vmem_shared>> -> memref<10240x32xf32, #tpu.memory_space<vmem_shared>>
    tpu.wait_indirect_dma semaphore(%arg12 : memref<!tpu.dma_semaphore, #tpu.memory_space<semaphore_mem>>) src(%dma_wait3A_44 : memref<10240x32xf32, #tpu.memory_space<vmem_shared>>) dst(%arg8 : memref<512x32xf32, #tpu.memory_space<vmem>>)
    %dma_start3A_45 = arith.constant 0 : i32
    %dma_start3A_46 = arith.constant 0 : i32
    %dma_start3A_47 = tpu.memref_slice %arg7[%dma_start3A_45, %dma_start3A_46] : memref<40x512xi32, #tpu.memory_space<vmem>> -> memref<1x512xi32, #tpu.memory_space<vmem>>
    %dma_start3A_48 = tpu.memref_squeeze %dma_start3A_47 : memref<1x512xi32, #tpu.memory_space<vmem>> -> memref<512xi32, #tpu.memory_space<vmem>>
    %dma_start3A_49 = arith.constant 0 : i32
    %dma_start3A_50 = arith.constant 0 : i32
    %dma_start3A_51 = tpu.memref_slice %arg11[%dma_start3A_49, %dma_start3A_50] : memref<10240x32xf32, #tpu.memory_space<vmem_shared>> -> memref<10240x32xf32, #tpu.memory_space<vmem_shared>>
    tpu.enqueue_indirect_dma source(%arg8 : memref<512x32xf32, #tpu.memory_space<vmem>>) target(%dma_start3A_51 : memref<10240x32xf32, #tpu.memory_space<vmem_shared>>) offsets(%dma_start3A_48 : memref<512xi32, #tpu.memory_space<vmem>>) semaphore(%arg14 : memref<!tpu.dma_semaphore, #tpu.memory_space<semaphore_mem>>) {add = true}
    %dma_wait3A_52 = arith.constant 1 : i32
    %dma_wait3A_53 = arith.constant 0 : i32
    %dma_wait3A_54 = tpu.memref_slice %arg6[%dma_wait3A_52, %dma_wait3A_53] : memref<40x512xi32, #tpu.memory_space<vmem>> -> memref<1x512xi32, #tpu.memory_space<vmem>>
    %dma_wait3A_55 = tpu.memref_squeeze %dma_wait3A_54 : memref<1x512xi32, #tpu.memory_space<vmem>> -> memref<512xi32, #tpu.memory_space<vmem>>
    %dma_wait3A_56 = arith.constant 0 : i32
    %dma_wait3A_57 = arith.constant 0 : i32
    %dma_wait3A_58 = tpu.memref_slice %arg10[%dma_wait3A_56, %dma_wait3A_57] : memref<10240x32xf32, #tpu.memory_space<vmem_shared>> -> memref<10240x32xf32, #tpu.memory_space<vmem_shared>>
    tpu.wait_indirect_dma semaphore(%arg13 : memref<!tpu.dma_semaphore, #tpu.memory_space<semaphore_mem>>) src(%dma_wait3A_58 : memref<10240x32xf32, #tpu.memory_space<vmem_shared>>) dst(%arg9 : memref<512x32xf32, #tpu.memory_space<vmem>>)
    %dma_start3A_59 = arith.constant 1 : i32
    %dma_start3A_60 = arith.constant 0 : i32
    %dma_start3A_61 = tpu.memref_slice %arg7[%dma_start3A_59, %dma_start3A_60] : memref<40x512xi32, #tpu.memory_space<vmem>> -> memref<1x512xi32, #tpu.memory_space<vmem>>
    %dma_start3A_62 = tpu.memref_squeeze %dma_start3A_61 : memref<1x512xi32, #tpu.memory_space<vmem>> -> memref<512xi32, #tpu.memory_space<vmem>>
    %dma_start3A_63 = arith.constant 0 : i32
    %dma_start3A_64 = arith.constant 0 : i32
    %dma_start3A_65 = tpu.memref_slice %arg11[%dma_start3A_63, %dma_start3A_64] : memref<10240x32xf32, #tpu.memory_space<vmem_shared>> -> memref<10240x32xf32, #tpu.memory_space<vmem_shared>>
    tpu.enqueue_indirect_dma source(%arg9 : memref<512x32xf32, #tpu.memory_space<vmem>>) target(%dma_start3A_65 : memref<10240x32xf32, #tpu.memory_space<vmem_shared>>) offsets(%dma_start3A_62 : memref<512xi32, #tpu.memory_space<vmem>>) semaphore(%arg15 : memref<!tpu.dma_semaphore, #tpu.memory_space<semaphore_mem>>) {add = true}
    %scan3A_66 = arith.constant 0 : i32
    %scan3A_67 = arith.constant 1 : i32
    %scan3A_68 = arith.constant 19 : i32
    %scan3A_69 = arith.addi %scan3A_67, %scan3A_68 : i32
    %scan3A_70 = arith.constant 1 : i32
    scf.for %scan3A_96 = %scan3A_67 to %scan3A_69 step %scan3A_70  : i32 {
      %mul3A_97 = arith.constant 2 : i32
      %mul3A_98 = arith.muli %mul3A_97, %scan3A_96 : i32
      %add3A_99 = arith.constant 1 : i32
      %add3A_100 = arith.addi %mul3A_98, %add3A_99 : i32
      %sub3A = arith.constant 2 : i32
      %sub3A_101 = arith.subi %mul3A_98, %sub3A : i32
      %dma_wait3A_102 = arith.constant 0 : i32
      %dma_wait3A_103 = tpu.memref_slice %arg7[%sub3A_101, %dma_wait3A_102] : memref<40x512xi32, #tpu.memory_space<vmem>> -> memref<1x512xi32, #tpu.memory_space<vmem>>
      %dma_wait3A_104 = tpu.memref_squeeze %dma_wait3A_103 : memref<1x512xi32, #tpu.memory_space<vmem>> -> memref<512xi32, #tpu.memory_space<vmem>>
      %dma_wait3A_105 = arith.constant 0 : i32
      %dma_wait3A_106 = arith.constant 0 : i32
      %dma_wait3A_107 = tpu.memref_slice %arg11[%dma_wait3A_105, %dma_wait3A_106] : memref<10240x32xf32, #tpu.memory_space<vmem_shared>> -> memref<10240x32xf32, #tpu.memory_space<vmem_shared>>
      tpu.wait_indirect_dma semaphore(%arg14 : memref<!tpu.dma_semaphore, #tpu.memory_space<semaphore_mem>>) src(%arg8 : memref<512x32xf32, #tpu.memory_space<vmem>>) dst(%dma_wait3A_107 : memref<10240x32xf32, #tpu.memory_space<vmem_shared>>)
      %dma_start3A_108 = arith.constant 0 : i32
      %dma_start3A_109 = tpu.memref_slice %arg6[%mul3A_98, %dma_start3A_108] : memref<40x512xi32, #tpu.memory_space<vmem>> -> memref<1x512xi32, #tpu.memory_space<vmem>>
      %dma_start3A_110 = tpu.memref_squeeze %dma_start3A_109 : memref<1x512xi32, #tpu.memory_space<vmem>> -> memref<512xi32, #tpu.memory_space<vmem>>
      %dma_start3A_111 = arith.constant 0 : i32
      %dma_start3A_112 = arith.constant 0 : i32
      %dma_start3A_113 = tpu.memref_slice %arg10[%dma_start3A_111, %dma_start3A_112] : memref<10240x32xf32, #tpu.memory_space<vmem_shared>> -> memref<10240x32xf32, #tpu.memory_space<vmem_shared>>
      tpu.enqueue_indirect_dma source(%dma_start3A_113 : memref<10240x32xf32, #tpu.memory_space<vmem_shared>>) target(%arg8 : memref<512x32xf32, #tpu.memory_space<vmem>>) offsets(%dma_start3A_110 : memref<512xi32, #tpu.memory_space<vmem>>) semaphore(%arg12 : memref<!tpu.dma_semaphore, #tpu.memory_space<semaphore_mem>>)
      %sub3A_114 = arith.constant 2 : i32
      %sub3A_115 = arith.subi %add3A_100, %sub3A_114 : i32
      %dma_wait3A_116 = arith.constant 0 : i32
      %dma_wait3A_117 = tpu.memref_slice %arg7[%sub3A_115, %dma_wait3A_116] : memref<40x512xi32, #tpu.memory_space<vmem>> -> memref<1x512xi32, #tpu.memory_space<vmem>>
      %dma_wait3A_118 = tpu.memref_squeeze %dma_wait3A_117 : memref<1x512xi32, #tpu.memory_space<vmem>> -> memref<512xi32, #tpu.memory_space<vmem>>
      %dma_wait3A_119 = arith.constant 0 : i32
      %dma_wait3A_120 = arith.constant 0 : i32
      %dma_wait3A_121 = tpu.memref_slice %arg11[%dma_wait3A_119, %dma_wait3A_120] : memref<10240x32xf32, #tpu.memory_space<vmem_shared>> -> memref<10240x32xf32, #tpu.memory_space<vmem_shared>>
      tpu.wait_indirect_dma semaphore(%arg15 : memref<!tpu.dma_semaphore, #tpu.memory_space<semaphore_mem>>) src(%arg9 : memref<512x32xf32, #tpu.memory_space<vmem>>) dst(%dma_wait3A_121 : memref<10240x32xf32, #tpu.memory_space<vmem_shared>>)
      %dma_start3A_122 = arith.constant 0 : i32
      %dma_start3A_123 = tpu.memref_slice %arg6[%add3A_100, %dma_start3A_122] : memref<40x512xi32, #tpu.memory_space<vmem>> -> memref<1x512xi32, #tpu.memory_space<vmem>>
      %dma_start3A_124 = tpu.memref_squeeze %dma_start3A_123 : memref<1x512xi32, #tpu.memory_space<vmem>> -> memref<512xi32, #tpu.memory_space<vmem>>
      %dma_start3A_125 = arith.constant 0 : i32
      %dma_start3A_126 = arith.constant 0 : i32
      %dma_start3A_127 = tpu.memref_slice %arg10[%dma_start3A_125, %dma_start3A_126] : memref<10240x32xf32, #tpu.memory_space<vmem_shared>> -> memref<10240x32xf32, #tpu.memory_space<vmem_shared>>
      tpu.enqueue_indirect_dma source(%dma_start3A_127 : memref<10240x32xf32, #tpu.memory_space<vmem_shared>>) target(%arg9 : memref<512x32xf32, #tpu.memory_space<vmem>>) offsets(%dma_start3A_124 : memref<512xi32, #tpu.memory_space<vmem>>) semaphore(%arg13 : memref<!tpu.dma_semaphore, #tpu.memory_space<semaphore_mem>>)
      %dma_wait3A_128 = arith.constant 0 : i32
      %dma_wait3A_129 = tpu.memref_slice %arg6[%mul3A_98, %dma_wait3A_128] : memref<40x512xi32, #tpu.memory_space<vmem>> -> memref<1x512xi32, #tpu.memory_space<vmem>>
      %dma_wait3A_130 = tpu.memref_squeeze %dma_wait3A_129 : memref<1x512xi32, #tpu.memory_space<vmem>> -> memref<512xi32, #tpu.memory_space<vmem>>
      %dma_wait3A_131 = arith.constant 0 : i32
      %dma_wait3A_132 = arith.constant 0 : i32
      %dma_wait3A_133 = tpu.memref_slice %arg10[%dma_wait3A_131, %dma_wait3A_132] : memref<10240x32xf32, #tpu.memory_space<vmem_shared>> -> memref<10240x32xf32, #tpu.memory_space<vmem_shared>>
      tpu.wait_indirect_dma semaphore(%arg12 : memref<!tpu.dma_semaphore, #tpu.memory_space<semaphore_mem>>) src(%dma_wait3A_133 : memref<10240x32xf32, #tpu.memory_space<vmem_shared>>) dst(%arg8 : memref<512x32xf32, #tpu.memory_space<vmem>>)
      %dma_start3A_134 = arith.constant 0 : i32
      %dma_start3A_135 = tpu.memref_slice %arg7[%mul3A_98, %dma_start3A_134] : memref<40x512xi32, #tpu.memory_space<vmem>> -> memref<1x512xi32, #tpu.memory_space<vmem>>
      %dma_start3A_136 = tpu.memref_squeeze %dma_start3A_135 : memref<1x512xi32, #tpu.memory_space<vmem>> -> memref<512xi32, #tpu.memory_space<vmem>>
      %dma_start3A_137 = arith.constant 0 : i32
      %dma_start3A_138 = arith.constant 0 : i32
      %dma_start3A_139 = tpu.memref_slice %arg11[%dma_start3A_137, %dma_start3A_138] : memref<10240x32xf32, #tpu.memory_space<vmem_shared>> -> memref<10240x32xf32, #tpu.memory_space<vmem_shared>>
      tpu.enqueue_indirect_dma source(%arg8 : memref<512x32xf32, #tpu.memory_space<vmem>>) target(%dma_start3A_139 : memref<10240x32xf32, #tpu.memory_space<vmem_shared>>) offsets(%dma_start3A_136 : memref<512xi32, #tpu.memory_space<vmem>>) semaphore(%arg14 : memref<!tpu.dma_semaphore, #tpu.memory_space<semaphore_mem>>) {add = true}
      %dma_wait3A_140 = arith.constant 0 : i32
      %dma_wait3A_141 = tpu.memref_slice %arg6[%add3A_100, %dma_wait3A_140] : memref<40x512xi32, #tpu.memory_space<vmem>> -> memref<1x512xi32, #tpu.memory_space<vmem>>
      %dma_wait3A_142 = tpu.memref_squeeze %dma_wait3A_141 : memref<1x512xi32, #tpu.memory_space<vmem>> -> memref<512xi32, #tpu.memory_space<vmem>>
      %dma_wait3A_143 = arith.constant 0 : i32
      %dma_wait3A_144 = arith.constant 0 : i32
      %dma_wait3A_145 = tpu.memref_slice %arg10[%dma_wait3A_143, %dma_wait3A_144] : memref<10240x32xf32, #tpu.memory_space<vmem_shared>> -> memref<10240x32xf32, #tpu.memory_space<vmem_shared>>
      tpu.wait_indirect_dma semaphore(%arg13 : memref<!tpu.dma_semaphore, #tpu.memory_space<semaphore_mem>>) src(%dma_wait3A_145 : memref<10240x32xf32, #tpu.memory_space<vmem_shared>>) dst(%arg9 : memref<512x32xf32, #tpu.memory_space<vmem>>)
      %dma_start3A_146 = arith.constant 0 : i32
      %dma_start3A_147 = tpu.memref_slice %arg7[%add3A_100, %dma_start3A_146] : memref<40x512xi32, #tpu.memory_space<vmem>> -> memref<1x512xi32, #tpu.memory_space<vmem>>
      %dma_start3A_148 = tpu.memref_squeeze %dma_start3A_147 : memref<1x512xi32, #tpu.memory_space<vmem>> -> memref<512xi32, #tpu.memory_space<vmem>>
      %dma_start3A_149 = arith.constant 0 : i32
      %dma_start3A_150 = arith.constant 0 : i32
      %dma_start3A_151 = tpu.memref_slice %arg11[%dma_start3A_149, %dma_start3A_150] : memref<10240x32xf32, #tpu.memory_space<vmem_shared>> -> memref<10240x32xf32, #tpu.memory_space<vmem_shared>>
      tpu.enqueue_indirect_dma source(%arg9 : memref<512x32xf32, #tpu.memory_space<vmem>>) target(%dma_start3A_151 : memref<10240x32xf32, #tpu.memory_space<vmem_shared>>) offsets(%dma_start3A_148 : memref<512xi32, #tpu.memory_space<vmem>>) semaphore(%arg15 : memref<!tpu.dma_semaphore, #tpu.memory_space<semaphore_mem>>) {add = true}
    }
    %scan3A_71 = arith.constant 19 : i32
    %dma_wait3A_72 = arith.constant 38 : i32
    %dma_wait3A_73 = arith.constant 0 : i32
    %dma_wait3A_74 = tpu.memref_slice %arg7[%dma_wait3A_72, %dma_wait3A_73] : memref<40x512xi32, #tpu.memory_space<vmem>> -> memref<1x512xi32, #tpu.memory_space<vmem>>
    %dma_wait3A_75 = tpu.memref_squeeze %dma_wait3A_74 : memref<1x512xi32, #tpu.memory_space<vmem>> -> memref<512xi32, #tpu.memory_space<vmem>>
    %dma_wait3A_76 = arith.constant 0 : i32
    %dma_wait3A_77 = arith.constant 0 : i32
    %dma_wait3A_78 = tpu.memref_slice %arg11[%dma_wait3A_76, %dma_wait3A_77] : memref<10240x32xf32, #tpu.memory_space<vmem_shared>> -> memref<10240x32xf32, #tpu.memory_space<vmem_shared>>
    tpu.wait_indirect_dma semaphore(%arg14 : memref<!tpu.dma_semaphore, #tpu.memory_space<semaphore_mem>>) src(%arg8 : memref<512x32xf32, #tpu.memory_space<vmem>>) dst(%dma_wait3A_78 : memref<10240x32xf32, #tpu.memory_space<vmem_shared>>)
    %dma_wait3A_79 = arith.constant 39 : i32
    %dma_wait3A_80 = arith.constant 0 : i32
    %dma_wait3A_81 = tpu.memref_slice %arg7[%dma_wait3A_79, %dma_wait3A_80] : memref<40x512xi32, #tpu.memory_space<vmem>> -> memref<1x512xi32, #tpu.memory_space<vmem>>
    %dma_wait3A_82 = tpu.memref_squeeze %dma_wait3A_81 : memref<1x512xi32, #tpu.memory_space<vmem>> -> memref<512xi32, #tpu.memory_space<vmem>>
    %dma_wait3A_83 = arith.constant 0 : i32
    %dma_wait3A_84 = arith.constant 0 : i32
    %dma_wait3A_85 = tpu.memref_slice %arg11[%dma_wait3A_83, %dma_wait3A_84] : memref<10240x32xf32, #tpu.memory_space<vmem_shared>> -> memref<10240x32xf32, #tpu.memory_space<vmem_shared>>
    tpu.wait_indirect_dma semaphore(%arg15 : memref<!tpu.dma_semaphore, #tpu.memory_space<semaphore_mem>>) src(%arg9 : memref<512x32xf32, #tpu.memory_space<vmem>>) dst(%dma_wait3A_85 : memref<10240x32xf32, #tpu.memory_space<vmem_shared>>)
    %barrier3A_86 = arith.constant 0 : index
    tpu.barrier barrier_id(%barrier3A_86)
    %mul3A_87 = arith.constant 640 : i32
    %mul3A_88 = arith.muli %arg1, %mul3A_87 : i32
    "tpu.region"() ({
      %run_scoped3A_96 = tpu.sem_alloc : memref<!tpu.dma_semaphore, #tpu.memory_space<semaphore_mem>>
      %dma_start3A_97 = arith.constant 0 : i32
      %dma_start3A_98 = arith.constant 0 : i32
      %dma_start3A_99 = tpu.memref_slice %arg8[%dma_start3A_97, %dma_start3A_98] : memref<512x32xf32, #tpu.memory_space<vmem>> -> memref<512x32xf32, #tpu.memory_space<vmem>>
      %dma_start3A_100 = arith.constant 0 : i32
      %dma_start3A_101 = tpu.memref_slice %arg11[%mul3A_88, %dma_start3A_100] : memref<10240x32xf32, #tpu.memory_space<vmem_shared>> -> memref<512x32xf32, #tpu.memory_space<vmem_shared>>
      %dma_start3A_102 = arith.constant 0 : i32
      %dma_start3A_103 = arith.constant 0 : i32
      %dma_start3A_104 = tpu.memref_slice %arg8[%dma_start3A_102, %dma_start3A_103] : memref<512x32xf32, #tpu.memory_space<vmem>> -> memref<512x32xf32, #tpu.memory_space<vmem>>
      %dma_start3A_105 = arith.constant 0 : i32
      %dma_start3A_106 = tpu.memref_slice %arg11[%mul3A_88, %dma_start3A_105] : memref<10240x32xf32, #tpu.memory_space<vmem_shared>> -> memref<512x32xf32, #tpu.memory_space<vmem_shared>>
      tpu.enqueue_dma source(%dma_start3A_106 : memref<512x32xf32, #tpu.memory_space<vmem_shared>>) target(%dma_start3A_104 : memref<512x32xf32, #tpu.memory_space<vmem>>) target_semaphore(%run_scoped3A_96 : memref<!tpu.dma_semaphore, #tpu.memory_space<semaphore_mem>>)
      %dma_wait3A_107 = arith.constant 0 : i32
      %dma_wait3A_108 = arith.constant 0 : i32
      %dma_wait3A_109 = tpu.memref_slice %arg8[%dma_wait3A_107, %dma_wait3A_108] : memref<512x32xf32, #tpu.memory_space<vmem>> -> memref<512x32xf32, #tpu.memory_space<vmem>>
      %dma_wait3A_110 = arith.constant 0 : i32
      %dma_wait3A_111 = tpu.memref_slice %arg11[%mul3A_88, %dma_wait3A_110] : memref<10240x32xf32, #tpu.memory_space<vmem_shared>> -> memref<512x32xf32, #tpu.memory_space<vmem_shared>>
      %dma_wait3A_112 = arith.constant 0 : i32
      %dma_wait3A_113 = arith.constant 0 : i32
      %dma_wait3A_114 = tpu.memref_slice %arg8[%dma_wait3A_112, %dma_wait3A_113] : memref<512x32xf32, #tpu.memory_space<vmem>> -> memref<512x32xf32, #tpu.memory_space<vmem>>
      %dma_wait3A_115 = arith.constant 0 : i32
      %dma_wait3A_116 = tpu.memref_slice %arg11[%mul3A_88, %dma_wait3A_115] : memref<10240x32xf32, #tpu.memory_space<vmem_shared>> -> memref<512x32xf32, #tpu.memory_space<vmem_shared>>
      tpu.wait_dma2 semaphore(%run_scoped3A_96 : memref<!tpu.dma_semaphore, #tpu.memory_space<semaphore_mem>>) src(%dma_wait3A_116 : memref<512x32xf32, #tpu.memory_space<vmem_shared>>) dst(%dma_wait3A_114 : memref<512x32xf32, #tpu.memory_space<vmem>>)
      tpu.yield
    }) : () -> ()
    %run_scoped3A_89 = arith.constant 0 : i32
    "tpu.region"() ({
      %run_scoped3A_96 = tpu.sem_alloc : memref<!tpu.dma_semaphore, #tpu.memory_space<semaphore_mem>>
      %dma_start3A_97 = arith.constant 0 : i32
      %dma_start3A_98 = arith.constant 0 : i32
      %dma_start3A_99 = tpu.memref_slice %arg8[%dma_start3A_97, %dma_start3A_98] : memref<512x32xf32, #tpu.memory_space<vmem>> -> memref<512x32xf32, #tpu.memory_space<vmem>>
      %dma_start3A_100 = arith.constant 0 : i32
      %dma_start3A_101 = tpu.memref_slice %arg5[%arg0, %run_scoped3A_89, %mul3A_88, %dma_start3A_100] : memref<2x1x10240x32xf32, #tpu.memory_space<hbm>> -> memref<1x1x512x32xf32, #tpu.memory_space<hbm>>
      %dma_start3A_102 = tpu.memref_squeeze %dma_start3A_101 : memref<1x1x512x32xf32, #tpu.memory_space<hbm>> -> memref<512x32xf32, #tpu.memory_space<hbm>>
      %dma_start3A_103 = arith.constant 0 : i32
      %dma_start3A_104 = tpu.memref_slice %arg5[%arg0, %run_scoped3A_89, %mul3A_88, %dma_start3A_103] : memref<2x1x10240x32xf32, #tpu.memory_space<hbm>> -> memref<1x1x512x32xf32, #tpu.memory_space<hbm>>
      %dma_start3A_105 = tpu.memref_squeeze %dma_start3A_104 : memref<1x1x512x32xf32, #tpu.memory_space<hbm>> -> memref<512x32xf32, #tpu.memory_space<hbm>>
      %dma_start3A_106 = arith.constant 0 : i32
      %dma_start3A_107 = arith.constant 0 : i32
      %dma_start3A_108 = tpu.memref_slice %arg8[%dma_start3A_106, %dma_start3A_107] : memref<512x32xf32, #tpu.memory_space<vmem>> -> memref<512x32xf32, #tpu.memory_space<vmem>>
      tpu.enqueue_dma source(%dma_start3A_108 : memref<512x32xf32, #tpu.memory_space<vmem>>) target(%dma_start3A_105 : memref<512x32xf32, #tpu.memory_space<hbm>>) target_semaphore(%run_scoped3A_96 : memref<!tpu.dma_semaphore, #tpu.memory_space<semaphore_mem>>)
      %dma_wait3A_109 = arith.constant 0 : i32
      %dma_wait3A_110 = arith.constant 0 : i32
      %dma_wait3A_111 = tpu.memref_slice %arg8[%dma_wait3A_109, %dma_wait3A_110] : memref<512x32xf32, #tpu.memory_space<vmem>> -> memref<512x32xf32, #tpu.memory_space<vmem>>
      %dma_wait3A_112 = arith.constant 0 : i32
      %dma_wait3A_113 = tpu.memref_slice %arg5[%arg0, %run_scoped3A_89, %mul3A_88, %dma_wait3A_112] : memref<2x1x10240x32xf32, #tpu.memory_space<hbm>> -> memref<1x1x512x32xf32, #tpu.memory_space<hbm>>
      %dma_wait3A_114 = tpu.memref_squeeze %dma_wait3A_113 : memref<1x1x512x32xf32, #tpu.memory_space<hbm>> -> memref<512x32xf32, #tpu.memory_space<hbm>>
      %dma_wait3A_115 = arith.constant 0 : i32
      %dma_wait3A_116 = tpu.memref_slice %arg5[%arg0, %run_scoped3A_89, %mul3A_88, %dma_wait3A_115] : memref<2x1x10240x32xf32, #tpu.memory_space<hbm>> -> memref<1x1x512x32xf32, #tpu.memory_space<hbm>>
      %dma_wait3A_117 = tpu.memref_squeeze %dma_wait3A_116 : memref<1x1x512x32xf32, #tpu.memory_space<hbm>> -> memref<512x32xf32, #tpu.memory_space<hbm>>
      %dma_wait3A_118 = arith.constant 0 : i32
      %dma_wait3A_119 = arith.constant 0 : i32
      %dma_wait3A_120 = tpu.memref_slice %arg8[%dma_wait3A_118, %dma_wait3A_119] : memref<512x32xf32, #tpu.memory_space<vmem>> -> memref<512x32xf32, #tpu.memory_space<vmem>>
      tpu.wait_dma2 semaphore(%run_scoped3A_96 : memref<!tpu.dma_semaphore, #tpu.memory_space<semaphore_mem>>) src(%dma_wait3A_120 : memref<512x32xf32, #tpu.memory_space<vmem>>) dst(%dma_wait3A_117 : memref<512x32xf32, #tpu.memory_space<hbm>>)
      tpu.yield
    }) : () -> ()
    %add3A_90 = arith.constant 512 : i32
    %add3A_91 = arith.addi %mul3A_88, %add3A_90 : i32
    "tpu.region"() ({
      %run_scoped3A_96 = tpu.sem_alloc : memref<!tpu.dma_semaphore, #tpu.memory_space<semaphore_mem>>
      %dma_start3A_97 = arith.constant 0 : i32
      %dma_start3A_98 = arith.constant 0 : i32
      %dma_start3A_99 = tpu.memref_slice %arg9[%dma_start3A_97, %dma_start3A_98] : memref<512x32xf32, #tpu.memory_space<vmem>> -> memref<128x32xf32, #tpu.memory_space<vmem>>
      %dma_start3A_100 = arith.constant 0 : i32
      %dma_start3A_101 = tpu.memref_slice %arg11[%add3A_91, %dma_start3A_100] : memref<10240x32xf32, #tpu.memory_space<vmem_shared>> -> memref<128x32xf32, #tpu.memory_space<vmem_shared>>
      %dma_start3A_102 = arith.constant 0 : i32
      %dma_start3A_103 = arith.constant 0 : i32
      %dma_start3A_104 = tpu.memref_slice %arg9[%dma_start3A_102, %dma_start3A_103] : memref<512x32xf32, #tpu.memory_space<vmem>> -> memref<128x32xf32, #tpu.memory_space<vmem>>
      %dma_start3A_105 = arith.constant 0 : i32
      %dma_start3A_106 = tpu.memref_slice %arg11[%add3A_91, %dma_start3A_105] : memref<10240x32xf32, #tpu.memory_space<vmem_shared>> -> memref<128x32xf32, #tpu.memory_space<vmem_shared>>
      tpu.enqueue_dma source(%dma_start3A_106 : memref<128x32xf32, #tpu.memory_space<vmem_shared>>) target(%dma_start3A_104 : memref<128x32xf32, #tpu.memory_space<vmem>>) target_semaphore(%run_scoped3A_96 : memref<!tpu.dma_semaphore, #tpu.memory_space<semaphore_mem>>)
      %dma_wait3A_107 = arith.constant 0 : i32
      %dma_wait3A_108 = arith.constant 0 : i32
      %dma_wait3A_109 = tpu.memref_slice %arg9[%dma_wait3A_107, %dma_wait3A_108] : memref<512x32xf32, #tpu.memory_space<vmem>> -> memref<128x32xf32, #tpu.memory_space<vmem>>
      %dma_wait3A_110 = arith.constant 0 : i32
      %dma_wait3A_111 = tpu.memref_slice %arg11[%add3A_91, %dma_wait3A_110] : memref<10240x32xf32, #tpu.memory_space<vmem_shared>> -> memref<128x32xf32, #tpu.memory_space<vmem_shared>>
      %dma_wait3A_112 = arith.constant 0 : i32
      %dma_wait3A_113 = arith.constant 0 : i32
      %dma_wait3A_114 = tpu.memref_slice %arg9[%dma_wait3A_112, %dma_wait3A_113] : memref<512x32xf32, #tpu.memory_space<vmem>> -> memref<128x32xf32, #tpu.memory_space<vmem>>
      %dma_wait3A_115 = arith.constant 0 : i32
      %dma_wait3A_116 = tpu.memref_slice %arg11[%add3A_91, %dma_wait3A_115] : memref<10240x32xf32, #tpu.memory_space<vmem_shared>> -> memref<128x32xf32, #tpu.memory_space<vmem_shared>>
      tpu.wait_dma2 semaphore(%run_scoped3A_96 : memref<!tpu.dma_semaphore, #tpu.memory_space<semaphore_mem>>) src(%dma_wait3A_116 : memref<128x32xf32, #tpu.memory_space<vmem_shared>>) dst(%dma_wait3A_114 : memref<128x32xf32, #tpu.memory_space<vmem>>)
      tpu.yield
    }) : () -> ()
    %add3A_92 = arith.constant 512 : i32
    %add3A_93 = arith.addi %mul3A_88, %add3A_92 : i32
    %run_scoped3A_94 = arith.constant 0 : i32
    "tpu.region"() ({
      %run_scoped3A_96 = tpu.sem_alloc : memref<!tpu.dma_semaphore, #tpu.memory_space<semaphore_mem>>
      %dma_start3A_97 = arith.constant 0 : i32
      %dma_start3A_98 = arith.constant 0 : i32
      %dma_start3A_99 = tpu.memref_slice %arg9[%dma_start3A_97, %dma_start3A_98] : memref<512x32xf32, #tpu.memory_space<vmem>> -> memref<128x32xf32, #tpu.memory_space<vmem>>
      %dma_start3A_100 = arith.constant 0 : i32
      %dma_start3A_101 = tpu.memref_slice %arg5[%arg0, %run_scoped3A_94, %add3A_93, %dma_start3A_100] : memref<2x1x10240x32xf32, #tpu.memory_space<hbm>> -> memref<1x1x128x32xf32, #tpu.memory_space<hbm>>
      %dma_start3A_102 = tpu.memref_squeeze %dma_start3A_101 : memref<1x1x128x32xf32, #tpu.memory_space<hbm>> -> memref<128x32xf32, #tpu.memory_space<hbm>>
      %dma_start3A_103 = arith.constant 0 : i32
      %dma_start3A_104 = tpu.memref_slice %arg5[%arg0, %run_scoped3A_94, %add3A_93, %dma_start3A_103] : memref<2x1x10240x32xf32, #tpu.memory_space<hbm>> -> memref<1x1x128x32xf32, #tpu.memory_space<hbm>>
      %dma_start3A_105 = tpu.memref_squeeze %dma_start3A_104 : memref<1x1x128x32xf32, #tpu.memory_space<hbm>> -> memref<128x32xf32, #tpu.memory_space<hbm>>
      %dma_start3A_106 = arith.constant 0 : i32
      %dma_start3A_107 = arith.constant 0 : i32
      %dma_start3A_108 = tpu.memref_slice %arg9[%dma_start3A_106, %dma_start3A_107] : memref<512x32xf32, #tpu.memory_space<vmem>> -> memref<128x32xf32, #tpu.memory_space<vmem>>
      tpu.enqueue_dma source(%dma_start3A_108 : memref<128x32xf32, #tpu.memory_space<vmem>>) target(%dma_start3A_105 : memref<128x32xf32, #tpu.memory_space<hbm>>) target_semaphore(%run_scoped3A_96 : memref<!tpu.dma_semaphore, #tpu.memory_space<semaphore_mem>>)
      %dma_wait3A_109 = arith.constant 0 : i32
      %dma_wait3A_110 = arith.constant 0 : i32
      %dma_wait3A_111 = tpu.memref_slice %arg9[%dma_wait3A_109, %dma_wait3A_110] : memref<512x32xf32, #tpu.memory_space<vmem>> -> memref<128x32xf32, #tpu.memory_space<vmem>>
      %dma_wait3A_112 = arith.constant 0 : i32
      %dma_wait3A_113 = tpu.memref_slice %arg5[%arg0, %run_scoped3A_94, %add3A_93, %dma_wait3A_112] : memref<2x1x10240x32xf32, #tpu.memory_space<hbm>> -> memref<1x1x128x32xf32, #tpu.memory_space<hbm>>
      %dma_wait3A_114 = tpu.memref_squeeze %dma_wait3A_113 : memref<1x1x128x32xf32, #tpu.memory_space<hbm>> -> memref<128x32xf32, #tpu.memory_space<hbm>>
      %dma_wait3A_115 = arith.constant 0 : i32
      %dma_wait3A_116 = tpu.memref_slice %arg5[%arg0, %run_scoped3A_94, %add3A_93, %dma_wait3A_115] : memref<2x1x10240x32xf32, #tpu.memory_space<hbm>> -> memref<1x1x128x32xf32, #tpu.memory_space<hbm>>
      %dma_wait3A_117 = tpu.memref_squeeze %dma_wait3A_116 : memref<1x1x128x32xf32, #tpu.memory_space<hbm>> -> memref<128x32xf32, #tpu.memory_space<hbm>>
      %dma_wait3A_118 = arith.constant 0 : i32
      %dma_wait3A_119 = arith.constant 0 : i32
      %dma_wait3A_120 = tpu.memref_slice %arg9[%dma_wait3A_118, %dma_wait3A_119] : memref<512x32xf32, #tpu.memory_space<vmem>> -> memref<128x32xf32, #tpu.memory_space<vmem>>
      tpu.wait_dma2 semaphore(%run_scoped3A_96 : memref<!tpu.dma_semaphore, #tpu.memory_space<semaphore_mem>>) src(%dma_wait3A_120 : memref<128x32xf32, #tpu.memory_space<vmem>>) dst(%dma_wait3A_117 : memref<128x32xf32, #tpu.memory_space<hbm>>)
      tpu.yield
    }) : () -> ()
    %barrier3A_95 = arith.constant 0 : index
    tpu.barrier barrier_id(%barrier3A_95)
    return
  }
}

#map = affine_map<(d0, d1) -> (0, 0, 0)>
#map1 = affine_map<(d0, d1) -> (0, 0, 0, 0)>
module attributes {stable_mosaic.version = 14 : i64} {
  func.func @agg(%arg0: i32, %arg1: i32, %arg2: memref<2x10240x32xf32, #tpu.memory_space<hbm>>, %arg3: memref<32x40x512xi32, #tpu.memory_space<hbm>>, %arg4: memref<32x40x512xi32, #tpu.memory_space<hbm>>, %arg5: memref<2x2x10240x32xf32, #tpu.memory_space<hbm>>, %arg6: memref<40x512xi32, #tpu.memory_space<vmem>>, %arg7: memref<40x512xi32, #tpu.memory_space<vmem>>, %arg8: memref<512x32xf32, #tpu.memory_space<vmem>>, %arg9: memref<512x32xf32, #tpu.memory_space<vmem>>, %arg10: memref<10240x32xf32, #tpu.memory_space<vmem_shared>>, %arg11: memref<10240x32xf32, #tpu.memory_space<vmem_shared>>, %arg12: memref<!tpu.dma_semaphore, #tpu.memory_space<semaphore_mem>>, %arg13: memref<!tpu.dma_semaphore, #tpu.memory_space<semaphore_mem>>, %arg14: memref<!tpu.dma_semaphore, #tpu.memory_space<semaphore_mem>>, %arg15: memref<!tpu.dma_semaphore, #tpu.memory_space<semaphore_mem>>) attributes {dimension_semantics = [#tpu.dimension_semantics<core_parallel>, #tpu.dimension_semantics<subcore_parallel>], iteration_bounds = array<i64: 2, 16>, scalar_prefetch = 0 : i64, scratch_operands = 10 : i64, tpu.core_type = #tpu.core_type<sc_vector_subcore>, window_params = [{transform_indices = #map}, {transform_indices = #map}, {transform_indices = #map}, {transform_indices = #map1}]} {
    %mul3A = arith.constant 2 : i32
    %mul3A_0 = arith.muli %arg1, %mul3A : i32
    %add3A = arith.addi %mul3A_0, %arg0 : i32
    "tpu.region"() ({
      %run_scoped3A_197 = tpu.sem_alloc : memref<!tpu.dma_semaphore, #tpu.memory_space<semaphore_mem>>
      %dma_start3A_198 = arith.constant 0 : i32
      %dma_start3A_199 = arith.constant 0 : i32
      %dma_start3A_200 = tpu.memref_slice %arg3[%add3A, %dma_start3A_198, %dma_start3A_199] : memref<32x40x512xi32, #tpu.memory_space<hbm>> -> memref<1x40x512xi32, #tpu.memory_space<hbm>>
      %dma_start3A_201 = tpu.memref_squeeze %dma_start3A_200 : memref<1x40x512xi32, #tpu.memory_space<hbm>> -> memref<40x512xi32, #tpu.memory_space<hbm>>
      %dma_start3A_202 = arith.constant 0 : i32
      %dma_start3A_203 = arith.constant 0 : i32
      %dma_start3A_204 = tpu.memref_slice %arg3[%add3A, %dma_start3A_202, %dma_start3A_203] : memref<32x40x512xi32, #tpu.memory_space<hbm>> -> memref<1x40x512xi32, #tpu.memory_space<hbm>>
      %dma_start3A_205 = tpu.memref_squeeze %dma_start3A_204 : memref<1x40x512xi32, #tpu.memory_space<hbm>> -> memref<40x512xi32, #tpu.memory_space<hbm>>
      tpu.enqueue_dma source(%dma_start3A_205 : memref<40x512xi32, #tpu.memory_space<hbm>>) target(%arg6 : memref<40x512xi32, #tpu.memory_space<vmem>>) target_semaphore(%run_scoped3A_197 : memref<!tpu.dma_semaphore, #tpu.memory_space<semaphore_mem>>)
      %dma_wait3A_206 = arith.constant 0 : i32
      %dma_wait3A_207 = arith.constant 0 : i32
      %dma_wait3A_208 = tpu.memref_slice %arg3[%add3A, %dma_wait3A_206, %dma_wait3A_207] : memref<32x40x512xi32, #tpu.memory_space<hbm>> -> memref<1x40x512xi32, #tpu.memory_space<hbm>>
      %dma_wait3A_209 = tpu.memref_squeeze %dma_wait3A_208 : memref<1x40x512xi32, #tpu.memory_space<hbm>> -> memref<40x512xi32, #tpu.memory_space<hbm>>
      %dma_wait3A_210 = arith.constant 0 : i32
      %dma_wait3A_211 = arith.constant 0 : i32
      %dma_wait3A_212 = tpu.memref_slice %arg3[%add3A, %dma_wait3A_210, %dma_wait3A_211] : memref<32x40x512xi32, #tpu.memory_space<hbm>> -> memref<1x40x512xi32, #tpu.memory_space<hbm>>
      %dma_wait3A_213 = tpu.memref_squeeze %dma_wait3A_212 : memref<1x40x512xi32, #tpu.memory_space<hbm>> -> memref<40x512xi32, #tpu.memory_space<hbm>>
      tpu.wait_dma2 semaphore(%run_scoped3A_197 : memref<!tpu.dma_semaphore, #tpu.memory_space<semaphore_mem>>) src(%dma_wait3A_213 : memref<40x512xi32, #tpu.memory_space<hbm>>) dst(%arg6 : memref<40x512xi32, #tpu.memory_space<vmem>>)
      tpu.yield
    }) : () -> ()
    "tpu.region"() ({
      %run_scoped3A_197 = tpu.sem_alloc : memref<!tpu.dma_semaphore, #tpu.memory_space<semaphore_mem>>
      %dma_start3A_198 = arith.constant 0 : i32
      %dma_start3A_199 = arith.constant 0 : i32
      %dma_start3A_200 = tpu.memref_slice %arg4[%add3A, %dma_start3A_198, %dma_start3A_199] : memref<32x40x512xi32, #tpu.memory_space<hbm>> -> memref<1x40x512xi32, #tpu.memory_space<hbm>>
      %dma_start3A_201 = tpu.memref_squeeze %dma_start3A_200 : memref<1x40x512xi32, #tpu.memory_space<hbm>> -> memref<40x512xi32, #tpu.memory_space<hbm>>
      %dma_start3A_202 = arith.constant 0 : i32
      %dma_start3A_203 = arith.constant 0 : i32
      %dma_start3A_204 = tpu.memref_slice %arg4[%add3A, %dma_start3A_202, %dma_start3A_203] : memref<32x40x512xi32, #tpu.memory_space<hbm>> -> memref<1x40x512xi32, #tpu.memory_space<hbm>>
      %dma_start3A_205 = tpu.memref_squeeze %dma_start3A_204 : memref<1x40x512xi32, #tpu.memory_space<hbm>> -> memref<40x512xi32, #tpu.memory_space<hbm>>
      tpu.enqueue_dma source(%dma_start3A_205 : memref<40x512xi32, #tpu.memory_space<hbm>>) target(%arg7 : memref<40x512xi32, #tpu.memory_space<vmem>>) target_semaphore(%run_scoped3A_197 : memref<!tpu.dma_semaphore, #tpu.memory_space<semaphore_mem>>)
      %dma_wait3A_206 = arith.constant 0 : i32
      %dma_wait3A_207 = arith.constant 0 : i32
      %dma_wait3A_208 = tpu.memref_slice %arg4[%add3A, %dma_wait3A_206, %dma_wait3A_207] : memref<32x40x512xi32, #tpu.memory_space<hbm>> -> memref<1x40x512xi32, #tpu.memory_space<hbm>>
      %dma_wait3A_209 = tpu.memref_squeeze %dma_wait3A_208 : memref<1x40x512xi32, #tpu.memory_space<hbm>> -> memref<40x512xi32, #tpu.memory_space<hbm>>
      %dma_wait3A_210 = arith.constant 0 : i32
      %dma_wait3A_211 = arith.constant 0 : i32
      %dma_wait3A_212 = tpu.memref_slice %arg4[%add3A, %dma_wait3A_210, %dma_wait3A_211] : memref<32x40x512xi32, #tpu.memory_space<hbm>> -> memref<1x40x512xi32, #tpu.memory_space<hbm>>
      %dma_wait3A_213 = tpu.memref_squeeze %dma_wait3A_212 : memref<1x40x512xi32, #tpu.memory_space<hbm>> -> memref<40x512xi32, #tpu.memory_space<hbm>>
      tpu.wait_dma2 semaphore(%run_scoped3A_197 : memref<!tpu.dma_semaphore, #tpu.memory_space<semaphore_mem>>) src(%dma_wait3A_213 : memref<40x512xi32, #tpu.memory_space<hbm>>) dst(%arg7 : memref<40x512xi32, #tpu.memory_space<vmem>>)
      tpu.yield
    }) : () -> ()
    %mul3A_1 = arith.constant 640 : i32
    %mul3A_2 = arith.muli %arg1, %mul3A_1 : i32
    %mul3A_3 = arith.constant 640 : i32
    %mul3A_4 = arith.muli %arg1, %mul3A_3 : i32
    %run_scoped3A = arith.constant 0 : i32
    "tpu.region"() ({
      %run_scoped3A_197 = tpu.sem_alloc : memref<!tpu.dma_semaphore, #tpu.memory_space<semaphore_mem>>
      %dma_start3A_198 = arith.constant 0 : i32
      %dma_start3A_199 = tpu.memref_slice %arg10[%mul3A_4, %dma_start3A_198] : memref<10240x32xf32, #tpu.memory_space<vmem_shared>> -> memref<320x32xf32, #tpu.memory_space<vmem_shared>>
      %dma_start3A_200 = arith.constant 0 : i32
      %dma_start3A_201 = tpu.memref_slice %arg2[%run_scoped3A, %mul3A_2, %dma_start3A_200] : memref<2x10240x32xf32, #tpu.memory_space<hbm>> -> memref<1x320x32xf32, #tpu.memory_space<hbm>>
      %dma_start3A_202 = tpu.memref_squeeze %dma_start3A_201 : memref<1x320x32xf32, #tpu.memory_space<hbm>> -> memref<320x32xf32, #tpu.memory_space<hbm>>
      tpu.enqueue_dma source(%dma_start3A_202 : memref<320x32xf32, #tpu.memory_space<hbm>>) target(%dma_start3A_199 : memref<320x32xf32, #tpu.memory_space<vmem_shared>>) target_semaphore(%run_scoped3A_197 : memref<!tpu.dma_semaphore, #tpu.memory_space<semaphore_mem>>)
      %dma_wait3A_203 = arith.constant 0 : i32
      %dma_wait3A_204 = tpu.memref_slice %arg10[%mul3A_4, %dma_wait3A_203] : memref<10240x32xf32, #tpu.memory_space<vmem_shared>> -> memref<320x32xf32, #tpu.memory_space<vmem_shared>>
      %dma_wait3A_205 = arith.constant 0 : i32
      %dma_wait3A_206 = tpu.memref_slice %arg2[%run_scoped3A, %mul3A_2, %dma_wait3A_205] : memref<2x10240x32xf32, #tpu.memory_space<hbm>> -> memref<1x320x32xf32, #tpu.memory_space<hbm>>
      %dma_wait3A_207 = tpu.memref_squeeze %dma_wait3A_206 : memref<1x320x32xf32, #tpu.memory_space<hbm>> -> memref<320x32xf32, #tpu.memory_space<hbm>>
      tpu.wait_dma2 semaphore(%run_scoped3A_197 : memref<!tpu.dma_semaphore, #tpu.memory_space<semaphore_mem>>) src(%dma_wait3A_207 : memref<320x32xf32, #tpu.memory_space<hbm>>) dst(%dma_wait3A_204 : memref<320x32xf32, #tpu.memory_space<vmem_shared>>)
      tpu.yield
    }) : () -> ()
    %mul3A_5 = arith.constant 640 : i32
    %mul3A_6 = arith.muli %arg1, %mul3A_5 : i32
    %add3A_7 = arith.constant 320 : i32
    %add3A_8 = arith.addi %mul3A_6, %add3A_7 : i32
    %mul3A_9 = arith.constant 640 : i32
    %mul3A_10 = arith.muli %arg1, %mul3A_9 : i32
    %add3A_11 = arith.constant 320 : i32
    %add3A_12 = arith.addi %mul3A_10, %add3A_11 : i32
    %run_scoped3A_13 = arith.constant 0 : i32
    "tpu.region"() ({
      %run_scoped3A_197 = tpu.sem_alloc : memref<!tpu.dma_semaphore, #tpu.memory_space<semaphore_mem>>
      %dma_start3A_198 = arith.constant 0 : i32
      %dma_start3A_199 = tpu.memref_slice %arg10[%add3A_12, %dma_start3A_198] : memref<10240x32xf32, #tpu.memory_space<vmem_shared>> -> memref<320x32xf32, #tpu.memory_space<vmem_shared>>
      %dma_start3A_200 = arith.constant 0 : i32
      %dma_start3A_201 = tpu.memref_slice %arg2[%run_scoped3A_13, %add3A_8, %dma_start3A_200] : memref<2x10240x32xf32, #tpu.memory_space<hbm>> -> memref<1x320x32xf32, #tpu.memory_space<hbm>>
      %dma_start3A_202 = tpu.memref_squeeze %dma_start3A_201 : memref<1x320x32xf32, #tpu.memory_space<hbm>> -> memref<320x32xf32, #tpu.memory_space<hbm>>
      tpu.enqueue_dma source(%dma_start3A_202 : memref<320x32xf32, #tpu.memory_space<hbm>>) target(%dma_start3A_199 : memref<320x32xf32, #tpu.memory_space<vmem_shared>>) target_semaphore(%run_scoped3A_197 : memref<!tpu.dma_semaphore, #tpu.memory_space<semaphore_mem>>)
      %dma_wait3A_203 = arith.constant 0 : i32
      %dma_wait3A_204 = tpu.memref_slice %arg10[%add3A_12, %dma_wait3A_203] : memref<10240x32xf32, #tpu.memory_space<vmem_shared>> -> memref<320x32xf32, #tpu.memory_space<vmem_shared>>
      %dma_wait3A_205 = arith.constant 0 : i32
      %dma_wait3A_206 = tpu.memref_slice %arg2[%run_scoped3A_13, %add3A_8, %dma_wait3A_205] : memref<2x10240x32xf32, #tpu.memory_space<hbm>> -> memref<1x320x32xf32, #tpu.memory_space<hbm>>
      %dma_wait3A_207 = tpu.memref_squeeze %dma_wait3A_206 : memref<1x320x32xf32, #tpu.memory_space<hbm>> -> memref<320x32xf32, #tpu.memory_space<hbm>>
      tpu.wait_dma2 semaphore(%run_scoped3A_197 : memref<!tpu.dma_semaphore, #tpu.memory_space<semaphore_mem>>) src(%dma_wait3A_207 : memref<320x32xf32, #tpu.memory_space<hbm>>) dst(%dma_wait3A_204 : memref<320x32xf32, #tpu.memory_space<vmem_shared>>)
      tpu.yield
    }) : () -> ()
    %broadcast_in_dim3A = arith.constant 0.000000e+00 : f32
    %broadcast_in_dim3A_14 = vector.broadcast %broadcast_in_dim3A : f32 to vector<16xf32>
    %scan3A = arith.constant 0 : i32
    %scan3A_15 = arith.constant 0 : i32
    %scan3A_16 = arith.constant 512 : i32
    %scan3A_17 = arith.addi %scan3A_15, %scan3A_16 : i32
    %scan3A_18 = arith.constant 1 : i32
    scf.for %scan3A_197 = %scan3A_15 to %scan3A_17 step %scan3A_18  : i32 {
      %swap3A = arith.index_cast %scan3A_197 : i32 to index
      %swap3A_198 = arith.constant 0 : index
      %swap3A_199 = tpu.vector_load %arg8[%swap3A, %swap3A_198] {strides = array<i32>} : memref<512x32xf32, #tpu.memory_space<vmem>>, vector<1x16xf32>,
      %swap3A_200 = vector.shape_cast %swap3A_199 : vector<1x16xf32> to vector<16xf32>
      %swap3A_201 = vector.shape_cast %broadcast_in_dim3A_14 : vector<16xf32> to vector<1x16xf32>
      tpu.vector_store %arg8[%swap3A, %swap3A_198], %swap3A_201 {strides = array<i32>} : memref<512x32xf32, #tpu.memory_space<vmem>>, vector<1x16xf32>,
      %swap3A_202 = arith.index_cast %scan3A_197 : i32 to index
      %swap3A_203 = arith.constant 16 : index
      %swap3A_204 = tpu.vector_load %arg8[%swap3A_202, %swap3A_203] {strides = array<i32>} : memref<512x32xf32, #tpu.memory_space<vmem>>, vector<1x16xf32>,
      %swap3A_205 = vector.shape_cast %swap3A_204 : vector<1x16xf32> to vector<16xf32>
      %swap3A_206 = vector.shape_cast %broadcast_in_dim3A_14 : vector<16xf32> to vector<1x16xf32>
      tpu.vector_store %arg8[%swap3A_202, %swap3A_203], %swap3A_206 {strides = array<i32>} : memref<512x32xf32, #tpu.memory_space<vmem>>, vector<1x16xf32>,
    }
    %scan3A_19 = arith.constant 512 : i32
    %mul3A_20 = arith.constant 640 : i32
    %mul3A_21 = arith.muli %arg1, %mul3A_20 : i32
    "tpu.region"() ({
      %run_scoped3A_197 = tpu.sem_alloc : memref<!tpu.dma_semaphore, #tpu.memory_space<semaphore_mem>>
      %dma_start3A_198 = arith.constant 0 : i32
      %dma_start3A_199 = arith.constant 0 : i32
      %dma_start3A_200 = tpu.memref_slice %arg8[%dma_start3A_198, %dma_start3A_199] : memref<512x32xf32, #tpu.memory_space<vmem>> -> memref<512x32xf32, #tpu.memory_space<vmem>>
      %dma_start3A_201 = arith.constant 0 : i32
      %dma_start3A_202 = tpu.memref_slice %arg11[%mul3A_21, %dma_start3A_201] : memref<10240x32xf32, #tpu.memory_space<vmem_shared>> -> memref<512x32xf32, #tpu.memory_space<vmem_shared>>
      %dma_start3A_203 = arith.constant 0 : i32
      %dma_start3A_204 = tpu.memref_slice %arg11[%mul3A_21, %dma_start3A_203] : memref<10240x32xf32, #tpu.memory_space<vmem_shared>> -> memref<512x32xf32, #tpu.memory_space<vmem_shared>>
      %dma_start3A_205 = arith.constant 0 : i32
      %dma_start3A_206 = arith.constant 0 : i32
      %dma_start3A_207 = tpu.memref_slice %arg8[%dma_start3A_205, %dma_start3A_206] : memref<512x32xf32, #tpu.memory_space<vmem>> -> memref<512x32xf32, #tpu.memory_space<vmem>>
      tpu.enqueue_dma source(%dma_start3A_207 : memref<512x32xf32, #tpu.memory_space<vmem>>) target(%dma_start3A_204 : memref<512x32xf32, #tpu.memory_space<vmem_shared>>) target_semaphore(%run_scoped3A_197 : memref<!tpu.dma_semaphore, #tpu.memory_space<semaphore_mem>>)
      %dma_wait3A_208 = arith.constant 0 : i32
      %dma_wait3A_209 = arith.constant 0 : i32
      %dma_wait3A_210 = tpu.memref_slice %arg8[%dma_wait3A_208, %dma_wait3A_209] : memref<512x32xf32, #tpu.memory_space<vmem>> -> memref<512x32xf32, #tpu.memory_space<vmem>>
      %dma_wait3A_211 = arith.constant 0 : i32
      %dma_wait3A_212 = tpu.memref_slice %arg11[%mul3A_21, %dma_wait3A_211] : memref<10240x32xf32, #tpu.memory_space<vmem_shared>> -> memref<512x32xf32, #tpu.memory_space<vmem_shared>>
      %dma_wait3A_213 = arith.constant 0 : i32
      %dma_wait3A_214 = tpu.memref_slice %arg11[%mul3A_21, %dma_wait3A_213] : memref<10240x32xf32, #tpu.memory_space<vmem_shared>> -> memref<512x32xf32, #tpu.memory_space<vmem_shared>>
      %dma_wait3A_215 = arith.constant 0 : i32
      %dma_wait3A_216 = arith.constant 0 : i32
      %dma_wait3A_217 = tpu.memref_slice %arg8[%dma_wait3A_215, %dma_wait3A_216] : memref<512x32xf32, #tpu.memory_space<vmem>> -> memref<512x32xf32, #tpu.memory_space<vmem>>
      tpu.wait_dma2 semaphore(%run_scoped3A_197 : memref<!tpu.dma_semaphore, #tpu.memory_space<semaphore_mem>>) src(%dma_wait3A_217 : memref<512x32xf32, #tpu.memory_space<vmem>>) dst(%dma_wait3A_214 : memref<512x32xf32, #tpu.memory_space<vmem_shared>>)
      tpu.yield
    }) : () -> ()
    %mul3A_22 = arith.constant 640 : i32
    %mul3A_23 = arith.muli %arg1, %mul3A_22 : i32
    %add3A_24 = arith.constant 512 : i32
    %add3A_25 = arith.addi %mul3A_23, %add3A_24 : i32
    "tpu.region"() ({
      %run_scoped3A_197 = tpu.sem_alloc : memref<!tpu.dma_semaphore, #tpu.memory_space<semaphore_mem>>
      %dma_start3A_198 = arith.constant 0 : i32
      %dma_start3A_199 = arith.constant 0 : i32
      %dma_start3A_200 = tpu.memref_slice %arg8[%dma_start3A_198, %dma_start3A_199] : memref<512x32xf32, #tpu.memory_space<vmem>> -> memref<128x32xf32, #tpu.memory_space<vmem>>
      %dma_start3A_201 = arith.constant 0 : i32
      %dma_start3A_202 = tpu.memref_slice %arg11[%add3A_25, %dma_start3A_201] : memref<10240x32xf32, #tpu.memory_space<vmem_shared>> -> memref<128x32xf32, #tpu.memory_space<vmem_shared>>
      %dma_start3A_203 = arith.constant 0 : i32
      %dma_start3A_204 = tpu.memref_slice %arg11[%add3A_25, %dma_start3A_203] : memref<10240x32xf32, #tpu.memory_space<vmem_shared>> -> memref<128x32xf32, #tpu.memory_space<vmem_shared>>
      %dma_start3A_205 = arith.constant 0 : i32
      %dma_start3A_206 = arith.constant 0 : i32
      %dma_start3A_207 = tpu.memref_slice %arg8[%dma_start3A_205, %dma_start3A_206] : memref<512x32xf32, #tpu.memory_space<vmem>> -> memref<128x32xf32, #tpu.memory_space<vmem>>
      tpu.enqueue_dma source(%dma_start3A_207 : memref<128x32xf32, #tpu.memory_space<vmem>>) target(%dma_start3A_204 : memref<128x32xf32, #tpu.memory_space<vmem_shared>>) target_semaphore(%run_scoped3A_197 : memref<!tpu.dma_semaphore, #tpu.memory_space<semaphore_mem>>)
      %dma_wait3A_208 = arith.constant 0 : i32
      %dma_wait3A_209 = arith.constant 0 : i32
      %dma_wait3A_210 = tpu.memref_slice %arg8[%dma_wait3A_208, %dma_wait3A_209] : memref<512x32xf32, #tpu.memory_space<vmem>> -> memref<128x32xf32, #tpu.memory_space<vmem>>
      %dma_wait3A_211 = arith.constant 0 : i32
      %dma_wait3A_212 = tpu.memref_slice %arg11[%add3A_25, %dma_wait3A_211] : memref<10240x32xf32, #tpu.memory_space<vmem_shared>> -> memref<128x32xf32, #tpu.memory_space<vmem_shared>>
      %dma_wait3A_213 = arith.constant 0 : i32
      %dma_wait3A_214 = tpu.memref_slice %arg11[%add3A_25, %dma_wait3A_213] : memref<10240x32xf32, #tpu.memory_space<vmem_shared>> -> memref<128x32xf32, #tpu.memory_space<vmem_shared>>
      %dma_wait3A_215 = arith.constant 0 : i32
      %dma_wait3A_216 = arith.constant 0 : i32
      %dma_wait3A_217 = tpu.memref_slice %arg8[%dma_wait3A_215, %dma_wait3A_216] : memref<512x32xf32, #tpu.memory_space<vmem>> -> memref<128x32xf32, #tpu.memory_space<vmem>>
      tpu.wait_dma2 semaphore(%run_scoped3A_197 : memref<!tpu.dma_semaphore, #tpu.memory_space<semaphore_mem>>) src(%dma_wait3A_217 : memref<128x32xf32, #tpu.memory_space<vmem>>) dst(%dma_wait3A_214 : memref<128x32xf32, #tpu.memory_space<vmem_shared>>)
      tpu.yield
    }) : () -> ()
    %barrier3A = arith.constant 0 : index
    tpu.barrier barrier_id(%barrier3A)
    %dma_start3A = arith.constant 0 : i32
    %dma_start3A_26 = arith.constant 0 : i32
    %dma_start3A_27 = tpu.memref_slice %arg6[%dma_start3A, %dma_start3A_26] : memref<40x512xi32, #tpu.memory_space<vmem>> -> memref<1x512xi32, #tpu.memory_space<vmem>>
    %dma_start3A_28 = tpu.memref_squeeze %dma_start3A_27 : memref<1x512xi32, #tpu.memory_space<vmem>> -> memref<512xi32, #tpu.memory_space<vmem>>
    %dma_start3A_29 = arith.constant 0 : i32
    %dma_start3A_30 = arith.constant 0 : i32
    %dma_start3A_31 = tpu.memref_slice %arg10[%dma_start3A_29, %dma_start3A_30] : memref<10240x32xf32, #tpu.memory_space<vmem_shared>> -> memref<10240x32xf32, #tpu.memory_space<vmem_shared>>
    tpu.enqueue_indirect_dma source(%dma_start3A_31 : memref<10240x32xf32, #tpu.memory_space<vmem_shared>>) target(%arg8 : memref<512x32xf32, #tpu.memory_space<vmem>>) offsets(%dma_start3A_28 : memref<512xi32, #tpu.memory_space<vmem>>) semaphore(%arg12 : memref<!tpu.dma_semaphore, #tpu.memory_space<semaphore_mem>>)
    %dma_start3A_32 = arith.constant 1 : i32
    %dma_start3A_33 = arith.constant 0 : i32
    %dma_start3A_34 = tpu.memref_slice %arg6[%dma_start3A_32, %dma_start3A_33] : memref<40x512xi32, #tpu.memory_space<vmem>> -> memref<1x512xi32, #tpu.memory_space<vmem>>
    %dma_start3A_35 = tpu.memref_squeeze %dma_start3A_34 : memref<1x512xi32, #tpu.memory_space<vmem>> -> memref<512xi32, #tpu.memory_space<vmem>>
    %dma_start3A_36 = arith.constant 0 : i32
    %dma_start3A_37 = arith.constant 0 : i32
    %dma_start3A_38 = tpu.memref_slice %arg10[%dma_start3A_36, %dma_start3A_37] : memref<10240x32xf32, #tpu.memory_space<vmem_shared>> -> memref<10240x32xf32, #tpu.memory_space<vmem_shared>>
    tpu.enqueue_indirect_dma source(%dma_start3A_38 : memref<10240x32xf32, #tpu.memory_space<vmem_shared>>) target(%arg9 : memref<512x32xf32, #tpu.memory_space<vmem>>) offsets(%dma_start3A_35 : memref<512xi32, #tpu.memory_space<vmem>>) semaphore(%arg13 : memref<!tpu.dma_semaphore, #tpu.memory_space<semaphore_mem>>)
    %dma_wait3A = arith.constant 0 : i32
    %dma_wait3A_39 = arith.constant 0 : i32
    %dma_wait3A_40 = tpu.memref_slice %arg6[%dma_wait3A, %dma_wait3A_39] : memref<40x512xi32, #tpu.memory_space<vmem>> -> memref<1x512xi32, #tpu.memory_space<vmem>>
    %dma_wait3A_41 = tpu.memref_squeeze %dma_wait3A_40 : memref<1x512xi32, #tpu.memory_space<vmem>> -> memref<512xi32, #tpu.memory_space<vmem>>
    %dma_wait3A_42 = arith.constant 0 : i32
    %dma_wait3A_43 = arith.constant 0 : i32
    %dma_wait3A_44 = tpu.memref_slice %arg10[%dma_wait3A_42, %dma_wait3A_43] : memref<10240x32xf32, #tpu.memory_space<vmem_shared>> -> memref<10240x32xf32, #tpu.memory_space<vmem_shared>>
    tpu.wait_indirect_dma semaphore(%arg12 : memref<!tpu.dma_semaphore, #tpu.memory_space<semaphore_mem>>) src(%dma_wait3A_44 : memref<10240x32xf32, #tpu.memory_space<vmem_shared>>) dst(%arg8 : memref<512x32xf32, #tpu.memory_space<vmem>>)
    %dma_start3A_45 = arith.constant 0 : i32
    %dma_start3A_46 = arith.constant 0 : i32
    %dma_start3A_47 = tpu.memref_slice %arg7[%dma_start3A_45, %dma_start3A_46] : memref<40x512xi32, #tpu.memory_space<vmem>> -> memref<1x512xi32, #tpu.memory_space<vmem>>
    %dma_start3A_48 = tpu.memref_squeeze %dma_start3A_47 : memref<1x512xi32, #tpu.memory_space<vmem>> -> memref<512xi32, #tpu.memory_space<vmem>>
    %dma_start3A_49 = arith.constant 0 : i32
    %dma_start3A_50 = arith.constant 0 : i32
    %dma_start3A_51 = tpu.memref_slice %arg11[%dma_start3A_49, %dma_start3A_50] : memref<10240x32xf32, #tpu.memory_space<vmem_shared>> -> memref<10240x32xf32, #tpu.memory_space<vmem_shared>>
    tpu.enqueue_indirect_dma source(%arg8 : memref<512x32xf32, #tpu.memory_space<vmem>>) target(%dma_start3A_51 : memref<10240x32xf32, #tpu.memory_space<vmem_shared>>) offsets(%dma_start3A_48 : memref<512xi32, #tpu.memory_space<vmem>>) semaphore(%arg14 : memref<!tpu.dma_semaphore, #tpu.memory_space<semaphore_mem>>) {add = true}
    %dma_wait3A_52 = arith.constant 1 : i32
    %dma_wait3A_53 = arith.constant 0 : i32
    %dma_wait3A_54 = tpu.memref_slice %arg6[%dma_wait3A_52, %dma_wait3A_53] : memref<40x512xi32, #tpu.memory_space<vmem>> -> memref<1x512xi32, #tpu.memory_space<vmem>>
    %dma_wait3A_55 = tpu.memref_squeeze %dma_wait3A_54 : memref<1x512xi32, #tpu.memory_space<vmem>> -> memref<512xi32, #tpu.memory_space<vmem>>
    %dma_wait3A_56 = arith.constant 0 : i32
    %dma_wait3A_57 = arith.constant 0 : i32
    %dma_wait3A_58 = tpu.memref_slice %arg10[%dma_wait3A_56, %dma_wait3A_57] : memref<10240x32xf32, #tpu.memory_space<vmem_shared>> -> memref<10240x32xf32, #tpu.memory_space<vmem_shared>>
    tpu.wait_indirect_dma semaphore(%arg13 : memref<!tpu.dma_semaphore, #tpu.memory_space<semaphore_mem>>) src(%dma_wait3A_58 : memref<10240x32xf32, #tpu.memory_space<vmem_shared>>) dst(%arg9 : memref<512x32xf32, #tpu.memory_space<vmem>>)
    %dma_start3A_59 = arith.constant 1 : i32
    %dma_start3A_60 = arith.constant 0 : i32
    %dma_start3A_61 = tpu.memref_slice %arg7[%dma_start3A_59, %dma_start3A_60] : memref<40x512xi32, #tpu.memory_space<vmem>> -> memref<1x512xi32, #tpu.memory_space<vmem>>
    %dma_start3A_62 = tpu.memref_squeeze %dma_start3A_61 : memref<1x512xi32, #tpu.memory_space<vmem>> -> memref<512xi32, #tpu.memory_space<vmem>>
    %dma_start3A_63 = arith.constant 0 : i32
    %dma_start3A_64 = arith.constant 0 : i32
    %dma_start3A_65 = tpu.memref_slice %arg11[%dma_start3A_63, %dma_start3A_64] : memref<10240x32xf32, #tpu.memory_space<vmem_shared>> -> memref<10240x32xf32, #tpu.memory_space<vmem_shared>>
    tpu.enqueue_indirect_dma source(%arg9 : memref<512x32xf32, #tpu.memory_space<vmem>>) target(%dma_start3A_65 : memref<10240x32xf32, #tpu.memory_space<vmem_shared>>) offsets(%dma_start3A_62 : memref<512xi32, #tpu.memory_space<vmem>>) semaphore(%arg15 : memref<!tpu.dma_semaphore, #tpu.memory_space<semaphore_mem>>) {add = true}
    %scan3A_66 = arith.constant 0 : i32
    %scan3A_67 = arith.constant 1 : i32
    %scan3A_68 = arith.constant 19 : i32
    %scan3A_69 = arith.addi %scan3A_67, %scan3A_68 : i32
    %scan3A_70 = arith.constant 1 : i32
    scf.for %scan3A_197 = %scan3A_67 to %scan3A_69 step %scan3A_70  : i32 {
      %mul3A_198 = arith.constant 2 : i32
      %mul3A_199 = arith.muli %mul3A_198, %scan3A_197 : i32
      %add3A_200 = arith.constant 1 : i32
      %add3A_201 = arith.addi %mul3A_199, %add3A_200 : i32
      %sub3A = arith.constant 2 : i32
      %sub3A_202 = arith.subi %mul3A_199, %sub3A : i32
      %dma_wait3A_203 = arith.constant 0 : i32
      %dma_wait3A_204 = tpu.memref_slice %arg7[%sub3A_202, %dma_wait3A_203] : memref<40x512xi32, #tpu.memory_space<vmem>> -> memref<1x512xi32, #tpu.memory_space<vmem>>
      %dma_wait3A_205 = tpu.memref_squeeze %dma_wait3A_204 : memref<1x512xi32, #tpu.memory_space<vmem>> -> memref<512xi32, #tpu.memory_space<vmem>>
      %dma_wait3A_206 = arith.constant 0 : i32
      %dma_wait3A_207 = arith.constant 0 : i32
      %dma_wait3A_208 = tpu.memref_slice %arg11[%dma_wait3A_206, %dma_wait3A_207] : memref<10240x32xf32, #tpu.memory_space<vmem_shared>> -> memref<10240x32xf32, #tpu.memory_space<vmem_shared>>
      tpu.wait_indirect_dma semaphore(%arg14 : memref<!tpu.dma_semaphore, #tpu.memory_space<semaphore_mem>>) src(%arg8 : memref<512x32xf32, #tpu.memory_space<vmem>>) dst(%dma_wait3A_208 : memref<10240x32xf32, #tpu.memory_space<vmem_shared>>)
      %dma_start3A_209 = arith.constant 0 : i32
      %dma_start3A_210 = tpu.memref_slice %arg6[%mul3A_199, %dma_start3A_209] : memref<40x512xi32, #tpu.memory_space<vmem>> -> memref<1x512xi32, #tpu.memory_space<vmem>>
      %dma_start3A_211 = tpu.memref_squeeze %dma_start3A_210 : memref<1x512xi32, #tpu.memory_space<vmem>> -> memref<512xi32, #tpu.memory_space<vmem>>
      %dma_start3A_212 = arith.constant 0 : i32
      %dma_start3A_213 = arith.constant 0 : i32
      %dma_start3A_214 = tpu.memref_slice %arg10[%dma_start3A_212, %dma_start3A_213] : memref<10240x32xf32, #tpu.memory_space<vmem_shared>> -> memref<10240x32xf32, #tpu.memory_space<vmem_shared>>
      tpu.enqueue_indirect_dma source(%dma_start3A_214 : memref<10240x32xf32, #tpu.memory_space<vmem_shared>>) target(%arg8 : memref<512x32xf32, #tpu.memory_space<vmem>>) offsets(%dma_start3A_211 : memref<512xi32, #tpu.memory_space<vmem>>) semaphore(%arg12 : memref<!tpu.dma_semaphore, #tpu.memory_space<semaphore_mem>>)
      %sub3A_215 = arith.constant 2 : i32
      %sub3A_216 = arith.subi %add3A_201, %sub3A_215 : i32
      %dma_wait3A_217 = arith.constant 0 : i32
      %dma_wait3A_218 = tpu.memref_slice %arg7[%sub3A_216, %dma_wait3A_217] : memref<40x512xi32, #tpu.memory_space<vmem>> -> memref<1x512xi32, #tpu.memory_space<vmem>>
      %dma_wait3A_219 = tpu.memref_squeeze %dma_wait3A_218 : memref<1x512xi32, #tpu.memory_space<vmem>> -> memref<512xi32, #tpu.memory_space<vmem>>
      %dma_wait3A_220 = arith.constant 0 : i32
      %dma_wait3A_221 = arith.constant 0 : i32
      %dma_wait3A_222 = tpu.memref_slice %arg11[%dma_wait3A_220, %dma_wait3A_221] : memref<10240x32xf32, #tpu.memory_space<vmem_shared>> -> memref<10240x32xf32, #tpu.memory_space<vmem_shared>>
      tpu.wait_indirect_dma semaphore(%arg15 : memref<!tpu.dma_semaphore, #tpu.memory_space<semaphore_mem>>) src(%arg9 : memref<512x32xf32, #tpu.memory_space<vmem>>) dst(%dma_wait3A_222 : memref<10240x32xf32, #tpu.memory_space<vmem_shared>>)
      %dma_start3A_223 = arith.constant 0 : i32
      %dma_start3A_224 = tpu.memref_slice %arg6[%add3A_201, %dma_start3A_223] : memref<40x512xi32, #tpu.memory_space<vmem>> -> memref<1x512xi32, #tpu.memory_space<vmem>>
      %dma_start3A_225 = tpu.memref_squeeze %dma_start3A_224 : memref<1x512xi32, #tpu.memory_space<vmem>> -> memref<512xi32, #tpu.memory_space<vmem>>
      %dma_start3A_226 = arith.constant 0 : i32
      %dma_start3A_227 = arith.constant 0 : i32
      %dma_start3A_228 = tpu.memref_slice %arg10[%dma_start3A_226, %dma_start3A_227] : memref<10240x32xf32, #tpu.memory_space<vmem_shared>> -> memref<10240x32xf32, #tpu.memory_space<vmem_shared>>
      tpu.enqueue_indirect_dma source(%dma_start3A_228 : memref<10240x32xf32, #tpu.memory_space<vmem_shared>>) target(%arg9 : memref<512x32xf32, #tpu.memory_space<vmem>>) offsets(%dma_start3A_225 : memref<512xi32, #tpu.memory_space<vmem>>) semaphore(%arg13 : memref<!tpu.dma_semaphore, #tpu.memory_space<semaphore_mem>>)
      %dma_wait3A_229 = arith.constant 0 : i32
      %dma_wait3A_230 = tpu.memref_slice %arg6[%mul3A_199, %dma_wait3A_229] : memref<40x512xi32, #tpu.memory_space<vmem>> -> memref<1x512xi32, #tpu.memory_space<vmem>>
      %dma_wait3A_231 = tpu.memref_squeeze %dma_wait3A_230 : memref<1x512xi32, #tpu.memory_space<vmem>> -> memref<512xi32, #tpu.memory_space<vmem>>
      %dma_wait3A_232 = arith.constant 0 : i32
      %dma_wait3A_233 = arith.constant 0 : i32
      %dma_wait3A_234 = tpu.memref_slice %arg10[%dma_wait3A_232, %dma_wait3A_233] : memref<10240x32xf32, #tpu.memory_space<vmem_shared>> -> memref<10240x32xf32, #tpu.memory_space<vmem_shared>>
      tpu.wait_indirect_dma semaphore(%arg12 : memref<!tpu.dma_semaphore, #tpu.memory_space<semaphore_mem>>) src(%dma_wait3A_234 : memref<10240x32xf32, #tpu.memory_space<vmem_shared>>) dst(%arg8 : memref<512x32xf32, #tpu.memory_space<vmem>>)
      %dma_start3A_235 = arith.constant 0 : i32
      %dma_start3A_236 = tpu.memref_slice %arg7[%mul3A_199, %dma_start3A_235] : memref<40x512xi32, #tpu.memory_space<vmem>> -> memref<1x512xi32, #tpu.memory_space<vmem>>
      %dma_start3A_237 = tpu.memref_squeeze %dma_start3A_236 : memref<1x512xi32, #tpu.memory_space<vmem>> -> memref<512xi32, #tpu.memory_space<vmem>>
      %dma_start3A_238 = arith.constant 0 : i32
      %dma_start3A_239 = arith.constant 0 : i32
      %dma_start3A_240 = tpu.memref_slice %arg11[%dma_start3A_238, %dma_start3A_239] : memref<10240x32xf32, #tpu.memory_space<vmem_shared>> -> memref<10240x32xf32, #tpu.memory_space<vmem_shared>>
      tpu.enqueue_indirect_dma source(%arg8 : memref<512x32xf32, #tpu.memory_space<vmem>>) target(%dma_start3A_240 : memref<10240x32xf32, #tpu.memory_space<vmem_shared>>) offsets(%dma_start3A_237 : memref<512xi32, #tpu.memory_space<vmem>>) semaphore(%arg14 : memref<!tpu.dma_semaphore, #tpu.memory_space<semaphore_mem>>) {add = true}
      %dma_wait3A_241 = arith.constant 0 : i32
      %dma_wait3A_242 = tpu.memref_slice %arg6[%add3A_201, %dma_wait3A_241] : memref<40x512xi32, #tpu.memory_space<vmem>> -> memref<1x512xi32, #tpu.memory_space<vmem>>
      %dma_wait3A_243 = tpu.memref_squeeze %dma_wait3A_242 : memref<1x512xi32, #tpu.memory_space<vmem>> -> memref<512xi32, #tpu.memory_space<vmem>>
      %dma_wait3A_244 = arith.constant 0 : i32
      %dma_wait3A_245 = arith.constant 0 : i32
      %dma_wait3A_246 = tpu.memref_slice %arg10[%dma_wait3A_244, %dma_wait3A_245] : memref<10240x32xf32, #tpu.memory_space<vmem_shared>> -> memref<10240x32xf32, #tpu.memory_space<vmem_shared>>
      tpu.wait_indirect_dma semaphore(%arg13 : memref<!tpu.dma_semaphore, #tpu.memory_space<semaphore_mem>>) src(%dma_wait3A_246 : memref<10240x32xf32, #tpu.memory_space<vmem_shared>>) dst(%arg9 : memref<512x32xf32, #tpu.memory_space<vmem>>)
      %dma_start3A_247 = arith.constant 0 : i32
      %dma_start3A_248 = tpu.memref_slice %arg7[%add3A_201, %dma_start3A_247] : memref<40x512xi32, #tpu.memory_space<vmem>> -> memref<1x512xi32, #tpu.memory_space<vmem>>
      %dma_start3A_249 = tpu.memref_squeeze %dma_start3A_248 : memref<1x512xi32, #tpu.memory_space<vmem>> -> memref<512xi32, #tpu.memory_space<vmem>>
      %dma_start3A_250 = arith.constant 0 : i32
      %dma_start3A_251 = arith.constant 0 : i32
      %dma_start3A_252 = tpu.memref_slice %arg11[%dma_start3A_250, %dma_start3A_251] : memref<10240x32xf32, #tpu.memory_space<vmem_shared>> -> memref<10240x32xf32, #tpu.memory_space<vmem_shared>>
      tpu.enqueue_indirect_dma source(%arg9 : memref<512x32xf32, #tpu.memory_space<vmem>>) target(%dma_start3A_252 : memref<10240x32xf32, #tpu.memory_space<vmem_shared>>) offsets(%dma_start3A_249 : memref<512xi32, #tpu.memory_space<vmem>>) semaphore(%arg15 : memref<!tpu.dma_semaphore, #tpu.memory_space<semaphore_mem>>) {add = true}
    }
    %scan3A_71 = arith.constant 19 : i32
    %dma_wait3A_72 = arith.constant 38 : i32
    %dma_wait3A_73 = arith.constant 0 : i32
    %dma_wait3A_74 = tpu.memref_slice %arg7[%dma_wait3A_72, %dma_wait3A_73] : memref<40x512xi32, #tpu.memory_space<vmem>> -> memref<1x512xi32, #tpu.memory_space<vmem>>
    %dma_wait3A_75 = tpu.memref_squeeze %dma_wait3A_74 : memref<1x512xi32, #tpu.memory_space<vmem>> -> memref<512xi32, #tpu.memory_space<vmem>>
    %dma_wait3A_76 = arith.constant 0 : i32
    %dma_wait3A_77 = arith.constant 0 : i32
    %dma_wait3A_78 = tpu.memref_slice %arg11[%dma_wait3A_76, %dma_wait3A_77] : memref<10240x32xf32, #tpu.memory_space<vmem_shared>> -> memref<10240x32xf32, #tpu.memory_space<vmem_shared>>
    tpu.wait_indirect_dma semaphore(%arg14 : memref<!tpu.dma_semaphore, #tpu.memory_space<semaphore_mem>>) src(%arg8 : memref<512x32xf32, #tpu.memory_space<vmem>>) dst(%dma_wait3A_78 : memref<10240x32xf32, #tpu.memory_space<vmem_shared>>)
    %dma_wait3A_79 = arith.constant 39 : i32
    %dma_wait3A_80 = arith.constant 0 : i32
    %dma_wait3A_81 = tpu.memref_slice %arg7[%dma_wait3A_79, %dma_wait3A_80] : memref<40x512xi32, #tpu.memory_space<vmem>> -> memref<1x512xi32, #tpu.memory_space<vmem>>
    %dma_wait3A_82 = tpu.memref_squeeze %dma_wait3A_81 : memref<1x512xi32, #tpu.memory_space<vmem>> -> memref<512xi32, #tpu.memory_space<vmem>>
    %dma_wait3A_83 = arith.constant 0 : i32
    %dma_wait3A_84 = arith.constant 0 : i32
    %dma_wait3A_85 = tpu.memref_slice %arg11[%dma_wait3A_83, %dma_wait3A_84] : memref<10240x32xf32, #tpu.memory_space<vmem_shared>> -> memref<10240x32xf32, #tpu.memory_space<vmem_shared>>
    tpu.wait_indirect_dma semaphore(%arg15 : memref<!tpu.dma_semaphore, #tpu.memory_space<semaphore_mem>>) src(%arg9 : memref<512x32xf32, #tpu.memory_space<vmem>>) dst(%dma_wait3A_85 : memref<10240x32xf32, #tpu.memory_space<vmem_shared>>)
    %barrier3A_86 = arith.constant 0 : index
    tpu.barrier barrier_id(%barrier3A_86)
    %mul3A_87 = arith.constant 640 : i32
    %mul3A_88 = arith.muli %arg1, %mul3A_87 : i32
    "tpu.region"() ({
      %run_scoped3A_197 = tpu.sem_alloc : memref<!tpu.dma_semaphore, #tpu.memory_space<semaphore_mem>>
      %dma_start3A_198 = arith.constant 0 : i32
      %dma_start3A_199 = arith.constant 0 : i32
      %dma_start3A_200 = tpu.memref_slice %arg8[%dma_start3A_198, %dma_start3A_199] : memref<512x32xf32, #tpu.memory_space<vmem>> -> memref<512x32xf32, #tpu.memory_space<vmem>>
      %dma_start3A_201 = arith.constant 0 : i32
      %dma_start3A_202 = tpu.memref_slice %arg11[%mul3A_88, %dma_start3A_201] : memref<10240x32xf32, #tpu.memory_space<vmem_shared>> -> memref<512x32xf32, #tpu.memory_space<vmem_shared>>
      %dma_start3A_203 = arith.constant 0 : i32
      %dma_start3A_204 = arith.constant 0 : i32
      %dma_start3A_205 = tpu.memref_slice %arg8[%dma_start3A_203, %dma_start3A_204] : memref<512x32xf32, #tpu.memory_space<vmem>> -> memref<512x32xf32, #tpu.memory_space<vmem>>
      %dma_start3A_206 = arith.constant 0 : i32
      %dma_start3A_207 = tpu.memref_slice %arg11[%mul3A_88, %dma_start3A_206] : memref<10240x32xf32, #tpu.memory_space<vmem_shared>> -> memref<512x32xf32, #tpu.memory_space<vmem_shared>>
      tpu.enqueue_dma source(%dma_start3A_207 : memref<512x32xf32, #tpu.memory_space<vmem_shared>>) target(%dma_start3A_205 : memref<512x32xf32, #tpu.memory_space<vmem>>) target_semaphore(%run_scoped3A_197 : memref<!tpu.dma_semaphore, #tpu.memory_space<semaphore_mem>>)
      %dma_wait3A_208 = arith.constant 0 : i32
      %dma_wait3A_209 = arith.constant 0 : i32
      %dma_wait3A_210 = tpu.memref_slice %arg8[%dma_wait3A_208, %dma_wait3A_209] : memref<512x32xf32, #tpu.memory_space<vmem>> -> memref<512x32xf32, #tpu.memory_space<vmem>>
      %dma_wait3A_211 = arith.constant 0 : i32
      %dma_wait3A_212 = tpu.memref_slice %arg11[%mul3A_88, %dma_wait3A_211] : memref<10240x32xf32, #tpu.memory_space<vmem_shared>> -> memref<512x32xf32, #tpu.memory_space<vmem_shared>>
      %dma_wait3A_213 = arith.constant 0 : i32
      %dma_wait3A_214 = arith.constant 0 : i32
      %dma_wait3A_215 = tpu.memref_slice %arg8[%dma_wait3A_213, %dma_wait3A_214] : memref<512x32xf32, #tpu.memory_space<vmem>> -> memref<512x32xf32, #tpu.memory_space<vmem>>
      %dma_wait3A_216 = arith.constant 0 : i32
      %dma_wait3A_217 = tpu.memref_slice %arg11[%mul3A_88, %dma_wait3A_216] : memref<10240x32xf32, #tpu.memory_space<vmem_shared>> -> memref<512x32xf32, #tpu.memory_space<vmem_shared>>
      tpu.wait_dma2 semaphore(%run_scoped3A_197 : memref<!tpu.dma_semaphore, #tpu.memory_space<semaphore_mem>>) src(%dma_wait3A_217 : memref<512x32xf32, #tpu.memory_space<vmem_shared>>) dst(%dma_wait3A_215 : memref<512x32xf32, #tpu.memory_space<vmem>>)
      tpu.yield
    }) : () -> ()
    %run_scoped3A_89 = arith.constant 0 : i32
    "tpu.region"() ({
      %run_scoped3A_197 = tpu.sem_alloc : memref<!tpu.dma_semaphore, #tpu.memory_space<semaphore_mem>>
      %dma_start3A_198 = arith.constant 0 : i32
      %dma_start3A_199 = arith.constant 0 : i32
      %dma_start3A_200 = tpu.memref_slice %arg8[%dma_start3A_198, %dma_start3A_199] : memref<512x32xf32, #tpu.memory_space<vmem>> -> memref<512x32xf32, #tpu.memory_space<vmem>>
      %dma_start3A_201 = arith.constant 0 : i32
      %dma_start3A_202 = tpu.memref_slice %arg5[%arg0, %run_scoped3A_89, %mul3A_88, %dma_start3A_201] : memref<2x2x10240x32xf32, #tpu.memory_space<hbm>> -> memref<1x1x512x32xf32, #tpu.memory_space<hbm>>
      %dma_start3A_203 = tpu.memref_squeeze %dma_start3A_202 : memref<1x1x512x32xf32, #tpu.memory_space<hbm>> -> memref<512x32xf32, #tpu.memory_space<hbm>>
      %dma_start3A_204 = arith.constant 0 : i32
      %dma_start3A_205 = tpu.memref_slice %arg5[%arg0, %run_scoped3A_89, %mul3A_88, %dma_start3A_204] : memref<2x2x10240x32xf32, #tpu.memory_space<hbm>> -> memref<1x1x512x32xf32, #tpu.memory_space<hbm>>
      %dma_start3A_206 = tpu.memref_squeeze %dma_start3A_205 : memref<1x1x512x32xf32, #tpu.memory_space<hbm>> -> memref<512x32xf32, #tpu.memory_space<hbm>>
      %dma_start3A_207 = arith.constant 0 : i32
      %dma_start3A_208 = arith.constant 0 : i32
      %dma_start3A_209 = tpu.memref_slice %arg8[%dma_start3A_207, %dma_start3A_208] : memref<512x32xf32, #tpu.memory_space<vmem>> -> memref<512x32xf32, #tpu.memory_space<vmem>>
      tpu.enqueue_dma source(%dma_start3A_209 : memref<512x32xf32, #tpu.memory_space<vmem>>) target(%dma_start3A_206 : memref<512x32xf32, #tpu.memory_space<hbm>>) target_semaphore(%run_scoped3A_197 : memref<!tpu.dma_semaphore, #tpu.memory_space<semaphore_mem>>)
      %dma_wait3A_210 = arith.constant 0 : i32
      %dma_wait3A_211 = arith.constant 0 : i32
      %dma_wait3A_212 = tpu.memref_slice %arg8[%dma_wait3A_210, %dma_wait3A_211] : memref<512x32xf32, #tpu.memory_space<vmem>> -> memref<512x32xf32, #tpu.memory_space<vmem>>
      %dma_wait3A_213 = arith.constant 0 : i32
      %dma_wait3A_214 = tpu.memref_slice %arg5[%arg0, %run_scoped3A_89, %mul3A_88, %dma_wait3A_213] : memref<2x2x10240x32xf32, #tpu.memory_space<hbm>> -> memref<1x1x512x32xf32, #tpu.memory_space<hbm>>
      %dma_wait3A_215 = tpu.memref_squeeze %dma_wait3A_214 : memref<1x1x512x32xf32, #tpu.memory_space<hbm>> -> memref<512x32xf32, #tpu.memory_space<hbm>>
      %dma_wait3A_216 = arith.constant 0 : i32
      %dma_wait3A_217 = tpu.memref_slice %arg5[%arg0, %run_scoped3A_89, %mul3A_88, %dma_wait3A_216] : memref<2x2x10240x32xf32, #tpu.memory_space<hbm>> -> memref<1x1x512x32xf32, #tpu.memory_space<hbm>>
      %dma_wait3A_218 = tpu.memref_squeeze %dma_wait3A_217 : memref<1x1x512x32xf32, #tpu.memory_space<hbm>> -> memref<512x32xf32, #tpu.memory_space<hbm>>
      %dma_wait3A_219 = arith.constant 0 : i32
      %dma_wait3A_220 = arith.constant 0 : i32
      %dma_wait3A_221 = tpu.memref_slice %arg8[%dma_wait3A_219, %dma_wait3A_220] : memref<512x32xf32, #tpu.memory_space<vmem>> -> memref<512x32xf32, #tpu.memory_space<vmem>>
      tpu.wait_dma2 semaphore(%run_scoped3A_197 : memref<!tpu.dma_semaphore, #tpu.memory_space<semaphore_mem>>) src(%dma_wait3A_221 : memref<512x32xf32, #tpu.memory_space<vmem>>) dst(%dma_wait3A_218 : memref<512x32xf32, #tpu.memory_space<hbm>>)
      tpu.yield
    }) : () -> ()
    %add3A_90 = arith.constant 512 : i32
    %add3A_91 = arith.addi %mul3A_88, %add3A_90 : i32
    "tpu.region"() ({
      %run_scoped3A_197 = tpu.sem_alloc : memref<!tpu.dma_semaphore, #tpu.memory_space<semaphore_mem>>
      %dma_start3A_198 = arith.constant 0 : i32
      %dma_start3A_199 = arith.constant 0 : i32
      %dma_start3A_200 = tpu.memref_slice %arg9[%dma_start3A_198, %dma_start3A_199] : memref<512x32xf32, #tpu.memory_space<vmem>> -> memref<128x32xf32, #tpu.memory_space<vmem>>
      %dma_start3A_201 = arith.constant 0 : i32
      %dma_start3A_202 = tpu.memref_slice %arg11[%add3A_91, %dma_start3A_201] : memref<10240x32xf32, #tpu.memory_space<vmem_shared>> -> memref<128x32xf32, #tpu.memory_space<vmem_shared>>
      %dma_start3A_203 = arith.constant 0 : i32
      %dma_start3A_204 = arith.constant 0 : i32
      %dma_start3A_205 = tpu.memref_slice %arg9[%dma_start3A_203, %dma_start3A_204] : memref<512x32xf32, #tpu.memory_space<vmem>> -> memref<128x32xf32, #tpu.memory_space<vmem>>
      %dma_start3A_206 = arith.constant 0 : i32
      %dma_start3A_207 = tpu.memref_slice %arg11[%add3A_91, %dma_start3A_206] : memref<10240x32xf32, #tpu.memory_space<vmem_shared>> -> memref<128x32xf32, #tpu.memory_space<vmem_shared>>
      tpu.enqueue_dma source(%dma_start3A_207 : memref<128x32xf32, #tpu.memory_space<vmem_shared>>) target(%dma_start3A_205 : memref<128x32xf32, #tpu.memory_space<vmem>>) target_semaphore(%run_scoped3A_197 : memref<!tpu.dma_semaphore, #tpu.memory_space<semaphore_mem>>)
      %dma_wait3A_208 = arith.constant 0 : i32
      %dma_wait3A_209 = arith.constant 0 : i32
      %dma_wait3A_210 = tpu.memref_slice %arg9[%dma_wait3A_208, %dma_wait3A_209] : memref<512x32xf32, #tpu.memory_space<vmem>> -> memref<128x32xf32, #tpu.memory_space<vmem>>
      %dma_wait3A_211 = arith.constant 0 : i32
      %dma_wait3A_212 = tpu.memref_slice %arg11[%add3A_91, %dma_wait3A_211] : memref<10240x32xf32, #tpu.memory_space<vmem_shared>> -> memref<128x32xf32, #tpu.memory_space<vmem_shared>>
      %dma_wait3A_213 = arith.constant 0 : i32
      %dma_wait3A_214 = arith.constant 0 : i32
      %dma_wait3A_215 = tpu.memref_slice %arg9[%dma_wait3A_213, %dma_wait3A_214] : memref<512x32xf32, #tpu.memory_space<vmem>> -> memref<128x32xf32, #tpu.memory_space<vmem>>
      %dma_wait3A_216 = arith.constant 0 : i32
      %dma_wait3A_217 = tpu.memref_slice %arg11[%add3A_91, %dma_wait3A_216] : memref<10240x32xf32, #tpu.memory_space<vmem_shared>> -> memref<128x32xf32, #tpu.memory_space<vmem_shared>>
      tpu.wait_dma2 semaphore(%run_scoped3A_197 : memref<!tpu.dma_semaphore, #tpu.memory_space<semaphore_mem>>) src(%dma_wait3A_217 : memref<128x32xf32, #tpu.memory_space<vmem_shared>>) dst(%dma_wait3A_215 : memref<128x32xf32, #tpu.memory_space<vmem>>)
      tpu.yield
    }) : () -> ()
    %add3A_92 = arith.constant 512 : i32
    %add3A_93 = arith.addi %mul3A_88, %add3A_92 : i32
    %run_scoped3A_94 = arith.constant 0 : i32
    "tpu.region"() ({
      %run_scoped3A_197 = tpu.sem_alloc : memref<!tpu.dma_semaphore, #tpu.memory_space<semaphore_mem>>
      %dma_start3A_198 = arith.constant 0 : i32
      %dma_start3A_199 = arith.constant 0 : i32
      %dma_start3A_200 = tpu.memref_slice %arg9[%dma_start3A_198, %dma_start3A_199] : memref<512x32xf32, #tpu.memory_space<vmem>> -> memref<128x32xf32, #tpu.memory_space<vmem>>
      %dma_start3A_201 = arith.constant 0 : i32
      %dma_start3A_202 = tpu.memref_slice %arg5[%arg0, %run_scoped3A_94, %add3A_93, %dma_start3A_201] : memref<2x2x10240x32xf32, #tpu.memory_space<hbm>> -> memref<1x1x128x32xf32, #tpu.memory_space<hbm>>
      %dma_start3A_203 = tpu.memref_squeeze %dma_start3A_202 : memref<1x1x128x32xf32, #tpu.memory_space<hbm>> -> memref<128x32xf32, #tpu.memory_space<hbm>>
      %dma_start3A_204 = arith.constant 0 : i32
      %dma_start3A_205 = tpu.memref_slice %arg5[%arg0, %run_scoped3A_94, %add3A_93, %dma_start3A_204] : memref<2x2x10240x32xf32, #tpu.memory_space<hbm>> -> memref<1x1x128x32xf32, #tpu.memory_space<hbm>>
      %dma_start3A_206 = tpu.memref_squeeze %dma_start3A_205 : memref<1x1x128x32xf32, #tpu.memory_space<hbm>> -> memref<128x32xf32, #tpu.memory_space<hbm>>
      %dma_start3A_207 = arith.constant 0 : i32
      %dma_start3A_208 = arith.constant 0 : i32
      %dma_start3A_209 = tpu.memref_slice %arg9[%dma_start3A_207, %dma_start3A_208] : memref<512x32xf32, #tpu.memory_space<vmem>> -> memref<128x32xf32, #tpu.memory_space<vmem>>
      tpu.enqueue_dma source(%dma_start3A_209 : memref<128x32xf32, #tpu.memory_space<vmem>>) target(%dma_start3A_206 : memref<128x32xf32, #tpu.memory_space<hbm>>) target_semaphore(%run_scoped3A_197 : memref<!tpu.dma_semaphore, #tpu.memory_space<semaphore_mem>>)
      %dma_wait3A_210 = arith.constant 0 : i32
      %dma_wait3A_211 = arith.constant 0 : i32
      %dma_wait3A_212 = tpu.memref_slice %arg9[%dma_wait3A_210, %dma_wait3A_211] : memref<512x32xf32, #tpu.memory_space<vmem>> -> memref<128x32xf32, #tpu.memory_space<vmem>>
      %dma_wait3A_213 = arith.constant 0 : i32
      %dma_wait3A_214 = tpu.memref_slice %arg5[%arg0, %run_scoped3A_94, %add3A_93, %dma_wait3A_213] : memref<2x2x10240x32xf32, #tpu.memory_space<hbm>> -> memref<1x1x128x32xf32, #tpu.memory_space<hbm>>
      %dma_wait3A_215 = tpu.memref_squeeze %dma_wait3A_214 : memref<1x1x128x32xf32, #tpu.memory_space<hbm>> -> memref<128x32xf32, #tpu.memory_space<hbm>>
      %dma_wait3A_216 = arith.constant 0 : i32
      %dma_wait3A_217 = tpu.memref_slice %arg5[%arg0, %run_scoped3A_94, %add3A_93, %dma_wait3A_216] : memref<2x2x10240x32xf32, #tpu.memory_space<hbm>> -> memref<1x1x128x32xf32, #tpu.memory_space<hbm>>
      %dma_wait3A_218 = tpu.memref_squeeze %dma_wait3A_217 : memref<1x1x128x32xf32, #tpu.memory_space<hbm>> -> memref<128x32xf32, #tpu.memory_space<hbm>>
      %dma_wait3A_219 = arith.constant 0 : i32
      %dma_wait3A_220 = arith.constant 0 : i32
      %dma_wait3A_221 = tpu.memref_slice %arg9[%dma_wait3A_219, %dma_wait3A_220] : memref<512x32xf32, #tpu.memory_space<vmem>> -> memref<128x32xf32, #tpu.memory_space<vmem>>
      tpu.wait_dma2 semaphore(%run_scoped3A_197 : memref<!tpu.dma_semaphore, #tpu.memory_space<semaphore_mem>>) src(%dma_wait3A_221 : memref<128x32xf32, #tpu.memory_space<vmem>>) dst(%dma_wait3A_218 : memref<128x32xf32, #tpu.memory_space<hbm>>)
      tpu.yield
    }) : () -> ()
    %barrier3A_95 = arith.constant 0 : index
    tpu.barrier barrier_id(%barrier3A_95)
    %mul3A_96 = arith.constant 640 : i32
    %mul3A_97 = arith.muli %arg1, %mul3A_96 : i32
    %mul3A_98 = arith.constant 640 : i32
    %mul3A_99 = arith.muli %arg1, %mul3A_98 : i32
    %run_scoped3A_100 = arith.constant 1 : i32
    "tpu.region"() ({
      %run_scoped3A_197 = tpu.sem_alloc : memref<!tpu.dma_semaphore, #tpu.memory_space<semaphore_mem>>
      %dma_start3A_198 = arith.constant 0 : i32
      %dma_start3A_199 = tpu.memref_slice %arg10[%mul3A_99, %dma_start3A_198] : memref<10240x32xf32, #tpu.memory_space<vmem_shared>> -> memref<320x32xf32, #tpu.memory_space<vmem_shared>>
      %dma_start3A_200 = arith.constant 0 : i32
      %dma_start3A_201 = tpu.memref_slice %arg2[%run_scoped3A_100, %mul3A_97, %dma_start3A_200] : memref<2x10240x32xf32, #tpu.memory_space<hbm>> -> memref<1x320x32xf32, #tpu.memory_space<hbm>>
      %dma_start3A_202 = tpu.memref_squeeze %dma_start3A_201 : memref<1x320x32xf32, #tpu.memory_space<hbm>> -> memref<320x32xf32, #tpu.memory_space<hbm>>
      tpu.enqueue_dma source(%dma_start3A_202 : memref<320x32xf32, #tpu.memory_space<hbm>>) target(%dma_start3A_199 : memref<320x32xf32, #tpu.memory_space<vmem_shared>>) target_semaphore(%run_scoped3A_197 : memref<!tpu.dma_semaphore, #tpu.memory_space<semaphore_mem>>)
      %dma_wait3A_203 = arith.constant 0 : i32
      %dma_wait3A_204 = tpu.memref_slice %arg10[%mul3A_99, %dma_wait3A_203] : memref<10240x32xf32, #tpu.memory_space<vmem_shared>> -> memref<320x32xf32, #tpu.memory_space<vmem_shared>>
      %dma_wait3A_205 = arith.constant 0 : i32
      %dma_wait3A_206 = tpu.memref_slice %arg2[%run_scoped3A_100, %mul3A_97, %dma_wait3A_205] : memref<2x10240x32xf32, #tpu.memory_space<hbm>> -> memref<1x320x32xf32, #tpu.memory_space<hbm>>
      %dma_wait3A_207 = tpu.memref_squeeze %dma_wait3A_206 : memref<1x320x32xf32, #tpu.memory_space<hbm>> -> memref<320x32xf32, #tpu.memory_space<hbm>>
      tpu.wait_dma2 semaphore(%run_scoped3A_197 : memref<!tpu.dma_semaphore, #tpu.memory_space<semaphore_mem>>) src(%dma_wait3A_207 : memref<320x32xf32, #tpu.memory_space<hbm>>) dst(%dma_wait3A_204 : memref<320x32xf32, #tpu.memory_space<vmem_shared>>)
      tpu.yield
    }) : () -> ()
    %mul3A_101 = arith.constant 640 : i32
    %mul3A_102 = arith.muli %arg1, %mul3A_101 : i32
    %add3A_103 = arith.constant 320 : i32
    %add3A_104 = arith.addi %mul3A_102, %add3A_103 : i32
    %mul3A_105 = arith.constant 640 : i32
    %mul3A_106 = arith.muli %arg1, %mul3A_105 : i32
    %add3A_107 = arith.constant 320 : i32
    %add3A_108 = arith.addi %mul3A_106, %add3A_107 : i32
    %run_scoped3A_109 = arith.constant 1 : i32
    "tpu.region"() ({
      %run_scoped3A_197 = tpu.sem_alloc : memref<!tpu.dma_semaphore, #tpu.memory_space<semaphore_mem>>
      %dma_start3A_198 = arith.constant 0 : i32
      %dma_start3A_199 = tpu.memref_slice %arg10[%add3A_108, %dma_start3A_198] : memref<10240x32xf32, #tpu.memory_space<vmem_shared>> -> memref<320x32xf32, #tpu.memory_space<vmem_shared>>
      %dma_start3A_200 = arith.constant 0 : i32
      %dma_start3A_201 = tpu.memref_slice %arg2[%run_scoped3A_109, %add3A_104, %dma_start3A_200] : memref<2x10240x32xf32, #tpu.memory_space<hbm>> -> memref<1x320x32xf32, #tpu.memory_space<hbm>>
      %dma_start3A_202 = tpu.memref_squeeze %dma_start3A_201 : memref<1x320x32xf32, #tpu.memory_space<hbm>> -> memref<320x32xf32, #tpu.memory_space<hbm>>
      tpu.enqueue_dma source(%dma_start3A_202 : memref<320x32xf32, #tpu.memory_space<hbm>>) target(%dma_start3A_199 : memref<320x32xf32, #tpu.memory_space<vmem_shared>>) target_semaphore(%run_scoped3A_197 : memref<!tpu.dma_semaphore, #tpu.memory_space<semaphore_mem>>)
      %dma_wait3A_203 = arith.constant 0 : i32
      %dma_wait3A_204 = tpu.memref_slice %arg10[%add3A_108, %dma_wait3A_203] : memref<10240x32xf32, #tpu.memory_space<vmem_shared>> -> memref<320x32xf32, #tpu.memory_space<vmem_shared>>
      %dma_wait3A_205 = arith.constant 0 : i32
      %dma_wait3A_206 = tpu.memref_slice %arg2[%run_scoped3A_109, %add3A_104, %dma_wait3A_205] : memref<2x10240x32xf32, #tpu.memory_space<hbm>> -> memref<1x320x32xf32, #tpu.memory_space<hbm>>
      %dma_wait3A_207 = tpu.memref_squeeze %dma_wait3A_206 : memref<1x320x32xf32, #tpu.memory_space<hbm>> -> memref<320x32xf32, #tpu.memory_space<hbm>>
      tpu.wait_dma2 semaphore(%run_scoped3A_197 : memref<!tpu.dma_semaphore, #tpu.memory_space<semaphore_mem>>) src(%dma_wait3A_207 : memref<320x32xf32, #tpu.memory_space<hbm>>) dst(%dma_wait3A_204 : memref<320x32xf32, #tpu.memory_space<vmem_shared>>)
      tpu.yield
    }) : () -> ()
    %broadcast_in_dim3A_110 = arith.constant 0.000000e+00 : f32
    %broadcast_in_dim3A_111 = vector.broadcast %broadcast_in_dim3A_110 : f32 to vector<16xf32>
    %scan3A_112 = arith.constant 0 : i32
    %scan3A_113 = arith.constant 0 : i32
    %scan3A_114 = arith.constant 512 : i32
    %scan3A_115 = arith.addi %scan3A_113, %scan3A_114 : i32
    %scan3A_116 = arith.constant 1 : i32
    scf.for %scan3A_197 = %scan3A_113 to %scan3A_115 step %scan3A_116  : i32 {
      %swap3A = arith.index_cast %scan3A_197 : i32 to index
      %swap3A_198 = arith.constant 0 : index
      %swap3A_199 = tpu.vector_load %arg8[%swap3A, %swap3A_198] {strides = array<i32>} : memref<512x32xf32, #tpu.memory_space<vmem>>, vector<1x16xf32>,
      %swap3A_200 = vector.shape_cast %swap3A_199 : vector<1x16xf32> to vector<16xf32>
      %swap3A_201 = vector.shape_cast %broadcast_in_dim3A_111 : vector<16xf32> to vector<1x16xf32>
      tpu.vector_store %arg8[%swap3A, %swap3A_198], %swap3A_201 {strides = array<i32>} : memref<512x32xf32, #tpu.memory_space<vmem>>, vector<1x16xf32>,
      %swap3A_202 = arith.index_cast %scan3A_197 : i32 to index
      %swap3A_203 = arith.constant 16 : index
      %swap3A_204 = tpu.vector_load %arg8[%swap3A_202, %swap3A_203] {strides = array<i32>} : memref<512x32xf32, #tpu.memory_space<vmem>>, vector<1x16xf32>,
      %swap3A_205 = vector.shape_cast %swap3A_204 : vector<1x16xf32> to vector<16xf32>
      %swap3A_206 = vector.shape_cast %broadcast_in_dim3A_111 : vector<16xf32> to vector<1x16xf32>
      tpu.vector_store %arg8[%swap3A_202, %swap3A_203], %swap3A_206 {strides = array<i32>} : memref<512x32xf32, #tpu.memory_space<vmem>>, vector<1x16xf32>,
    }
    %scan3A_117 = arith.constant 512 : i32
    %mul3A_118 = arith.constant 640 : i32
    %mul3A_119 = arith.muli %arg1, %mul3A_118 : i32
    "tpu.region"() ({
      %run_scoped3A_197 = tpu.sem_alloc : memref<!tpu.dma_semaphore, #tpu.memory_space<semaphore_mem>>
      %dma_start3A_198 = arith.constant 0 : i32
      %dma_start3A_199 = arith.constant 0 : i32
      %dma_start3A_200 = tpu.memref_slice %arg8[%dma_start3A_198, %dma_start3A_199] : memref<512x32xf32, #tpu.memory_space<vmem>> -> memref<512x32xf32, #tpu.memory_space<vmem>>
      %dma_start3A_201 = arith.constant 0 : i32
      %dma_start3A_202 = tpu.memref_slice %arg11[%mul3A_119, %dma_start3A_201] : memref<10240x32xf32, #tpu.memory_space<vmem_shared>> -> memref<512x32xf32, #tpu.memory_space<vmem_shared>>
      %dma_start3A_203 = arith.constant 0 : i32
      %dma_start3A_204 = tpu.memref_slice %arg11[%mul3A_119, %dma_start3A_203] : memref<10240x32xf32, #tpu.memory_space<vmem_shared>> -> memref<512x32xf32, #tpu.memory_space<vmem_shared>>
      %dma_start3A_205 = arith.constant 0 : i32
      %dma_start3A_206 = arith.constant 0 : i32
      %dma_start3A_207 = tpu.memref_slice %arg8[%dma_start3A_205, %dma_start3A_206] : memref<512x32xf32, #tpu.memory_space<vmem>> -> memref<512x32xf32, #tpu.memory_space<vmem>>
      tpu.enqueue_dma source(%dma_start3A_207 : memref<512x32xf32, #tpu.memory_space<vmem>>) target(%dma_start3A_204 : memref<512x32xf32, #tpu.memory_space<vmem_shared>>) target_semaphore(%run_scoped3A_197 : memref<!tpu.dma_semaphore, #tpu.memory_space<semaphore_mem>>)
      %dma_wait3A_208 = arith.constant 0 : i32
      %dma_wait3A_209 = arith.constant 0 : i32
      %dma_wait3A_210 = tpu.memref_slice %arg8[%dma_wait3A_208, %dma_wait3A_209] : memref<512x32xf32, #tpu.memory_space<vmem>> -> memref<512x32xf32, #tpu.memory_space<vmem>>
      %dma_wait3A_211 = arith.constant 0 : i32
      %dma_wait3A_212 = tpu.memref_slice %arg11[%mul3A_119, %dma_wait3A_211] : memref<10240x32xf32, #tpu.memory_space<vmem_shared>> -> memref<512x32xf32, #tpu.memory_space<vmem_shared>>
      %dma_wait3A_213 = arith.constant 0 : i32
      %dma_wait3A_214 = tpu.memref_slice %arg11[%mul3A_119, %dma_wait3A_213] : memref<10240x32xf32, #tpu.memory_space<vmem_shared>> -> memref<512x32xf32, #tpu.memory_space<vmem_shared>>
      %dma_wait3A_215 = arith.constant 0 : i32
      %dma_wait3A_216 = arith.constant 0 : i32
      %dma_wait3A_217 = tpu.memref_slice %arg8[%dma_wait3A_215, %dma_wait3A_216] : memref<512x32xf32, #tpu.memory_space<vmem>> -> memref<512x32xf32, #tpu.memory_space<vmem>>
      tpu.wait_dma2 semaphore(%run_scoped3A_197 : memref<!tpu.dma_semaphore, #tpu.memory_space<semaphore_mem>>) src(%dma_wait3A_217 : memref<512x32xf32, #tpu.memory_space<vmem>>) dst(%dma_wait3A_214 : memref<512x32xf32, #tpu.memory_space<vmem_shared>>)
      tpu.yield
    }) : () -> ()
    %mul3A_120 = arith.constant 640 : i32
    %mul3A_121 = arith.muli %arg1, %mul3A_120 : i32
    %add3A_122 = arith.constant 512 : i32
    %add3A_123 = arith.addi %mul3A_121, %add3A_122 : i32
    "tpu.region"() ({
      %run_scoped3A_197 = tpu.sem_alloc : memref<!tpu.dma_semaphore, #tpu.memory_space<semaphore_mem>>
      %dma_start3A_198 = arith.constant 0 : i32
      %dma_start3A_199 = arith.constant 0 : i32
      %dma_start3A_200 = tpu.memref_slice %arg8[%dma_start3A_198, %dma_start3A_199] : memref<512x32xf32, #tpu.memory_space<vmem>> -> memref<128x32xf32, #tpu.memory_space<vmem>>
      %dma_start3A_201 = arith.constant 0 : i32
      %dma_start3A_202 = tpu.memref_slice %arg11[%add3A_123, %dma_start3A_201] : memref<10240x32xf32, #tpu.memory_space<vmem_shared>> -> memref<128x32xf32, #tpu.memory_space<vmem_shared>>
      %dma_start3A_203 = arith.constant 0 : i32
      %dma_start3A_204 = tpu.memref_slice %arg11[%add3A_123, %dma_start3A_203] : memref<10240x32xf32, #tpu.memory_space<vmem_shared>> -> memref<128x32xf32, #tpu.memory_space<vmem_shared>>
      %dma_start3A_205 = arith.constant 0 : i32
      %dma_start3A_206 = arith.constant 0 : i32
      %dma_start3A_207 = tpu.memref_slice %arg8[%dma_start3A_205, %dma_start3A_206] : memref<512x32xf32, #tpu.memory_space<vmem>> -> memref<128x32xf32, #tpu.memory_space<vmem>>
      tpu.enqueue_dma source(%dma_start3A_207 : memref<128x32xf32, #tpu.memory_space<vmem>>) target(%dma_start3A_204 : memref<128x32xf32, #tpu.memory_space<vmem_shared>>) target_semaphore(%run_scoped3A_197 : memref<!tpu.dma_semaphore, #tpu.memory_space<semaphore_mem>>)
      %dma_wait3A_208 = arith.constant 0 : i32
      %dma_wait3A_209 = arith.constant 0 : i32
      %dma_wait3A_210 = tpu.memref_slice %arg8[%dma_wait3A_208, %dma_wait3A_209] : memref<512x32xf32, #tpu.memory_space<vmem>> -> memref<128x32xf32, #tpu.memory_space<vmem>>
      %dma_wait3A_211 = arith.constant 0 : i32
      %dma_wait3A_212 = tpu.memref_slice %arg11[%add3A_123, %dma_wait3A_211] : memref<10240x32xf32, #tpu.memory_space<vmem_shared>> -> memref<128x32xf32, #tpu.memory_space<vmem_shared>>
      %dma_wait3A_213 = arith.constant 0 : i32
      %dma_wait3A_214 = tpu.memref_slice %arg11[%add3A_123, %dma_wait3A_213] : memref<10240x32xf32, #tpu.memory_space<vmem_shared>> -> memref<128x32xf32, #tpu.memory_space<vmem_shared>>
      %dma_wait3A_215 = arith.constant 0 : i32
      %dma_wait3A_216 = arith.constant 0 : i32
      %dma_wait3A_217 = tpu.memref_slice %arg8[%dma_wait3A_215, %dma_wait3A_216] : memref<512x32xf32, #tpu.memory_space<vmem>> -> memref<128x32xf32, #tpu.memory_space<vmem>>
      tpu.wait_dma2 semaphore(%run_scoped3A_197 : memref<!tpu.dma_semaphore, #tpu.memory_space<semaphore_mem>>) src(%dma_wait3A_217 : memref<128x32xf32, #tpu.memory_space<vmem>>) dst(%dma_wait3A_214 : memref<128x32xf32, #tpu.memory_space<vmem_shared>>)
      tpu.yield
    }) : () -> ()
    %barrier3A_124 = arith.constant 0 : index
    tpu.barrier barrier_id(%barrier3A_124)
    %dma_start3A_125 = arith.constant 0 : i32
    %dma_start3A_126 = arith.constant 0 : i32
    %dma_start3A_127 = tpu.memref_slice %arg6[%dma_start3A_125, %dma_start3A_126] : memref<40x512xi32, #tpu.memory_space<vmem>> -> memref<1x512xi32, #tpu.memory_space<vmem>>
    %dma_start3A_128 = tpu.memref_squeeze %dma_start3A_127 : memref<1x512xi32, #tpu.memory_space<vmem>> -> memref<512xi32, #tpu.memory_space<vmem>>
    %dma_start3A_129 = arith.constant 0 : i32
    %dma_start3A_130 = arith.constant 0 : i32
    %dma_start3A_131 = tpu.memref_slice %arg10[%dma_start3A_129, %dma_start3A_130] : memref<10240x32xf32, #tpu.memory_space<vmem_shared>> -> memref<10240x32xf32, #tpu.memory_space<vmem_shared>>
    tpu.enqueue_indirect_dma source(%dma_start3A_131 : memref<10240x32xf32, #tpu.memory_space<vmem_shared>>) target(%arg8 : memref<512x32xf32, #tpu.memory_space<vmem>>) offsets(%dma_start3A_128 : memref<512xi32, #tpu.memory_space<vmem>>) semaphore(%arg12 : memref<!tpu.dma_semaphore, #tpu.memory_space<semaphore_mem>>)
    %dma_start3A_132 = arith.constant 1 : i32
    %dma_start3A_133 = arith.constant 0 : i32
    %dma_start3A_134 = tpu.memref_slice %arg6[%dma_start3A_132, %dma_start3A_133] : memref<40x512xi32, #tpu.memory_space<vmem>> -> memref<1x512xi32, #tpu.memory_space<vmem>>
    %dma_start3A_135 = tpu.memref_squeeze %dma_start3A_134 : memref<1x512xi32, #tpu.memory_space<vmem>> -> memref<512xi32, #tpu.memory_space<vmem>>
    %dma_start3A_136 = arith.constant 0 : i32
    %dma_start3A_137 = arith.constant 0 : i32
    %dma_start3A_138 = tpu.memref_slice %arg10[%dma_start3A_136, %dma_start3A_137] : memref<10240x32xf32, #tpu.memory_space<vmem_shared>> -> memref<10240x32xf32, #tpu.memory_space<vmem_shared>>
    tpu.enqueue_indirect_dma source(%dma_start3A_138 : memref<10240x32xf32, #tpu.memory_space<vmem_shared>>) target(%arg9 : memref<512x32xf32, #tpu.memory_space<vmem>>) offsets(%dma_start3A_135 : memref<512xi32, #tpu.memory_space<vmem>>) semaphore(%arg13 : memref<!tpu.dma_semaphore, #tpu.memory_space<semaphore_mem>>)
    %dma_wait3A_139 = arith.constant 0 : i32
    %dma_wait3A_140 = arith.constant 0 : i32
    %dma_wait3A_141 = tpu.memref_slice %arg6[%dma_wait3A_139, %dma_wait3A_140] : memref<40x512xi32, #tpu.memory_space<vmem>> -> memref<1x512xi32, #tpu.memory_space<vmem>>
    %dma_wait3A_142 = tpu.memref_squeeze %dma_wait3A_141 : memref<1x512xi32, #tpu.memory_space<vmem>> -> memref<512xi32, #tpu.memory_space<vmem>>
    %dma_wait3A_143 = arith.constant 0 : i32
    %dma_wait3A_144 = arith.constant 0 : i32
    %dma_wait3A_145 = tpu.memref_slice %arg10[%dma_wait3A_143, %dma_wait3A_144] : memref<10240x32xf32, #tpu.memory_space<vmem_shared>> -> memref<10240x32xf32, #tpu.memory_space<vmem_shared>>
    tpu.wait_indirect_dma semaphore(%arg12 : memref<!tpu.dma_semaphore, #tpu.memory_space<semaphore_mem>>) src(%dma_wait3A_145 : memref<10240x32xf32, #tpu.memory_space<vmem_shared>>) dst(%arg8 : memref<512x32xf32, #tpu.memory_space<vmem>>)
    %dma_start3A_146 = arith.constant 0 : i32
    %dma_start3A_147 = arith.constant 0 : i32
    %dma_start3A_148 = tpu.memref_slice %arg7[%dma_start3A_146, %dma_start3A_147] : memref<40x512xi32, #tpu.memory_space<vmem>> -> memref<1x512xi32, #tpu.memory_space<vmem>>
    %dma_start3A_149 = tpu.memref_squeeze %dma_start3A_148 : memref<1x512xi32, #tpu.memory_space<vmem>> -> memref<512xi32, #tpu.memory_space<vmem>>
    %dma_start3A_150 = arith.constant 0 : i32
    %dma_start3A_151 = arith.constant 0 : i32
    %dma_start3A_152 = tpu.memref_slice %arg11[%dma_start3A_150, %dma_start3A_151] : memref<10240x32xf32, #tpu.memory_space<vmem_shared>> -> memref<10240x32xf32, #tpu.memory_space<vmem_shared>>
    tpu.enqueue_indirect_dma source(%arg8 : memref<512x32xf32, #tpu.memory_space<vmem>>) target(%dma_start3A_152 : memref<10240x32xf32, #tpu.memory_space<vmem_shared>>) offsets(%dma_start3A_149 : memref<512xi32, #tpu.memory_space<vmem>>) semaphore(%arg14 : memref<!tpu.dma_semaphore, #tpu.memory_space<semaphore_mem>>) {add = true}
    %dma_wait3A_153 = arith.constant 1 : i32
    %dma_wait3A_154 = arith.constant 0 : i32
    %dma_wait3A_155 = tpu.memref_slice %arg6[%dma_wait3A_153, %dma_wait3A_154] : memref<40x512xi32, #tpu.memory_space<vmem>> -> memref<1x512xi32, #tpu.memory_space<vmem>>
    %dma_wait3A_156 = tpu.memref_squeeze %dma_wait3A_155 : memref<1x512xi32, #tpu.memory_space<vmem>> -> memref<512xi32, #tpu.memory_space<vmem>>
    %dma_wait3A_157 = arith.constant 0 : i32
    %dma_wait3A_158 = arith.constant 0 : i32
    %dma_wait3A_159 = tpu.memref_slice %arg10[%dma_wait3A_157, %dma_wait3A_158] : memref<10240x32xf32, #tpu.memory_space<vmem_shared>> -> memref<10240x32xf32, #tpu.memory_space<vmem_shared>>
    tpu.wait_indirect_dma semaphore(%arg13 : memref<!tpu.dma_semaphore, #tpu.memory_space<semaphore_mem>>) src(%dma_wait3A_159 : memref<10240x32xf32, #tpu.memory_space<vmem_shared>>) dst(%arg9 : memref<512x32xf32, #tpu.memory_space<vmem>>)
    %dma_start3A_160 = arith.constant 1 : i32
    %dma_start3A_161 = arith.constant 0 : i32
    %dma_start3A_162 = tpu.memref_slice %arg7[%dma_start3A_160, %dma_start3A_161] : memref<40x512xi32, #tpu.memory_space<vmem>> -> memref<1x512xi32, #tpu.memory_space<vmem>>
    %dma_start3A_163 = tpu.memref_squeeze %dma_start3A_162 : memref<1x512xi32, #tpu.memory_space<vmem>> -> memref<512xi32, #tpu.memory_space<vmem>>
    %dma_start3A_164 = arith.constant 0 : i32
    %dma_start3A_165 = arith.constant 0 : i32
    %dma_start3A_166 = tpu.memref_slice %arg11[%dma_start3A_164, %dma_start3A_165] : memref<10240x32xf32, #tpu.memory_space<vmem_shared>> -> memref<10240x32xf32, #tpu.memory_space<vmem_shared>>
    tpu.enqueue_indirect_dma source(%arg9 : memref<512x32xf32, #tpu.memory_space<vmem>>) target(%dma_start3A_166 : memref<10240x32xf32, #tpu.memory_space<vmem_shared>>) offsets(%dma_start3A_163 : memref<512xi32, #tpu.memory_space<vmem>>) semaphore(%arg15 : memref<!tpu.dma_semaphore, #tpu.memory_space<semaphore_mem>>) {add = true}
    %scan3A_167 = arith.constant 0 : i32
    %scan3A_168 = arith.constant 1 : i32
    %scan3A_169 = arith.constant 19 : i32
    %scan3A_170 = arith.addi %scan3A_168, %scan3A_169 : i32
    %scan3A_171 = arith.constant 1 : i32
    scf.for %scan3A_197 = %scan3A_168 to %scan3A_170 step %scan3A_171  : i32 {
      %mul3A_198 = arith.constant 2 : i32
      %mul3A_199 = arith.muli %mul3A_198, %scan3A_197 : i32
      %add3A_200 = arith.constant 1 : i32
      %add3A_201 = arith.addi %mul3A_199, %add3A_200 : i32
      %sub3A = arith.constant 2 : i32
      %sub3A_202 = arith.subi %mul3A_199, %sub3A : i32
      %dma_wait3A_203 = arith.constant 0 : i32
      %dma_wait3A_204 = tpu.memref_slice %arg7[%sub3A_202, %dma_wait3A_203] : memref<40x512xi32, #tpu.memory_space<vmem>> -> memref<1x512xi32, #tpu.memory_space<vmem>>
      %dma_wait3A_205 = tpu.memref_squeeze %dma_wait3A_204 : memref<1x512xi32, #tpu.memory_space<vmem>> -> memref<512xi32, #tpu.memory_space<vmem>>
      %dma_wait3A_206 = arith.constant 0 : i32
      %dma_wait3A_207 = arith.constant 0 : i32
      %dma_wait3A_208 = tpu.memref_slice %arg11[%dma_wait3A_206, %dma_wait3A_207] : memref<10240x32xf32, #tpu.memory_space<vmem_shared>> -> memref<10240x32xf32, #tpu.memory_space<vmem_shared>>
      tpu.wait_indirect_dma semaphore(%arg14 : memref<!tpu.dma_semaphore, #tpu.memory_space<semaphore_mem>>) src(%arg8 : memref<512x32xf32, #tpu.memory_space<vmem>>) dst(%dma_wait3A_208 : memref<10240x32xf32, #tpu.memory_space<vmem_shared>>)
      %dma_start3A_209 = arith.constant 0 : i32
      %dma_start3A_210 = tpu.memref_slice %arg6[%mul3A_199, %dma_start3A_209] : memref<40x512xi32, #tpu.memory_space<vmem>> -> memref<1x512xi32, #tpu.memory_space<vmem>>
      %dma_start3A_211 = tpu.memref_squeeze %dma_start3A_210 : memref<1x512xi32, #tpu.memory_space<vmem>> -> memref<512xi32, #tpu.memory_space<vmem>>
      %dma_start3A_212 = arith.constant 0 : i32
      %dma_start3A_213 = arith.constant 0 : i32
      %dma_start3A_214 = tpu.memref_slice %arg10[%dma_start3A_212, %dma_start3A_213] : memref<10240x32xf32, #tpu.memory_space<vmem_shared>> -> memref<10240x32xf32, #tpu.memory_space<vmem_shared>>
      tpu.enqueue_indirect_dma source(%dma_start3A_214 : memref<10240x32xf32, #tpu.memory_space<vmem_shared>>) target(%arg8 : memref<512x32xf32, #tpu.memory_space<vmem>>) offsets(%dma_start3A_211 : memref<512xi32, #tpu.memory_space<vmem>>) semaphore(%arg12 : memref<!tpu.dma_semaphore, #tpu.memory_space<semaphore_mem>>)
      %sub3A_215 = arith.constant 2 : i32
      %sub3A_216 = arith.subi %add3A_201, %sub3A_215 : i32
      %dma_wait3A_217 = arith.constant 0 : i32
      %dma_wait3A_218 = tpu.memref_slice %arg7[%sub3A_216, %dma_wait3A_217] : memref<40x512xi32, #tpu.memory_space<vmem>> -> memref<1x512xi32, #tpu.memory_space<vmem>>
      %dma_wait3A_219 = tpu.memref_squeeze %dma_wait3A_218 : memref<1x512xi32, #tpu.memory_space<vmem>> -> memref<512xi32, #tpu.memory_space<vmem>>
      %dma_wait3A_220 = arith.constant 0 : i32
      %dma_wait3A_221 = arith.constant 0 : i32
      %dma_wait3A_222 = tpu.memref_slice %arg11[%dma_wait3A_220, %dma_wait3A_221] : memref<10240x32xf32, #tpu.memory_space<vmem_shared>> -> memref<10240x32xf32, #tpu.memory_space<vmem_shared>>
      tpu.wait_indirect_dma semaphore(%arg15 : memref<!tpu.dma_semaphore, #tpu.memory_space<semaphore_mem>>) src(%arg9 : memref<512x32xf32, #tpu.memory_space<vmem>>) dst(%dma_wait3A_222 : memref<10240x32xf32, #tpu.memory_space<vmem_shared>>)
      %dma_start3A_223 = arith.constant 0 : i32
      %dma_start3A_224 = tpu.memref_slice %arg6[%add3A_201, %dma_start3A_223] : memref<40x512xi32, #tpu.memory_space<vmem>> -> memref<1x512xi32, #tpu.memory_space<vmem>>
      %dma_start3A_225 = tpu.memref_squeeze %dma_start3A_224 : memref<1x512xi32, #tpu.memory_space<vmem>> -> memref<512xi32, #tpu.memory_space<vmem>>
      %dma_start3A_226 = arith.constant 0 : i32
      %dma_start3A_227 = arith.constant 0 : i32
      %dma_start3A_228 = tpu.memref_slice %arg10[%dma_start3A_226, %dma_start3A_227] : memref<10240x32xf32, #tpu.memory_space<vmem_shared>> -> memref<10240x32xf32, #tpu.memory_space<vmem_shared>>
      tpu.enqueue_indirect_dma source(%dma_start3A_228 : memref<10240x32xf32, #tpu.memory_space<vmem_shared>>) target(%arg9 : memref<512x32xf32, #tpu.memory_space<vmem>>) offsets(%dma_start3A_225 : memref<512xi32, #tpu.memory_space<vmem>>) semaphore(%arg13 : memref<!tpu.dma_semaphore, #tpu.memory_space<semaphore_mem>>)
      %dma_wait3A_229 = arith.constant 0 : i32
      %dma_wait3A_230 = tpu.memref_slice %arg6[%mul3A_199, %dma_wait3A_229] : memref<40x512xi32, #tpu.memory_space<vmem>> -> memref<1x512xi32, #tpu.memory_space<vmem>>
      %dma_wait3A_231 = tpu.memref_squeeze %dma_wait3A_230 : memref<1x512xi32, #tpu.memory_space<vmem>> -> memref<512xi32, #tpu.memory_space<vmem>>
      %dma_wait3A_232 = arith.constant 0 : i32
      %dma_wait3A_233 = arith.constant 0 : i32
      %dma_wait3A_234 = tpu.memref_slice %arg10[%dma_wait3A_232, %dma_wait3A_233] : memref<10240x32xf32, #tpu.memory_space<vmem_shared>> -> memref<10240x32xf32, #tpu.memory_space<vmem_shared>>
      tpu.wait_indirect_dma semaphore(%arg12 : memref<!tpu.dma_semaphore, #tpu.memory_space<semaphore_mem>>) src(%dma_wait3A_234 : memref<10240x32xf32, #tpu.memory_space<vmem_shared>>) dst(%arg8 : memref<512x32xf32, #tpu.memory_space<vmem>>)
      %dma_start3A_235 = arith.constant 0 : i32
      %dma_start3A_236 = tpu.memref_slice %arg7[%mul3A_199, %dma_start3A_235] : memref<40x512xi32, #tpu.memory_space<vmem>> -> memref<1x512xi32, #tpu.memory_space<vmem>>
      %dma_start3A_237 = tpu.memref_squeeze %dma_start3A_236 : memref<1x512xi32, #tpu.memory_space<vmem>> -> memref<512xi32, #tpu.memory_space<vmem>>
      %dma_start3A_238 = arith.constant 0 : i32
      %dma_start3A_239 = arith.constant 0 : i32
      %dma_start3A_240 = tpu.memref_slice %arg11[%dma_start3A_238, %dma_start3A_239] : memref<10240x32xf32, #tpu.memory_space<vmem_shared>> -> memref<10240x32xf32, #tpu.memory_space<vmem_shared>>
      tpu.enqueue_indirect_dma source(%arg8 : memref<512x32xf32, #tpu.memory_space<vmem>>) target(%dma_start3A_240 : memref<10240x32xf32, #tpu.memory_space<vmem_shared>>) offsets(%dma_start3A_237 : memref<512xi32, #tpu.memory_space<vmem>>) semaphore(%arg14 : memref<!tpu.dma_semaphore, #tpu.memory_space<semaphore_mem>>) {add = true}
      %dma_wait3A_241 = arith.constant 0 : i32
      %dma_wait3A_242 = tpu.memref_slice %arg6[%add3A_201, %dma_wait3A_241] : memref<40x512xi32, #tpu.memory_space<vmem>> -> memref<1x512xi32, #tpu.memory_space<vmem>>
      %dma_wait3A_243 = tpu.memref_squeeze %dma_wait3A_242 : memref<1x512xi32, #tpu.memory_space<vmem>> -> memref<512xi32, #tpu.memory_space<vmem>>
      %dma_wait3A_244 = arith.constant 0 : i32
      %dma_wait3A_245 = arith.constant 0 : i32
      %dma_wait3A_246 = tpu.memref_slice %arg10[%dma_wait3A_244, %dma_wait3A_245] : memref<10240x32xf32, #tpu.memory_space<vmem_shared>> -> memref<10240x32xf32, #tpu.memory_space<vmem_shared>>
      tpu.wait_indirect_dma semaphore(%arg13 : memref<!tpu.dma_semaphore, #tpu.memory_space<semaphore_mem>>) src(%dma_wait3A_246 : memref<10240x32xf32, #tpu.memory_space<vmem_shared>>) dst(%arg9 : memref<512x32xf32, #tpu.memory_space<vmem>>)
      %dma_start3A_247 = arith.constant 0 : i32
      %dma_start3A_248 = tpu.memref_slice %arg7[%add3A_201, %dma_start3A_247] : memref<40x512xi32, #tpu.memory_space<vmem>> -> memref<1x512xi32, #tpu.memory_space<vmem>>
      %dma_start3A_249 = tpu.memref_squeeze %dma_start3A_248 : memref<1x512xi32, #tpu.memory_space<vmem>> -> memref<512xi32, #tpu.memory_space<vmem>>
      %dma_start3A_250 = arith.constant 0 : i32
      %dma_start3A_251 = arith.constant 0 : i32
      %dma_start3A_252 = tpu.memref_slice %arg11[%dma_start3A_250, %dma_start3A_251] : memref<10240x32xf32, #tpu.memory_space<vmem_shared>> -> memref<10240x32xf32, #tpu.memory_space<vmem_shared>>
      tpu.enqueue_indirect_dma source(%arg9 : memref<512x32xf32, #tpu.memory_space<vmem>>) target(%dma_start3A_252 : memref<10240x32xf32, #tpu.memory_space<vmem_shared>>) offsets(%dma_start3A_249 : memref<512xi32, #tpu.memory_space<vmem>>) semaphore(%arg15 : memref<!tpu.dma_semaphore, #tpu.memory_space<semaphore_mem>>) {add = true}
    }
    %scan3A_172 = arith.constant 19 : i32
    %dma_wait3A_173 = arith.constant 38 : i32
    %dma_wait3A_174 = arith.constant 0 : i32
    %dma_wait3A_175 = tpu.memref_slice %arg7[%dma_wait3A_173, %dma_wait3A_174] : memref<40x512xi32, #tpu.memory_space<vmem>> -> memref<1x512xi32, #tpu.memory_space<vmem>>
    %dma_wait3A_176 = tpu.memref_squeeze %dma_wait3A_175 : memref<1x512xi32, #tpu.memory_space<vmem>> -> memref<512xi32, #tpu.memory_space<vmem>>
    %dma_wait3A_177 = arith.constant 0 : i32
    %dma_wait3A_178 = arith.constant 0 : i32
    %dma_wait3A_179 = tpu.memref_slice %arg11[%dma_wait3A_177, %dma_wait3A_178] : memref<10240x32xf32, #tpu.memory_space<vmem_shared>> -> memref<10240x32xf32, #tpu.memory_space<vmem_shared>>
    tpu.wait_indirect_dma semaphore(%arg14 : memref<!tpu.dma_semaphore, #tpu.memory_space<semaphore_mem>>) src(%arg8 : memref<512x32xf32, #tpu.memory_space<vmem>>) dst(%dma_wait3A_179 : memref<10240x32xf32, #tpu.memory_space<vmem_shared>>)
    %dma_wait3A_180 = arith.constant 39 : i32
    %dma_wait3A_181 = arith.constant 0 : i32
    %dma_wait3A_182 = tpu.memref_slice %arg7[%dma_wait3A_180, %dma_wait3A_181] : memref<40x512xi32, #tpu.memory_space<vmem>> -> memref<1x512xi32, #tpu.memory_space<vmem>>
    %dma_wait3A_183 = tpu.memref_squeeze %dma_wait3A_182 : memref<1x512xi32, #tpu.memory_space<vmem>> -> memref<512xi32, #tpu.memory_space<vmem>>
    %dma_wait3A_184 = arith.constant 0 : i32
    %dma_wait3A_185 = arith.constant 0 : i32
    %dma_wait3A_186 = tpu.memref_slice %arg11[%dma_wait3A_184, %dma_wait3A_185] : memref<10240x32xf32, #tpu.memory_space<vmem_shared>> -> memref<10240x32xf32, #tpu.memory_space<vmem_shared>>
    tpu.wait_indirect_dma semaphore(%arg15 : memref<!tpu.dma_semaphore, #tpu.memory_space<semaphore_mem>>) src(%arg9 : memref<512x32xf32, #tpu.memory_space<vmem>>) dst(%dma_wait3A_186 : memref<10240x32xf32, #tpu.memory_space<vmem_shared>>)
    %barrier3A_187 = arith.constant 0 : index
    tpu.barrier barrier_id(%barrier3A_187)
    %mul3A_188 = arith.constant 640 : i32
    %mul3A_189 = arith.muli %arg1, %mul3A_188 : i32
    "tpu.region"() ({
      %run_scoped3A_197 = tpu.sem_alloc : memref<!tpu.dma_semaphore, #tpu.memory_space<semaphore_mem>>
      %dma_start3A_198 = arith.constant 0 : i32
      %dma_start3A_199 = arith.constant 0 : i32
      %dma_start3A_200 = tpu.memref_slice %arg8[%dma_start3A_198, %dma_start3A_199] : memref<512x32xf32, #tpu.memory_space<vmem>> -> memref<512x32xf32, #tpu.memory_space<vmem>>
      %dma_start3A_201 = arith.constant 0 : i32
      %dma_start3A_202 = tpu.memref_slice %arg11[%mul3A_189, %dma_start3A_201] : memref<10240x32xf32, #tpu.memory_space<vmem_shared>> -> memref<512x32xf32, #tpu.memory_space<vmem_shared>>
      %dma_start3A_203 = arith.constant 0 : i32
      %dma_start3A_204 = arith.constant 0 : i32
      %dma_start3A_205 = tpu.memref_slice %arg8[%dma_start3A_203, %dma_start3A_204] : memref<512x32xf32, #tpu.memory_space<vmem>> -> memref<512x32xf32, #tpu.memory_space<vmem>>
      %dma_start3A_206 = arith.constant 0 : i32
      %dma_start3A_207 = tpu.memref_slice %arg11[%mul3A_189, %dma_start3A_206] : memref<10240x32xf32, #tpu.memory_space<vmem_shared>> -> memref<512x32xf32, #tpu.memory_space<vmem_shared>>
      tpu.enqueue_dma source(%dma_start3A_207 : memref<512x32xf32, #tpu.memory_space<vmem_shared>>) target(%dma_start3A_205 : memref<512x32xf32, #tpu.memory_space<vmem>>) target_semaphore(%run_scoped3A_197 : memref<!tpu.dma_semaphore, #tpu.memory_space<semaphore_mem>>)
      %dma_wait3A_208 = arith.constant 0 : i32
      %dma_wait3A_209 = arith.constant 0 : i32
      %dma_wait3A_210 = tpu.memref_slice %arg8[%dma_wait3A_208, %dma_wait3A_209] : memref<512x32xf32, #tpu.memory_space<vmem>> -> memref<512x32xf32, #tpu.memory_space<vmem>>
      %dma_wait3A_211 = arith.constant 0 : i32
      %dma_wait3A_212 = tpu.memref_slice %arg11[%mul3A_189, %dma_wait3A_211] : memref<10240x32xf32, #tpu.memory_space<vmem_shared>> -> memref<512x32xf32, #tpu.memory_space<vmem_shared>>
      %dma_wait3A_213 = arith.constant 0 : i32
      %dma_wait3A_214 = arith.constant 0 : i32
      %dma_wait3A_215 = tpu.memref_slice %arg8[%dma_wait3A_213, %dma_wait3A_214] : memref<512x32xf32, #tpu.memory_space<vmem>> -> memref<512x32xf32, #tpu.memory_space<vmem>>
      %dma_wait3A_216 = arith.constant 0 : i32
      %dma_wait3A_217 = tpu.memref_slice %arg11[%mul3A_189, %dma_wait3A_216] : memref<10240x32xf32, #tpu.memory_space<vmem_shared>> -> memref<512x32xf32, #tpu.memory_space<vmem_shared>>
      tpu.wait_dma2 semaphore(%run_scoped3A_197 : memref<!tpu.dma_semaphore, #tpu.memory_space<semaphore_mem>>) src(%dma_wait3A_217 : memref<512x32xf32, #tpu.memory_space<vmem_shared>>) dst(%dma_wait3A_215 : memref<512x32xf32, #tpu.memory_space<vmem>>)
      tpu.yield
    }) : () -> ()
    %run_scoped3A_190 = arith.constant 1 : i32
    "tpu.region"() ({
      %run_scoped3A_197 = tpu.sem_alloc : memref<!tpu.dma_semaphore, #tpu.memory_space<semaphore_mem>>
      %dma_start3A_198 = arith.constant 0 : i32
      %dma_start3A_199 = arith.constant 0 : i32
      %dma_start3A_200 = tpu.memref_slice %arg8[%dma_start3A_198, %dma_start3A_199] : memref<512x32xf32, #tpu.memory_space<vmem>> -> memref<512x32xf32, #tpu.memory_space<vmem>>
      %dma_start3A_201 = arith.constant 0 : i32
      %dma_start3A_202 = tpu.memref_slice %arg5[%arg0, %run_scoped3A_190, %mul3A_189, %dma_start3A_201] : memref<2x2x10240x32xf32, #tpu.memory_space<hbm>> -> memref<1x1x512x32xf32, #tpu.memory_space<hbm>>
      %dma_start3A_203 = tpu.memref_squeeze %dma_start3A_202 : memref<1x1x512x32xf32, #tpu.memory_space<hbm>> -> memref<512x32xf32, #tpu.memory_space<hbm>>
      %dma_start3A_204 = arith.constant 0 : i32
      %dma_start3A_205 = tpu.memref_slice %arg5[%arg0, %run_scoped3A_190, %mul3A_189, %dma_start3A_204] : memref<2x2x10240x32xf32, #tpu.memory_space<hbm>> -> memref<1x1x512x32xf32, #tpu.memory_space<hbm>>
      %dma_start3A_206 = tpu.memref_squeeze %dma_start3A_205 : memref<1x1x512x32xf32, #tpu.memory_space<hbm>> -> memref<512x32xf32, #tpu.memory_space<hbm>>
      %dma_start3A_207 = arith.constant 0 : i32
      %dma_start3A_208 = arith.constant 0 : i32
      %dma_start3A_209 = tpu.memref_slice %arg8[%dma_start3A_207, %dma_start3A_208] : memref<512x32xf32, #tpu.memory_space<vmem>> -> memref<512x32xf32, #tpu.memory_space<vmem>>
      tpu.enqueue_dma source(%dma_start3A_209 : memref<512x32xf32, #tpu.memory_space<vmem>>) target(%dma_start3A_206 : memref<512x32xf32, #tpu.memory_space<hbm>>) target_semaphore(%run_scoped3A_197 : memref<!tpu.dma_semaphore, #tpu.memory_space<semaphore_mem>>)
      %dma_wait3A_210 = arith.constant 0 : i32
      %dma_wait3A_211 = arith.constant 0 : i32
      %dma_wait3A_212 = tpu.memref_slice %arg8[%dma_wait3A_210, %dma_wait3A_211] : memref<512x32xf32, #tpu.memory_space<vmem>> -> memref<512x32xf32, #tpu.memory_space<vmem>>
      %dma_wait3A_213 = arith.constant 0 : i32
      %dma_wait3A_214 = tpu.memref_slice %arg5[%arg0, %run_scoped3A_190, %mul3A_189, %dma_wait3A_213] : memref<2x2x10240x32xf32, #tpu.memory_space<hbm>> -> memref<1x1x512x32xf32, #tpu.memory_space<hbm>>
      %dma_wait3A_215 = tpu.memref_squeeze %dma_wait3A_214 : memref<1x1x512x32xf32, #tpu.memory_space<hbm>> -> memref<512x32xf32, #tpu.memory_space<hbm>>
      %dma_wait3A_216 = arith.constant 0 : i32
      %dma_wait3A_217 = tpu.memref_slice %arg5[%arg0, %run_scoped3A_190, %mul3A_189, %dma_wait3A_216] : memref<2x2x10240x32xf32, #tpu.memory_space<hbm>> -> memref<1x1x512x32xf32, #tpu.memory_space<hbm>>
      %dma_wait3A_218 = tpu.memref_squeeze %dma_wait3A_217 : memref<1x1x512x32xf32, #tpu.memory_space<hbm>> -> memref<512x32xf32, #tpu.memory_space<hbm>>
      %dma_wait3A_219 = arith.constant 0 : i32
      %dma_wait3A_220 = arith.constant 0 : i32
      %dma_wait3A_221 = tpu.memref_slice %arg8[%dma_wait3A_219, %dma_wait3A_220] : memref<512x32xf32, #tpu.memory_space<vmem>> -> memref<512x32xf32, #tpu.memory_space<vmem>>
      tpu.wait_dma2 semaphore(%run_scoped3A_197 : memref<!tpu.dma_semaphore, #tpu.memory_space<semaphore_mem>>) src(%dma_wait3A_221 : memref<512x32xf32, #tpu.memory_space<vmem>>) dst(%dma_wait3A_218 : memref<512x32xf32, #tpu.memory_space<hbm>>)
      tpu.yield
    }) : () -> ()
    %add3A_191 = arith.constant 512 : i32
    %add3A_192 = arith.addi %mul3A_189, %add3A_191 : i32
    "tpu.region"() ({
      %run_scoped3A_197 = tpu.sem_alloc : memref<!tpu.dma_semaphore, #tpu.memory_space<semaphore_mem>>
      %dma_start3A_198 = arith.constant 0 : i32
      %dma_start3A_199 = arith.constant 0 : i32
      %dma_start3A_200 = tpu.memref_slice %arg9[%dma_start3A_198, %dma_start3A_199] : memref<512x32xf32, #tpu.memory_space<vmem>> -> memref<128x32xf32, #tpu.memory_space<vmem>>
      %dma_start3A_201 = arith.constant 0 : i32
      %dma_start3A_202 = tpu.memref_slice %arg11[%add3A_192, %dma_start3A_201] : memref<10240x32xf32, #tpu.memory_space<vmem_shared>> -> memref<128x32xf32, #tpu.memory_space<vmem_shared>>
      %dma_start3A_203 = arith.constant 0 : i32
      %dma_start3A_204 = arith.constant 0 : i32
      %dma_start3A_205 = tpu.memref_slice %arg9[%dma_start3A_203, %dma_start3A_204] : memref<512x32xf32, #tpu.memory_space<vmem>> -> memref<128x32xf32, #tpu.memory_space<vmem>>
      %dma_start3A_206 = arith.constant 0 : i32
      %dma_start3A_207 = tpu.memref_slice %arg11[%add3A_192, %dma_start3A_206] : memref<10240x32xf32, #tpu.memory_space<vmem_shared>> -> memref<128x32xf32, #tpu.memory_space<vmem_shared>>
      tpu.enqueue_dma source(%dma_start3A_207 : memref<128x32xf32, #tpu.memory_space<vmem_shared>>) target(%dma_start3A_205 : memref<128x32xf32, #tpu.memory_space<vmem>>) target_semaphore(%run_scoped3A_197 : memref<!tpu.dma_semaphore, #tpu.memory_space<semaphore_mem>>)
      %dma_wait3A_208 = arith.constant 0 : i32
      %dma_wait3A_209 = arith.constant 0 : i32
      %dma_wait3A_210 = tpu.memref_slice %arg9[%dma_wait3A_208, %dma_wait3A_209] : memref<512x32xf32, #tpu.memory_space<vmem>> -> memref<128x32xf32, #tpu.memory_space<vmem>>
      %dma_wait3A_211 = arith.constant 0 : i32
      %dma_wait3A_212 = tpu.memref_slice %arg11[%add3A_192, %dma_wait3A_211] : memref<10240x32xf32, #tpu.memory_space<vmem_shared>> -> memref<128x32xf32, #tpu.memory_space<vmem_shared>>
      %dma_wait3A_213 = arith.constant 0 : i32
      %dma_wait3A_214 = arith.constant 0 : i32
      %dma_wait3A_215 = tpu.memref_slice %arg9[%dma_wait3A_213, %dma_wait3A_214] : memref<512x32xf32, #tpu.memory_space<vmem>> -> memref<128x32xf32, #tpu.memory_space<vmem>>
      %dma_wait3A_216 = arith.constant 0 : i32
      %dma_wait3A_217 = tpu.memref_slice %arg11[%add3A_192, %dma_wait3A_216] : memref<10240x32xf32, #tpu.memory_space<vmem_shared>> -> memref<128x32xf32, #tpu.memory_space<vmem_shared>>
      tpu.wait_dma2 semaphore(%run_scoped3A_197 : memref<!tpu.dma_semaphore, #tpu.memory_space<semaphore_mem>>) src(%dma_wait3A_217 : memref<128x32xf32, #tpu.memory_space<vmem_shared>>) dst(%dma_wait3A_215 : memref<128x32xf32, #tpu.memory_space<vmem>>)
      tpu.yield
    }) : () -> ()
    %add3A_193 = arith.constant 512 : i32
    %add3A_194 = arith.addi %mul3A_189, %add3A_193 : i32
    %run_scoped3A_195 = arith.constant 1 : i32
    "tpu.region"() ({
      %run_scoped3A_197 = tpu.sem_alloc : memref<!tpu.dma_semaphore, #tpu.memory_space<semaphore_mem>>
      %dma_start3A_198 = arith.constant 0 : i32
      %dma_start3A_199 = arith.constant 0 : i32
      %dma_start3A_200 = tpu.memref_slice %arg9[%dma_start3A_198, %dma_start3A_199] : memref<512x32xf32, #tpu.memory_space<vmem>> -> memref<128x32xf32, #tpu.memory_space<vmem>>
      %dma_start3A_201 = arith.constant 0 : i32
      %dma_start3A_202 = tpu.memref_slice %arg5[%arg0, %run_scoped3A_195, %add3A_194, %dma_start3A_201] : memref<2x2x10240x32xf32, #tpu.memory_space<hbm>> -> memref<1x1x128x32xf32, #tpu.memory_space<hbm>>
      %dma_start3A_203 = tpu.memref_squeeze %dma_start3A_202 : memref<1x1x128x32xf32, #tpu.memory_space<hbm>> -> memref<128x32xf32, #tpu.memory_space<hbm>>
      %dma_start3A_204 = arith.constant 0 : i32
      %dma_start3A_205 = tpu.memref_slice %arg5[%arg0, %run_scoped3A_195, %add3A_194, %dma_start3A_204] : memref<2x2x10240x32xf32, #tpu.memory_space<hbm>> -> memref<1x1x128x32xf32, #tpu.memory_space<hbm>>
      %dma_start3A_206 = tpu.memref_squeeze %dma_start3A_205 : memref<1x1x128x32xf32, #tpu.memory_space<hbm>> -> memref<128x32xf32, #tpu.memory_space<hbm>>
      %dma_start3A_207 = arith.constant 0 : i32
      %dma_start3A_208 = arith.constant 0 : i32
      %dma_start3A_209 = tpu.memref_slice %arg9[%dma_start3A_207, %dma_start3A_208] : memref<512x32xf32, #tpu.memory_space<vmem>> -> memref<128x32xf32, #tpu.memory_space<vmem>>
      tpu.enqueue_dma source(%dma_start3A_209 : memref<128x32xf32, #tpu.memory_space<vmem>>) target(%dma_start3A_206 : memref<128x32xf32, #tpu.memory_space<hbm>>) target_semaphore(%run_scoped3A_197 : memref<!tpu.dma_semaphore, #tpu.memory_space<semaphore_mem>>)
      %dma_wait3A_210 = arith.constant 0 : i32
      %dma_wait3A_211 = arith.constant 0 : i32
      %dma_wait3A_212 = tpu.memref_slice %arg9[%dma_wait3A_210, %dma_wait3A_211] : memref<512x32xf32, #tpu.memory_space<vmem>> -> memref<128x32xf32, #tpu.memory_space<vmem>>
      %dma_wait3A_213 = arith.constant 0 : i32
      %dma_wait3A_214 = tpu.memref_slice %arg5[%arg0, %run_scoped3A_195, %add3A_194, %dma_wait3A_213] : memref<2x2x10240x32xf32, #tpu.memory_space<hbm>> -> memref<1x1x128x32xf32, #tpu.memory_space<hbm>>
      %dma_wait3A_215 = tpu.memref_squeeze %dma_wait3A_214 : memref<1x1x128x32xf32, #tpu.memory_space<hbm>> -> memref<128x32xf32, #tpu.memory_space<hbm>>
      %dma_wait3A_216 = arith.constant 0 : i32
      %dma_wait3A_217 = tpu.memref_slice %arg5[%arg0, %run_scoped3A_195, %add3A_194, %dma_wait3A_216] : memref<2x2x10240x32xf32, #tpu.memory_space<hbm>> -> memref<1x1x128x32xf32, #tpu.memory_space<hbm>>
      %dma_wait3A_218 = tpu.memref_squeeze %dma_wait3A_217 : memref<1x1x128x32xf32, #tpu.memory_space<hbm>> -> memref<128x32xf32, #tpu.memory_space<hbm>>
      %dma_wait3A_219 = arith.constant 0 : i32
      %dma_wait3A_220 = arith.constant 0 : i32
      %dma_wait3A_221 = tpu.memref_slice %arg9[%dma_wait3A_219, %dma_wait3A_220] : memref<512x32xf32, #tpu.memory_space<vmem>> -> memref<128x32xf32, #tpu.memory_space<vmem>>
      tpu.wait_dma2 semaphore(%run_scoped3A_197 : memref<!tpu.dma_semaphore, #tpu.memory_space<semaphore_mem>>) src(%dma_wait3A_221 : memref<128x32xf32, #tpu.memory_space<vmem>>) dst(%dma_wait3A_218 : memref<128x32xf32, #tpu.memory_space<hbm>>)
      tpu.yield
    }) : () -> ()
    %barrier3A_196 = arith.constant 0 : index
    tpu.barrier barrier_id(%barrier3A_196)
    return
  }
}

#map = affine_map<(d0, d1) -> (0, 0, 0)>
#map1 = affine_map<(d0, d1) -> (0, 0, 0, 0)>
module attributes {stable_mosaic.version = 14 : i64} {
  func.func @agg(%arg0: i32, %arg1: i32, %arg2: memref<1x10240x16xf32, #tpu.memory_space<hbm>>, %arg3: memref<32x40x512xi32, #tpu.memory_space<hbm>>, %arg4: memref<32x40x512xi32, #tpu.memory_space<hbm>>, %arg5: memref<2x1x10240x16xf32, #tpu.memory_space<hbm>>, %arg6: memref<40x512xi32, #tpu.memory_space<vmem>>, %arg7: memref<40x512xi32, #tpu.memory_space<vmem>>, %arg8: memref<512x16xf32, #tpu.memory_space<vmem>>, %arg9: memref<512x16xf32, #tpu.memory_space<vmem>>, %arg10: memref<10240x16xf32, #tpu.memory_space<vmem_shared>>, %arg11: memref<10240x16xf32, #tpu.memory_space<vmem_shared>>, %arg12: memref<!tpu.dma_semaphore, #tpu.memory_space<semaphore_mem>>, %arg13: memref<!tpu.dma_semaphore, #tpu.memory_space<semaphore_mem>>, %arg14: memref<!tpu.dma_semaphore, #tpu.memory_space<semaphore_mem>>, %arg15: memref<!tpu.dma_semaphore, #tpu.memory_space<semaphore_mem>>) attributes {dimension_semantics = [#tpu.dimension_semantics<core_parallel>, #tpu.dimension_semantics<subcore_parallel>], iteration_bounds = array<i64: 2, 16>, scalar_prefetch = 0 : i64, scratch_operands = 10 : i64, tpu.core_type = #tpu.core_type<sc_vector_subcore>, window_params = [{transform_indices = #map}, {transform_indices = #map}, {transform_indices = #map}, {transform_indices = #map1}]} {
    %mul3A = arith.constant 2 : i32
    %mul3A_0 = arith.muli %arg1, %mul3A : i32
    %add3A = arith.addi %mul3A_0, %arg0 : i32
    "tpu.region"() ({
      %run_scoped3A_96 = tpu.sem_alloc : memref<!tpu.dma_semaphore, #tpu.memory_space<semaphore_mem>>
      %dma_start3A_97 = arith.constant 0 : i32
      %dma_start3A_98 = arith.constant 0 : i32
      %dma_start3A_99 = tpu.memref_slice %arg3[%add3A, %dma_start3A_97, %dma_start3A_98] : memref<32x40x512xi32, #tpu.memory_space<hbm>> -> memref<1x40x512xi32, #tpu.memory_space<hbm>>
      %dma_start3A_100 = tpu.memref_squeeze %dma_start3A_99 : memref<1x40x512xi32, #tpu.memory_space<hbm>> -> memref<40x512xi32, #tpu.memory_space<hbm>>
      %dma_start3A_101 = arith.constant 0 : i32
      %dma_start3A_102 = arith.constant 0 : i32
      %dma_start3A_103 = tpu.memref_slice %arg3[%add3A, %dma_start3A_101, %dma_start3A_102] : memref<32x40x512xi32, #tpu.memory_space<hbm>> -> memref<1x40x512xi32, #tpu.memory_space<hbm>>
      %dma_start3A_104 = tpu.memref_squeeze %dma_start3A_103 : memref<1x40x512xi32, #tpu.memory_space<hbm>> -> memref<40x512xi32, #tpu.memory_space<hbm>>
      tpu.enqueue_dma source(%dma_start3A_104 : memref<40x512xi32, #tpu.memory_space<hbm>>) target(%arg6 : memref<40x512xi32, #tpu.memory_space<vmem>>) target_semaphore(%run_scoped3A_96 : memref<!tpu.dma_semaphore, #tpu.memory_space<semaphore_mem>>)
      %dma_wait3A_105 = arith.constant 0 : i32
      %dma_wait3A_106 = arith.constant 0 : i32
      %dma_wait3A_107 = tpu.memref_slice %arg3[%add3A, %dma_wait3A_105, %dma_wait3A_106] : memref<32x40x512xi32, #tpu.memory_space<hbm>> -> memref<1x40x512xi32, #tpu.memory_space<hbm>>
      %dma_wait3A_108 = tpu.memref_squeeze %dma_wait3A_107 : memref<1x40x512xi32, #tpu.memory_space<hbm>> -> memref<40x512xi32, #tpu.memory_space<hbm>>
      %dma_wait3A_109 = arith.constant 0 : i32
      %dma_wait3A_110 = arith.constant 0 : i32
      %dma_wait3A_111 = tpu.memref_slice %arg3[%add3A, %dma_wait3A_109, %dma_wait3A_110] : memref<32x40x512xi32, #tpu.memory_space<hbm>> -> memref<1x40x512xi32, #tpu.memory_space<hbm>>
      %dma_wait3A_112 = tpu.memref_squeeze %dma_wait3A_111 : memref<1x40x512xi32, #tpu.memory_space<hbm>> -> memref<40x512xi32, #tpu.memory_space<hbm>>
      tpu.wait_dma2 semaphore(%run_scoped3A_96 : memref<!tpu.dma_semaphore, #tpu.memory_space<semaphore_mem>>) src(%dma_wait3A_112 : memref<40x512xi32, #tpu.memory_space<hbm>>) dst(%arg6 : memref<40x512xi32, #tpu.memory_space<vmem>>)
      tpu.yield
    }) : () -> ()
    "tpu.region"() ({
      %run_scoped3A_96 = tpu.sem_alloc : memref<!tpu.dma_semaphore, #tpu.memory_space<semaphore_mem>>
      %dma_start3A_97 = arith.constant 0 : i32
      %dma_start3A_98 = arith.constant 0 : i32
      %dma_start3A_99 = tpu.memref_slice %arg4[%add3A, %dma_start3A_97, %dma_start3A_98] : memref<32x40x512xi32, #tpu.memory_space<hbm>> -> memref<1x40x512xi32, #tpu.memory_space<hbm>>
      %dma_start3A_100 = tpu.memref_squeeze %dma_start3A_99 : memref<1x40x512xi32, #tpu.memory_space<hbm>> -> memref<40x512xi32, #tpu.memory_space<hbm>>
      %dma_start3A_101 = arith.constant 0 : i32
      %dma_start3A_102 = arith.constant 0 : i32
      %dma_start3A_103 = tpu.memref_slice %arg4[%add3A, %dma_start3A_101, %dma_start3A_102] : memref<32x40x512xi32, #tpu.memory_space<hbm>> -> memref<1x40x512xi32, #tpu.memory_space<hbm>>
      %dma_start3A_104 = tpu.memref_squeeze %dma_start3A_103 : memref<1x40x512xi32, #tpu.memory_space<hbm>> -> memref<40x512xi32, #tpu.memory_space<hbm>>
      tpu.enqueue_dma source(%dma_start3A_104 : memref<40x512xi32, #tpu.memory_space<hbm>>) target(%arg7 : memref<40x512xi32, #tpu.memory_space<vmem>>) target_semaphore(%run_scoped3A_96 : memref<!tpu.dma_semaphore, #tpu.memory_space<semaphore_mem>>)
      %dma_wait3A_105 = arith.constant 0 : i32
      %dma_wait3A_106 = arith.constant 0 : i32
      %dma_wait3A_107 = tpu.memref_slice %arg4[%add3A, %dma_wait3A_105, %dma_wait3A_106] : memref<32x40x512xi32, #tpu.memory_space<hbm>> -> memref<1x40x512xi32, #tpu.memory_space<hbm>>
      %dma_wait3A_108 = tpu.memref_squeeze %dma_wait3A_107 : memref<1x40x512xi32, #tpu.memory_space<hbm>> -> memref<40x512xi32, #tpu.memory_space<hbm>>
      %dma_wait3A_109 = arith.constant 0 : i32
      %dma_wait3A_110 = arith.constant 0 : i32
      %dma_wait3A_111 = tpu.memref_slice %arg4[%add3A, %dma_wait3A_109, %dma_wait3A_110] : memref<32x40x512xi32, #tpu.memory_space<hbm>> -> memref<1x40x512xi32, #tpu.memory_space<hbm>>
      %dma_wait3A_112 = tpu.memref_squeeze %dma_wait3A_111 : memref<1x40x512xi32, #tpu.memory_space<hbm>> -> memref<40x512xi32, #tpu.memory_space<hbm>>
      tpu.wait_dma2 semaphore(%run_scoped3A_96 : memref<!tpu.dma_semaphore, #tpu.memory_space<semaphore_mem>>) src(%dma_wait3A_112 : memref<40x512xi32, #tpu.memory_space<hbm>>) dst(%arg7 : memref<40x512xi32, #tpu.memory_space<vmem>>)
      tpu.yield
    }) : () -> ()
    %mul3A_1 = arith.constant 640 : i32
    %mul3A_2 = arith.muli %arg1, %mul3A_1 : i32
    %mul3A_3 = arith.constant 640 : i32
    %mul3A_4 = arith.muli %arg1, %mul3A_3 : i32
    %run_scoped3A = arith.constant 0 : i32
    "tpu.region"() ({
      %run_scoped3A_96 = tpu.sem_alloc : memref<!tpu.dma_semaphore, #tpu.memory_space<semaphore_mem>>
      %dma_start3A_97 = arith.constant 0 : i32
      %dma_start3A_98 = tpu.memref_slice %arg10[%mul3A_4, %dma_start3A_97] : memref<10240x16xf32, #tpu.memory_space<vmem_shared>> -> memref<320x16xf32, #tpu.memory_space<vmem_shared>>
      %dma_start3A_99 = arith.constant 0 : i32
      %dma_start3A_100 = tpu.memref_slice %arg2[%run_scoped3A, %mul3A_2, %dma_start3A_99] : memref<1x10240x16xf32, #tpu.memory_space<hbm>> -> memref<1x320x16xf32, #tpu.memory_space<hbm>>
      %dma_start3A_101 = tpu.memref_squeeze %dma_start3A_100 : memref<1x320x16xf32, #tpu.memory_space<hbm>> -> memref<320x16xf32, #tpu.memory_space<hbm>>
      tpu.enqueue_dma source(%dma_start3A_101 : memref<320x16xf32, #tpu.memory_space<hbm>>) target(%dma_start3A_98 : memref<320x16xf32, #tpu.memory_space<vmem_shared>>) target_semaphore(%run_scoped3A_96 : memref<!tpu.dma_semaphore, #tpu.memory_space<semaphore_mem>>)
      %dma_wait3A_102 = arith.constant 0 : i32
      %dma_wait3A_103 = tpu.memref_slice %arg10[%mul3A_4, %dma_wait3A_102] : memref<10240x16xf32, #tpu.memory_space<vmem_shared>> -> memref<320x16xf32, #tpu.memory_space<vmem_shared>>
      %dma_wait3A_104 = arith.constant 0 : i32
      %dma_wait3A_105 = tpu.memref_slice %arg2[%run_scoped3A, %mul3A_2, %dma_wait3A_104] : memref<1x10240x16xf32, #tpu.memory_space<hbm>> -> memref<1x320x16xf32, #tpu.memory_space<hbm>>
      %dma_wait3A_106 = tpu.memref_squeeze %dma_wait3A_105 : memref<1x320x16xf32, #tpu.memory_space<hbm>> -> memref<320x16xf32, #tpu.memory_space<hbm>>
      tpu.wait_dma2 semaphore(%run_scoped3A_96 : memref<!tpu.dma_semaphore, #tpu.memory_space<semaphore_mem>>) src(%dma_wait3A_106 : memref<320x16xf32, #tpu.memory_space<hbm>>) dst(%dma_wait3A_103 : memref<320x16xf32, #tpu.memory_space<vmem_shared>>)
      tpu.yield
    }) : () -> ()
    %mul3A_5 = arith.constant 640 : i32
    %mul3A_6 = arith.muli %arg1, %mul3A_5 : i32
    %add3A_7 = arith.constant 320 : i32
    %add3A_8 = arith.addi %mul3A_6, %add3A_7 : i32
    %mul3A_9 = arith.constant 640 : i32
    %mul3A_10 = arith.muli %arg1, %mul3A_9 : i32
    %add3A_11 = arith.constant 320 : i32
    %add3A_12 = arith.addi %mul3A_10, %add3A_11 : i32
    %run_scoped3A_13 = arith.constant 0 : i32
    "tpu.region"() ({
      %run_scoped3A_96 = tpu.sem_alloc : memref<!tpu.dma_semaphore, #tpu.memory_space<semaphore_mem>>
      %dma_start3A_97 = arith.constant 0 : i32
      %dma_start3A_98 = tpu.memref_slice %arg10[%add3A_12, %dma_start3A_97] : memref<10240x16xf32, #tpu.memory_space<vmem_shared>> -> memref<320x16xf32, #tpu.memory_space<vmem_shared>>
      %dma_start3A_99 = arith.constant 0 : i32
      %dma_start3A_100 = tpu.memref_slice %arg2[%run_scoped3A_13, %add3A_8, %dma_start3A_99] : memref<1x10240x16xf32, #tpu.memory_space<hbm>> -> memref<1x320x16xf32, #tpu.memory_space<hbm>>
      %dma_start3A_101 = tpu.memref_squeeze %dma_start3A_100 : memref<1x320x16xf32, #tpu.memory_space<hbm>> -> memref<320x16xf32, #tpu.memory_space<hbm>>
      tpu.enqueue_dma source(%dma_start3A_101 : memref<320x16xf32, #tpu.memory_space<hbm>>) target(%dma_start3A_98 : memref<320x16xf32, #tpu.memory_space<vmem_shared>>) target_semaphore(%run_scoped3A_96 : memref<!tpu.dma_semaphore, #tpu.memory_space<semaphore_mem>>)
      %dma_wait3A_102 = arith.constant 0 : i32
      %dma_wait3A_103 = tpu.memref_slice %arg10[%add3A_12, %dma_wait3A_102] : memref<10240x16xf32, #tpu.memory_space<vmem_shared>> -> memref<320x16xf32, #tpu.memory_space<vmem_shared>>
      %dma_wait3A_104 = arith.constant 0 : i32
      %dma_wait3A_105 = tpu.memref_slice %arg2[%run_scoped3A_13, %add3A_8, %dma_wait3A_104] : memref<1x10240x16xf32, #tpu.memory_space<hbm>> -> memref<1x320x16xf32, #tpu.memory_space<hbm>>
      %dma_wait3A_106 = tpu.memref_squeeze %dma_wait3A_105 : memref<1x320x16xf32, #tpu.memory_space<hbm>> -> memref<320x16xf32, #tpu.memory_space<hbm>>
      tpu.wait_dma2 semaphore(%run_scoped3A_96 : memref<!tpu.dma_semaphore, #tpu.memory_space<semaphore_mem>>) src(%dma_wait3A_106 : memref<320x16xf32, #tpu.memory_space<hbm>>) dst(%dma_wait3A_103 : memref<320x16xf32, #tpu.memory_space<vmem_shared>>)
      tpu.yield
    }) : () -> ()
    %broadcast_in_dim3A = arith.constant 0.000000e+00 : f32
    %broadcast_in_dim3A_14 = vector.broadcast %broadcast_in_dim3A : f32 to vector<16xf32>
    %scan3A = arith.constant 0 : i32
    %scan3A_15 = arith.constant 0 : i32
    %scan3A_16 = arith.constant 512 : i32
    %scan3A_17 = arith.addi %scan3A_15, %scan3A_16 : i32
    %scan3A_18 = arith.constant 1 : i32
    scf.for %scan3A_96 = %scan3A_15 to %scan3A_17 step %scan3A_18  : i32 {
      %swap3A = arith.index_cast %scan3A_96 : i32 to index
      %swap3A_97 = arith.constant 0 : index
      %swap3A_98 = tpu.vector_load %arg8[%swap3A, %swap3A_97] {strides = array<i32>} : memref<512x16xf32, #tpu.memory_space<vmem>>, vector<1x16xf32>,
      %swap3A_99 = vector.shape_cast %swap3A_98 : vector<1x16xf32> to vector<16xf32>
      %swap3A_100 = vector.shape_cast %broadcast_in_dim3A_14 : vector<16xf32> to vector<1x16xf32>
      tpu.vector_store %arg8[%swap3A, %swap3A_97], %swap3A_100 {strides = array<i32>} : memref<512x16xf32, #tpu.memory_space<vmem>>, vector<1x16xf32>,
    }
    %scan3A_19 = arith.constant 512 : i32
    %mul3A_20 = arith.constant 640 : i32
    %mul3A_21 = arith.muli %arg1, %mul3A_20 : i32
    "tpu.region"() ({
      %run_scoped3A_96 = tpu.sem_alloc : memref<!tpu.dma_semaphore, #tpu.memory_space<semaphore_mem>>
      %dma_start3A_97 = arith.constant 0 : i32
      %dma_start3A_98 = arith.constant 0 : i32
      %dma_start3A_99 = tpu.memref_slice %arg8[%dma_start3A_97, %dma_start3A_98] : memref<512x16xf32, #tpu.memory_space<vmem>> -> memref<512x16xf32, #tpu.memory_space<vmem>>
      %dma_start3A_100 = arith.constant 0 : i32
      %dma_start3A_101 = tpu.memref_slice %arg11[%mul3A_21, %dma_start3A_100] : memref<10240x16xf32, #tpu.memory_space<vmem_shared>> -> memref<512x16xf32, #tpu.memory_space<vmem_shared>>
      %dma_start3A_102 = arith.constant 0 : i32
      %dma_start3A_103 = tpu.memref_slice %arg11[%mul3A_21, %dma_start3A_102] : memref<10240x16xf32, #tpu.memory_space<vmem_shared>> -> memref<512x16xf32, #tpu.memory_space<vmem_shared>>
      %dma_start3A_104 = arith.constant 0 : i32
      %dma_start3A_105 = arith.constant 0 : i32
      %dma_start3A_106 = tpu.memref_slice %arg8[%dma_start3A_104, %dma_start3A_105] : memref<512x16xf32, #tpu.memory_space<vmem>> -> memref<512x16xf32, #tpu.memory_space<vmem>>
      tpu.enqueue_dma source(%dma_start3A_106 : memref<512x16xf32, #tpu.memory_space<vmem>>) target(%dma_start3A_103 : memref<512x16xf32, #tpu.memory_space<vmem_shared>>) target_semaphore(%run_scoped3A_96 : memref<!tpu.dma_semaphore, #tpu.memory_space<semaphore_mem>>)
      %dma_wait3A_107 = arith.constant 0 : i32
      %dma_wait3A_108 = arith.constant 0 : i32
      %dma_wait3A_109 = tpu.memref_slice %arg8[%dma_wait3A_107, %dma_wait3A_108] : memref<512x16xf32, #tpu.memory_space<vmem>> -> memref<512x16xf32, #tpu.memory_space<vmem>>
      %dma_wait3A_110 = arith.constant 0 : i32
      %dma_wait3A_111 = tpu.memref_slice %arg11[%mul3A_21, %dma_wait3A_110] : memref<10240x16xf32, #tpu.memory_space<vmem_shared>> -> memref<512x16xf32, #tpu.memory_space<vmem_shared>>
      %dma_wait3A_112 = arith.constant 0 : i32
      %dma_wait3A_113 = tpu.memref_slice %arg11[%mul3A_21, %dma_wait3A_112] : memref<10240x16xf32, #tpu.memory_space<vmem_shared>> -> memref<512x16xf32, #tpu.memory_space<vmem_shared>>
      %dma_wait3A_114 = arith.constant 0 : i32
      %dma_wait3A_115 = arith.constant 0 : i32
      %dma_wait3A_116 = tpu.memref_slice %arg8[%dma_wait3A_114, %dma_wait3A_115] : memref<512x16xf32, #tpu.memory_space<vmem>> -> memref<512x16xf32, #tpu.memory_space<vmem>>
      tpu.wait_dma2 semaphore(%run_scoped3A_96 : memref<!tpu.dma_semaphore, #tpu.memory_space<semaphore_mem>>) src(%dma_wait3A_116 : memref<512x16xf32, #tpu.memory_space<vmem>>) dst(%dma_wait3A_113 : memref<512x16xf32, #tpu.memory_space<vmem_shared>>)
      tpu.yield
    }) : () -> ()
    %mul3A_22 = arith.constant 640 : i32
    %mul3A_23 = arith.muli %arg1, %mul3A_22 : i32
    %add3A_24 = arith.constant 512 : i32
    %add3A_25 = arith.addi %mul3A_23, %add3A_24 : i32
    "tpu.region"() ({
      %run_scoped3A_96 = tpu.sem_alloc : memref<!tpu.dma_semaphore, #tpu.memory_space<semaphore_mem>>
      %dma_start3A_97 = arith.constant 0 : i32
      %dma_start3A_98 = arith.constant 0 : i32
      %dma_start3A_99 = tpu.memref_slice %arg8[%dma_start3A_97, %dma_start3A_98] : memref<512x16xf32, #tpu.memory_space<vmem>> -> memref<128x16xf32, #tpu.memory_space<vmem>>
      %dma_start3A_100 = arith.constant 0 : i32
      %dma_start3A_101 = tpu.memref_slice %arg11[%add3A_25, %dma_start3A_100] : memref<10240x16xf32, #tpu.memory_space<vmem_shared>> -> memref<128x16xf32, #tpu.memory_space<vmem_shared>>
      %dma_start3A_102 = arith.constant 0 : i32
      %dma_start3A_103 = tpu.memref_slice %arg11[%add3A_25, %dma_start3A_102] : memref<10240x16xf32, #tpu.memory_space<vmem_shared>> -> memref<128x16xf32, #tpu.memory_space<vmem_shared>>
      %dma_start3A_104 = arith.constant 0 : i32
      %dma_start3A_105 = arith.constant 0 : i32
      %dma_start3A_106 = tpu.memref_slice %arg8[%dma_start3A_104, %dma_start3A_105] : memref<512x16xf32, #tpu.memory_space<vmem>> -> memref<128x16xf32, #tpu.memory_space<vmem>>
      tpu.enqueue_dma source(%dma_start3A_106 : memref<128x16xf32, #tpu.memory_space<vmem>>) target(%dma_start3A_103 : memref<128x16xf32, #tpu.memory_space<vmem_shared>>) target_semaphore(%run_scoped3A_96 : memref<!tpu.dma_semaphore, #tpu.memory_space<semaphore_mem>>)
      %dma_wait3A_107 = arith.constant 0 : i32
      %dma_wait3A_108 = arith.constant 0 : i32
      %dma_wait3A_109 = tpu.memref_slice %arg8[%dma_wait3A_107, %dma_wait3A_108] : memref<512x16xf32, #tpu.memory_space<vmem>> -> memref<128x16xf32, #tpu.memory_space<vmem>>
      %dma_wait3A_110 = arith.constant 0 : i32
      %dma_wait3A_111 = tpu.memref_slice %arg11[%add3A_25, %dma_wait3A_110] : memref<10240x16xf32, #tpu.memory_space<vmem_shared>> -> memref<128x16xf32, #tpu.memory_space<vmem_shared>>
      %dma_wait3A_112 = arith.constant 0 : i32
      %dma_wait3A_113 = tpu.memref_slice %arg11[%add3A_25, %dma_wait3A_112] : memref<10240x16xf32, #tpu.memory_space<vmem_shared>> -> memref<128x16xf32, #tpu.memory_space<vmem_shared>>
      %dma_wait3A_114 = arith.constant 0 : i32
      %dma_wait3A_115 = arith.constant 0 : i32
      %dma_wait3A_116 = tpu.memref_slice %arg8[%dma_wait3A_114, %dma_wait3A_115] : memref<512x16xf32, #tpu.memory_space<vmem>> -> memref<128x16xf32, #tpu.memory_space<vmem>>
      tpu.wait_dma2 semaphore(%run_scoped3A_96 : memref<!tpu.dma_semaphore, #tpu.memory_space<semaphore_mem>>) src(%dma_wait3A_116 : memref<128x16xf32, #tpu.memory_space<vmem>>) dst(%dma_wait3A_113 : memref<128x16xf32, #tpu.memory_space<vmem_shared>>)
      tpu.yield
    }) : () -> ()
    %barrier3A = arith.constant 0 : index
    tpu.barrier barrier_id(%barrier3A)
    %dma_start3A = arith.constant 0 : i32
    %dma_start3A_26 = arith.constant 0 : i32
    %dma_start3A_27 = tpu.memref_slice %arg6[%dma_start3A, %dma_start3A_26] : memref<40x512xi32, #tpu.memory_space<vmem>> -> memref<1x512xi32, #tpu.memory_space<vmem>>
    %dma_start3A_28 = tpu.memref_squeeze %dma_start3A_27 : memref<1x512xi32, #tpu.memory_space<vmem>> -> memref<512xi32, #tpu.memory_space<vmem>>
    %dma_start3A_29 = arith.constant 0 : i32
    %dma_start3A_30 = arith.constant 0 : i32
    %dma_start3A_31 = tpu.memref_slice %arg10[%dma_start3A_29, %dma_start3A_30] : memref<10240x16xf32, #tpu.memory_space<vmem_shared>> -> memref<10240x16xf32, #tpu.memory_space<vmem_shared>>
    tpu.enqueue_indirect_dma source(%dma_start3A_31 : memref<10240x16xf32, #tpu.memory_space<vmem_shared>>) target(%arg8 : memref<512x16xf32, #tpu.memory_space<vmem>>) offsets(%dma_start3A_28 : memref<512xi32, #tpu.memory_space<vmem>>) semaphore(%arg12 : memref<!tpu.dma_semaphore, #tpu.memory_space<semaphore_mem>>)
    %dma_start3A_32 = arith.constant 1 : i32
    %dma_start3A_33 = arith.constant 0 : i32
    %dma_start3A_34 = tpu.memref_slice %arg6[%dma_start3A_32, %dma_start3A_33] : memref<40x512xi32, #tpu.memory_space<vmem>> -> memref<1x512xi32, #tpu.memory_space<vmem>>
    %dma_start3A_35 = tpu.memref_squeeze %dma_start3A_34 : memref<1x512xi32, #tpu.memory_space<vmem>> -> memref<512xi32, #tpu.memory_space<vmem>>
    %dma_start3A_36 = arith.constant 0 : i32
    %dma_start3A_37 = arith.constant 0 : i32
    %dma_start3A_38 = tpu.memref_slice %arg10[%dma_start3A_36, %dma_start3A_37] : memref<10240x16xf32, #tpu.memory_space<vmem_shared>> -> memref<10240x16xf32, #tpu.memory_space<vmem_shared>>
    tpu.enqueue_indirect_dma source(%dma_start3A_38 : memref<10240x16xf32, #tpu.memory_space<vmem_shared>>) target(%arg9 : memref<512x16xf32, #tpu.memory_space<vmem>>) offsets(%dma_start3A_35 : memref<512xi32, #tpu.memory_space<vmem>>) semaphore(%arg13 : memref<!tpu.dma_semaphore, #tpu.memory_space<semaphore_mem>>)
    %dma_wait3A = arith.constant 0 : i32
    %dma_wait3A_39 = arith.constant 0 : i32
    %dma_wait3A_40 = tpu.memref_slice %arg6[%dma_wait3A, %dma_wait3A_39] : memref<40x512xi32, #tpu.memory_space<vmem>> -> memref<1x512xi32, #tpu.memory_space<vmem>>
    %dma_wait3A_41 = tpu.memref_squeeze %dma_wait3A_40 : memref<1x512xi32, #tpu.memory_space<vmem>> -> memref<512xi32, #tpu.memory_space<vmem>>
    %dma_wait3A_42 = arith.constant 0 : i32
    %dma_wait3A_43 = arith.constant 0 : i32
    %dma_wait3A_44 = tpu.memref_slice %arg10[%dma_wait3A_42, %dma_wait3A_43] : memref<10240x16xf32, #tpu.memory_space<vmem_shared>> -> memref<10240x16xf32, #tpu.memory_space<vmem_shared>>
    tpu.wait_indirect_dma semaphore(%arg12 : memref<!tpu.dma_semaphore, #tpu.memory_space<semaphore_mem>>) src(%dma_wait3A_44 : memref<10240x16xf32, #tpu.memory_space<vmem_shared>>) dst(%arg8 : memref<512x16xf32, #tpu.memory_space<vmem>>)
    %dma_start3A_45 = arith.constant 0 : i32
    %dma_start3A_46 = arith.constant 0 : i32
    %dma_start3A_47 = tpu.memref_slice %arg7[%dma_start3A_45, %dma_start3A_46] : memref<40x512xi32, #tpu.memory_space<vmem>> -> memref<1x512xi32, #tpu.memory_space<vmem>>
    %dma_start3A_48 = tpu.memref_squeeze %dma_start3A_47 : memref<1x512xi32, #tpu.memory_space<vmem>> -> memref<512xi32, #tpu.memory_space<vmem>>
    %dma_start3A_49 = arith.constant 0 : i32
    %dma_start3A_50 = arith.constant 0 : i32
    %dma_start3A_51 = tpu.memref_slice %arg11[%dma_start3A_49, %dma_start3A_50] : memref<10240x16xf32, #tpu.memory_space<vmem_shared>> -> memref<10240x16xf32, #tpu.memory_space<vmem_shared>>
    tpu.enqueue_indirect_dma source(%arg8 : memref<512x16xf32, #tpu.memory_space<vmem>>) target(%dma_start3A_51 : memref<10240x16xf32, #tpu.memory_space<vmem_shared>>) offsets(%dma_start3A_48 : memref<512xi32, #tpu.memory_space<vmem>>) semaphore(%arg14 : memref<!tpu.dma_semaphore, #tpu.memory_space<semaphore_mem>>) {add = true}
    %dma_wait3A_52 = arith.constant 1 : i32
    %dma_wait3A_53 = arith.constant 0 : i32
    %dma_wait3A_54 = tpu.memref_slice %arg6[%dma_wait3A_52, %dma_wait3A_53] : memref<40x512xi32, #tpu.memory_space<vmem>> -> memref<1x512xi32, #tpu.memory_space<vmem>>
    %dma_wait3A_55 = tpu.memref_squeeze %dma_wait3A_54 : memref<1x512xi32, #tpu.memory_space<vmem>> -> memref<512xi32, #tpu.memory_space<vmem>>
    %dma_wait3A_56 = arith.constant 0 : i32
    %dma_wait3A_57 = arith.constant 0 : i32
    %dma_wait3A_58 = tpu.memref_slice %arg10[%dma_wait3A_56, %dma_wait3A_57] : memref<10240x16xf32, #tpu.memory_space<vmem_shared>> -> memref<10240x16xf32, #tpu.memory_space<vmem_shared>>
    tpu.wait_indirect_dma semaphore(%arg13 : memref<!tpu.dma_semaphore, #tpu.memory_space<semaphore_mem>>) src(%dma_wait3A_58 : memref<10240x16xf32, #tpu.memory_space<vmem_shared>>) dst(%arg9 : memref<512x16xf32, #tpu.memory_space<vmem>>)
    %dma_start3A_59 = arith.constant 1 : i32
    %dma_start3A_60 = arith.constant 0 : i32
    %dma_start3A_61 = tpu.memref_slice %arg7[%dma_start3A_59, %dma_start3A_60] : memref<40x512xi32, #tpu.memory_space<vmem>> -> memref<1x512xi32, #tpu.memory_space<vmem>>
    %dma_start3A_62 = tpu.memref_squeeze %dma_start3A_61 : memref<1x512xi32, #tpu.memory_space<vmem>> -> memref<512xi32, #tpu.memory_space<vmem>>
    %dma_start3A_63 = arith.constant 0 : i32
    %dma_start3A_64 = arith.constant 0 : i32
    %dma_start3A_65 = tpu.memref_slice %arg11[%dma_start3A_63, %dma_start3A_64] : memref<10240x16xf32, #tpu.memory_space<vmem_shared>> -> memref<10240x16xf32, #tpu.memory_space<vmem_shared>>
    tpu.enqueue_indirect_dma source(%arg9 : memref<512x16xf32, #tpu.memory_space<vmem>>) target(%dma_start3A_65 : memref<10240x16xf32, #tpu.memory_space<vmem_shared>>) offsets(%dma_start3A_62 : memref<512xi32, #tpu.memory_space<vmem>>) semaphore(%arg15 : memref<!tpu.dma_semaphore, #tpu.memory_space<semaphore_mem>>) {add = true}
    %scan3A_66 = arith.constant 0 : i32
    %scan3A_67 = arith.constant 1 : i32
    %scan3A_68 = arith.constant 19 : i32
    %scan3A_69 = arith.addi %scan3A_67, %scan3A_68 : i32
    %scan3A_70 = arith.constant 1 : i32
    scf.for %scan3A_96 = %scan3A_67 to %scan3A_69 step %scan3A_70  : i32 {
      %mul3A_97 = arith.constant 2 : i32
      %mul3A_98 = arith.muli %mul3A_97, %scan3A_96 : i32
      %add3A_99 = arith.constant 1 : i32
      %add3A_100 = arith.addi %mul3A_98, %add3A_99 : i32
      %sub3A = arith.constant 2 : i32
      %sub3A_101 = arith.subi %mul3A_98, %sub3A : i32
      %dma_wait3A_102 = arith.constant 0 : i32
      %dma_wait3A_103 = tpu.memref_slice %arg7[%sub3A_101, %dma_wait3A_102] : memref<40x512xi32, #tpu.memory_space<vmem>> -> memref<1x512xi32, #tpu.memory_space<vmem>>
      %dma_wait3A_104 = tpu.memref_squeeze %dma_wait3A_103 : memref<1x512xi32, #tpu.memory_space<vmem>> -> memref<512xi32, #tpu.memory_space<vmem>>
      %dma_wait3A_105 = arith.constant 0 : i32
      %dma_wait3A_106 = arith.constant 0 : i32
      %dma_wait3A_107 = tpu.memref_slice %arg11[%dma_wait3A_105, %dma_wait3A_106] : memref<10240x16xf32, #tpu.memory_space<vmem_shared>> -> memref<10240x16xf32, #tpu.memory_space<vmem_shared>>
      tpu.wait_indirect_dma semaphore(%arg14 : memref<!tpu.dma_semaphore, #tpu.memory_space<semaphore_mem>>) src(%arg8 : memref<512x16xf32, #tpu.memory_space<vmem>>) dst(%dma_wait3A_107 : memref<10240x16xf32, #tpu.memory_space<vmem_shared>>)
      %dma_start3A_108 = arith.constant 0 : i32
      %dma_start3A_109 = tpu.memref_slice %arg6[%mul3A_98, %dma_start3A_108] : memref<40x512xi32, #tpu.memory_space<vmem>> -> memref<1x512xi32, #tpu.memory_space<vmem>>
      %dma_start3A_110 = tpu.memref_squeeze %dma_start3A_109 : memref<1x512xi32, #tpu.memory_space<vmem>> -> memref<512xi32, #tpu.memory_space<vmem>>
      %dma_start3A_111 = arith.constant 0 : i32
      %dma_start3A_112 = arith.constant 0 : i32
      %dma_start3A_113 = tpu.memref_slice %arg10[%dma_start3A_111, %dma_start3A_112] : memref<10240x16xf32, #tpu.memory_space<vmem_shared>> -> memref<10240x16xf32, #tpu.memory_space<vmem_shared>>
      tpu.enqueue_indirect_dma source(%dma_start3A_113 : memref<10240x16xf32, #tpu.memory_space<vmem_shared>>) target(%arg8 : memref<512x16xf32, #tpu.memory_space<vmem>>) offsets(%dma_start3A_110 : memref<512xi32, #tpu.memory_space<vmem>>) semaphore(%arg12 : memref<!tpu.dma_semaphore, #tpu.memory_space<semaphore_mem>>)
      %sub3A_114 = arith.constant 2 : i32
      %sub3A_115 = arith.subi %add3A_100, %sub3A_114 : i32
      %dma_wait3A_116 = arith.constant 0 : i32
      %dma_wait3A_117 = tpu.memref_slice %arg7[%sub3A_115, %dma_wait3A_116] : memref<40x512xi32, #tpu.memory_space<vmem>> -> memref<1x512xi32, #tpu.memory_space<vmem>>
      %dma_wait3A_118 = tpu.memref_squeeze %dma_wait3A_117 : memref<1x512xi32, #tpu.memory_space<vmem>> -> memref<512xi32, #tpu.memory_space<vmem>>
      %dma_wait3A_119 = arith.constant 0 : i32
      %dma_wait3A_120 = arith.constant 0 : i32
      %dma_wait3A_121 = tpu.memref_slice %arg11[%dma_wait3A_119, %dma_wait3A_120] : memref<10240x16xf32, #tpu.memory_space<vmem_shared>> -> memref<10240x16xf32, #tpu.memory_space<vmem_shared>>
      tpu.wait_indirect_dma semaphore(%arg15 : memref<!tpu.dma_semaphore, #tpu.memory_space<semaphore_mem>>) src(%arg9 : memref<512x16xf32, #tpu.memory_space<vmem>>) dst(%dma_wait3A_121 : memref<10240x16xf32, #tpu.memory_space<vmem_shared>>)
      %dma_start3A_122 = arith.constant 0 : i32
      %dma_start3A_123 = tpu.memref_slice %arg6[%add3A_100, %dma_start3A_122] : memref<40x512xi32, #tpu.memory_space<vmem>> -> memref<1x512xi32, #tpu.memory_space<vmem>>
      %dma_start3A_124 = tpu.memref_squeeze %dma_start3A_123 : memref<1x512xi32, #tpu.memory_space<vmem>> -> memref<512xi32, #tpu.memory_space<vmem>>
      %dma_start3A_125 = arith.constant 0 : i32
      %dma_start3A_126 = arith.constant 0 : i32
      %dma_start3A_127 = tpu.memref_slice %arg10[%dma_start3A_125, %dma_start3A_126] : memref<10240x16xf32, #tpu.memory_space<vmem_shared>> -> memref<10240x16xf32, #tpu.memory_space<vmem_shared>>
      tpu.enqueue_indirect_dma source(%dma_start3A_127 : memref<10240x16xf32, #tpu.memory_space<vmem_shared>>) target(%arg9 : memref<512x16xf32, #tpu.memory_space<vmem>>) offsets(%dma_start3A_124 : memref<512xi32, #tpu.memory_space<vmem>>) semaphore(%arg13 : memref<!tpu.dma_semaphore, #tpu.memory_space<semaphore_mem>>)
      %dma_wait3A_128 = arith.constant 0 : i32
      %dma_wait3A_129 = tpu.memref_slice %arg6[%mul3A_98, %dma_wait3A_128] : memref<40x512xi32, #tpu.memory_space<vmem>> -> memref<1x512xi32, #tpu.memory_space<vmem>>
      %dma_wait3A_130 = tpu.memref_squeeze %dma_wait3A_129 : memref<1x512xi32, #tpu.memory_space<vmem>> -> memref<512xi32, #tpu.memory_space<vmem>>
      %dma_wait3A_131 = arith.constant 0 : i32
      %dma_wait3A_132 = arith.constant 0 : i32
      %dma_wait3A_133 = tpu.memref_slice %arg10[%dma_wait3A_131, %dma_wait3A_132] : memref<10240x16xf32, #tpu.memory_space<vmem_shared>> -> memref<10240x16xf32, #tpu.memory_space<vmem_shared>>
      tpu.wait_indirect_dma semaphore(%arg12 : memref<!tpu.dma_semaphore, #tpu.memory_space<semaphore_mem>>) src(%dma_wait3A_133 : memref<10240x16xf32, #tpu.memory_space<vmem_shared>>) dst(%arg8 : memref<512x16xf32, #tpu.memory_space<vmem>>)
      %dma_start3A_134 = arith.constant 0 : i32
      %dma_start3A_135 = tpu.memref_slice %arg7[%mul3A_98, %dma_start3A_134] : memref<40x512xi32, #tpu.memory_space<vmem>> -> memref<1x512xi32, #tpu.memory_space<vmem>>
      %dma_start3A_136 = tpu.memref_squeeze %dma_start3A_135 : memref<1x512xi32, #tpu.memory_space<vmem>> -> memref<512xi32, #tpu.memory_space<vmem>>
      %dma_start3A_137 = arith.constant 0 : i32
      %dma_start3A_138 = arith.constant 0 : i32
      %dma_start3A_139 = tpu.memref_slice %arg11[%dma_start3A_137, %dma_start3A_138] : memref<10240x16xf32, #tpu.memory_space<vmem_shared>> -> memref<10240x16xf32, #tpu.memory_space<vmem_shared>>
      tpu.enqueue_indirect_dma source(%arg8 : memref<512x16xf32, #tpu.memory_space<vmem>>) target(%dma_start3A_139 : memref<10240x16xf32, #tpu.memory_space<vmem_shared>>) offsets(%dma_start3A_136 : memref<512xi32, #tpu.memory_space<vmem>>) semaphore(%arg14 : memref<!tpu.dma_semaphore, #tpu.memory_space<semaphore_mem>>) {add = true}
      %dma_wait3A_140 = arith.constant 0 : i32
      %dma_wait3A_141 = tpu.memref_slice %arg6[%add3A_100, %dma_wait3A_140] : memref<40x512xi32, #tpu.memory_space<vmem>> -> memref<1x512xi32, #tpu.memory_space<vmem>>
      %dma_wait3A_142 = tpu.memref_squeeze %dma_wait3A_141 : memref<1x512xi32, #tpu.memory_space<vmem>> -> memref<512xi32, #tpu.memory_space<vmem>>
      %dma_wait3A_143 = arith.constant 0 : i32
      %dma_wait3A_144 = arith.constant 0 : i32
      %dma_wait3A_145 = tpu.memref_slice %arg10[%dma_wait3A_143, %dma_wait3A_144] : memref<10240x16xf32, #tpu.memory_space<vmem_shared>> -> memref<10240x16xf32, #tpu.memory_space<vmem_shared>>
      tpu.wait_indirect_dma semaphore(%arg13 : memref<!tpu.dma_semaphore, #tpu.memory_space<semaphore_mem>>) src(%dma_wait3A_145 : memref<10240x16xf32, #tpu.memory_space<vmem_shared>>) dst(%arg9 : memref<512x16xf32, #tpu.memory_space<vmem>>)
      %dma_start3A_146 = arith.constant 0 : i32
      %dma_start3A_147 = tpu.memref_slice %arg7[%add3A_100, %dma_start3A_146] : memref<40x512xi32, #tpu.memory_space<vmem>> -> memref<1x512xi32, #tpu.memory_space<vmem>>
      %dma_start3A_148 = tpu.memref_squeeze %dma_start3A_147 : memref<1x512xi32, #tpu.memory_space<vmem>> -> memref<512xi32, #tpu.memory_space<vmem>>
      %dma_start3A_149 = arith.constant 0 : i32
      %dma_start3A_150 = arith.constant 0 : i32
      %dma_start3A_151 = tpu.memref_slice %arg11[%dma_start3A_149, %dma_start3A_150] : memref<10240x16xf32, #tpu.memory_space<vmem_shared>> -> memref<10240x16xf32, #tpu.memory_space<vmem_shared>>
      tpu.enqueue_indirect_dma source(%arg9 : memref<512x16xf32, #tpu.memory_space<vmem>>) target(%dma_start3A_151 : memref<10240x16xf32, #tpu.memory_space<vmem_shared>>) offsets(%dma_start3A_148 : memref<512xi32, #tpu.memory_space<vmem>>) semaphore(%arg15 : memref<!tpu.dma_semaphore, #tpu.memory_space<semaphore_mem>>) {add = true}
    }
    %scan3A_71 = arith.constant 19 : i32
    %dma_wait3A_72 = arith.constant 38 : i32
    %dma_wait3A_73 = arith.constant 0 : i32
    %dma_wait3A_74 = tpu.memref_slice %arg7[%dma_wait3A_72, %dma_wait3A_73] : memref<40x512xi32, #tpu.memory_space<vmem>> -> memref<1x512xi32, #tpu.memory_space<vmem>>
    %dma_wait3A_75 = tpu.memref_squeeze %dma_wait3A_74 : memref<1x512xi32, #tpu.memory_space<vmem>> -> memref<512xi32, #tpu.memory_space<vmem>>
    %dma_wait3A_76 = arith.constant 0 : i32
    %dma_wait3A_77 = arith.constant 0 : i32
    %dma_wait3A_78 = tpu.memref_slice %arg11[%dma_wait3A_76, %dma_wait3A_77] : memref<10240x16xf32, #tpu.memory_space<vmem_shared>> -> memref<10240x16xf32, #tpu.memory_space<vmem_shared>>
    tpu.wait_indirect_dma semaphore(%arg14 : memref<!tpu.dma_semaphore, #tpu.memory_space<semaphore_mem>>) src(%arg8 : memref<512x16xf32, #tpu.memory_space<vmem>>) dst(%dma_wait3A_78 : memref<10240x16xf32, #tpu.memory_space<vmem_shared>>)
    %dma_wait3A_79 = arith.constant 39 : i32
    %dma_wait3A_80 = arith.constant 0 : i32
    %dma_wait3A_81 = tpu.memref_slice %arg7[%dma_wait3A_79, %dma_wait3A_80] : memref<40x512xi32, #tpu.memory_space<vmem>> -> memref<1x512xi32, #tpu.memory_space<vmem>>
    %dma_wait3A_82 = tpu.memref_squeeze %dma_wait3A_81 : memref<1x512xi32, #tpu.memory_space<vmem>> -> memref<512xi32, #tpu.memory_space<vmem>>
    %dma_wait3A_83 = arith.constant 0 : i32
    %dma_wait3A_84 = arith.constant 0 : i32
    %dma_wait3A_85 = tpu.memref_slice %arg11[%dma_wait3A_83, %dma_wait3A_84] : memref<10240x16xf32, #tpu.memory_space<vmem_shared>> -> memref<10240x16xf32, #tpu.memory_space<vmem_shared>>
    tpu.wait_indirect_dma semaphore(%arg15 : memref<!tpu.dma_semaphore, #tpu.memory_space<semaphore_mem>>) src(%arg9 : memref<512x16xf32, #tpu.memory_space<vmem>>) dst(%dma_wait3A_85 : memref<10240x16xf32, #tpu.memory_space<vmem_shared>>)
    %barrier3A_86 = arith.constant 0 : index
    tpu.barrier barrier_id(%barrier3A_86)
    %mul3A_87 = arith.constant 640 : i32
    %mul3A_88 = arith.muli %arg1, %mul3A_87 : i32
    "tpu.region"() ({
      %run_scoped3A_96 = tpu.sem_alloc : memref<!tpu.dma_semaphore, #tpu.memory_space<semaphore_mem>>
      %dma_start3A_97 = arith.constant 0 : i32
      %dma_start3A_98 = arith.constant 0 : i32
      %dma_start3A_99 = tpu.memref_slice %arg8[%dma_start3A_97, %dma_start3A_98] : memref<512x16xf32, #tpu.memory_space<vmem>> -> memref<512x16xf32, #tpu.memory_space<vmem>>
      %dma_start3A_100 = arith.constant 0 : i32
      %dma_start3A_101 = tpu.memref_slice %arg11[%mul3A_88, %dma_start3A_100] : memref<10240x16xf32, #tpu.memory_space<vmem_shared>> -> memref<512x16xf32, #tpu.memory_space<vmem_shared>>
      %dma_start3A_102 = arith.constant 0 : i32
      %dma_start3A_103 = arith.constant 0 : i32
      %dma_start3A_104 = tpu.memref_slice %arg8[%dma_start3A_102, %dma_start3A_103] : memref<512x16xf32, #tpu.memory_space<vmem>> -> memref<512x16xf32, #tpu.memory_space<vmem>>
      %dma_start3A_105 = arith.constant 0 : i32
      %dma_start3A_106 = tpu.memref_slice %arg11[%mul3A_88, %dma_start3A_105] : memref<10240x16xf32, #tpu.memory_space<vmem_shared>> -> memref<512x16xf32, #tpu.memory_space<vmem_shared>>
      tpu.enqueue_dma source(%dma_start3A_106 : memref<512x16xf32, #tpu.memory_space<vmem_shared>>) target(%dma_start3A_104 : memref<512x16xf32, #tpu.memory_space<vmem>>) target_semaphore(%run_scoped3A_96 : memref<!tpu.dma_semaphore, #tpu.memory_space<semaphore_mem>>)
      %dma_wait3A_107 = arith.constant 0 : i32
      %dma_wait3A_108 = arith.constant 0 : i32
      %dma_wait3A_109 = tpu.memref_slice %arg8[%dma_wait3A_107, %dma_wait3A_108] : memref<512x16xf32, #tpu.memory_space<vmem>> -> memref<512x16xf32, #tpu.memory_space<vmem>>
      %dma_wait3A_110 = arith.constant 0 : i32
      %dma_wait3A_111 = tpu.memref_slice %arg11[%mul3A_88, %dma_wait3A_110] : memref<10240x16xf32, #tpu.memory_space<vmem_shared>> -> memref<512x16xf32, #tpu.memory_space<vmem_shared>>
      %dma_wait3A_112 = arith.constant 0 : i32
      %dma_wait3A_113 = arith.constant 0 : i32
      %dma_wait3A_114 = tpu.memref_slice %arg8[%dma_wait3A_112, %dma_wait3A_113] : memref<512x16xf32, #tpu.memory_space<vmem>> -> memref<512x16xf32, #tpu.memory_space<vmem>>
      %dma_wait3A_115 = arith.constant 0 : i32
      %dma_wait3A_116 = tpu.memref_slice %arg11[%mul3A_88, %dma_wait3A_115] : memref<10240x16xf32, #tpu.memory_space<vmem_shared>> -> memref<512x16xf32, #tpu.memory_space<vmem_shared>>
      tpu.wait_dma2 semaphore(%run_scoped3A_96 : memref<!tpu.dma_semaphore, #tpu.memory_space<semaphore_mem>>) src(%dma_wait3A_116 : memref<512x16xf32, #tpu.memory_space<vmem_shared>>) dst(%dma_wait3A_114 : memref<512x16xf32, #tpu.memory_space<vmem>>)
      tpu.yield
    }) : () -> ()
    %run_scoped3A_89 = arith.constant 0 : i32
    "tpu.region"() ({
      %run_scoped3A_96 = tpu.sem_alloc : memref<!tpu.dma_semaphore, #tpu.memory_space<semaphore_mem>>
      %dma_start3A_97 = arith.constant 0 : i32
      %dma_start3A_98 = arith.constant 0 : i32
      %dma_start3A_99 = tpu.memref_slice %arg8[%dma_start3A_97, %dma_start3A_98] : memref<512x16xf32, #tpu.memory_space<vmem>> -> memref<512x16xf32, #tpu.memory_space<vmem>>
      %dma_start3A_100 = arith.constant 0 : i32
      %dma_start3A_101 = tpu.memref_slice %arg5[%arg0, %run_scoped3A_89, %mul3A_88, %dma_start3A_100] : memref<2x1x10240x16xf32, #tpu.memory_space<hbm>> -> memref<1x1x512x16xf32, #tpu.memory_space<hbm>>
      %dma_start3A_102 = tpu.memref_squeeze %dma_start3A_101 : memref<1x1x512x16xf32, #tpu.memory_space<hbm>> -> memref<512x16xf32, #tpu.memory_space<hbm>>
      %dma_start3A_103 = arith.constant 0 : i32
      %dma_start3A_104 = tpu.memref_slice %arg5[%arg0, %run_scoped3A_89, %mul3A_88, %dma_start3A_103] : memref<2x1x10240x16xf32, #tpu.memory_space<hbm>> -> memref<1x1x512x16xf32, #tpu.memory_space<hbm>>
      %dma_start3A_105 = tpu.memref_squeeze %dma_start3A_104 : memref<1x1x512x16xf32, #tpu.memory_space<hbm>> -> memref<512x16xf32, #tpu.memory_space<hbm>>
      %dma_start3A_106 = arith.constant 0 : i32
      %dma_start3A_107 = arith.constant 0 : i32
      %dma_start3A_108 = tpu.memref_slice %arg8[%dma_start3A_106, %dma_start3A_107] : memref<512x16xf32, #tpu.memory_space<vmem>> -> memref<512x16xf32, #tpu.memory_space<vmem>>
      tpu.enqueue_dma source(%dma_start3A_108 : memref<512x16xf32, #tpu.memory_space<vmem>>) target(%dma_start3A_105 : memref<512x16xf32, #tpu.memory_space<hbm>>) target_semaphore(%run_scoped3A_96 : memref<!tpu.dma_semaphore, #tpu.memory_space<semaphore_mem>>)
      %dma_wait3A_109 = arith.constant 0 : i32
      %dma_wait3A_110 = arith.constant 0 : i32
      %dma_wait3A_111 = tpu.memref_slice %arg8[%dma_wait3A_109, %dma_wait3A_110] : memref<512x16xf32, #tpu.memory_space<vmem>> -> memref<512x16xf32, #tpu.memory_space<vmem>>
      %dma_wait3A_112 = arith.constant 0 : i32
      %dma_wait3A_113 = tpu.memref_slice %arg5[%arg0, %run_scoped3A_89, %mul3A_88, %dma_wait3A_112] : memref<2x1x10240x16xf32, #tpu.memory_space<hbm>> -> memref<1x1x512x16xf32, #tpu.memory_space<hbm>>
      %dma_wait3A_114 = tpu.memref_squeeze %dma_wait3A_113 : memref<1x1x512x16xf32, #tpu.memory_space<hbm>> -> memref<512x16xf32, #tpu.memory_space<hbm>>
      %dma_wait3A_115 = arith.constant 0 : i32
      %dma_wait3A_116 = tpu.memref_slice %arg5[%arg0, %run_scoped3A_89, %mul3A_88, %dma_wait3A_115] : memref<2x1x10240x16xf32, #tpu.memory_space<hbm>> -> memref<1x1x512x16xf32, #tpu.memory_space<hbm>>
      %dma_wait3A_117 = tpu.memref_squeeze %dma_wait3A_116 : memref<1x1x512x16xf32, #tpu.memory_space<hbm>> -> memref<512x16xf32, #tpu.memory_space<hbm>>
      %dma_wait3A_118 = arith.constant 0 : i32
      %dma_wait3A_119 = arith.constant 0 : i32
      %dma_wait3A_120 = tpu.memref_slice %arg8[%dma_wait3A_118, %dma_wait3A_119] : memref<512x16xf32, #tpu.memory_space<vmem>> -> memref<512x16xf32, #tpu.memory_space<vmem>>
      tpu.wait_dma2 semaphore(%run_scoped3A_96 : memref<!tpu.dma_semaphore, #tpu.memory_space<semaphore_mem>>) src(%dma_wait3A_120 : memref<512x16xf32, #tpu.memory_space<vmem>>) dst(%dma_wait3A_117 : memref<512x16xf32, #tpu.memory_space<hbm>>)
      tpu.yield
    }) : () -> ()
    %add3A_90 = arith.constant 512 : i32
    %add3A_91 = arith.addi %mul3A_88, %add3A_90 : i32
    "tpu.region"() ({
      %run_scoped3A_96 = tpu.sem_alloc : memref<!tpu.dma_semaphore, #tpu.memory_space<semaphore_mem>>
      %dma_start3A_97 = arith.constant 0 : i32
      %dma_start3A_98 = arith.constant 0 : i32
      %dma_start3A_99 = tpu.memref_slice %arg9[%dma_start3A_97, %dma_start3A_98] : memref<512x16xf32, #tpu.memory_space<vmem>> -> memref<128x16xf32, #tpu.memory_space<vmem>>
      %dma_start3A_100 = arith.constant 0 : i32
      %dma_start3A_101 = tpu.memref_slice %arg11[%add3A_91, %dma_start3A_100] : memref<10240x16xf32, #tpu.memory_space<vmem_shared>> -> memref<128x16xf32, #tpu.memory_space<vmem_shared>>
      %dma_start3A_102 = arith.constant 0 : i32
      %dma_start3A_103 = arith.constant 0 : i32
      %dma_start3A_104 = tpu.memref_slice %arg9[%dma_start3A_102, %dma_start3A_103] : memref<512x16xf32, #tpu.memory_space<vmem>> -> memref<128x16xf32, #tpu.memory_space<vmem>>
      %dma_start3A_105 = arith.constant 0 : i32
      %dma_start3A_106 = tpu.memref_slice %arg11[%add3A_91, %dma_start3A_105] : memref<10240x16xf32, #tpu.memory_space<vmem_shared>> -> memref<128x16xf32, #tpu.memory_space<vmem_shared>>
      tpu.enqueue_dma source(%dma_start3A_106 : memref<128x16xf32, #tpu.memory_space<vmem_shared>>) target(%dma_start3A_104 : memref<128x16xf32, #tpu.memory_space<vmem>>) target_semaphore(%run_scoped3A_96 : memref<!tpu.dma_semaphore, #tpu.memory_space<semaphore_mem>>)
      %dma_wait3A_107 = arith.constant 0 : i32
      %dma_wait3A_108 = arith.constant 0 : i32
      %dma_wait3A_109 = tpu.memref_slice %arg9[%dma_wait3A_107, %dma_wait3A_108] : memref<512x16xf32, #tpu.memory_space<vmem>> -> memref<128x16xf32, #tpu.memory_space<vmem>>
      %dma_wait3A_110 = arith.constant 0 : i32
      %dma_wait3A_111 = tpu.memref_slice %arg11[%add3A_91, %dma_wait3A_110] : memref<10240x16xf32, #tpu.memory_space<vmem_shared>> -> memref<128x16xf32, #tpu.memory_space<vmem_shared>>
      %dma_wait3A_112 = arith.constant 0 : i32
      %dma_wait3A_113 = arith.constant 0 : i32
      %dma_wait3A_114 = tpu.memref_slice %arg9[%dma_wait3A_112, %dma_wait3A_113] : memref<512x16xf32, #tpu.memory_space<vmem>> -> memref<128x16xf32, #tpu.memory_space<vmem>>
      %dma_wait3A_115 = arith.constant 0 : i32
      %dma_wait3A_116 = tpu.memref_slice %arg11[%add3A_91, %dma_wait3A_115] : memref<10240x16xf32, #tpu.memory_space<vmem_shared>> -> memref<128x16xf32, #tpu.memory_space<vmem_shared>>
      tpu.wait_dma2 semaphore(%run_scoped3A_96 : memref<!tpu.dma_semaphore, #tpu.memory_space<semaphore_mem>>) src(%dma_wait3A_116 : memref<128x16xf32, #tpu.memory_space<vmem_shared>>) dst(%dma_wait3A_114 : memref<128x16xf32, #tpu.memory_space<vmem>>)
      tpu.yield
    }) : () -> ()
    %add3A_92 = arith.constant 512 : i32
    %add3A_93 = arith.addi %mul3A_88, %add3A_92 : i32
    %run_scoped3A_94 = arith.constant 0 : i32
    "tpu.region"() ({
      %run_scoped3A_96 = tpu.sem_alloc : memref<!tpu.dma_semaphore, #tpu.memory_space<semaphore_mem>>
      %dma_start3A_97 = arith.constant 0 : i32
      %dma_start3A_98 = arith.constant 0 : i32
      %dma_start3A_99 = tpu.memref_slice %arg9[%dma_start3A_97, %dma_start3A_98] : memref<512x16xf32, #tpu.memory_space<vmem>> -> memref<128x16xf32, #tpu.memory_space<vmem>>
      %dma_start3A_100 = arith.constant 0 : i32
      %dma_start3A_101 = tpu.memref_slice %arg5[%arg0, %run_scoped3A_94, %add3A_93, %dma_start3A_100] : memref<2x1x10240x16xf32, #tpu.memory_space<hbm>> -> memref<1x1x128x16xf32, #tpu.memory_space<hbm>>
      %dma_start3A_102 = tpu.memref_squeeze %dma_start3A_101 : memref<1x1x128x16xf32, #tpu.memory_space<hbm>> -> memref<128x16xf32, #tpu.memory_space<hbm>>
      %dma_start3A_103 = arith.constant 0 : i32
      %dma_start3A_104 = tpu.memref_slice %arg5[%arg0, %run_scoped3A_94, %add3A_93, %dma_start3A_103] : memref<2x1x10240x16xf32, #tpu.memory_space<hbm>> -> memref<1x1x128x16xf32, #tpu.memory_space<hbm>>
      %dma_start3A_105 = tpu.memref_squeeze %dma_start3A_104 : memref<1x1x128x16xf32, #tpu.memory_space<hbm>> -> memref<128x16xf32, #tpu.memory_space<hbm>>
      %dma_start3A_106 = arith.constant 0 : i32
      %dma_start3A_107 = arith.constant 0 : i32
      %dma_start3A_108 = tpu.memref_slice %arg9[%dma_start3A_106, %dma_start3A_107] : memref<512x16xf32, #tpu.memory_space<vmem>> -> memref<128x16xf32, #tpu.memory_space<vmem>>
      tpu.enqueue_dma source(%dma_start3A_108 : memref<128x16xf32, #tpu.memory_space<vmem>>) target(%dma_start3A_105 : memref<128x16xf32, #tpu.memory_space<hbm>>) target_semaphore(%run_scoped3A_96 : memref<!tpu.dma_semaphore, #tpu.memory_space<semaphore_mem>>)
      %dma_wait3A_109 = arith.constant 0 : i32
      %dma_wait3A_110 = arith.constant 0 : i32
      %dma_wait3A_111 = tpu.memref_slice %arg9[%dma_wait3A_109, %dma_wait3A_110] : memref<512x16xf32, #tpu.memory_space<vmem>> -> memref<128x16xf32, #tpu.memory_space<vmem>>
      %dma_wait3A_112 = arith.constant 0 : i32
      %dma_wait3A_113 = tpu.memref_slice %arg5[%arg0, %run_scoped3A_94, %add3A_93, %dma_wait3A_112] : memref<2x1x10240x16xf32, #tpu.memory_space<hbm>> -> memref<1x1x128x16xf32, #tpu.memory_space<hbm>>
      %dma_wait3A_114 = tpu.memref_squeeze %dma_wait3A_113 : memref<1x1x128x16xf32, #tpu.memory_space<hbm>> -> memref<128x16xf32, #tpu.memory_space<hbm>>
      %dma_wait3A_115 = arith.constant 0 : i32
      %dma_wait3A_116 = tpu.memref_slice %arg5[%arg0, %run_scoped3A_94, %add3A_93, %dma_wait3A_115] : memref<2x1x10240x16xf32, #tpu.memory_space<hbm>> -> memref<1x1x128x16xf32, #tpu.memory_space<hbm>>
      %dma_wait3A_117 = tpu.memref_squeeze %dma_wait3A_116 : memref<1x1x128x16xf32, #tpu.memory_space<hbm>> -> memref<128x16xf32, #tpu.memory_space<hbm>>
      %dma_wait3A_118 = arith.constant 0 : i32
      %dma_wait3A_119 = arith.constant 0 : i32
      %dma_wait3A_120 = tpu.memref_slice %arg9[%dma_wait3A_118, %dma_wait3A_119] : memref<512x16xf32, #tpu.memory_space<vmem>> -> memref<128x16xf32, #tpu.memory_space<vmem>>
      tpu.wait_dma2 semaphore(%run_scoped3A_96 : memref<!tpu.dma_semaphore, #tpu.memory_space<semaphore_mem>>) src(%dma_wait3A_120 : memref<128x16xf32, #tpu.memory_space<vmem>>) dst(%dma_wait3A_117 : memref<128x16xf32, #tpu.memory_space<hbm>>)
      tpu.yield
    }) : () -> ()
    %barrier3A_95 = arith.constant 0 : index
    tpu.barrier barrier_id(%barrier3A_95)
    return
  }
}

module attributes {stable_mosaic.version = 14 : i64} {
  func.func @_tc1_body(%arg0: memref<10240x2xf32, #tpu.memory_space<vmem>>, %arg1: memref<10240x16xf32, #tpu.memory_space<vmem>>, %arg2: memref<10240x1xf32, #tpu.memory_space<vmem>>, %arg3: memref<1x10240x16xf32, #tpu.memory_space<vmem>>) attributes {dimension_semantics = [], scalar_prefetch = 0 : i64, scratch_operands = 0 : i64, tpu.core_type = #tpu.core_type<tc>} {
    %get3A = arith.constant 0 : index
    %get3A_0 = arith.constant 0 : index
    %get3A_1 = vector.load %arg0[%get3A, %get3A_0] : memref<10240x2xf32, #tpu.memory_space<vmem>>, vector<10240x1xf32>
    %get3A_2 = arith.constant 0 : index
    %get3A_3 = arith.constant 1 : index
    %get3A_4 = vector.load %arg0[%get3A_2, %get3A_3] : memref<10240x2xf32, #tpu.memory_space<vmem>>, vector<10240x1xf32>
    %add3A = arith.addf %get3A_1, %get3A_4 : vector<10240x1xf32>
    %add3A_5 = arith.constant 1.000000e+00 : f32
    %add3A_6 = vector.broadcast %add3A_5 : f32 to vector<10240x1xf32>
    %add3A_7 = arith.addf %add3A, %add3A_6 : vector<10240x1xf32>
    %iota3A = tpu.iota {dimensions = array<i32: 0>} : vector<10240x1xi32>
    %lt3A = arith.constant 10000 : i32
    %lt3A_8 = vector.broadcast %lt3A : i32 to vector<10240x1xi32>
    %lt3A_9 = arith.cmpi slt, %iota3A, %lt3A_8 : vector<10240x1xi32>
    %rsqrt3A = math.rsqrt %add3A_7 : vector<10240x1xf32>
    %jit3A = arith.constant 0.000000e+00 : f32
    %broadcast_in_dim3A = vector.broadcast %jit3A : f32 to vector<10240x1xf32>
    %select_n3A = arith.select %lt3A_9, %rsqrt3A, %broadcast_in_dim3A : vector<10240x1xi1>, vector<10240x1xf32>
    %swap3A = arith.constant 0 : index
    %swap3A_10 = arith.constant 0 : index
    %swap3A_11 = vector.load %arg2[%swap3A, %swap3A_10] : memref<10240x1xf32, #tpu.memory_space<vmem>>, vector<10240x1xf32>
    tpu.vector_store %arg2[%swap3A, %swap3A_10], %select_n3A {strides = array<i32>} : memref<10240x1xf32, #tpu.memory_space<vmem>>, vector<10240x1xf32>,
    %get3A_12 = arith.constant 0 : index
    %get3A_13 = arith.constant 0 : index
    %get3A_14 = vector.load %arg1[%get3A_12, %get3A_13] : memref<10240x16xf32, #tpu.memory_space<vmem>>, vector<10240x16xf32>
    %mul3A = vector.broadcast %select_n3A : vector<10240x1xf32> to vector<10240x16xf32>
    %mul3A_15 = arith.mulf %mul3A, %get3A_14 : vector<10240x16xf32>
    %swap3A_16 = arith.constant 0 : index
    %swap3A_17 = arith.constant 0 : index
    %swap3A_18 = arith.constant 0 : index
    %swap3A_19 = vector.load %arg3[%swap3A_16, %swap3A_17, %swap3A_18] : memref<1x10240x16xf32, #tpu.memory_space<vmem>>, vector<1x10240x16xf32>
    %swap3A_20 = vector.shape_cast %swap3A_19 : vector<1x10240x16xf32> to vector<10240x16xf32>
    %swap3A_21 = vector.shape_cast %mul3A_15 : vector<10240x16xf32> to vector<1x10240x16xf32>
    tpu.vector_store %arg3[%swap3A_16, %swap3A_17, %swap3A_18], %swap3A_21 {strides = array<i32>} : memref<1x10240x16xf32, #tpu.memory_space<vmem>>, vector<1x10240x16xf32>,
    return
  }
}

module attributes {stable_mosaic.version = 14 : i64} {
  func.func @_tc2_body(%arg0: memref<2x1x10240x16xf32, #tpu.memory_space<vmem>>, %arg1: memref<1x10240x16xf32, #tpu.memory_space<vmem>>, %arg2: memref<10240x1xf32, #tpu.memory_space<vmem>>, %arg3: memref<16x128xf32, #tpu.memory_space<vmem>>, %arg4: memref<1x128xf32, #tpu.memory_space<vmem>>, %arg5: memref<2x128x32xf32, #tpu.memory_space<vmem>>, %arg6: memref<2x10240x32xf32, #tpu.memory_space<vmem>>) attributes {dimension_semantics = [], scalar_prefetch = 0 : i64, scratch_operands = 0 : i64, tpu.core_type = #tpu.core_type<tc>} {
    %get3A = arith.constant 0 : index
    %get3A_0 = arith.constant 0 : index
    %get3A_1 = vector.load %arg2[%get3A, %get3A_0] : memref<10240x1xf32, #tpu.memory_space<vmem>>, vector<10240x1xf32>
    %get3A_2 = arith.constant 0 : index
    %get3A_3 = arith.constant 0 : index
    %get3A_4 = arith.constant 0 : index
    %get3A_5 = arith.constant 0 : index
    %get3A_6 = vector.load %arg0[%get3A_2, %get3A_3, %get3A_4, %get3A_5] : memref<2x1x10240x16xf32, #tpu.memory_space<vmem>>, vector<1x1x10240x16xf32>
    %get3A_7 = vector.shape_cast %get3A_6 : vector<1x1x10240x16xf32> to vector<10240x16xf32>
    %get3A_8 = arith.constant 1 : index
    %get3A_9 = arith.constant 0 : index
    %get3A_10 = arith.constant 0 : index
    %get3A_11 = arith.constant 0 : index
    %get3A_12 = vector.load %arg0[%get3A_8, %get3A_9, %get3A_10, %get3A_11] : memref<2x1x10240x16xf32, #tpu.memory_space<vmem>>, vector<1x1x10240x16xf32>
    %get3A_13 = vector.shape_cast %get3A_12 : vector<1x1x10240x16xf32> to vector<10240x16xf32>
    %add3A = arith.addf %get3A_7, %get3A_13 : vector<10240x16xf32>
    %get3A_14 = arith.constant 0 : index
    %get3A_15 = arith.constant 0 : index
    %get3A_16 = arith.constant 0 : index
    %get3A_17 = vector.load %arg1[%get3A_14, %get3A_15, %get3A_16] : memref<1x10240x16xf32, #tpu.memory_space<vmem>>, vector<1x10240x16xf32>
    %get3A_18 = vector.shape_cast %get3A_17 : vector<1x10240x16xf32> to vector<10240x16xf32>
    %add3A_19 = arith.addf %add3A, %get3A_18 : vector<10240x16xf32>
    %mul3A = vector.broadcast %get3A_1 : vector<10240x1xf32> to vector<10240x16xf32>
    %mul3A_20 = arith.mulf %mul3A, %add3A_19 : vector<10240x16xf32>
    %get3A_21 = arith.constant 0 : index
    %get3A_22 = arith.constant 0 : index
    %get3A_23 = vector.load %arg3[%get3A_21, %get3A_22] : memref<16x128xf32, #tpu.memory_space<vmem>>, vector<16x128xf32>
    %dot_general3A = arith.constant dense<0.000000e+00> : vector<10240x128xf32>
    %dot_general3A_24 = tpu.matmul %mul3A_20, %get3A_23, %dot_general3A {dimension_numbers = #tpu.dot_dimension_numbers<[1], [0], [0], [1], [0, 0, 1, 1], [], []>, transpose_lhs_hint = false} : vector<10240x16xf32>, vector<16x128xf32>, vector<10240x128xf32> -> vector<10240x128xf32>
    %get3A_25 = arith.constant 0 : index
    %get3A_26 = arith.constant 0 : index
    %get3A_27 = vector.load %arg4[%get3A_25, %get3A_26] : memref<1x128xf32, #tpu.memory_space<vmem>>, vector<1x128xf32>
    %add3A_28 = vector.broadcast %get3A_27 : vector<1x128xf32> to vector<10240x128xf32>
    %add3A_29 = arith.addf %dot_general3A_24, %add3A_28 : vector<10240x128xf32>
    %max3A = arith.constant 0.000000e+00 : f32
    %max3A_30 = vector.broadcast %max3A : f32 to vector<10240x128xf32>
    %max3A_31 = arith.maximumf %add3A_29, %max3A_30 : vector<10240x128xf32>
    %get3A_32 = arith.constant 0 : index
    %get3A_33 = arith.constant 0 : index
    %get3A_34 = arith.constant 0 : index
    %get3A_35 = vector.load %arg5[%get3A_32, %get3A_33, %get3A_34] : memref<2x128x32xf32, #tpu.memory_space<vmem>>, vector<1x128x32xf32>
    %get3A_36 = vector.shape_cast %get3A_35 : vector<1x128x32xf32> to vector<128x32xf32>
    %dot_general3A_37 = arith.constant dense<0.000000e+00> : vector<10240x32xf32>
    %dot_general3A_38 = tpu.matmul %max3A_31, %get3A_36, %dot_general3A_37 {dimension_numbers = #tpu.dot_dimension_numbers<[1], [0], [0], [1], [0, 0, 1, 1], [], []>, transpose_lhs_hint = false} : vector<10240x128xf32>, vector<128x32xf32>, vector<10240x32xf32> -> vector<10240x32xf32>
    %mul3A_39 = vector.broadcast %get3A_1 : vector<10240x1xf32> to vector<10240x32xf32>
    %mul3A_40 = arith.mulf %mul3A_39, %dot_general3A_38 : vector<10240x32xf32>
    %swap3A = arith.constant 0 : index
    %swap3A_41 = arith.constant 0 : index
    %swap3A_42 = arith.constant 0 : index
    %swap3A_43 = vector.load %arg6[%swap3A, %swap3A_41, %swap3A_42] : memref<2x10240x32xf32, #tpu.memory_space<vmem>>, vector<1x10240x32xf32>
    %swap3A_44 = vector.shape_cast %swap3A_43 : vector<1x10240x32xf32> to vector<10240x32xf32>
    %swap3A_45 = vector.shape_cast %mul3A_40 : vector<10240x32xf32> to vector<1x10240x32xf32>
    tpu.vector_store %arg6[%swap3A, %swap3A_41, %swap3A_42], %swap3A_45 {strides = array<i32>} : memref<2x10240x32xf32, #tpu.memory_space<vmem>>, vector<1x10240x32xf32>,
    %get3A_46 = arith.constant 1 : index
    %get3A_47 = arith.constant 0 : index
    %get3A_48 = arith.constant 0 : index
    %get3A_49 = vector.load %arg5[%get3A_46, %get3A_47, %get3A_48] : memref<2x128x32xf32, #tpu.memory_space<vmem>>, vector<1x128x32xf32>
    %get3A_50 = vector.shape_cast %get3A_49 : vector<1x128x32xf32> to vector<128x32xf32>
    %dot_general3A_51 = arith.constant dense<0.000000e+00> : vector<10240x32xf32>
    %dot_general3A_52 = tpu.matmul %max3A_31, %get3A_50, %dot_general3A_51 {dimension_numbers = #tpu.dot_dimension_numbers<[1], [0], [0], [1], [0, 0, 1, 1], [], []>, transpose_lhs_hint = false} : vector<10240x128xf32>, vector<128x32xf32>, vector<10240x32xf32> -> vector<10240x32xf32>
    %mul3A_53 = vector.broadcast %get3A_1 : vector<10240x1xf32> to vector<10240x32xf32>
    %mul3A_54 = arith.mulf %mul3A_53, %dot_general3A_52 : vector<10240x32xf32>
    %swap3A_55 = arith.constant 1 : index
    %swap3A_56 = arith.constant 0 : index
    %swap3A_57 = arith.constant 0 : index
    %swap3A_58 = vector.load %arg6[%swap3A_55, %swap3A_56, %swap3A_57] : memref<2x10240x32xf32, #tpu.memory_space<vmem>>, vector<1x10240x32xf32>
    %swap3A_59 = vector.shape_cast %swap3A_58 : vector<1x10240x32xf32> to vector<10240x32xf32>
    %swap3A_60 = vector.shape_cast %mul3A_54 : vector<10240x32xf32> to vector<1x10240x32xf32>
    tpu.vector_store %arg6[%swap3A_55, %swap3A_56, %swap3A_57], %swap3A_60 {strides = array<i32>} : memref<2x10240x32xf32, #tpu.memory_space<vmem>>, vector<1x10240x32xf32>,
    return
  }
}

module attributes {stable_mosaic.version = 14 : i64} {
  func.func @_tc3_body(%arg0: memref<2x2x10240x32xf32, #tpu.memory_space<vmem>>, %arg1: memref<2x10240x32xf32, #tpu.memory_space<vmem>>, %arg2: memref<10240x1xf32, #tpu.memory_space<vmem>>, %arg3: memref<1x64xf32, #tpu.memory_space<vmem>>, %arg4: memref<64x32xf32, #tpu.memory_space<vmem>>, %arg5: memref<1x10240x32xf32, #tpu.memory_space<vmem>>) attributes {dimension_semantics = [], scalar_prefetch = 0 : i64, scratch_operands = 0 : i64, tpu.core_type = #tpu.core_type<tc>} {
    %get3A = arith.constant 0 : index
    %get3A_0 = arith.constant 0 : index
    %get3A_1 = vector.load %arg2[%get3A, %get3A_0] : memref<10240x1xf32, #tpu.memory_space<vmem>>, vector<10240x1xf32>
    %get3A_2 = arith.constant 0 : index
    %get3A_3 = arith.constant 0 : index
    %get3A_4 = arith.constant 0 : index
    %get3A_5 = arith.constant 0 : index
    %get3A_6 = vector.load %arg0[%get3A_2, %get3A_3, %get3A_4, %get3A_5] : memref<2x2x10240x32xf32, #tpu.memory_space<vmem>>, vector<1x1x10240x32xf32>
    %get3A_7 = vector.shape_cast %get3A_6 : vector<1x1x10240x32xf32> to vector<10240x32xf32>
    %get3A_8 = arith.constant 1 : index
    %get3A_9 = arith.constant 0 : index
    %get3A_10 = arith.constant 0 : index
    %get3A_11 = arith.constant 0 : index
    %get3A_12 = vector.load %arg0[%get3A_8, %get3A_9, %get3A_10, %get3A_11] : memref<2x2x10240x32xf32, #tpu.memory_space<vmem>>, vector<1x1x10240x32xf32>
    %get3A_13 = vector.shape_cast %get3A_12 : vector<1x1x10240x32xf32> to vector<10240x32xf32>
    %add3A = arith.addf %get3A_7, %get3A_13 : vector<10240x32xf32>
    %get3A_14 = arith.constant 0 : index
    %get3A_15 = arith.constant 0 : index
    %get3A_16 = arith.constant 0 : index
    %get3A_17 = vector.load %arg1[%get3A_14, %get3A_15, %get3A_16] : memref<2x10240x32xf32, #tpu.memory_space<vmem>>, vector<1x10240x32xf32>
    %get3A_18 = vector.shape_cast %get3A_17 : vector<1x10240x32xf32> to vector<10240x32xf32>
    %add3A_19 = arith.addf %add3A, %get3A_18 : vector<10240x32xf32>
    %mul3A = vector.broadcast %get3A_1 : vector<10240x1xf32> to vector<10240x32xf32>
    %mul3A_20 = arith.mulf %mul3A, %add3A_19 : vector<10240x32xf32>
    %get3A_21 = arith.constant 0 : index
    %get3A_22 = arith.constant 1 : index
    %get3A_23 = arith.constant 0 : index
    %get3A_24 = arith.constant 0 : index
    %get3A_25 = vector.load %arg0[%get3A_21, %get3A_22, %get3A_23, %get3A_24] : memref<2x2x10240x32xf32, #tpu.memory_space<vmem>>, vector<1x1x10240x32xf32>
    %get3A_26 = vector.shape_cast %get3A_25 : vector<1x1x10240x32xf32> to vector<10240x32xf32>
    %get3A_27 = arith.constant 1 : index
    %get3A_28 = arith.constant 1 : index
    %get3A_29 = arith.constant 0 : index
    %get3A_30 = arith.constant 0 : index
    %get3A_31 = vector.load %arg0[%get3A_27, %get3A_28, %get3A_29, %get3A_30] : memref<2x2x10240x32xf32, #tpu.memory_space<vmem>>, vector<1x1x10240x32xf32>
    %get3A_32 = vector.shape_cast %get3A_31 : vector<1x1x10240x32xf32> to vector<10240x32xf32>
    %add3A_33 = arith.addf %get3A_26, %get3A_32 : vector<10240x32xf32>
    %get3A_34 = arith.constant 1 : index
    %get3A_35 = arith.constant 0 : index
    %get3A_36 = arith.constant 0 : index
    %get3A_37 = vector.load %arg1[%get3A_34, %get3A_35, %get3A_36] : memref<2x10240x32xf32, #tpu.memory_space<vmem>>, vector<1x10240x32xf32>
    %get3A_38 = vector.shape_cast %get3A_37 : vector<1x10240x32xf32> to vector<10240x32xf32>
    %add3A_39 = arith.addf %add3A_33, %get3A_38 : vector<10240x32xf32>
    %mul3A_40 = vector.broadcast %get3A_1 : vector<10240x1xf32> to vector<10240x32xf32>
    %mul3A_41 = arith.mulf %mul3A_40, %add3A_39 : vector<10240x32xf32>
    %concatenate3A = tpu.concatenate %mul3A_20, %mul3A_41 in 1 : vector<10240x32xf32>, vector<10240x32xf32> -> vector<10240x64xf32>
    %get3A_42 = arith.constant 0 : index
    %get3A_43 = arith.constant 0 : index
    %get3A_44 = vector.load %arg3[%get3A_42, %get3A_43] : memref<1x64xf32, #tpu.memory_space<vmem>>, vector<1x64xf32>
    %add3A_45 = vector.broadcast %get3A_44 : vector<1x64xf32> to vector<10240x64xf32>
    %add3A_46 = arith.addf %concatenate3A, %add3A_45 : vector<10240x64xf32>
    %max3A = arith.constant 0.000000e+00 : f32
    %max3A_47 = vector.broadcast %max3A : f32 to vector<10240x64xf32>
    %max3A_48 = arith.maximumf %add3A_46, %max3A_47 : vector<10240x64xf32>
    %get3A_49 = arith.constant 0 : index
    %get3A_50 = arith.constant 0 : index
    %get3A_51 = vector.load %arg4[%get3A_49, %get3A_50] : memref<64x32xf32, #tpu.memory_space<vmem>>, vector<64x32xf32>
    %dot_general3A = arith.constant dense<0.000000e+00> : vector<10240x32xf32>
    %dot_general3A_52 = tpu.matmul %max3A_48, %get3A_51, %dot_general3A {dimension_numbers = #tpu.dot_dimension_numbers<[1], [0], [0], [1], [0, 0, 1, 1], [], []>, transpose_lhs_hint = false} : vector<10240x64xf32>, vector<64x32xf32>, vector<10240x32xf32> -> vector<10240x32xf32>
    %mul3A_53 = vector.broadcast %get3A_1 : vector<10240x1xf32> to vector<10240x32xf32>
    %mul3A_54 = arith.mulf %mul3A_53, %dot_general3A_52 : vector<10240x32xf32>
    %swap3A = arith.constant 0 : index
    %swap3A_55 = arith.constant 0 : index
    %swap3A_56 = arith.constant 0 : index
    %swap3A_57 = vector.load %arg5[%swap3A, %swap3A_55, %swap3A_56] : memref<1x10240x32xf32, #tpu.memory_space<vmem>>, vector<1x10240x32xf32>
    %swap3A_58 = vector.shape_cast %swap3A_57 : vector<1x10240x32xf32> to vector<10240x32xf32>
    %swap3A_59 = vector.shape_cast %mul3A_54 : vector<10240x32xf32> to vector<1x10240x32xf32>
    tpu.vector_store %arg5[%swap3A, %swap3A_55, %swap3A_56], %swap3A_59 {strides = array<i32>} : memref<1x10240x32xf32, #tpu.memory_space<vmem>>, vector<1x10240x32xf32>,
    return
  }
}

module attributes {stable_mosaic.version = 14 : i64} {
  func.func @_tc4_body(%arg0: memref<2x1x10240x32xf32, #tpu.memory_space<vmem>>, %arg1: memref<1x10240x32xf32, #tpu.memory_space<vmem>>, %arg2: memref<10240x1xf32, #tpu.memory_space<vmem>>, %arg3: memref<1x32xf32, #tpu.memory_space<vmem>>, %arg4: memref<32x16xf32, #tpu.memory_space<vmem>>, %arg5: memref<1x10240x16xf32, #tpu.memory_space<vmem>>) attributes {dimension_semantics = [], scalar_prefetch = 0 : i64, scratch_operands = 0 : i64, tpu.core_type = #tpu.core_type<tc>} {
    %get3A = arith.constant 0 : index
    %get3A_0 = arith.constant 0 : index
    %get3A_1 = vector.load %arg2[%get3A, %get3A_0] : memref<10240x1xf32, #tpu.memory_space<vmem>>, vector<10240x1xf32>
    %get3A_2 = arith.constant 0 : index
    %get3A_3 = arith.constant 0 : index
    %get3A_4 = arith.constant 0 : index
    %get3A_5 = arith.constant 0 : index
    %get3A_6 = vector.load %arg0[%get3A_2, %get3A_3, %get3A_4, %get3A_5] : memref<2x1x10240x32xf32, #tpu.memory_space<vmem>>, vector<1x1x10240x32xf32>
    %get3A_7 = vector.shape_cast %get3A_6 : vector<1x1x10240x32xf32> to vector<10240x32xf32>
    %get3A_8 = arith.constant 1 : index
    %get3A_9 = arith.constant 0 : index
    %get3A_10 = arith.constant 0 : index
    %get3A_11 = arith.constant 0 : index
    %get3A_12 = vector.load %arg0[%get3A_8, %get3A_9, %get3A_10, %get3A_11] : memref<2x1x10240x32xf32, #tpu.memory_space<vmem>>, vector<1x1x10240x32xf32>
    %get3A_13 = vector.shape_cast %get3A_12 : vector<1x1x10240x32xf32> to vector<10240x32xf32>
    %add3A = arith.addf %get3A_7, %get3A_13 : vector<10240x32xf32>
    %get3A_14 = arith.constant 0 : index
    %get3A_15 = arith.constant 0 : index
    %get3A_16 = arith.constant 0 : index
    %get3A_17 = vector.load %arg1[%get3A_14, %get3A_15, %get3A_16] : memref<1x10240x32xf32, #tpu.memory_space<vmem>>, vector<1x10240x32xf32>
    %get3A_18 = vector.shape_cast %get3A_17 : vector<1x10240x32xf32> to vector<10240x32xf32>
    %add3A_19 = arith.addf %add3A, %get3A_18 : vector<10240x32xf32>
    %mul3A = vector.broadcast %get3A_1 : vector<10240x1xf32> to vector<10240x32xf32>
    %mul3A_20 = arith.mulf %mul3A, %add3A_19 : vector<10240x32xf32>
    %get3A_21 = arith.constant 0 : index
    %get3A_22 = arith.constant 0 : index
    %get3A_23 = vector.load %arg3[%get3A_21, %get3A_22] : memref<1x32xf32, #tpu.memory_space<vmem>>, vector<1x32xf32>
    %add3A_24 = vector.broadcast %get3A_23 : vector<1x32xf32> to vector<10240x32xf32>
    %add3A_25 = arith.addf %mul3A_20, %add3A_24 : vector<10240x32xf32>
    %max3A = arith.constant 0.000000e+00 : f32
    %max3A_26 = vector.broadcast %max3A : f32 to vector<10240x32xf32>
    %max3A_27 = arith.maximumf %add3A_25, %max3A_26 : vector<10240x32xf32>
    %get3A_28 = arith.constant 0 : index
    %get3A_29 = arith.constant 0 : index
    %get3A_30 = vector.load %arg4[%get3A_28, %get3A_29] : memref<32x16xf32, #tpu.memory_space<vmem>>, vector<32x16xf32>
    %dot_general3A = arith.constant dense<0.000000e+00> : vector<10240x16xf32>
    %dot_general3A_31 = tpu.matmul %max3A_27, %get3A_30, %dot_general3A {dimension_numbers = #tpu.dot_dimension_numbers<[1], [0], [0], [1], [0, 0, 1, 1], [], []>, transpose_lhs_hint = false} : vector<10240x32xf32>, vector<32x16xf32>, vector<10240x16xf32> -> vector<10240x16xf32>
    %mul3A_32 = vector.broadcast %get3A_1 : vector<10240x1xf32> to vector<10240x16xf32>
    %mul3A_33 = arith.mulf %mul3A_32, %dot_general3A_31 : vector<10240x16xf32>
    %swap3A = arith.constant 0 : index
    %swap3A_34 = arith.constant 0 : index
    %swap3A_35 = arith.constant 0 : index
    %swap3A_36 = vector.load %arg5[%swap3A, %swap3A_34, %swap3A_35] : memref<1x10240x16xf32, #tpu.memory_space<vmem>>, vector<1x10240x16xf32>
    %swap3A_37 = vector.shape_cast %swap3A_36 : vector<1x10240x16xf32> to vector<10240x16xf32>
    %swap3A_38 = vector.shape_cast %mul3A_33 : vector<10240x16xf32> to vector<1x10240x16xf32>
    tpu.vector_store %arg5[%swap3A, %swap3A_34, %swap3A_35], %swap3A_38 {strides = array<i32>} : memref<1x10240x16xf32, #tpu.memory_space<vmem>>, vector<1x10240x16xf32>,
    return
  }
}

module attributes {stable_mosaic.version = 14 : i64} {
  func.func @_tc5_body(%arg0: memref<2x1x10240x16xf32, #tpu.memory_space<vmem>>, %arg1: memref<1x10240x16xf32, #tpu.memory_space<vmem>>, %arg2: memref<10240x1xf32, #tpu.memory_space<vmem>>, %arg3: memref<1x16xf32, #tpu.memory_space<vmem>>, %arg4: memref<10240x1xi32, #tpu.memory_space<vmem>>, %arg5: memref<64x3xf32, #tpu.memory_space<vmem>>) attributes {dimension_semantics = [], scalar_prefetch = 0 : i64, scratch_operands = 0 : i64, tpu.core_type = #tpu.core_type<tc>} {
    %get3A = arith.constant 0 : index
    %get3A_0 = arith.constant 0 : index
    %get3A_1 = vector.load %arg2[%get3A, %get3A_0] : memref<10240x1xf32, #tpu.memory_space<vmem>>, vector<10240x1xf32>
    %get3A_2 = arith.constant 0 : index
    %get3A_3 = arith.constant 0 : index
    %get3A_4 = arith.constant 0 : index
    %get3A_5 = arith.constant 0 : index
    %get3A_6 = vector.load %arg0[%get3A_2, %get3A_3, %get3A_4, %get3A_5] : memref<2x1x10240x16xf32, #tpu.memory_space<vmem>>, vector<1x1x10240x16xf32>
    %get3A_7 = vector.shape_cast %get3A_6 : vector<1x1x10240x16xf32> to vector<10240x16xf32>
    %get3A_8 = arith.constant 1 : index
    %get3A_9 = arith.constant 0 : index
    %get3A_10 = arith.constant 0 : index
    %get3A_11 = arith.constant 0 : index
    %get3A_12 = vector.load %arg0[%get3A_8, %get3A_9, %get3A_10, %get3A_11] : memref<2x1x10240x16xf32, #tpu.memory_space<vmem>>, vector<1x1x10240x16xf32>
    %get3A_13 = vector.shape_cast %get3A_12 : vector<1x1x10240x16xf32> to vector<10240x16xf32>
    %add3A = arith.addf %get3A_7, %get3A_13 : vector<10240x16xf32>
    %get3A_14 = arith.constant 0 : index
    %get3A_15 = arith.constant 0 : index
    %get3A_16 = arith.constant 0 : index
    %get3A_17 = vector.load %arg1[%get3A_14, %get3A_15, %get3A_16] : memref<1x10240x16xf32, #tpu.memory_space<vmem>>, vector<1x10240x16xf32>
    %get3A_18 = vector.shape_cast %get3A_17 : vector<1x10240x16xf32> to vector<10240x16xf32>
    %add3A_19 = arith.addf %add3A, %get3A_18 : vector<10240x16xf32>
    %mul3A = vector.broadcast %get3A_1 : vector<10240x1xf32> to vector<10240x16xf32>
    %mul3A_20 = arith.mulf %mul3A, %add3A_19 : vector<10240x16xf32>
    %get3A_21 = arith.constant 0 : index
    %get3A_22 = arith.constant 0 : index
    %get3A_23 = vector.load %arg3[%get3A_21, %get3A_22] : memref<1x16xf32, #tpu.memory_space<vmem>>, vector<1x16xf32>
    %add3A_24 = vector.broadcast %get3A_23 : vector<1x16xf32> to vector<10240x16xf32>
    %add3A_25 = arith.addf %mul3A_20, %add3A_24 : vector<10240x16xf32>
    %iota3A = tpu.iota {dimensions = array<i32: 1>} : vector<10240x16xi32>
    %eq3A = arith.constant 15 : i32
    %eq3A_26 = vector.broadcast %eq3A : i32 to vector<10240x16xi32>
    %eq3A_27 = arith.cmpi eq, %iota3A, %eq3A_26 : vector<10240x16xi32>
    %jit3A = arith.constant 1.000000e+00 : f32
    %broadcast_in_dim3A = vector.broadcast %jit3A : f32 to vector<10240x16xf32>
    %select_n3A = arith.select %eq3A_27, %broadcast_in_dim3A, %add3A_25 : vector<10240x16xi1>, vector<10240x16xf32>
    %iota3A_28 = tpu.iota {dimensions = array<i32: 1>} : vector<10240x64xi32>
    %get3A_29 = arith.constant 0 : index
    %get3A_30 = arith.constant 0 : index
    %get3A_31 = vector.load %arg4[%get3A_29, %get3A_30] : memref<10240x1xi32, #tpu.memory_space<vmem>>, vector<10240x1xi32>
    %eq3A_32 = vector.broadcast %get3A_31 : vector<10240x1xi32> to vector<10240x64xi32>
    %eq3A_33 = arith.cmpi eq, %eq3A_32, %iota3A_28 : vector<10240x64xi32>
    %convert_element_type3A = arith.extui %eq3A_33 : vector<10240x64xi1> to vector<10240x64xi32>
    %convert_element_type3A_34 = arith.sitofp %convert_element_type3A : vector<10240x64xi32> to vector<10240x64xf32>
    %dot_general3A = arith.constant dense<0.000000e+00> : vector<64x16xf32>
    %dot_general3A_35 = tpu.matmul %convert_element_type3A_34, %select_n3A, %dot_general3A {dimension_numbers = #tpu.dot_dimension_numbers<[0], [0], [1], [1], [0, 1, 1, 1], [], []>, transpose_lhs_hint = false} : vector<10240x64xf32>, vector<10240x16xf32>, vector<64x16xf32> -> vector<64x16xf32>
    %slice3A = vector.extract_strided_slice %dot_general3A_35 {offsets = [0, 15], sizes = [64, 1], strides = [1, 1]} : vector<64x16xf32> to vector<64x1xf32>
    %slice3A_36 = vector.extract_strided_slice %dot_general3A_35 {offsets = [0, 0], sizes = [64, 3], strides = [1, 1]} : vector<64x16xf32> to vector<64x3xf32>
    %max3A = arith.constant 1.000000e+00 : f32
    %max3A_37 = vector.broadcast %max3A : f32 to vector<64x1xf32>
    %max3A_38 = arith.maximumf %slice3A, %max3A_37 : vector<64x1xf32>
    %div3A = vector.broadcast %max3A_38 : vector<64x1xf32> to vector<64x3xf32>
    %div3A_39 = arith.divf %slice3A_36, %div3A : vector<64x3xf32>
    %reduce_max3A = arith.constant dense<0xFF800000> : vector<64xf32>
    %reduce_max3A_40 = vector.multi_reduction <maximumf>, %div3A_39, %reduce_max3A [1] : vector<64x3xf32> to vector<64xf32>
    %broadcast_in_dim3A_41 = vector.shape_cast %reduce_max3A_40 : vector<64xf32> to vector<64x1xf32>
    %sub3A = vector.broadcast %broadcast_in_dim3A_41 : vector<64x1xf32> to vector<64x3xf32>
    %sub3A_42 = arith.subf %div3A_39, %sub3A : vector<64x3xf32>
    %exp3A = math.exp %sub3A_42 : vector<64x3xf32>
    %reduce_sum3A = arith.constant dense<0.000000e+00> : vector<64xf32>
    %reduce_sum3A_43 = vector.multi_reduction <add>, %exp3A, %reduce_sum3A [1] : vector<64x3xf32> to vector<64xf32>
    %broadcast_in_dim3A_44 = vector.shape_cast %reduce_sum3A_43 : vector<64xf32> to vector<64x1xf32>
    %log3A = math.log %broadcast_in_dim3A_44 : vector<64x1xf32>
    %sub3A_45 = vector.broadcast %log3A : vector<64x1xf32> to vector<64x3xf32>
    %sub3A_46 = arith.subf %sub3A_42, %sub3A_45 : vector<64x3xf32>
    %swap3A = arith.constant 0 : index
    %swap3A_47 = arith.constant 0 : index
    %swap3A_48 = vector.load %arg5[%swap3A, %swap3A_47] : memref<64x3xf32, #tpu.memory_space<vmem>>, vector<64x3xf32>
    tpu.vector_store %arg5[%swap3A, %swap3A_47], %sub3A_46 {strides = array<i32>} : memref<64x3xf32, #tpu.memory_space<vmem>>, vector<64x3xf32>,
    return
  }
}

</mosaic_0001>

<sc_bundles>
// kernel: kernel.12.cloned.1.call-start
scs
__scs_entry_jumppad:
0x0: {  	(pc) =	sbr.rel $0x88, $3  }
0x1: {  	(tag) =	ssettag $0x0;
	lr =	simm.s32 $0x1  }
0x2: {  	[smem:$0x3F96] =	sst lr;
	_ =	strace $0xD0000000  }
0x3: {  	_ = 	snop  }
0x4: {  	_ = 	snop  }
0x5: {  	_ = 	snop  }
0x6: {  	_ = 	snop  }
0x7: {  	_ = 	snop  }
__scs_overlays_trampoline_lowered:
0x8: {  	[smem:$0x3FA5] =	sst s0  }
0x9: {  	[smem:$0x3FA6] =	sst s1  }
0xa: {  	[smem:$0x3FA7] =	sst s2  }
0xb: {  	[smem:$0x3FA8] =	sst s3  }
0xc: {  	[smem:$0x3FA9] =	sst s4  }
0xd: {  	[smem:$0x3FAA] =	sst s5  }
0xe: {  	[smem:$0x3FAB] =	sst s6  }
0xf: {  	[smem:$0x3FAC] =	sst s7  }
0x10: {  	[smem:$0x3FAD] =	sst s8  }
0x11: {  	[smem:$0x3FAE] =	sst s9;
	s0 =	simm.s32 @!p0 $0x0  }
0x12: {  	s1 =	sld [smem:$0x3F94];
	s0 =	simm.s32 @p0 $0x1  }
0x13: {  	[smem:$0x3FAF] =	sst s0;
	s0 =	simm.s32 @!p1 $0x0  }
0x14: {  	s2 =	sld [smem:$0x3F93];
	s0 =	simm.s32 @p1 $0x1  }
0x15: {  	[smem:$0x3FB0] =	sst s0;
	s0 =	simm.s32 @!p2 $0x0  }
0x16: {  	s3 =	sld [smem:$0x3FDB];
	s0 =	simm.s32 @p2 $0x1  }
0x17: {  	s4 =	simm.s32 $0x1BF5;
	[smem:$0x3FB2] =	sst s0  }
0x18: {  	s0 =	sld [smem:$0x3F95];
	_ =	swait.ge [sflag:s4], $0x0  }
0x19: {  	s7 =	sld [smem:$0x3F96]  }
0x1a: {  	s8 =	sadd.s32 $0xFFFFE003, lr  }
0x1b: {  	s9 =	sadd.s32 $0xFFFFFEF7, lr;
	s5 =	simm.s32 $0xFFFFFFFF;
	p2 =	slt.u32 s8, $0xFFFFF086  }
0x1c: {  	p1 =	slt.u32 s9, $0xF7A;
	s5 =	simm.s32 @!p2 $0x0  }
0x1d: {  	s5 =	simm.s32 @p1 $0x1;
	p0 =	seq.s32 s7, s2  }
0x1e: {  	s7 =	smul.u32 @!p0 $0xF7A, s2;
	p2 =	seq.s32 @!p0 s5, $0x0  }
0x1f: {  	s9 =	smul.u32 $0xF7A, s1;
	s8 =	simm.s32 @!p0 $0x1BF5;
	p2 =	por !p2, p0  }
0x20: {  	[sflag:s8] =	ssyncset.s32 @!p0 $0xFFFFF086;
	s6 =	sadd.s32 @!p0 s3, s7;
	s7 =	simm.s32 @!p0 $0x108  }
0x21: {  	s3 =	sadd.s32 s3, s9;
	s6 =	sadd.s32 @!p0 $0x88, s6;
	s7 =	simm.s32 @p2 $0x1082  }
0x22: {  	[simem:s7], [sflag:s8] =	dma.local @!p0 [hbm:s6], $0xF7A  }
0x23: {  	s9 =	sor.u32 $0xD0000000, s2;
	s6 =	simm.s32 $0x108;
	_ =	swait.ge @!p0 [sflag:s8], $0x0  }
0x24: {  	s3 =	sadd.s32 $0x88, s3;
	s6 =	simm.s32 @!p1 $0x1082;
	[sflag:s4] =	ssyncset.s32 $0xFFFFF086  }
0x25: {  	[simem:s6], [sflag:s4] =	dma.local [hbm:s3], $0xF7A  }
0x26: {  	[smem:$0x3F96] =	sst s1;
	(tag) =	ssettag s2;
	_ =	strace s9  }
0x27: {  	s1 =	sld [smem:$0x3FA6]  }
0x28: {  	s2 =	sld [smem:$0x3FA7]  }
0x29: {  	s4 =	sld [smem:$0x3FA9]  }
0x2a: {  	p0 =	seq.s32 s5, $0x0;
	s5 =	sld [smem:$0x3FAA]  }
0x2b: {  	s6 =	sld [smem:$0x3FAB]  }
0x2c: {  	s7 =	sld [smem:$0x3FAC]  }
0x2d: {  	s3 =	simm.s32 $0x108;
	s8 =	sld [smem:$0x3FAD]  }
0x2e: {  	s3 =	simm.s32 @!p0 $0x1082;
	s9 =	sld [smem:$0x3FAE]  }
0x2f: {  	lr =	sadd.s32 s0, s3;
	s0 =	sld [smem:$0x3FA5]  }
0x30: {  	s3 =	sld [smem:$0x3FA8]  }
0x31: {  	[smem:$0x3FB1] =	sst s10  }
0x32: {  	s10 =	sld [smem:$0x3FAF];
	_ =	sdelay $0x3  }
0x33: {  	p0 =	seq.s32 s10, $0x1;
	s10 =	sld [smem:$0x3FB1];
	_ =	sdelay $0x3  }
0x34: {  	[smem:$0x3FB1] =	sst s10  }
0x35: {  	s10 =	sld [smem:$0x3FB0];
	_ =	sdelay $0x3  }
0x36: {  	p1 =	seq.s32 s10, $0x1;
	s10 =	sld [smem:$0x3FB1];
	_ =	sdelay $0x3  }
0x37: {  	[smem:$0x3FB1] =	sst s10  }
0x38: {  	s10 =	sld [smem:$0x3FB2]  }
0x39: {  	_ = 	snop;
	(pc) =	sbr.ind lr, $3  }
0x3a: {  	_ = 	snop  }
0x3b: {  	_ = 	snop  }
0x3c: {  	p2 =	seq.s32 s10, $0x1;
	s10 =	sld [smem:$0x3FB1]  }
0x3d: {  	_ =	shalt  }
0x3e: {  	_ =	shalt  }
0x3f: {  	_ =	shalt  }
0x40: {  	_ =	shalt  }
0x41: {  	_ =	shalt  }
0x42: {  	_ =	shalt  }
0x43: {  	_ =	shalt  }
0x44: {  	_ =	shalt  }
0x45: {  	_ =	shalt  }
0x46: {  	_ =	shalt  }
0x47: {  	_ =	shalt  }
0x48: {  	_ =	shalt  }
0x49: {  	_ =	shalt  }
0x4a: {  	_ =	shalt  }
0x4b: {  	_ =	shalt  }
0x4c: {  	_ =	shalt  }
0x4d: {  	_ =	shalt  }
0x4e: {  	_ =	shalt  }
0x4f: {  	_ =	shalt  }
0x50: {  	_ =	shalt  }
0x51: {  	_ =	shalt  }
0x52: {  	_ =	shalt  }
0x53: {  	_ =	shalt  }
0x54: {  	_ =	shalt  }
0x55: {  	_ =	shalt  }
0x56: {  	_ =	shalt  }
0x57: {  	_ =	shalt  }
0x58: {  	_ =	shalt  }
0x59: {  	_ =	shalt  }
0x5a: {  	_ =	shalt  }
0x5b: {  	_ =	shalt  }
0x5c: {  	_ =	shalt  }
0x5d: {  	_ =	shalt  }
0x5e: {  	_ =	shalt  }
0x5f: {  	_ =	shalt  }
0x60: {  	_ =	shalt  }
0x61: {  	_ =	shalt  }
0x62: {  	_ =	shalt  }
0x63: {  	_ =	shalt  }
0x64: {  	_ =	shalt  }
0x65: {  	_ =	shalt  }
0x66: {  	_ =	shalt  }
0x67: {  	_ =	shalt  }
0x68: {  	_ =	shalt  }
0x69: {  	_ =	shalt  }
0x6a: {  	_ =	shalt  }
0x6b: {  	_ =	shalt  }
0x6c: {  	_ =	shalt  }
0x6d: {  	_ =	shalt  }
0x6e: {  	_ =	shalt  }
0x6f: {  	_ =	shalt  }
0x70: {  	_ =	shalt  }
0x71: {  	_ =	shalt  }
0x72: {  	_ =	shalt  }
0x73: {  	_ =	shalt  }
0x74: {  	_ =	shalt  }
0x75: {  	_ =	shalt  }
0x76: {  	_ =	shalt  }
0x77: {  	_ =	shalt  }
0x78: {  	_ =	shalt  }
0x79: {  	_ =	shalt  }
0x7a: {  	_ =	shalt  }
0x7b: {  	_ =	shalt  }
0x7c: {  	_ =	shalt  }
0x7d: {  	_ =	shalt  }
0x7e: {  	_ =	shalt  }
0x7f: {  	_ =	shalt  }
0x80: {  	_ =	shalt  }
0x81: {  	_ =	shalt  }
0x82: {  	_ =	shalt  }
0x83: {  	_ =	shalt  }
0x84: {  	_ =	shalt  }
0x85: {  	_ =	shalt  }
0x86: {  	_ =	shalt  }
0x87: {  	_ =	shalt  }
.Lfunc_end0:
.L_simem_size_0:
called_computation_lowered:
.L_overlay_start_0:
0x88: {  	s2 =	sld [smem:$0x3FD9]  }
0x89: {  	s3 =	sld [smem:$0x3FFE];
	_ =	sdelay $0x1  }
0x8a: {  	s1 =	srdreg.scid  }
0x8b: {  	s0 =	sand.u32 $0x1, s1  }
0x8c: {  	s16 =	sshll.u32 s0, $0xA;
	s2 =	sadd.s32 s3, s2  }
0x8d: {  	s2 =	sadd.s32 s2, s16  }
0x8e: {  	[smem:$0x3FBD] =	sst s2  }
0x8f: {  	_ = 	snop  }
0x90: {  	(tm) =	ssettm $0x1  }
0x91: {  	s17 =	sld [smem:$0x3FFB];
	_ =	sdelay $0x3  }
0x92: {  	_ =	strace s17  }
0x93: {  	s2 =	sld [smem:$0x3FFC];
	_ =	sdelay $0x3  }
0x94: {  	_ =	strace s2  }
0x95: {  	s2 =	sld [smem:$0x3FFD];
	_ =	sdelay $0x3  }
0x96: {  	_ =	strace s2  }
0x97: {  	_ =	strace $0x8FFFFFFF  }
0x98: {  	s18 =	sld [smem:$0x3FDB];
	_ =	sdelay $0x1  }
0x99: {  	s19 =	simm.s32 $_scs_section_size  }
0x9a: {  	s4 =	simm.s32 $_size__tile_overlayer_lowered;
	s5 =	simm.s32 $_tile_overlayer_lowered  }
0x9b: {  	s22 =	simm.s32 $0x1BFF;
	s21 =	sshll.u32 s5, $0x1;
	s2 =	sadd.s32 s19, s18  }
0x9c: {  	s6 =	simm.s32 $0x0;
	s20 =	sshll.u32 s4, $0x1;
	s4 =	sadd.s32 s21, s2  }
0x9d: {  	[timem:s6], [sflag:s22] =	dma.local [hbm:s4], s20  }
0x9e: {  	_ =	swait.ge [sflag:s22], s20  }
0x9f: {  	s3 =	ssub.s32 $0x0, s20;
	[sflag:s22] =	ssyncset.done $0x0  }
0xa0: {  	[sflag:s22] =	ssyncadd.s32 s3;
	_ =	sdelay $0x1  }
0xa1: {  	s23 =	simm.s32 $0x1B8B  }
0xa2: {  	_ =	swait.ge [sflag:s23], $0x1  }
0xa3: {  	[sflag:s23] =	ssyncset.done $0x0  }
0xa4: {  	s25 =	simm.s32 $0x1B8E;
	s24 =	sld [smem:$0x3FFE];
	[sflag:s23] =	ssyncadd.s32 $0xFFFFFFFF  }
0xa5: {  	s26 =	simm.s32 $execute0_lowered;
	[smem:$0x3FD2] =	sst s25  }
0xa6: {  	s4 =	sshll.u32 s26, $0x1;
	_ =	strace $0x80000046;
	[dreg:$0x1] =	wrdreg $0xFFFFFFFF  }
0xa7: {  	s28 =	simm.s32 $_size_execute0_lowered;
	s2 =	sadd.s32 s2, s4;
	[dreg:$0x0] =	wrdreg $0x0  }
0xa8: {  	s4 =	sshll.u32 s28, $0x1;
	[dreg:$0x2] =	wrdreg s2  }
0xa9: {  	[dreg:$0x3] =	wrdreg s4  }
0xaa: {  	[dreg:$0x4] =	wrdreg $0xC0  }
0xab: {  	_ =	task [dreg:s6], $0x5FFFF  }
0xac: {  	[dreg:$0x1] =	wrdreg $0xFFFFFFFF  }
0xad: {  	[dreg:$0x0] =	wrdreg $0x60  }
0xae: {  	[dreg:$0x2] =	wrdreg s24  }
0xaf: {  	[dreg:$0x3] =	wrdreg $0x54000  }
0xb0: {  	[dreg:$0x4] =	wrdreg $0x9  }
0xb1: {  	_ =	task.clear_ibuf [dreg:s6], $0x5FFFF;
	_ =	strace $0x90000046  }
0xb2: {  	s29 =	simm.s32 $0x9;
	_ =	strace $0x80000048  }
0xb3: {  	_ =	swait.ge [sflag:s29], $0x1  }
0xb4: {  	[sflag:s29] =	ssyncadd.s32 $0xFFFFFFFF  }
0xb5: {  	_ =	strace $0x90000048  }
0xb6: {  	_ =	sfence  }
0xb7: {  	s30 =	sld [smem:$0x0];
	_ =	sdelay $0x2  }
0xb8: {  	s31 =	sshll.u32 s1, $0xD;
	s1 =	sshrl.u32 s1, $0x2  }
0xb9: {  	s3 =	sand.u32 $0x4000, s31;
	s1 =	sadd.s32 s1, s30  }
0xba: {  	s0 =	sor.u32 s3, s0;
	s1 =	sshll.u32 s1, $0x11  }
0xbb: {  	s0 =	sor.u32 s1, s0  }
0xbc: {  	s0 =	sadd.s32 $0x8F2B, s0  }
0xbd: {  	[sflag:s0] =	ssyncadd.remote.s32 $0x1  }
0xbe: {  	_ =	sfence.sel $0xFFFF  }
0xbf: {  	[dreg:$0x0] =	wrdreg $0xFFFFFFFF;
	(pc) =	sbr.abs _section_cstart, $3  }
0xc0: {  	[dreg:$0x1] =	wrdreg $0xFFFFFFFF  }
0xc1: {  	_ =	task.clear_ibuf [dreg:s6], $0x2FFFF;
	_ =	strace $0x9FFFFFFF  }
0xc2: {  	(tm) =	ssettm $0x7FFFFFFF  }
0xc3: {  	_ =	shalt  }
tec
execute0_lowered:
.L_overlay_start_1:
0x0: {  	(tag) =	ssettag $0x1  }
0x1: {  	s4 =	rddreg [dreg:$0x0];
	s1 =	srdreg.scid  }
0x2: {  	s0 =	stileid.u32;
	s2 =	rddreg [dreg:$0x1];
	s3 =	simm.s32 $0x0  }
0x3: {  	s12 =	simm.s32 $0x200;
	s13 =	simm.s32 $0x5000;
	s14 =	simm.s32 $0x0  }
0x4: {  	s5 =	sand.u32 $0x1, s1;
	s6 =	sshll.u32 s0, $0x1;
	s1 =	rddreg [dreg:$0x2]  }
0x5: {  	[smem:$0x7FF] =	sst s3;
	s8 =	smul.u32 $0x280, s0;
	s10 =	sadd.s32 $0x2BA00, s4  }
0x6: {  	s6 =	sor.u32 s5, s6;
	s7 =	ssub.s32 $0x2, s5;
	s5 =	smul.u32 $0x2800, s5  }
0x7: {  	s6 =	smul.u32 $0xA00, s6;
	s9 =	sshrl.u32 s7, $0x1;
	s29 =	sadd.s32 $0x200, s8  }
0x8: {  	_ =	strace $0x80000047;
	s9 =	ssub.s32 s7, s9;
	s11 =	sadd.s32 s5, s29  }
0x9: {  	s6 =	sadd.s32 s6, s4;
	s4 =	sadd.s32 s8, s2;
	s8 =	sadd.s32 s8, s5  }
0xa: {  	s5 =	sadd.s32 s29, s2;
	s31 =	sshrl.u32 s11, $0x3;
	s9 =	smax.u32 s9, $0x1  }
0xb: {  	s11 =	simm.s32 $0x1;
	s30 =	sshrl.u32 s8, $0x3;
	s6 =	sadd.s32 $0x17A00, s6  }
0xc: {  	v0 =	vimm.f32 $1.000000000e+00;
	v1 =	vimm.f32 $0.0e+00;
	s8 =	sadd.s32 s10, s31;
	s7 =	sadd.s32 s10, s30;
	s10 =	simm.s32 $0x5200  }
.LBB2_1:
0xd: {  	[tilespmem:$0x5000] =	vst v0  }
0xe: {  	[tilespmem:$0x5200] =	vst v1  }
0xf: {  	[tilespmem:$0x5010] =	vst v0  }
0x10: {  	[tilespmem:$0x5210] =	vst v1  }
0x11: {  	[tilespmem:$0x5020] =	vst v0  }
0x12: {  	[tilespmem:$0x5220] =	vst v1  }
0x13: {  	[tilespmem:$0x5030] =	vst v0  }
0x14: {  	[tilespmem:$0x5230] =	vst v1  }
0x15: {  	[tilespmem:$0x5040] =	vst v0  }
0x16: {  	[tilespmem:$0x5240] =	vst v1  }
0x17: {  	[tilespmem:$0x5050] =	vst v0  }
0x18: {  	[tilespmem:$0x5250] =	vst v1  }
0x19: {  	[tilespmem:$0x5060] =	vst v0  }
0x1a: {  	[tilespmem:$0x5260] =	vst v1  }
0x1b: {  	[tilespmem:$0x5070] =	vst v0  }
0x1c: {  	[tilespmem:$0x5270] =	vst v1  }
0x1d: {  	[tilespmem:$0x5080] =	vst v0  }
0x1e: {  	[tilespmem:$0x5280] =	vst v1  }
0x1f: {  	[tilespmem:$0x5090] =	vst v0  }
0x20: {  	[tilespmem:$0x5290] =	vst v1  }
0x21: {  	[tilespmem:$0x50A0] =	vst v0  }
0x22: {  	[tilespmem:$0x52A0] =	vst v1  }
0x23: {  	[tilespmem:$0x50B0] =	vst v0  }
0x24: {  	[tilespmem:$0x52B0] =	vst v1  }
0x25: {  	[tilespmem:$0x50C0] =	vst v0  }
0x26: {  	[tilespmem:$0x52C0] =	vst v1  }
0x27: {  	[tilespmem:$0x50D0] =	vst v0  }
0x28: {  	[tilespmem:$0x52D0] =	vst v1  }
0x29: {  	[tilespmem:$0x50E0] =	vst v0  }
0x2a: {  	[tilespmem:$0x52E0] =	vst v1  }
0x2b: {  	[tilespmem:$0x50F0] =	vst v0  }
0x2c: {  	[tilespmem:$0x52F0] =	vst v1  }
0x2d: {  	[tilespmem:$0x5100] =	vst v0  }
0x2e: {  	[tilespmem:$0x5300] =	vst v1  }
0x2f: {  	[tilespmem:$0x5110] =	vst v0  }
0x30: {  	[tilespmem:$0x5310] =	vst v1  }
0x31: {  	[tilespmem:$0x5120] =	vst v0  }
0x32: {  	[tilespmem:$0x5320] =	vst v1  }
0x33: {  	[tilespmem:$0x5130] =	vst v0  }
0x34: {  	[tilespmem:$0x5330] =	vst v1  }
0x35: {  	[tilespmem:$0x5140] =	vst v0  }
0x36: {  	[tilespmem:$0x5340] =	vst v1  }
0x37: {  	[tilespmem:$0x5150] =	vst v0  }
0x38: {  	[tilespmem:$0x5350] =	vst v1  }
0x39: {  	[tilespmem:$0x5160] =	vst v0  }
0x3a: {  	[tilespmem:$0x5360] =	vst v1  }
0x3b: {  	[tilespmem:$0x5170] =	vst v0  }
0x3c: {  	[tilespmem:$0x5370] =	vst v1  }
0x3d: {  	[tilespmem:$0x5180] =	vst v0  }
0x3e: {  	[tilespmem:$0x5380] =	vst v1  }
0x3f: {  	[tilespmem:$0x5190] =	vst v0  }
0x40: {  	[tilespmem:$0x5390] =	vst v1  }
0x41: {  	[tilespmem:$0x51A0] =	vst v0  }
0x42: {  	[tilespmem:$0x53A0] =	vst v1  }
0x43: {  	[tilespmem:$0x51B0] =	vst v0  }
0x44: {  	[tilespmem:$0x53B0] =	vst v1  }
0x45: {  	[tilespmem:$0x51C0] =	vst v0  }
0x46: {  	[tilespmem:$0x53C0] =	vst v1  }
0x47: {  	[tilespmem:$0x51D0] =	vst v0  }
0x48: {  	[tilespmem:$0x53D0] =	vst v1  }
0x49: {  	[tilespmem:$0x51E0] =	vst v0  }
0x4a: {  	[tilespmem:$0x53E0] =	vst v1  }
0x4b: {  	[tilespmem:$0x51F0] =	vst v0  }
0x4c: {  	[tilespmem:$0x53F0] =	vst v1  }
0x4d: {  	[spmem:s4] =	stream.linear.scatter [tilespmem:s10], [sflag:$0x1], $0x200, $0x38;
	[tilespmem:$0x5680] =	vst v63  }
0x4e: {  	_ =	swait.ge [sflag:s11], $0x200  }
0x4f: {  	[sflag:s11] =	ssyncset.done $0x0  }
0x50: {  	[sflag:s11] =	ssyncadd.s32 $0xFFFFFE00  }
0x51: {  	[spmem:s5] =	stream.linear.scatter [tilespmem:s10], [sflag:$0x1], $0x80, $0x38;
	[tilespmem:$0x5680] =	vst v63  }
0x52: {  	_ =	swait.ge [sflag:s11], $0x80  }
0x53: {  	[sflag:s11] =	ssyncset.done $0x0  }
0x54: {  	[sflag:s11] =	ssyncadd.s32 $0xFFFFFF80  }
0x55: {  	[tilespmem:s3], [sflag:$0x1] =	stream.linear.gather [hbm4b:s6+s3], $0x5000, $0x38;
	[tilespmem:$0x5680] =	vst v63  }
0x56: {  	_ =	swait.ge [sflag:s11], $0x5000  }
0x57: {  	[sflag:s11] =	ssyncset.done $0x0  }
0x58: {  	[sflag:s11] =	ssyncadd.s32 $0xFFFFB000  }
0x59: {  	s15 =	simm.s32 $0x0;
	[bflag:$0x0] =	sbarrier.arrive $0xFFFF  }
0x5a: {  	[spmem:s2] =	stream.indirect.scatter.add.f32 [tilespmem:s13], [sflag:$0x1], $0x1, s15, s12, $0xb8;
	[tilespmem:$0x5680] =	vst v63  }
0x5b: {  	_ =	swait.ge [sflag:s11], $0x200  }
0x5c: {  	s15 =	simm.s32 $0x800;
	[sflag:s11] =	ssyncset.done $0x0  }
.LBB2_2:
0x5d: {  	s16 =	sshra.s32 s15, $0x2;
	[sflag:s11] =	ssyncadd.s32 $0xFFFFFE00;
	p0 =	sne.s32 s15, $0x13800  }
0x5e: {  	[spmem:s2] =	stream.indirect.scatter.add.f32 [tilespmem:s13], [sflag:$0x1], $0x1, s16, s12, $0xb8;
	[tilespmem:$0x5680] =	vst v63  }
.Ltmp0:
0x5f: {  	_ = 	snop;
	(pc) =	sbr.rel @p0 .LBB2_2-.Ltmp0, $4  }
0x60: {  	_ = 	snop  }
0x61: {  	s15 =	sadd.s32 $0x800, s15  }
0x62: {  	_ =	swait.ge [sflag:s11], $0x200  }
0x63: {  	[sflag:s11] =	ssyncset.done $0x0  }
0x64: {  	[sflag:s11] =	ssyncadd.s32 $0xFFFFFE00  }
0x65: {  	[bflag:$0x0] =	sbarrier.arrive $0xFFFF  }
0x66: {  	[tilespmem:s10], [sflag:$0x1] =	stream.linear.gather [spmem:s4], $0x200, $0x38;
	[tilespmem:$0x5680] =	vst v63  }
0x67: {  	_ =	swait.ge [sflag:s11], $0x200  }
0x68: {  	[sflag:s11] =	ssyncset.done $0x0  }
0x69: {  	[sflag:s11] =	ssyncadd.s32 $0xFFFFFE00  }
0x6a: {  	[hbm4b:s7+s3] =	stream.linear.scatter [tilespmem:s10], [sflag:$0x1], $0x200, $0x38;
	[tilespmem:$0x5680] =	vst v63  }
0x6b: {  	_ =	swait.ge [sflag:s11], $0x200  }
0x6c: {  	[sflag:s11] =	ssyncset.done $0x0  }
0x6d: {  	[sflag:s11] =	ssyncadd.s32 $0xFFFFFE00  }
0x6e: {  	[tilespmem:s10], [sflag:$0x1] =	stream.linear.gather [spmem:s5], $0x80, $0x38;
	[tilespmem:$0x5680] =	vst v63  }
0x6f: {  	s14 =	sadd.s32 $0x1, s14;
	_ =	swait.ge [sflag:s11], $0x80  }
0x70: {  	p0 =	sne.s32 s14, s9;
	[sflag:s11] =	ssyncset.done $0x0  }
.Ltmp1:
0x71: {  	[sflag:s11] =	ssyncadd.s32 $0xFFFFFF80;
	(pc) =	sbr.rel @p0 .LBB2_1-.Ltmp1, $4  }
0x72: {  	[hbm4b:s8+s3] =	stream.linear.scatter [tilespmem:s10], [sflag:$0x1], $0x80, $0x38;
	[tilespmem:$0x5680] =	vst v63  }
0x73: {  	_ =	swait.ge [sflag:s11], $0x80  }
0x74: {  	[sflag:s11] =	ssyncset.done $0x0  }
0x75: {  	[sflag:s11] =	ssyncadd.s32 $0xFFFFFF80  }
0x76: {  	_ =	sfence.sel $0x180000  }
0x77: {  	[bflag:$0x0] =	sbarrier.arrive $0xFFFF  }
0x78: {  	p0 =	sne.s32 s0, $0x0;
	_ =	strace $0x90000047  }
0x79: {  	s0 =	sadd.s32 @!p0 $0x100000, s1;
	[bflag:$0x2] =	sbarrier.arrive $0xFFFF  }
0x7a: {  	[sflag:s0] =	ssyncadd.tile.s32 @!p0 $0x1;
	_ =	shalt  }
.Lfunc_end2:
_tile_overlayer_lowered:
.L_overlay_start_2:
0x7b: {  	(tag) =	ssettag $0x2  }
0x7c: {  	s0 =	rddreg [dreg:$0x0];
	s2 =	stileid.u32  }
0x7d: {  	s1 =	rddreg [dreg:$0x1];
	p0 =	sne.s32 s2, $0x0  }
0x7e: {  	s3 =	rddreg [dreg:$0x2];
	[bflag:$0x3] =	sbarrier.arrive $0xFFFF;
	s2 =	simm.s32 @!p0 $0x1C01  }
0x7f: {  	[timem:s3], [sflag:s2] =	dma.local @!p0 [hbm:s0], s1  }
0x80: {  	s0 =	simm.s32 @!p0 $0x1  }
0x81: {  	_ =	swait.ge @!p0 [sflag:s0], s1  }
0x82: {  	s1 =	ssub.s32 @!p0 $0x0, s1;
	[sflag:s0] =	ssyncset.done @!p0 $0x0  }
0x83: {  	[sflag:s0] =	ssyncadd.s32 @!p0 s1  }
0x84: {  	[bflag:$0x3] =	sbarrier.arrive $0xFFFF  }
0x85: {  	_ =	shalt  }

// kernel: kernel.15.cloned.1.call-start
scs
__scs_entry_jumppad:
0x0: {  	(pc) =	sbr.rel $0x88, $3  }
0x1: {  	(tag) =	ssettag $0x0;
	lr =	simm.s32 $0x1  }
0x2: {  	[smem:$0x3F96] =	sst lr;
	_ =	strace $0xD0000000  }
0x3: {  	_ = 	snop  }
0x4: {  	_ = 	snop  }
0x5: {  	_ = 	snop  }
0x6: {  	_ = 	snop  }
0x7: {  	_ = 	snop  }
__scs_overlays_trampoline_lowered:
0x8: {  	[smem:$0x3FA5] =	sst s0  }
0x9: {  	[smem:$0x3FA6] =	sst s1  }
0xa: {  	[smem:$0x3FA7] =	sst s2  }
0xb: {  	[smem:$0x3FA8] =	sst s3  }
0xc: {  	[smem:$0x3FA9] =	sst s4  }
0xd: {  	[smem:$0x3FAA] =	sst s5  }
0xe: {  	[smem:$0x3FAB] =	sst s6  }
0xf: {  	[smem:$0x3FAC] =	sst s7  }
0x10: {  	[smem:$0x3FAD] =	sst s8  }
0x11: {  	[smem:$0x3FAE] =	sst s9;
	s0 =	simm.s32 @!p0 $0x0  }
0x12: {  	s1 =	sld [smem:$0x3F94];
	s0 =	simm.s32 @p0 $0x1  }
0x13: {  	[smem:$0x3FAF] =	sst s0;
	s0 =	simm.s32 @!p1 $0x0  }
0x14: {  	s2 =	sld [smem:$0x3F93];
	s0 =	simm.s32 @p1 $0x1  }
0x15: {  	[smem:$0x3FB0] =	sst s0;
	s0 =	simm.s32 @!p2 $0x0  }
0x16: {  	s3 =	sld [smem:$0x3FDB];
	s0 =	simm.s32 @p2 $0x1  }
0x17: {  	s4 =	simm.s32 $0x1BF5;
	[smem:$0x3FB2] =	sst s0  }
0x18: {  	s0 =	sld [smem:$0x3F95];
	_ =	swait.ge [sflag:s4], $0x0  }
0x19: {  	s7 =	sld [smem:$0x3F96]  }
0x1a: {  	s8 =	sadd.s32 $0xFFFFE003, lr  }
0x1b: {  	s9 =	sadd.s32 $0xFFFFFEF7, lr;
	s5 =	simm.s32 $0xFFFFFFFF;
	p2 =	slt.u32 s8, $0xFFFFF086  }
0x1c: {  	p1 =	slt.u32 s9, $0xF7A;
	s5 =	simm.s32 @!p2 $0x0  }
0x1d: {  	s5 =	simm.s32 @p1 $0x1;
	p0 =	seq.s32 s7, s2  }
0x1e: {  	s7 =	smul.u32 @!p0 $0xF7A, s2;
	p2 =	seq.s32 @!p0 s5, $0x0  }
0x1f: {  	s9 =	smul.u32 $0xF7A, s1;
	s8 =	simm.s32 @!p0 $0x1BF5;
	p2 =	por !p2, p0  }
0x20: {  	[sflag:s8] =	ssyncset.s32 @!p0 $0xFFFFF086;
	s6 =	sadd.s32 @!p0 s3, s7;
	s7 =	simm.s32 @!p0 $0x108  }
0x21: {  	s3 =	sadd.s32 s3, s9;
	s6 =	sadd.s32 @!p0 $0x88, s6;
	s7 =	simm.s32 @p2 $0x1082  }
0x22: {  	[simem:s7], [sflag:s8] =	dma.local @!p0 [hbm:s6], $0xF7A  }
0x23: {  	s9 =	sor.u32 $0xD0000000, s2;
	s6 =	simm.s32 $0x108;
	_ =	swait.ge @!p0 [sflag:s8], $0x0  }
0x24: {  	s3 =	sadd.s32 $0x88, s3;
	s6 =	simm.s32 @!p1 $0x1082;
	[sflag:s4] =	ssyncset.s32 $0xFFFFF086  }
0x25: {  	[simem:s6], [sflag:s4] =	dma.local [hbm:s3], $0xF7A  }
0x26: {  	[smem:$0x3F96] =	sst s1;
	(tag) =	ssettag s2;
	_ =	strace s9  }
0x27: {  	s1 =	sld [smem:$0x3FA6]  }
0x28: {  	s2 =	sld [smem:$0x3FA7]  }
0x29: {  	s4 =	sld [smem:$0x3FA9]  }
0x2a: {  	p0 =	seq.s32 s5, $0x0;
	s5 =	sld [smem:$0x3FAA]  }
0x2b: {  	s6 =	sld [smem:$0x3FAB]  }
0x2c: {  	s7 =	sld [smem:$0x3FAC]  }
0x2d: {  	s3 =	simm.s32 $0x108;
	s8 =	sld [smem:$0x3FAD]  }
0x2e: {  	s3 =	simm.s32 @!p0 $0x1082;
	s9 =	sld [smem:$0x3FAE]  }
0x2f: {  	lr =	sadd.s32 s0, s3;
	s0 =	sld [smem:$0x3FA5]  }
0x30: {  	s3 =	sld [smem:$0x3FA8]  }
0x31: {  	[smem:$0x3FB1] =	sst s10  }
0x32: {  	s10 =	sld [smem:$0x3FAF];
	_ =	sdelay $0x3  }
0x33: {  	p0 =	seq.s32 s10, $0x1;
	s10 =	sld [smem:$0x3FB1];
	_ =	sdelay $0x3  }
0x34: {  	[smem:$0x3FB1] =	sst s10  }
0x35: {  	s10 =	sld [smem:$0x3FB0];
	_ =	sdelay $0x3  }
0x36: {  	p1 =	seq.s32 s10, $0x1;
	s10 =	sld [smem:$0x3FB1];
	_ =	sdelay $0x3  }
0x37: {  	[smem:$0x3FB1] =	sst s10  }
0x38: {  	s10 =	sld [smem:$0x3FB2]  }
0x39: {  	_ = 	snop;
	(pc) =	sbr.ind lr, $3  }
0x3a: {  	_ = 	snop  }
0x3b: {  	_ = 	snop  }
0x3c: {  	p2 =	seq.s32 s10, $0x1;
	s10 =	sld [smem:$0x3FB1]  }
0x3d: {  	_ =	shalt  }
0x3e: {  	_ =	shalt  }
0x3f: {  	_ =	shalt  }
0x40: {  	_ =	shalt  }
0x41: {  	_ =	shalt  }
0x42: {  	_ =	shalt  }
0x43: {  	_ =	shalt  }
0x44: {  	_ =	shalt  }
0x45: {  	_ =	shalt  }
0x46: {  	_ =	shalt  }
0x47: {  	_ =	shalt  }
0x48: {  	_ =	shalt  }
0x49: {  	_ =	shalt  }
0x4a: {  	_ =	shalt  }
0x4b: {  	_ =	shalt  }
0x4c: {  	_ =	shalt  }
0x4d: {  	_ =	shalt  }
0x4e: {  	_ =	shalt  }
0x4f: {  	_ =	shalt  }
0x50: {  	_ =	shalt  }
0x51: {  	_ =	shalt  }
0x52: {  	_ =	shalt  }
0x53: {  	_ =	shalt  }
0x54: {  	_ =	shalt  }
0x55: {  	_ =	shalt  }
0x56: {  	_ =	shalt  }
0x57: {  	_ =	shalt  }
0x58: {  	_ =	shalt  }
0x59: {  	_ =	shalt  }
0x5a: {  	_ =	shalt  }
0x5b: {  	_ =	shalt  }
0x5c: {  	_ =	shalt  }
0x5d: {  	_ =	shalt  }
0x5e: {  	_ =	shalt  }
0x5f: {  	_ =	shalt  }
0x60: {  	_ =	shalt  }
0x61: {  	_ =	shalt  }
0x62: {  	_ =	shalt  }
0x63: {  	_ =	shalt  }
0x64: {  	_ =	shalt  }
0x65: {  	_ =	shalt  }
0x66: {  	_ =	shalt  }
0x67: {  	_ =	shalt  }
0x68: {  	_ =	shalt  }
0x69: {  	_ =	shalt  }
0x6a: {  	_ =	shalt  }
0x6b: {  	_ =	shalt  }
0x6c: {  	_ =	shalt  }
0x6d: {  	_ =	shalt  }
0x6e: {  	_ =	shalt  }
0x6f: {  	_ =	shalt  }
0x70: {  	_ =	shalt  }
0x71: {  	_ =	shalt  }
0x72: {  	_ =	shalt  }
0x73: {  	_ =	shalt  }
0x74: {  	_ =	shalt  }
0x75: {  	_ =	shalt  }
0x76: {  	_ =	shalt  }
0x77: {  	_ =	shalt  }
0x78: {  	_ =	shalt  }
0x79: {  	_ =	shalt  }
0x7a: {  	_ =	shalt  }
0x7b: {  	_ =	shalt  }
0x7c: {  	_ =	shalt  }
0x7d: {  	_ =	shalt  }
0x7e: {  	_ =	shalt  }
0x7f: {  	_ =	shalt  }
0x80: {  	_ =	shalt  }
0x81: {  	_ =	shalt  }
0x82: {  	_ =	shalt  }
0x83: {  	_ =	shalt  }
0x84: {  	_ =	shalt  }
0x85: {  	_ =	shalt  }
0x86: {  	_ =	shalt  }
0x87: {  	_ =	shalt  }
.Lfunc_end0:
.L_simem_size_0:
called_computation.1_lowered:
.L_overlay_start_0:
0x88: {  	s2 =	sld [smem:$0x3FD9]  }
0x89: {  	s3 =	sld [smem:$0x3FFE];
	_ =	sdelay $0x1  }
0x8a: {  	s1 =	srdreg.scid  }
0x8b: {  	s0 =	sand.u32 $0x1, s1  }
0x8c: {  	s16 =	sshll.u32 s0, $0xA;
	s2 =	sadd.s32 s3, s2  }
0x8d: {  	s2 =	sadd.s32 s2, s16  }
0x8e: {  	[smem:$0x3FBD] =	sst s2  }
0x8f: {  	_ = 	snop  }
0x90: {  	(tm) =	ssettm $0x1  }
0x91: {  	s17 =	sld [smem:$0x3FFB];
	_ =	sdelay $0x3  }
0x92: {  	_ =	strace s17  }
0x93: {  	s2 =	sld [smem:$0x3FFC];
	_ =	sdelay $0x3  }
0x94: {  	_ =	strace s2  }
0x95: {  	s2 =	sld [smem:$0x3FFD];
	_ =	sdelay $0x3  }
0x96: {  	_ =	strace s2  }
0x97: {  	_ =	strace $0x8FFFFFFF  }
0x98: {  	s18 =	sld [smem:$0x3FDB];
	_ =	sdelay $0x1  }
0x99: {  	s19 =	simm.s32 $_scs_section_size  }
0x9a: {  	s4 =	simm.s32 $_size__tile_overlayer_lowered;
	s5 =	simm.s32 $_tile_overlayer_lowered  }
0x9b: {  	s22 =	simm.s32 $0x1BFF;
	s21 =	sshll.u32 s5, $0x1;
	s2 =	sadd.s32 s19, s18  }
0x9c: {  	s6 =	simm.s32 $0x0;
	s20 =	sshll.u32 s4, $0x1;
	s4 =	sadd.s32 s21, s2  }
0x9d: {  	[timem:s6], [sflag:s22] =	dma.local [hbm:s4], s20  }
0x9e: {  	_ =	swait.ge [sflag:s22], s20  }
0x9f: {  	s3 =	ssub.s32 $0x0, s20;
	[sflag:s22] =	ssyncset.done $0x0  }
0xa0: {  	[sflag:s22] =	ssyncadd.s32 s3;
	_ =	sdelay $0x1  }
0xa1: {  	s23 =	simm.s32 $0x1B8B  }
0xa2: {  	_ =	swait.ge [sflag:s23], $0x1  }
0xa3: {  	[sflag:s23] =	ssyncset.done $0x0  }
0xa4: {  	s25 =	simm.s32 $0x1B8E;
	s24 =	sld [smem:$0x3FFE];
	[sflag:s23] =	ssyncadd.s32 $0xFFFFFFFF  }
0xa5: {  	s26 =	simm.s32 $execute0_lowered;
	[smem:$0x3FD2] =	sst s25  }
0xa6: {  	s4 =	sshll.u32 s26, $0x1;
	_ =	strace $0x80000049;
	[dreg:$0x1] =	wrdreg $0xFFFFFFFF  }
0xa7: {  	s28 =	simm.s32 $_size_execute0_lowered;
	s2 =	sadd.s32 s2, s4;
	[dreg:$0x0] =	wrdreg $0x0  }
0xa8: {  	s4 =	sshll.u32 s28, $0x1;
	[dreg:$0x2] =	wrdreg s2  }
0xa9: {  	[dreg:$0x3] =	wrdreg s4  }
0xaa: {  	[dreg:$0x4] =	wrdreg $0xC0  }
0xab: {  	_ =	task [dreg:s6], $0x5FFFF  }
0xac: {  	[dreg:$0x1] =	wrdreg $0xFFFFFFFF  }
0xad: {  	[dreg:$0x0] =	wrdreg $0x60  }
0xae: {  	[dreg:$0x2] =	wrdreg s24  }
0xaf: {  	[dreg:$0x3] =	wrdreg $0xE0000  }
0xb0: {  	[dreg:$0x4] =	wrdreg $0x108000  }
0xb1: {  	[dreg:$0x5] =	wrdreg $0x9  }
0xb2: {  	_ =	task.clear_ibuf [dreg:s6], $0x6FFFF;
	_ =	strace $0x90000049  }
0xb3: {  	s29 =	simm.s32 $0x9;
	_ =	strace $0x8000004B  }
0xb4: {  	_ =	swait.ge [sflag:s29], $0x1  }
0xb5: {  	[sflag:s29] =	ssyncadd.s32 $0xFFFFFFFF  }
0xb6: {  	_ =	strace $0x9000004B  }
0xb7: {  	_ =	sfence  }
0xb8: {  	s30 =	sld [smem:$0x0];
	_ =	sdelay $0x2  }
0xb9: {  	s31 =	sshll.u32 s1, $0xD;
	s1 =	sshrl.u32 s1, $0x2  }
0xba: {  	s3 =	sand.u32 $0x4000, s31;
	s1 =	sadd.s32 s1, s30  }
0xbb: {  	s0 =	sor.u32 s3, s0;
	s1 =	sshll.u32 s1, $0x11  }
0xbc: {  	s0 =	sor.u32 s1, s0  }
0xbd: {  	s0 =	sadd.s32 $0x8F2B, s0  }
0xbe: {  	[sflag:s0] =	ssyncadd.remote.s32 $0x1  }
0xbf: {  	_ =	sfence.sel $0xFFFF  }
0xc0: {  	[dreg:$0x0] =	wrdreg $0xFFFFFFFF;
	(pc) =	sbr.abs _section_cstart, $3  }
0xc1: {  	[dreg:$0x1] =	wrdreg $0xFFFFFFFF  }
0xc2: {  	_ =	task.clear_ibuf [dreg:s6], $0x2FFFF;
	_ =	strace $0x9FFFFFFF  }
0xc3: {  	(tm) =	ssettm $0x7FFFFFFF  }
tec
execute0_lowered:
.L_overlay_start_1:
0x0: {  	(tag) =	ssettag $0x1  }
0x1: {  	s5 =	rddreg [dreg:$0x0]  }
0x2: {  	s2 =	rddreg [dreg:$0x1]  }
0x3: {  	s1 =	srdreg.scid;
	s0 =	stileid.u32  }
0x4: {  	s3 =	rddreg [dreg:$0x2];
	s4 =	simm.s32 $0x0;
	s19 =	simm.s32 $0xA000  }
0x5: {  	s20 =	simm.s32 $0x200;
	s21 =	simm.s32 $0xC000;
	s22 =	simm.s32 $0x1  }
0x6: {  	s23 =	simm.s32 $0x2;
	s8 =	sand.u32 $0x1, s1;
	s1 =	rddreg [dreg:$0x3]  }
0x7: {  	s28 =	simm.s32 $0x0;
	s6 =	sshll.u32 s0, $0x1;
	[smem:$0x7FF] =	sst s4  }
0x8: {  	s9 =	sadd.s32 $0x53A00, s5;
	s12 =	sadd.s32 $0x58A00, s5;
	s10 =	smul.u32 $0x2800, s0  }
0x9: {  	s16 =	sshll.u32 s0, $0x6;
	s6 =	sor.u32 s8, s6;
	_ =	strace $0x8000004A  }
0xa: {  	s7 =	ssub.s32 $0x2, s8;
	s15 =	smul.u32 $0x28000, s8;
	s16 =	sor.u32 $0x1C05, s16  }
0xb: {  	s6 =	smul.u32 $0xA00, s6;
	s24 =	sshrl.u32 s7, $0x1;
	s17 =	sadd.s32 s10, s2  }
0xc: {  	s25 =	sshrl.u32 s10, $0x3;
	s11 =	sadd.s32 $0x1400, s10;
	s26 =	sadd.s32 $0x2000, s10  }
0xd: {  	s13 =	ssub.s32 s7, s24;
	s7 =	sadd.s32 s9, s25;
	s14 =	sshrl.u32 s11, $0x3  }
0xe: {  	s18 =	sadd.s32 s11, s2;
	s29 =	sadd.s32 s10, s15;
	s15 =	sadd.s32 s15, s26  }
0xf: {  	s17 =	sshrl.u32 s17, $0x3;
	s24 =	simm.s32 $0x5200;
	s25 =	simm.s32 $0x3  }
0x10: {  	s6 =	sadd.s32 s6, s5;
	s8 =	sadd.s32 s9, s14;
	s9 =	sadd.s32 s10, s3  }
0x11: {  	s10 =	sadd.s32 s26, s3;
	s30 =	sshrl.u32 s29, $0x3;
	s31 =	sshrl.u32 s15, $0x3  }
0x12: {  	s13 =	smax.u32 s13, $0x1;
	s14 =	simm.s32 $0x5;
	s15 =	simm.s32 $0x5000  }
0x13: {  	s18 =	sshrl.u32 s18, $0x3;
	s26 =	simm.s32 $0x4;
	s5 =	sadd.s32 $0x3A00, s6  }
0x14: {  	v0 =	vimm.f32 $0.0e+00;
	s6 =	sadd.s32 $0x17A00, s6;
	s11 =	sadd.s32 s12, s30;
	s12 =	sadd.s32 s12, s31  }
.LBB2_1:
0x15: {  	[tilespmem:s4], [sflag:$0x5] =	stream.linear.gather [hbm4b:s5+s4], $0x5000, $0x38;
	[tilespmem:$0x13000] =	vst v63  }
0x16: {  	_ =	swait.ge [sflag:s14], $0x5000  }
0x17: {  	[sflag:s14] =	ssyncset.done $0x0  }
0x18: {  	[sflag:s14] =	ssyncadd.s32 $0xFFFFB000  }
0x19: {  	[tilespmem:s15], [sflag:$0x5] =	stream.linear.gather [hbm4b:s6+s4], $0x5000, $0x38;
	[tilespmem:$0x13000] =	vst v63  }
0x1a: {  	_ =	swait.ge [sflag:s14], $0x5000  }
0x1b: {  	[sflag:s14] =	ssyncset.done $0x0  }
0x1c: {  	[sflag:s14] =	ssyncadd.s32 $0xFFFFB000  }
0x1d: {  	[spmem:s17], [sflag:s16] =	dma.local [hbm:s7], $0x280  }
0x1e: {  	_ =	swait.ge [sflag:s14], $0x280  }
0x1f: {  	[sflag:s14] =	ssyncset.done $0x0  }
0x20: {  	[sflag:s14] =	ssyncadd.s32 $0xFFFFFD80  }
0x21: {  	[spmem:s18], [sflag:s16] =	dma.local [hbm:s8], $0x280  }
0x22: {  	_ =	swait.ge [sflag:s14], $0x280  }
0x23: {  	[sflag:s14] =	ssyncset.done $0x0  }
0x24: {  	s29 =	simm.s32 $0x40;
	s30 =	simm.s32 $0x0;
	[sflag:s14] =	ssyncadd.s32 $0xFFFFFD80  }
.LBB2_2:
0x25: {  	p0 =	sne.s32 s29, $0x7FC0;
	[tilespmem:s30+$0xA000] =	vst v0;
	s30 =	smov.u32 s29;
	s29 =	sadd.s32 $0x40, s29  }
.Ltmp0:
0x26: {  	(pc) =	sbr.rel @p0 .LBB2_2-.Ltmp0, $2  }
0x27: {  	_ =	sdelay $0x2  }
0x28: {  	s30 =	sshra.s32 s30, $0x2  }
0x29: {  	[tilespmem:s30+$0xA000] =	vst v0  }
0x2a: {  	[spmem:s9] =	stream.linear.scatter [tilespmem:s19], [sflag:$0x5], $0x2000, $0x38;
	[tilespmem:$0x13000] =	vst v63  }
0x2b: {  	_ =	swait.ge [sflag:s14], $0x2000  }
0x2c: {  	[sflag:s14] =	ssyncset.done $0x0  }
0x2d: {  	[sflag:s14] =	ssyncadd.s32 $0xFFFFE000  }
0x2e: {  	[spmem:s10] =	stream.linear.scatter [tilespmem:s19], [sflag:$0x5], $0x800, $0x38;
	[tilespmem:$0x13000] =	vst v63  }
0x2f: {  	_ =	swait.ge [sflag:s14], $0x800  }
0x30: {  	[sflag:s14] =	ssyncset.done $0x0  }
0x31: {  	[sflag:s14] =	ssyncadd.s32 $0xFFFFF800  }
0x32: {  	[bflag:$0x0] =	sbarrier.arrive $0xFFFF  }
0x33: {  	[tilespmem:s19], [sflag:$0x1] =	stream.indirect.gather [spmem:s2], $0x10, s4, s20, $0xb8;
	[tilespmem:$0x13000] =	vst v63  }
0x34: {  	_ = 	snop  }
0x35: {  	[tilespmem:s21], [sflag:$0x2] =	stream.indirect.gather [spmem:s2], $0x10, s20, s20, $0xb8;
	[tilespmem:$0x13000] =	vst v63  }
0x36: {  	_ =	swait.ge [sflag:s22], $0x2000  }
0x37: {  	[sflag:s22] =	ssyncset.done $0x0  }
0x38: {  	[sflag:s22] =	ssyncadd.s32 $0xFFFFE000  }
0x39: {  	[spmem:s3] =	stream.indirect.scatter.add.f32 [tilespmem:s19], [sflag:$0x3], $0x10, s15, s20, $0xb8;
	[tilespmem:$0x13000] =	vst v63  }
0x3a: {  	_ =	swait.ge [sflag:s23], $0x2000  }
0x3b: {  	[sflag:s23] =	ssyncset.done $0x0  }
0x3c: {  	[sflag:s23] =	ssyncadd.s32 $0xFFFFE000  }
0x3d: {  	[spmem:s3] =	stream.indirect.scatter.add.f32 [tilespmem:s21], [sflag:$0x4], $0x10, s24, s20, $0xb8;
	[tilespmem:$0x13000] =	vst v63  }
0x3e: {  	_ =	swait.ge [sflag:s25], $0x2000  }
0x3f: {  	[sflag:s25] =	ssyncset.done $0x0  }
0x40: {  	s29 =	simm.s32 $0x400;
	[sflag:s25] =	ssyncadd.s32 $0xFFFFE000  }
0x41: {  	[tilespmem:s19], [sflag:$0x1] =	stream.indirect.gather [spmem:s2], $0x10, s29, s20, $0xb8;
	[tilespmem:$0x13000] =	vst v63  }
0x42: {  	_ =	swait.ge [sflag:s26], $0x2000  }
0x43: {  	[sflag:s26] =	ssyncset.done $0x0  }
0x44: {  	s29 =	simm.s32 $0x600;
	[sflag:s26] =	ssyncadd.s32 $0xFFFFE000  }
0x45: {  	[tilespmem:s21], [sflag:$0x2] =	stream.indirect.gather [spmem:s2], $0x10, s29, s20, $0xb8;
	[tilespmem:$0x13000] =	vst v63  }
0x46: {  	_ =	swait.ge [sflag:s22], $0x2000  }
0x47: {  	[sflag:s22] =	ssyncset.done $0x0  }
0x48: {  	s29 =	simm.s32 $0x5400;
	[sflag:s22] =	ssyncadd.s32 $0xFFFFE000  }
0x49: {  	[spmem:s3] =	stream.indirect.scatter.add.f32 [tilespmem:s19], [sflag:$0x3], $0x10, s29, s20, $0xb8;
	[tilespmem:$0x13000] =	vst v63  }
0x4a: {  	_ =	swait.ge [sflag:s23], $0x2000  }
0x4b: {  	[sflag:s23] =	ssyncset.done $0x0  }
0x4c: {  	s30 =	simm.s32 $0x5600;
	s29 =	simm.s32 $0xFFFEE000;
	[sflag:s23] =	ssyncadd.s32 $0xFFFFE000  }
.LBB2_4:
0x4d: {  	[spmem:s3] =	stream.indirect.scatter.add.f32 [tilespmem:s21], [sflag:$0x4], $0x10, s30, s20, $0xb8;
	[tilespmem:$0x13000] =	vst v63  }
0x4e: {  	s30 =	smov.u32 s29  }
0x4f: {  	p0 =	sne.s32 s29, $0xFFFFF000;
	s29 =	sadd.s32 $0x1000, s29;
	_ =	swait.ge [sflag:s25], $0x2000  }
0x50: {  	s30 =	sshra.s32 s30, $0x2;
	[sflag:s25] =	ssyncset.done $0x0  }
0x51: {  	s31 =	sadd.s32 $0x5000, s30;
	[sflag:s25] =	ssyncadd.s32 $0xFFFFE000  }
0x52: {  	[tilespmem:s19], [sflag:$0x1] =	stream.indirect.gather [spmem:s2], $0x10, s31, s20, $0xb8;
	[tilespmem:$0x13000] =	vst v63  }
0x53: {  	_ =	swait.ge [sflag:s26], $0x2000  }
0x54: {  	[sflag:s26] =	ssyncset.done $0x0  }
0x55: {  	s31 =	sadd.s32 $0x5200, s30;
	[sflag:s26] =	ssyncadd.s32 $0xFFFFE000  }
0x56: {  	[tilespmem:s21], [sflag:$0x2] =	stream.indirect.gather [spmem:s2], $0x10, s31, s20, $0xb8;
	[tilespmem:$0x13000] =	vst v63  }
0x57: {  	_ =	swait.ge [sflag:s22], $0x2000  }
0x58: {  	[sflag:s22] =	ssyncset.done $0x0  }
.Ltmp1:
0x59: {  	s31 =	sadd.s32 $0xA000, s30;
	[sflag:s22] =	ssyncadd.s32 $0xFFFFE000;
	(pc) =	sbr.rel @p0 .LBB2_4-.Ltmp1, $4  }
0x5a: {  	[spmem:s3] =	stream.indirect.scatter.add.f32 [tilespmem:s19], [sflag:$0x3], $0x10, s31, s20, $0xb8;
	[tilespmem:$0x13000] =	vst v63  }
0x5b: {  	_ =	swait.ge [sflag:s23], $0x2000  }
0x5c: {  	[sflag:s23] =	ssyncset.done $0x0  }
0x5d: {  	s30 =	sadd.s32 $0xA200, s30;
	[sflag:s23] =	ssyncadd.s32 $0xFFFFE000  }
0x5e: {  	[spmem:s3] =	stream.indirect.scatter.add.f32 [tilespmem:s21], [sflag:$0x4], $0x10, s30, s20, $0xb8;
	[tilespmem:$0x13000] =	vst v63  }
0x5f: {  	_ =	swait.ge [sflag:s25], $0x2000  }
0x60: {  	[sflag:s25] =	ssyncset.done $0x0  }
0x61: {  	[sflag:s25] =	ssyncadd.s32 $0xFFFFE000  }
0x62: {  	_ =	swait.ge [sflag:s26], $0x2000  }
0x63: {  	[sflag:s26] =	ssyncset.done $0x0  }
0x64: {  	[sflag:s26] =	ssyncadd.s32 $0xFFFFE000  }
0x65: {  	[bflag:$0x0] =	sbarrier.arrive $0xFFFF  }
0x66: {  	[tilespmem:s19], [sflag:$0x5] =	stream.linear.gather [spmem:s9], $0x2000, $0x38;
	[tilespmem:$0x13000] =	vst v63  }
0x67: {  	_ =	swait.ge [sflag:s14], $0x2000  }
0x68: {  	[sflag:s14] =	ssyncset.done $0x0  }
0x69: {  	[sflag:s14] =	ssyncadd.s32 $0xFFFFE000  }
0x6a: {  	[hbm4b:s11+s4] =	stream.linear.scatter [tilespmem:s19], [sflag:$0x5], $0x2000, $0x38;
	[tilespmem:$0x13000] =	vst v63  }
0x6b: {  	_ =	swait.ge [sflag:s14], $0x2000  }
0x6c: {  	[sflag:s14] =	ssyncset.done $0x0  }
0x6d: {  	[sflag:s14] =	ssyncadd.s32 $0xFFFFE000  }
0x6e: {  	[tilespmem:s21], [sflag:$0x5] =	stream.linear.gather [spmem:s10], $0x800, $0x38;
	[tilespmem:$0x13000] =	vst v63  }
0x6f: {  	_ =	swait.ge [sflag:s14], $0x800  }
0x70: {  	s28 =	sadd.s32 $0x1, s28;
	[sflag:s14] =	ssyncset.done $0x0  }
0x71: {  	p0 =	sne.s32 s28, s13;
	[sflag:s14] =	ssyncadd.s32 $0xFFFFF800  }
0x72: {  	[hbm4b:s12+s4] =	stream.linear.scatter [tilespmem:s21], [sflag:$0x5], $0x800, $0x38;
	[tilespmem:$0x13000] =	vst v63  }
.Ltmp2:
0x73: {  	_ =	swait.ge [sflag:s14], $0x800;
	(pc) =	sbr.rel @p0 .LBB2_1-.Ltmp2, $3  }
0x74: {  	[sflag:s14] =	ssyncset.done $0x0  }
0x75: {  	[sflag:s14] =	ssyncadd.s32 $0xFFFFF800  }
0x76: {  	[bflag:$0x0] =	sbarrier.arrive $0xFFFF;
	_ =	sdelay $0x1  }
0x77: {  	_ =	sfence.sel $0x180000  }
0x78: {  	[bflag:$0x0] =	sbarrier.arrive $0xFFFF  }
0x79: {  	p0 =	sne.s32 s0, $0x0;
	_ =	strace $0x9000004A  }
0x7a: {  	s0 =	sadd.s32 @!p0 $0x100000, s1;
	[bflag:$0x2] =	sbarrier.arrive $0xFFFF  }
0x7b: {  	[sflag:s0] =	ssyncadd.tile.s32 @!p0 $0x1;
	_ =	shalt  }
.Lfunc_end2:
_tile_overlayer_lowered:
.L_overlay_start_2:
0x7c: {  	(tag) =	ssettag $0x2  }
0x7d: {  	s0 =	rddreg [dreg:$0x0];
	s2 =	stileid.u32  }
0x7e: {  	s1 =	rddreg [dreg:$0x1];
	p0 =	sne.s32 s2, $0x0  }
0x7f: {  	s3 =	rddreg [dreg:$0x2];
	[bflag:$0x3] =	sbarrier.arrive $0xFFFF;
	s2 =	simm.s32 @!p0 $0x1C05  }
0x80: {  	[timem:s3], [sflag:s2] =	dma.local @!p0 [hbm:s0], s1  }
0x81: {  	s0 =	simm.s32 @!p0 $0x5  }
0x82: {  	_ =	swait.ge @!p0 [sflag:s0], s1  }
0x83: {  	s1 =	ssub.s32 @!p0 $0x0, s1;
	[sflag:s0] =	ssyncset.done @!p0 $0x0  }
0x84: {  	[sflag:s0] =	ssyncadd.s32 @!p0 s1  }
0x85: {  	[bflag:$0x3] =	sbarrier.arrive $0xFFFF  }
0x86: {  	_ =	shalt  }

// kernel: kernel.18.cloned.1.call-start
scs
__scs_entry_jumppad:
0x0: {  	(pc) =	sbr.rel $0x88, $3  }
0x1: {  	(tag) =	ssettag $0x0;
	lr =	simm.s32 $0x1  }
0x2: {  	[smem:$0x3F96] =	sst lr;
	_ =	strace $0xD0000000  }
0x3: {  	_ = 	snop  }
0x4: {  	_ = 	snop  }
0x5: {  	_ = 	snop  }
0x6: {  	_ = 	snop  }
0x7: {  	_ = 	snop  }
__scs_overlays_trampoline_lowered:
0x8: {  	[smem:$0x3FA5] =	sst s0  }
0x9: {  	[smem:$0x3FA6] =	sst s1  }
0xa: {  	[smem:$0x3FA7] =	sst s2  }
0xb: {  	[smem:$0x3FA8] =	sst s3  }
0xc: {  	[smem:$0x3FA9] =	sst s4  }
0xd: {  	[smem:$0x3FAA] =	sst s5  }
0xe: {  	[smem:$0x3FAB] =	sst s6  }
0xf: {  	[smem:$0x3FAC] =	sst s7  }
0x10: {  	[smem:$0x3FAD] =	sst s8  }
0x11: {  	[smem:$0x3FAE] =	sst s9;
	s0 =	simm.s32 @!p0 $0x0  }
0x12: {  	s1 =	sld [smem:$0x3F94];
	s0 =	simm.s32 @p0 $0x1  }
0x13: {  	[smem:$0x3FAF] =	sst s0;
	s0 =	simm.s32 @!p1 $0x0  }
0x14: {  	s2 =	sld [smem:$0x3F93];
	s0 =	simm.s32 @p1 $0x1  }
0x15: {  	[smem:$0x3FB0] =	sst s0;
	s0 =	simm.s32 @!p2 $0x0  }
0x16: {  	s3 =	sld [smem:$0x3FDB];
	s0 =	simm.s32 @p2 $0x1  }
0x17: {  	s4 =	simm.s32 $0x1BF5;
	[smem:$0x3FB2] =	sst s0  }
0x18: {  	s0 =	sld [smem:$0x3F95];
	_ =	swait.ge [sflag:s4], $0x0  }
0x19: {  	s7 =	sld [smem:$0x3F96]  }
0x1a: {  	s8 =	sadd.s32 $0xFFFFE003, lr  }
0x1b: {  	s9 =	sadd.s32 $0xFFFFFEF7, lr;
	s5 =	simm.s32 $0xFFFFFFFF;
	p2 =	slt.u32 s8, $0xFFFFF086  }
0x1c: {  	p1 =	slt.u32 s9, $0xF7A;
	s5 =	simm.s32 @!p2 $0x0  }
0x1d: {  	s5 =	simm.s32 @p1 $0x1;
	p0 =	seq.s32 s7, s2  }
0x1e: {  	s7 =	smul.u32 @!p0 $0xF7A, s2;
	p2 =	seq.s32 @!p0 s5, $0x0  }
0x1f: {  	s9 =	smul.u32 $0xF7A, s1;
	s8 =	simm.s32 @!p0 $0x1BF5;
	p2 =	por !p2, p0  }
0x20: {  	[sflag:s8] =	ssyncset.s32 @!p0 $0xFFFFF086;
	s6 =	sadd.s32 @!p0 s3, s7;
	s7 =	simm.s32 @!p0 $0x108  }
0x21: {  	s3 =	sadd.s32 s3, s9;
	s6 =	sadd.s32 @!p0 $0x88, s6;
	s7 =	simm.s32 @p2 $0x1082  }
0x22: {  	[simem:s7], [sflag:s8] =	dma.local @!p0 [hbm:s6], $0xF7A  }
0x23: {  	s9 =	sor.u32 $0xD0000000, s2;
	s6 =	simm.s32 $0x108;
	_ =	swait.ge @!p0 [sflag:s8], $0x0  }
0x24: {  	s3 =	sadd.s32 $0x88, s3;
	s6 =	simm.s32 @!p1 $0x1082;
	[sflag:s4] =	ssyncset.s32 $0xFFFFF086  }
0x25: {  	[simem:s6], [sflag:s4] =	dma.local [hbm:s3], $0xF7A  }
0x26: {  	[smem:$0x3F96] =	sst s1;
	(tag) =	ssettag s2;
	_ =	strace s9  }
0x27: {  	s1 =	sld [smem:$0x3FA6]  }
0x28: {  	s2 =	sld [smem:$0x3FA7]  }
0x29: {  	s4 =	sld [smem:$0x3FA9]  }
0x2a: {  	p0 =	seq.s32 s5, $0x0;
	s5 =	sld [smem:$0x3FAA]  }
0x2b: {  	s6 =	sld [smem:$0x3FAB]  }
0x2c: {  	s7 =	sld [smem:$0x3FAC]  }
0x2d: {  	s3 =	simm.s32 $0x108;
	s8 =	sld [smem:$0x3FAD]  }
0x2e: {  	s3 =	simm.s32 @!p0 $0x1082;
	s9 =	sld [smem:$0x3FAE]  }
0x2f: {  	lr =	sadd.s32 s0, s3;
	s0 =	sld [smem:$0x3FA5]  }
0x30: {  	s3 =	sld [smem:$0x3FA8]  }
0x31: {  	[smem:$0x3FB1] =	sst s10  }
0x32: {  	s10 =	sld [smem:$0x3FAF];
	_ =	sdelay $0x3  }
0x33: {  	p0 =	seq.s32 s10, $0x1;
	s10 =	sld [smem:$0x3FB1];
	_ =	sdelay $0x3  }
0x34: {  	[smem:$0x3FB1] =	sst s10  }
0x35: {  	s10 =	sld [smem:$0x3FB0];
	_ =	sdelay $0x3  }
0x36: {  	p1 =	seq.s32 s10, $0x1;
	s10 =	sld [smem:$0x3FB1];
	_ =	sdelay $0x3  }
0x37: {  	[smem:$0x3FB1] =	sst s10  }
0x38: {  	s10 =	sld [smem:$0x3FB2]  }
0x39: {  	_ = 	snop;
	(pc) =	sbr.ind lr, $3  }
0x3a: {  	_ = 	snop  }
0x3b: {  	_ = 	snop  }
0x3c: {  	p2 =	seq.s32 s10, $0x1;
	s10 =	sld [smem:$0x3FB1]  }
0x3d: {  	_ =	shalt  }
0x3e: {  	_ =	shalt  }
0x3f: {  	_ =	shalt  }
0x40: {  	_ =	shalt  }
0x41: {  	_ =	shalt  }
0x42: {  	_ =	shalt  }
0x43: {  	_ =	shalt  }
0x44: {  	_ =	shalt  }
0x45: {  	_ =	shalt  }
0x46: {  	_ =	shalt  }
0x47: {  	_ =	shalt  }
0x48: {  	_ =	shalt  }
0x49: {  	_ =	shalt  }
0x4a: {  	_ =	shalt  }
0x4b: {  	_ =	shalt  }
0x4c: {  	_ =	shalt  }
0x4d: {  	_ =	shalt  }
0x4e: {  	_ =	shalt  }
0x4f: {  	_ =	shalt  }
0x50: {  	_ =	shalt  }
0x51: {  	_ =	shalt  }
0x52: {  	_ =	shalt  }
0x53: {  	_ =	shalt  }
0x54: {  	_ =	shalt  }
0x55: {  	_ =	shalt  }
0x56: {  	_ =	shalt  }
0x57: {  	_ =	shalt  }
0x58: {  	_ =	shalt  }
0x59: {  	_ =	shalt  }
0x5a: {  	_ =	shalt  }
0x5b: {  	_ =	shalt  }
0x5c: {  	_ =	shalt  }
0x5d: {  	_ =	shalt  }
0x5e: {  	_ =	shalt  }
0x5f: {  	_ =	shalt  }
0x60: {  	_ =	shalt  }
0x61: {  	_ =	shalt  }
0x62: {  	_ =	shalt  }
0x63: {  	_ =	shalt  }
0x64: {  	_ =	shalt  }
0x65: {  	_ =	shalt  }
0x66: {  	_ =	shalt  }
0x67: {  	_ =	shalt  }
0x68: {  	_ =	shalt  }
0x69: {  	_ =	shalt  }
0x6a: {  	_ =	shalt  }
0x6b: {  	_ =	shalt  }
0x6c: {  	_ =	shalt  }
0x6d: {  	_ =	shalt  }
0x6e: {  	_ =	shalt  }
0x6f: {  	_ =	shalt  }
0x70: {  	_ =	shalt  }
0x71: {  	_ =	shalt  }
0x72: {  	_ =	shalt  }
0x73: {  	_ =	shalt  }
0x74: {  	_ =	shalt  }
0x75: {  	_ =	shalt  }
0x76: {  	_ =	shalt  }
0x77: {  	_ =	shalt  }
0x78: {  	_ =	shalt  }
0x79: {  	_ =	shalt  }
0x7a: {  	_ =	shalt  }
0x7b: {  	_ =	shalt  }
0x7c: {  	_ =	shalt  }
0x7d: {  	_ =	shalt  }
0x7e: {  	_ =	shalt  }
0x7f: {  	_ =	shalt  }
0x80: {  	_ =	shalt  }
0x81: {  	_ =	shalt  }
0x82: {  	_ =	shalt  }
0x83: {  	_ =	shalt  }
0x84: {  	_ =	shalt  }
0x85: {  	_ =	shalt  }
0x86: {  	_ =	shalt  }
0x87: {  	_ =	shalt  }
.Lfunc_end0:
.L_simem_size_0:
called_computation.2_lowered:
.L_overlay_start_0:
0x88: {  	s2 =	sld [smem:$0x3FD9]  }
0x89: {  	s3 =	sld [smem:$0x3FFE];
	_ =	sdelay $0x1  }
0x8a: {  	s1 =	srdreg.scid  }
0x8b: {  	s0 =	sand.u32 $0x1, s1  }
0x8c: {  	s16 =	sshll.u32 s0, $0xA;
	s2 =	sadd.s32 s3, s2  }
0x8d: {  	s2 =	sadd.s32 s2, s16  }
0x8e: {  	[smem:$0x3FBD] =	sst s2  }
0x8f: {  	_ = 	snop  }
0x90: {  	(tm) =	ssettm $0x1  }
0x91: {  	s17 =	sld [smem:$0x3FFB];
	_ =	sdelay $0x3  }
0x92: {  	_ =	strace s17  }
0x93: {  	s2 =	sld [smem:$0x3FFC];
	_ =	sdelay $0x3  }
0x94: {  	_ =	strace s2  }
0x95: {  	s2 =	sld [smem:$0x3FFD];
	_ =	sdelay $0x3  }
0x96: {  	_ =	strace s2  }
0x97: {  	_ =	strace $0x8FFFFFFF  }
0x98: {  	s18 =	sld [smem:$0x3FDB];
	_ =	sdelay $0x1  }
0x99: {  	s19 =	simm.s32 $_scs_section_size  }
0x9a: {  	s4 =	simm.s32 $_size__tile_overlayer_lowered;
	s5 =	simm.s32 $_tile_overlayer_lowered  }
0x9b: {  	s22 =	simm.s32 $0x1BFF;
	s21 =	sshll.u32 s5, $0x1;
	s2 =	sadd.s32 s19, s18  }
0x9c: {  	s6 =	simm.s32 $0x0;
	s20 =	sshll.u32 s4, $0x1;
	s4 =	sadd.s32 s21, s2  }
0x9d: {  	[timem:s6], [sflag:s22] =	dma.local [hbm:s4], s20  }
0x9e: {  	_ =	swait.ge [sflag:s22], s20  }
0x9f: {  	s3 =	ssub.s32 $0x0, s20;
	[sflag:s22] =	ssyncset.done $0x0  }
0xa0: {  	[sflag:s22] =	ssyncadd.s32 s3;
	_ =	sdelay $0x1  }
0xa1: {  	s23 =	simm.s32 $0x1B8B  }
0xa2: {  	_ =	swait.ge [sflag:s23], $0x1  }
0xa3: {  	[sflag:s23] =	ssyncset.done $0x0  }
0xa4: {  	s25 =	simm.s32 $0x1B8E;
	s24 =	sld [smem:$0x3FFE];
	[sflag:s23] =	ssyncadd.s32 $0xFFFFFFFF  }
0xa5: {  	s26 =	simm.s32 $execute0_lowered;
	[smem:$0x3FD2] =	sst s25  }
0xa6: {  	s4 =	sshll.u32 s26, $0x1;
	_ =	strace $0x8000004C;
	[dreg:$0x1] =	wrdreg $0xFFFFFFFF  }
0xa7: {  	s28 =	simm.s32 $_size_execute0_lowered;
	s2 =	sadd.s32 s2, s4;
	[dreg:$0x0] =	wrdreg $0x0  }
0xa8: {  	s4 =	sshll.u32 s28, $0x1;
	[dreg:$0x2] =	wrdreg s2  }
0xa9: {  	[dreg:$0x3] =	wrdreg s4  }
0xaa: {  	[dreg:$0x4] =	wrdreg $0xC0  }
0xab: {  	_ =	task [dreg:s6], $0x5FFFF  }
0xac: {  	[dreg:$0x1] =	wrdreg $0xFFFFFFFF  }
0xad: {  	[dreg:$0x0] =	wrdreg $0x60  }
0xae: {  	[dreg:$0x2] =	wrdreg s24  }
0xaf: {  	[dreg:$0x3] =	wrdreg $0x120000  }
0xb0: {  	[dreg:$0x4] =	wrdreg $0x170000  }
0xb1: {  	[dreg:$0x5] =	wrdreg $0x9  }
0xb2: {  	_ =	task.clear_ibuf [dreg:s6], $0x6FFFF;
	_ =	strace $0x9000004C  }
0xb3: {  	s29 =	simm.s32 $0x9;
	_ =	strace $0x8000004E  }
0xb4: {  	_ =	swait.ge [sflag:s29], $0x1  }
0xb5: {  	[sflag:s29] =	ssyncadd.s32 $0xFFFFFFFF  }
0xb6: {  	_ =	strace $0x9000004E  }
0xb7: {  	_ =	sfence  }
0xb8: {  	s30 =	sld [smem:$0x0];
	_ =	sdelay $0x2  }
0xb9: {  	s31 =	sshll.u32 s1, $0xD;
	s1 =	sshrl.u32 s1, $0x2  }
0xba: {  	s3 =	sand.u32 $0x4000, s31;
	s1 =	sadd.s32 s1, s30  }
0xbb: {  	s0 =	sor.u32 s3, s0;
	s1 =	sshll.u32 s1, $0x11  }
0xbc: {  	s0 =	sor.u32 s1, s0  }
0xbd: {  	s0 =	sadd.s32 $0x8F2B, s0  }
0xbe: {  	[sflag:s0] =	ssyncadd.remote.s32 $0x1  }
0xbf: {  	_ =	sfence.sel $0xFFFF  }
0xc0: {  	[dreg:$0x0] =	wrdreg $0xFFFFFFFF;
	(pc) =	sbr.abs _section_cstart, $3  }
0xc1: {  	[dreg:$0x1] =	wrdreg $0xFFFFFFFF  }
0xc2: {  	_ =	task.clear_ibuf [dreg:s6], $0x2FFFF;
	_ =	strace $0x9FFFFFFF  }
0xc3: {  	(tm) =	ssettm $0x7FFFFFFF  }
tec
execute0_lowered:
.L_overlay_start_1:
0x0: {  	(tag) =	ssettag $0x1  }
0x1: {  	s0 =	rddreg [dreg:$0x0]  }
0x2: {  	s2 =	rddreg [dreg:$0x1]  }
0x3: {  	s1 =	srdreg.scid;
	s9 =	stileid.u32  }
0x4: {  	s3 =	rddreg [dreg:$0x2];
	s4 =	simm.s32 $0x0;
	s28 =	simm.s32 $0x5200  }
0x5: {  	s29 =	simm.s32 $0x3;
	s30 =	simm.s32 $0x4;
	s31 =	simm.s32 $0x0  }
0x6: {  	s1 =	sand.u32 $0x1, s1;
	s5 =	sshll.u32 s9, $0x1;
	[smem:$0x7FF] =	sst s4  }
0x7: {  	s6 =	sadd.s32 $0x2BA00, s0;
	s12 =	smul.u32 $0x5000, s9;
	s5 =	sor.u32 s1, s5  }
0x8: {  	_ =	strace $0x8000004D;
	s7 =	ssub.s32 $0x2, s1;
	s1 =	smul.u32 $0xA0000, s1  }
0x9: {  	s5 =	smul.u32 $0xA00, s5;
	s8 =	sshrl.u32 s7, $0x1;
	s21 =	sadd.s32 s12, s2  }
0xa: {  	s22 =	sshrl.u32 s12, $0x3;
	s9 =	sadd.s32 $0x2800, s12;
	s24 =	sadd.s32 $0x4000, s12  }
0xb: {  	s11 =	sadd.s32 s12, s3;
	s7 =	ssub.s32 s7, s8;
	[dreg:$0x6] =	wrdreg s21  }
0xc: {  	s8 =	sadd.s32 s6, s22;
	s23 =	sshrl.u32 s9, $0x3;
	s9 =	sadd.s32 s9, s2  }
0xd: {  	s25 =	sadd.s32 s12, s1;
	s1 =	sadd.s32 s1, s24;
	s12 =	sadd.s32 s24, s3  }
0xe: {  	s21 =	simm.s32 $0x5000;
	s22 =	simm.s32 $0xA000;
	s24 =	simm.s32 $0xE000  }
0xf: {  	s5 =	sadd.s32 s5, s0;
	s0 =	sadd.s32 $0x3FA00, s0;
	[dreg:$0x7] =	wrdreg s9  }
0x10: {  	s10 =	sadd.s32 s6, s23;
	s26 =	sshrl.u32 s25, $0x3;
	s1 =	sshrl.u32 s1, $0x3  }
0x11: {  	s15 =	sadd.s32 $0xA000, s8;
	s16 =	sadd.s32 $0xA500, s8;
	s19 =	smax.u32 s7, $0x1  }
0x12: {  	s23 =	simm.s32 $0x200;
	s25 =	simm.s32 $0x1;
	s20 =	sadd.s32 $0x3A00, s5  }
0x13: {  	s5 =	sadd.s32 $0x17A00, s5;
	s13 =	sadd.s32 s0, s26;
	[dreg:$0x4] =	wrdreg s20  }
0x14: {  	s14 =	sadd.s32 s0, s1;
	s26 =	simm.s32 $0x2;
	[dreg:$0x5] =	wrdreg s5  }
0x15: {  	v0 =	vimm.f32 $0.0e+00;
	s17 =	sadd.s32 $0xA000, s13;
	s18 =	sadd.s32 $0xA000, s14;
	s20 =	simm.s32 $0x5  }
.LBB2_1:
0x16: {  	s0 =	rddreg [dreg:$0x4]  }
0x17: {  	[tilespmem:s4], [sflag:$0x5] =	stream.linear.gather [hbm4b:s0+s4], $0x5000, $0x38;
	[tilespmem:$0x1C000] =	vst v63  }
0x18: {  	_ =	swait.ge [sflag:s20], $0x5000  }
0x19: {  	[sflag:s20] =	ssyncset.done $0x0  }
0x1a: {  	s6 =	rddreg [dreg:$0x5];
	[sflag:s20] =	ssyncadd.s32 $0xFFFFB000  }
0x1b: {  	[tilespmem:s21], [sflag:$0x5] =	stream.linear.gather [hbm4b:s6+s4], $0x5000, $0x38;
	[tilespmem:$0x1C000] =	vst v63  }
0x1c: {  	s7 =	stileid.u32;
	_ =	swait.ge [sflag:s20], $0x5000  }
0x1d: {  	s0 =	sshll.u32 s7, $0x6;
	[sflag:s20] =	ssyncset.done $0x0;
	s9 =	rddreg [dreg:$0x6]  }
0x1e: {  	s1 =	sor.u32 $0x1C05, s0;
	[sflag:s20] =	ssyncadd.s32 $0xFFFFB000;
	s0 =	sshrl.u32 s9, $0x3  }
0x1f: {  	[spmem:s0], [sflag:s1] =	dma.local [hbm:s8], $0x500  }
0x20: {  	_ =	swait.ge [sflag:s20], $0x500  }
0x21: {  	[sflag:s20] =	ssyncset.done $0x0;
	s5 =	rddreg [dreg:$0x7]  }
0x22: {  	[sflag:s20] =	ssyncadd.s32 $0xFFFFFB00;
	s5 =	sshrl.u32 s5, $0x3  }
0x23: {  	[spmem:s5], [sflag:s1] =	dma.local [hbm:s10], $0x500  }
0x24: {  	_ =	swait.ge [sflag:s20], $0x500  }
0x25: {  	[sflag:s20] =	ssyncset.done $0x0  }
0x26: {  	s7 =	simm.s32 $0x0;
	s6 =	simm.s32 $0x80;
	[sflag:s20] =	ssyncadd.s32 $0xFFFFFB00  }
.LBB2_2:
0x27: {  	p0 =	sne.s32 s6, $0xFF80;
	[tilespmem:s7+$0xA000] =	vst v0;
	s9 =	smov.u32 s6;
	s6 =	sadd.s32 $0x80, s6  }
.Ltmp0:
0x28: {  	[tilespmem:s7+$0xA010] =	vst v0;
	(pc) =	sbr.rel @p0 .LBB2_2-.Ltmp0, $2  }
0x29: {  	_ =	sdelay $0x2  }
0x2a: {  	s7 =	sshra.s32 s9, $0x2  }
0x2b: {  	[tilespmem:s7+$0xA000] =	vst v0  }
0x2c: {  	[tilespmem:s7+$0xA010] =	vst v0  }
0x2d: {  	[spmem:s11] =	stream.linear.scatter [tilespmem:s22], [sflag:$0x5], $0x4000, $0x38;
	[tilespmem:$0x1C000] =	vst v63  }
0x2e: {  	_ =	swait.ge [sflag:s20], $0x4000  }
0x2f: {  	[sflag:s20] =	ssyncset.done $0x0  }
0x30: {  	[sflag:s20] =	ssyncadd.s32 $0xFFFFC000  }
0x31: {  	[spmem:s12] =	stream.linear.scatter [tilespmem:s22], [sflag:$0x5], $0x1000, $0x38;
	[tilespmem:$0x1C000] =	vst v63  }
0x32: {  	_ =	swait.ge [sflag:s20], $0x1000  }
0x33: {  	[sflag:s20] =	ssyncset.done $0x0  }
0x34: {  	[sflag:s20] =	ssyncadd.s32 $0xFFFFF000  }
0x35: {  	[bflag:$0x0] =	sbarrier.arrive $0xFFFF  }
0x36: {  	[tilespmem:s22], [sflag:$0x1] =	stream.indirect.gather [spmem:s2], $0x20, s4, s23, $0xb8;
	[tilespmem:$0x1C000] =	vst v63  }
0x37: {  	_ = 	snop  }
0x38: {  	[tilespmem:s24], [sflag:$0x2] =	stream.indirect.gather [spmem:s2], $0x20, s23, s23, $0xb8;
	[tilespmem:$0x1C000] =	vst v63  }
0x39: {  	_ =	swait.ge [sflag:s25], $0x4000  }
0x3a: {  	[sflag:s25] =	ssyncset.done $0x0  }
0x3b: {  	[sflag:s25] =	ssyncadd.s32 $0xFFFFC000  }
0x3c: {  	[spmem:s3] =	stream.indirect.scatter.add.f32 [tilespmem:s22], [sflag:$0x3], $0x20, s21, s23, $0xb8;
	[tilespmem:$0x1C000] =	vst v63  }
0x3d: {  	_ =	swait.ge [sflag:s26], $0x4000  }
0x3e: {  	[sflag:s26] =	ssyncset.done $0x0  }
0x3f: {  	[sflag:s26] =	ssyncadd.s32 $0xFFFFC000  }
0x40: {  	[spmem:s3] =	stream.indirect.scatter.add.f32 [tilespmem:s24], [sflag:$0x4], $0x20, s28, s23, $0xb8;
	[tilespmem:$0x1C000] =	vst v63  }
0x41: {  	_ =	swait.ge [sflag:s29], $0x4000  }
0x42: {  	[sflag:s29] =	ssyncset.done $0x0  }
0x43: {  	s6 =	simm.s32 $0x400;
	[sflag:s29] =	ssyncadd.s32 $0xFFFFC000  }
0x44: {  	[tilespmem:s22], [sflag:$0x1] =	stream.indirect.gather [spmem:s2], $0x20, s6, s23, $0xb8;
	[tilespmem:$0x1C000] =	vst v63  }
0x45: {  	_ =	swait.ge [sflag:s30], $0x4000  }
0x46: {  	[sflag:s30] =	ssyncset.done $0x0  }
0x47: {  	s7 =	simm.s32 $0x600;
	[sflag:s30] =	ssyncadd.s32 $0xFFFFC000  }
0x48: {  	[tilespmem:s24], [sflag:$0x2] =	stream.indirect.gather [spmem:s2], $0x20, s7, s23, $0xb8;
	[tilespmem:$0x1C000] =	vst v63  }
0x49: {  	_ =	swait.ge [sflag:s25], $0x4000  }
0x4a: {  	[sflag:s25] =	ssyncset.done $0x0  }
0x4b: {  	s9 =	simm.s32 $0x5400;
	[sflag:s25] =	ssyncadd.s32 $0xFFFFC000  }
0x4c: {  	[spmem:s3] =	stream.indirect.scatter.add.f32 [tilespmem:s22], [sflag:$0x3], $0x20, s9, s23, $0xb8;
	[tilespmem:$0x1C000] =	vst v63  }
0x4d: {  	_ =	swait.ge [sflag:s26], $0x4000  }
0x4e: {  	[sflag:s26] =	ssyncset.done $0x0  }
0x4f: {  	s6 =	simm.s32 $0xFFFEE000;
	s7 =	simm.s32 $0x5600;
	[sflag:s26] =	ssyncadd.s32 $0xFFFFC000  }
.LBB2_4:
0x50: {  	[spmem:s3] =	stream.indirect.scatter.add.f32 [tilespmem:s24], [sflag:$0x4], $0x20, s7, s23, $0xb8;
	[tilespmem:$0x1C000] =	vst v63  }
0x51: {  	s7 =	smov.u32 s6  }
0x52: {  	p0 =	sne.s32 s6, $0xFFFFF000;
	s6 =	sadd.s32 $0x1000, s6;
	_ =	swait.ge [sflag:s29], $0x4000  }
0x53: {  	s7 =	sshra.s32 s7, $0x2;
	[sflag:s29] =	ssyncset.done $0x0  }
0x54: {  	s9 =	sadd.s32 $0x5000, s7;
	[sflag:s29] =	ssyncadd.s32 $0xFFFFC000  }
0x55: {  	[tilespmem:s22], [sflag:$0x1] =	stream.indirect.gather [spmem:s2], $0x20, s9, s23, $0xb8;
	[tilespmem:$0x1C000] =	vst v63  }
0x56: {  	_ =	swait.ge [sflag:s30], $0x4000  }
0x57: {  	[sflag:s30] =	ssyncset.done $0x0  }
0x58: {  	s9 =	sadd.s32 $0x5200, s7;
	[sflag:s30] =	ssyncadd.s32 $0xFFFFC000  }
0x59: {  	[tilespmem:s24], [sflag:$0x2] =	stream.indirect.gather [spmem:s2], $0x20, s9, s23, $0xb8;
	[tilespmem:$0x1C000] =	vst v63  }
0x5a: {  	_ =	swait.ge [sflag:s25], $0x4000  }
0x5b: {  	[sflag:s25] =	ssyncset.done $0x0  }
.Ltmp1:
0x5c: {  	s9 =	sadd.s32 $0xA000, s7;
	[sflag:s25] =	ssyncadd.s32 $0xFFFFC000;
	(pc) =	sbr.rel @p0 .LBB2_4-.Ltmp1, $4  }
0x5d: {  	[spmem:s3] =	stream.indirect.scatter.add.f32 [tilespmem:s22], [sflag:$0x3], $0x20, s9, s23, $0xb8;
	[tilespmem:$0x1C000] =	vst v63  }
0x5e: {  	_ =	swait.ge [sflag:s26], $0x4000  }
0x5f: {  	[sflag:s26] =	ssyncset.done $0x0  }
0x60: {  	s7 =	sadd.s32 $0xA200, s7;
	[sflag:s26] =	ssyncadd.s32 $0xFFFFC000  }
0x61: {  	[spmem:s3] =	stream.indirect.scatter.add.f32 [tilespmem:s24], [sflag:$0x4], $0x20, s7, s23, $0xb8;
	[tilespmem:$0x1C000] =	vst v63  }
0x62: {  	_ =	swait.ge [sflag:s29], $0x4000  }
0x63: {  	[sflag:s29] =	ssyncset.done $0x0  }
0x64: {  	[sflag:s29] =	ssyncadd.s32 $0xFFFFC000  }
0x65: {  	_ =	swait.ge [sflag:s30], $0x4000  }
0x66: {  	[sflag:s30] =	ssyncset.done $0x0  }
0x67: {  	[sflag:s30] =	ssyncadd.s32 $0xFFFFC000  }
0x68: {  	[bflag:$0x0] =	sbarrier.arrive $0xFFFF  }
0x69: {  	[tilespmem:s22], [sflag:$0x5] =	stream.linear.gather [spmem:s11], $0x4000, $0x38;
	[tilespmem:$0x1C000] =	vst v63  }
0x6a: {  	_ =	swait.ge [sflag:s20], $0x4000  }
0x6b: {  	[sflag:s20] =	ssyncset.done $0x0  }
0x6c: {  	s6 =	simm.s32 $0x0;
	[sflag:s20] =	ssyncadd.s32 $0xFFFFC000  }
0x6d: {  	[hbm4b:s13+s6] =	stream.linear.scatter [tilespmem:s22], [sflag:$0x5], $0x4000, $0x38;
	[tilespmem:$0x1C000] =	vst v63  }
0x6e: {  	_ =	swait.ge [sflag:s20], $0x4000  }
0x6f: {  	[sflag:s20] =	ssyncset.done $0x0  }
0x70: {  	[sflag:s20] =	ssyncadd.s32 $0xFFFFC000  }
0x71: {  	[tilespmem:s24], [sflag:$0x5] =	stream.linear.gather [spmem:s12], $0x1000, $0x38;
	[tilespmem:$0x1C000] =	vst v63  }
0x72: {  	_ =	swait.ge [sflag:s20], $0x1000  }
0x73: {  	[sflag:s20] =	ssyncset.done $0x0  }
0x74: {  	[sflag:s20] =	ssyncadd.s32 $0xFFFFF000  }
0x75: {  	[hbm4b:s14+s6] =	stream.linear.scatter [tilespmem:s24], [sflag:$0x5], $0x1000, $0x38;
	[tilespmem:$0x1C000] =	vst v63  }
0x76: {  	_ =	swait.ge [sflag:s20], $0x1000  }
0x77: {  	[sflag:s20] =	ssyncset.done $0x0  }
0x78: {  	[sflag:s20] =	ssyncadd.s32 $0xFFFFF000  }
0x79: {  	[bflag:$0x0] =	sbarrier.arrive $0xFFFF  }
0x7a: {  	[spmem:s0], [sflag:s1] =	dma.local [hbm:s15], $0x500  }
0x7b: {  	_ =	swait.ge [sflag:s20], $0x500  }
0x7c: {  	[sflag:s20] =	ssyncset.done $0x0  }
0x7d: {  	[sflag:s20] =	ssyncadd.s32 $0xFFFFFB00  }
0x7e: {  	[spmem:s5], [sflag:s1] =	dma.local [hbm:s16], $0x500  }
0x7f: {  	_ =	swait.ge [sflag:s20], $0x500  }
0x80: {  	[sflag:s20] =	ssyncset.done $0x0  }
0x81: {  	s0 =	simm.s32 $0x80;
	s1 =	simm.s32 $0x0;
	[sflag:s20] =	ssyncadd.s32 $0xFFFFFB00  }
.LBB2_6:
0x82: {  	p0 =	sne.s32 s0, $0xFF80;
	[tilespmem:s1+$0xA000] =	vst v0;
	s5 =	smov.u32 s0;
	s0 =	sadd.s32 $0x80, s0  }
.Ltmp2:
0x83: {  	[tilespmem:s1+$0xA010] =	vst v0;
	(pc) =	sbr.rel @p0 .LBB2_6-.Ltmp2, $2  }
0x84: {  	_ =	sdelay $0x2  }
0x85: {  	s1 =	sshra.s32 s5, $0x2  }
0x86: {  	[tilespmem:s1+$0xA000] =	vst v0  }
0x87: {  	[tilespmem:s1+$0xA010] =	vst v0  }
0x88: {  	[spmem:s11] =	stream.linear.scatter [tilespmem:s22], [sflag:$0x5], $0x4000, $0x38;
	[tilespmem:$0x1C000] =	vst v63  }
0x89: {  	_ =	swait.ge [sflag:s20], $0x4000  }
0x8a: {  	[sflag:s20] =	ssyncset.done $0x0  }
0x8b: {  	[sflag:s20] =	ssyncadd.s32 $0xFFFFC000  }
0x8c: {  	[spmem:s12] =	stream.linear.scatter [tilespmem:s22], [sflag:$0x5], $0x1000, $0x38;
	[tilespmem:$0x1C000] =	vst v63  }
0x8d: {  	_ =	swait.ge [sflag:s20], $0x1000  }
0x8e: {  	[sflag:s20] =	ssyncset.done $0x0  }
0x8f: {  	[sflag:s20] =	ssyncadd.s32 $0xFFFFF000  }
0x90: {  	[bflag:$0x0] =	sbarrier.arrive $0xFFFF  }
0x91: {  	[tilespmem:s22], [sflag:$0x1] =	stream.indirect.gather [spmem:s2], $0x20, s4, s23, $0xb8;
	[tilespmem:$0x1C000] =	vst v63  }
0x92: {  	_ = 	snop  }
0x93: {  	[tilespmem:s24], [sflag:$0x2] =	stream.indirect.gather [spmem:s2], $0x20, s23, s23, $0xb8;
	[tilespmem:$0x1C000] =	vst v63  }
0x94: {  	_ =	swait.ge [sflag:s25], $0x4000  }
0x95: {  	[sflag:s25] =	ssyncset.done $0x0  }
0x96: {  	[sflag:s25] =	ssyncadd.s32 $0xFFFFC000  }
0x97: {  	[spmem:s3] =	stream.indirect.scatter.add.f32 [tilespmem:s22], [sflag:$0x3], $0x20, s21, s23, $0xb8;
	[tilespmem:$0x1C000] =	vst v63  }
0x98: {  	_ =	swait.ge [sflag:s26], $0x4000  }
0x99: {  	[sflag:s26] =	ssyncset.done $0x0  }
0x9a: {  	[sflag:s26] =	ssyncadd.s32 $0xFFFFC000  }
0x9b: {  	[spmem:s3] =	stream.indirect.scatter.add.f32 [tilespmem:s24], [sflag:$0x4], $0x20, s28, s23, $0xb8;
	[tilespmem:$0x1C000] =	vst v63  }
0x9c: {  	_ =	swait.ge [sflag:s29], $0x4000  }
0x9d: {  	[sflag:s29] =	ssyncset.done $0x0  }
0x9e: {  	s0 =	simm.s32 $0x400;
	[sflag:s29] =	ssyncadd.s32 $0xFFFFC000  }
0x9f: {  	[tilespmem:s22], [sflag:$0x1] =	stream.indirect.gather [spmem:s2], $0x20, s0, s23, $0xb8;
	[tilespmem:$0x1C000] =	vst v63  }
0xa0: {  	_ =	swait.ge [sflag:s30], $0x4000  }
0xa1: {  	[sflag:s30] =	ssyncset.done $0x0  }
0xa2: {  	s7 =	simm.s32 $0x600;
	[sflag:s30] =	ssyncadd.s32 $0xFFFFC000  }
0xa3: {  	[tilespmem:s24], [sflag:$0x2] =	stream.indirect.gather [spmem:s2], $0x20, s7, s23, $0xb8;
	[tilespmem:$0x1C000] =	vst v63  }
0xa4: {  	_ =	swait.ge [sflag:s25], $0x4000  }
0xa5: {  	[sflag:s25] =	ssyncset.done $0x0  }
0xa6: {  	s9 =	simm.s32 $0x5400;
	[sflag:s25] =	ssyncadd.s32 $0xFFFFC000  }
0xa7: {  	[spmem:s3] =	stream.indirect.scatter.add.f32 [tilespmem:s22], [sflag:$0x3], $0x20, s9, s23, $0xb8;
	[tilespmem:$0x1C000] =	vst v63  }
0xa8: {  	_ =	swait.ge [sflag:s26], $0x4000  }
0xa9: {  	[sflag:s26] =	ssyncset.done $0x0  }
0xaa: {  	s1 =	simm.s32 $0x5600;
	s0 =	simm.s32 $0xFFFEE000;
	[sflag:s26] =	ssyncadd.s32 $0xFFFFC000  }
.LBB2_8:
0xab: {  	[spmem:s3] =	stream.indirect.scatter.add.f32 [tilespmem:s24], [sflag:$0x4], $0x20, s1, s23, $0xb8;
	[tilespmem:$0x1C000] =	vst v63  }
0xac: {  	s1 =	smov.u32 s0  }
0xad: {  	p0 =	sne.s32 s0, $0xFFFFF000;
	s0 =	sadd.s32 $0x1000, s0;
	_ =	swait.ge [sflag:s29], $0x4000  }
0xae: {  	s1 =	sshra.s32 s1, $0x2;
	[sflag:s29] =	ssyncset.done $0x0  }
0xaf: {  	s5 =	sadd.s32 $0x5000, s1;
	[sflag:s29] =	ssyncadd.s32 $0xFFFFC000  }
0xb0: {  	[tilespmem:s22], [sflag:$0x1] =	stream.indirect.gather [spmem:s2], $0x20, s5, s23, $0xb8;
	[tilespmem:$0x1C000] =	vst v63  }
0xb1: {  	_ =	swait.ge [sflag:s30], $0x4000  }
0xb2: {  	[sflag:s30] =	ssyncset.done $0x0  }
0xb3: {  	s5 =	sadd.s32 $0x5200, s1;
	[sflag:s30] =	ssyncadd.s32 $0xFFFFC000  }
0xb4: {  	[tilespmem:s24], [sflag:$0x2] =	stream.indirect.gather [spmem:s2], $0x20, s5, s23, $0xb8;
	[tilespmem:$0x1C000] =	vst v63  }
0xb5: {  	_ =	swait.ge [sflag:s25], $0x4000  }
0xb6: {  	[sflag:s25] =	ssyncset.done $0x0  }
.Ltmp3:
0xb7: {  	s5 =	sadd.s32 $0xA000, s1;
	[sflag:s25] =	ssyncadd.s32 $0xFFFFC000;
	(pc) =	sbr.rel @p0 .LBB2_8-.Ltmp3, $4  }
0xb8: {  	[spmem:s3] =	stream.indirect.scatter.add.f32 [tilespmem:s22], [sflag:$0x3], $0x20, s5, s23, $0xb8;
	[tilespmem:$0x1C000] =	vst v63  }
0xb9: {  	_ =	swait.ge [sflag:s26], $0x4000  }
0xba: {  	[sflag:s26] =	ssyncset.done $0x0  }
0xbb: {  	s1 =	sadd.s32 $0xA200, s1;
	[sflag:s26] =	ssyncadd.s32 $0xFFFFC000  }
0xbc: {  	[spmem:s3] =	stream.indirect.scatter.add.f32 [tilespmem:s24], [sflag:$0x4], $0x20, s1, s23, $0xb8;
	[tilespmem:$0x1C000] =	vst v63  }
0xbd: {  	_ =	swait.ge [sflag:s29], $0x4000  }
0xbe: {  	[sflag:s29] =	ssyncset.done $0x0  }
0xbf: {  	[sflag:s29] =	ssyncadd.s32 $0xFFFFC000  }
0xc0: {  	_ =	swait.ge [sflag:s30], $0x4000  }
0xc1: {  	[sflag:s30] =	ssyncset.done $0x0  }
0xc2: {  	[sflag:s30] =	ssyncadd.s32 $0xFFFFC000  }
0xc3: {  	[bflag:$0x0] =	sbarrier.arrive $0xFFFF  }
0xc4: {  	[tilespmem:s22], [sflag:$0x5] =	stream.linear.gather [spmem:s11], $0x4000, $0x38;
	[tilespmem:$0x1C000] =	vst v63  }
0xc5: {  	_ =	swait.ge [sflag:s20], $0x4000  }
0xc6: {  	[sflag:s20] =	ssyncset.done $0x0  }
0xc7: {  	[sflag:s20] =	ssyncadd.s32 $0xFFFFC000  }
0xc8: {  	[hbm4b:s17+s4] =	stream.linear.scatter [tilespmem:s22], [sflag:$0x5], $0x4000, $0x38;
	[tilespmem:$0x1C000] =	vst v63  }
0xc9: {  	_ =	swait.ge [sflag:s20], $0x4000  }
0xca: {  	[sflag:s20] =	ssyncset.done $0x0  }
0xcb: {  	[sflag:s20] =	ssyncadd.s32 $0xFFFFC000  }
0xcc: {  	[tilespmem:s24], [sflag:$0x5] =	stream.linear.gather [spmem:s12], $0x1000, $0x38;
	[tilespmem:$0x1C000] =	vst v63  }
0xcd: {  	_ =	swait.ge [sflag:s20], $0x1000  }
0xce: {  	s31 =	sadd.s32 $0x1, s31;
	[sflag:s20] =	ssyncset.done $0x0  }
0xcf: {  	p0 =	sne.s32 s31, s19;
	[sflag:s20] =	ssyncadd.s32 $0xFFFFF000  }
0xd0: {  	[hbm4b:s18+s4] =	stream.linear.scatter [tilespmem:s24], [sflag:$0x5], $0x1000, $0x38;
	[tilespmem:$0x1C000] =	vst v63  }
.Ltmp4:
0xd1: {  	_ =	swait.ge [sflag:s20], $0x1000;
	(pc) =	sbr.rel @p0 .LBB2_1-.Ltmp4, $3  }
0xd2: {  	[sflag:s20] =	ssyncset.done $0x0  }
0xd3: {  	[sflag:s20] =	ssyncadd.s32 $0xFFFFF000  }
0xd4: {  	[bflag:$0x0] =	sbarrier.arrive $0xFFFF;
	_ =	sdelay $0x1  }
0xd5: {  	_ =	sfence.sel $0x180000  }
0xd6: {  	[bflag:$0x0] =	sbarrier.arrive $0xFFFF  }
0xd7: {  	_ =	strace $0x9000004D  }
0xd8: {  	s0 =	stileid.u32;
	[bflag:$0x2] =	sbarrier.arrive $0xFFFF  }
0xd9: {  	p0 =	sne.s32 s0, $0x0;
	s0 =	rddreg [dreg:$0x3]  }
0xda: {  	s0 =	sadd.s32 @!p0 $0x100000, s0  }
0xdb: {  	[sflag:s0] =	ssyncadd.tile.s32 @!p0 $0x1;
	_ =	shalt  }
.Lfunc_end2:
_tile_overlayer_lowered:
.L_overlay_start_2:
0xdc: {  	(tag) =	ssettag $0x2  }
0xdd: {  	s0 =	rddreg [dreg:$0x0];
	s2 =	stileid.u32  }
0xde: {  	s1 =	rddreg [dreg:$0x1];
	p0 =	sne.s32 s2, $0x0  }
0xdf: {  	s3 =	rddreg [dreg:$0x2];
	[bflag:$0x3] =	sbarrier.arrive $0xFFFF;
	s2 =	simm.s32 @!p0 $0x1C05  }
0xe0: {  	[timem:s3], [sflag:s2] =	dma.local @!p0 [hbm:s0], s1  }
0xe1: {  	s0 =	simm.s32 @!p0 $0x5  }
0xe2: {  	_ =	swait.ge @!p0 [sflag:s0], s1  }
0xe3: {  	s1 =	ssub.s32 @!p0 $0x0, s1;
	[sflag:s0] =	ssyncset.done @!p0 $0x0  }
0xe4: {  	[sflag:s0] =	ssyncadd.s32 @!p0 s1  }
0xe5: {  	[bflag:$0x3] =	sbarrier.arrive $0xFFFF  }
0xe6: {  	_ =	shalt  }

// kernel: kernel.21.cloned.1.call-start
scs
__scs_entry_jumppad:
0x0: {  	(pc) =	sbr.rel $0x88, $3  }
0x1: {  	(tag) =	ssettag $0x0;
	lr =	simm.s32 $0x1  }
0x2: {  	[smem:$0x3F96] =	sst lr;
	_ =	strace $0xD0000000  }
0x3: {  	_ = 	snop  }
0x4: {  	_ = 	snop  }
0x5: {  	_ = 	snop  }
0x6: {  	_ = 	snop  }
0x7: {  	_ = 	snop  }
__scs_overlays_trampoline_lowered:
0x8: {  	[smem:$0x3FA5] =	sst s0  }
0x9: {  	[smem:$0x3FA6] =	sst s1  }
0xa: {  	[smem:$0x3FA7] =	sst s2  }
0xb: {  	[smem:$0x3FA8] =	sst s3  }
0xc: {  	[smem:$0x3FA9] =	sst s4  }
0xd: {  	[smem:$0x3FAA] =	sst s5  }
0xe: {  	[smem:$0x3FAB] =	sst s6  }
0xf: {  	[smem:$0x3FAC] =	sst s7  }
0x10: {  	[smem:$0x3FAD] =	sst s8  }
0x11: {  	[smem:$0x3FAE] =	sst s9;
	s0 =	simm.s32 @!p0 $0x0  }
0x12: {  	s1 =	sld [smem:$0x3F94];
	s0 =	simm.s32 @p0 $0x1  }
0x13: {  	[smem:$0x3FAF] =	sst s0;
	s0 =	simm.s32 @!p1 $0x0  }
0x14: {  	s2 =	sld [smem:$0x3F93];
	s0 =	simm.s32 @p1 $0x1  }
0x15: {  	[smem:$0x3FB0] =	sst s0;
	s0 =	simm.s32 @!p2 $0x0  }
0x16: {  	s3 =	sld [smem:$0x3FDB];
	s0 =	simm.s32 @p2 $0x1  }
0x17: {  	s4 =	simm.s32 $0x1BF5;
	[smem:$0x3FB2] =	sst s0  }
0x18: {  	s0 =	sld [smem:$0x3F95];
	_ =	swait.ge [sflag:s4], $0x0  }
0x19: {  	s7 =	sld [smem:$0x3F96]  }
0x1a: {  	s8 =	sadd.s32 $0xFFFFE003, lr  }
0x1b: {  	s9 =	sadd.s32 $0xFFFFFEF7, lr;
	s5 =	simm.s32 $0xFFFFFFFF;
	p2 =	slt.u32 s8, $0xFFFFF086  }
0x1c: {  	p1 =	slt.u32 s9, $0xF7A;
	s5 =	simm.s32 @!p2 $0x0  }
0x1d: {  	s5 =	simm.s32 @p1 $0x1;
	p0 =	seq.s32 s7, s2  }
0x1e: {  	s7 =	smul.u32 @!p0 $0xF7A, s2;
	p2 =	seq.s32 @!p0 s5, $0x0  }
0x1f: {  	s9 =	smul.u32 $0xF7A, s1;
	s8 =	simm.s32 @!p0 $0x1BF5;
	p2 =	por !p2, p0  }
0x20: {  	[sflag:s8] =	ssyncset.s32 @!p0 $0xFFFFF086;
	s6 =	sadd.s32 @!p0 s3, s7;
	s7 =	simm.s32 @!p0 $0x108  }
0x21: {  	s3 =	sadd.s32 s3, s9;
	s6 =	sadd.s32 @!p0 $0x88, s6;
	s7 =	simm.s32 @p2 $0x1082  }
0x22: {  	[simem:s7], [sflag:s8] =	dma.local @!p0 [hbm:s6], $0xF7A  }
0x23: {  	s9 =	sor.u32 $0xD0000000, s2;
	s6 =	simm.s32 $0x108;
	_ =	swait.ge @!p0 [sflag:s8], $0x0  }
0x24: {  	s3 =	sadd.s32 $0x88, s3;
	s6 =	simm.s32 @!p1 $0x1082;
	[sflag:s4] =	ssyncset.s32 $0xFFFFF086  }
0x25: {  	[simem:s6], [sflag:s4] =	dma.local [hbm:s3], $0xF7A  }
0x26: {  	[smem:$0x3F96] =	sst s1;
	(tag) =	ssettag s2;
	_ =	strace s9  }
0x27: {  	s1 =	sld [smem:$0x3FA6]  }
0x28: {  	s2 =	sld [smem:$0x3FA7]  }
0x29: {  	s4 =	sld [smem:$0x3FA9]  }
0x2a: {  	p0 =	seq.s32 s5, $0x0;
	s5 =	sld [smem:$0x3FAA]  }
0x2b: {  	s6 =	sld [smem:$0x3FAB]  }
0x2c: {  	s7 =	sld [smem:$0x3FAC]  }
0x2d: {  	s3 =	simm.s32 $0x108;
	s8 =	sld [smem:$0x3FAD]  }
0x2e: {  	s3 =	simm.s32 @!p0 $0x1082;
	s9 =	sld [smem:$0x3FAE]  }
0x2f: {  	lr =	sadd.s32 s0, s3;
	s0 =	sld [smem:$0x3FA5]  }
0x30: {  	s3 =	sld [smem:$0x3FA8]  }
0x31: {  	[smem:$0x3FB1] =	sst s10  }
0x32: {  	s10 =	sld [smem:$0x3FAF];
	_ =	sdelay $0x3  }
0x33: {  	p0 =	seq.s32 s10, $0x1;
	s10 =	sld [smem:$0x3FB1];
	_ =	sdelay $0x3  }
0x34: {  	[smem:$0x3FB1] =	sst s10  }
0x35: {  	s10 =	sld [smem:$0x3FB0];
	_ =	sdelay $0x3  }
0x36: {  	p1 =	seq.s32 s10, $0x1;
	s10 =	sld [smem:$0x3FB1];
	_ =	sdelay $0x3  }
0x37: {  	[smem:$0x3FB1] =	sst s10  }
0x38: {  	s10 =	sld [smem:$0x3FB2]  }
0x39: {  	_ = 	snop;
	(pc) =	sbr.ind lr, $3  }
0x3a: {  	_ = 	snop  }
0x3b: {  	_ = 	snop  }
0x3c: {  	p2 =	seq.s32 s10, $0x1;
	s10 =	sld [smem:$0x3FB1]  }
0x3d: {  	_ =	shalt  }
0x3e: {  	_ =	shalt  }
0x3f: {  	_ =	shalt  }
0x40: {  	_ =	shalt  }
0x41: {  	_ =	shalt  }
0x42: {  	_ =	shalt  }
0x43: {  	_ =	shalt  }
0x44: {  	_ =	shalt  }
0x45: {  	_ =	shalt  }
0x46: {  	_ =	shalt  }
0x47: {  	_ =	shalt  }
0x48: {  	_ =	shalt  }
0x49: {  	_ =	shalt  }
0x4a: {  	_ =	shalt  }
0x4b: {  	_ =	shalt  }
0x4c: {  	_ =	shalt  }
0x4d: {  	_ =	shalt  }
0x4e: {  	_ =	shalt  }
0x4f: {  	_ =	shalt  }
0x50: {  	_ =	shalt  }
0x51: {  	_ =	shalt  }
0x52: {  	_ =	shalt  }
0x53: {  	_ =	shalt  }
0x54: {  	_ =	shalt  }
0x55: {  	_ =	shalt  }
0x56: {  	_ =	shalt  }
0x57: {  	_ =	shalt  }
0x58: {  	_ =	shalt  }
0x59: {  	_ =	shalt  }
0x5a: {  	_ =	shalt  }
0x5b: {  	_ =	shalt  }
0x5c: {  	_ =	shalt  }
0x5d: {  	_ =	shalt  }
0x5e: {  	_ =	shalt  }
0x5f: {  	_ =	shalt  }
0x60: {  	_ =	shalt  }
0x61: {  	_ =	shalt  }
0x62: {  	_ =	shalt  }
0x63: {  	_ =	shalt  }
0x64: {  	_ =	shalt  }
0x65: {  	_ =	shalt  }
0x66: {  	_ =	shalt  }
0x67: {  	_ =	shalt  }
0x68: {  	_ =	shalt  }
0x69: {  	_ =	shalt  }
0x6a: {  	_ =	shalt  }
0x6b: {  	_ =	shalt  }
0x6c: {  	_ =	shalt  }
0x6d: {  	_ =	shalt  }
0x6e: {  	_ =	shalt  }
0x6f: {  	_ =	shalt  }
0x70: {  	_ =	shalt  }
0x71: {  	_ =	shalt  }
0x72: {  	_ =	shalt  }
0x73: {  	_ =	shalt  }
0x74: {  	_ =	shalt  }
0x75: {  	_ =	shalt  }
0x76: {  	_ =	shalt  }
0x77: {  	_ =	shalt  }
0x78: {  	_ =	shalt  }
0x79: {  	_ =	shalt  }
0x7a: {  	_ =	shalt  }
0x7b: {  	_ =	shalt  }
0x7c: {  	_ =	shalt  }
0x7d: {  	_ =	shalt  }
0x7e: {  	_ =	shalt  }
0x7f: {  	_ =	shalt  }
0x80: {  	_ =	shalt  }
0x81: {  	_ =	shalt  }
0x82: {  	_ =	shalt  }
0x83: {  	_ =	shalt  }
0x84: {  	_ =	shalt  }
0x85: {  	_ =	shalt  }
0x86: {  	_ =	shalt  }
0x87: {  	_ =	shalt  }
.Lfunc_end0:
.L_simem_size_0:
called_computation.3_lowered:
.L_overlay_start_0:
0x88: {  	s2 =	sld [smem:$0x3FD9]  }
0x89: {  	s3 =	sld [smem:$0x3FFE];
	_ =	sdelay $0x1  }
0x8a: {  	s1 =	srdreg.scid  }
0x8b: {  	s0 =	sand.u32 $0x1, s1  }
0x8c: {  	s16 =	sshll.u32 s0, $0xA;
	s2 =	sadd.s32 s3, s2  }
0x8d: {  	s2 =	sadd.s32 s2, s16  }
0x8e: {  	[smem:$0x3FBD] =	sst s2  }
0x8f: {  	_ = 	snop  }
0x90: {  	(tm) =	ssettm $0x1  }
0x91: {  	s17 =	sld [smem:$0x3FFB];
	_ =	sdelay $0x3  }
0x92: {  	_ =	strace s17  }
0x93: {  	s2 =	sld [smem:$0x3FFC];
	_ =	sdelay $0x3  }
0x94: {  	_ =	strace s2  }
0x95: {  	s2 =	sld [smem:$0x3FFD];
	_ =	sdelay $0x3  }
0x96: {  	_ =	strace s2  }
0x97: {  	_ =	strace $0x8FFFFFFF  }
0x98: {  	s18 =	sld [smem:$0x3FDB];
	_ =	sdelay $0x1  }
0x99: {  	s19 =	simm.s32 $_scs_section_size  }
0x9a: {  	s4 =	simm.s32 $_size__tile_overlayer_lowered;
	s5 =	simm.s32 $_tile_overlayer_lowered  }
0x9b: {  	s22 =	simm.s32 $0x1BFF;
	s21 =	sshll.u32 s5, $0x1;
	s2 =	sadd.s32 s19, s18  }
0x9c: {  	s6 =	simm.s32 $0x0;
	s20 =	sshll.u32 s4, $0x1;
	s4 =	sadd.s32 s21, s2  }
0x9d: {  	[timem:s6], [sflag:s22] =	dma.local [hbm:s4], s20  }
0x9e: {  	_ =	swait.ge [sflag:s22], s20  }
0x9f: {  	s3 =	ssub.s32 $0x0, s20;
	[sflag:s22] =	ssyncset.done $0x0  }
0xa0: {  	[sflag:s22] =	ssyncadd.s32 s3;
	_ =	sdelay $0x1  }
0xa1: {  	s23 =	simm.s32 $0x1B8B  }
0xa2: {  	_ =	swait.ge [sflag:s23], $0x1  }
0xa3: {  	[sflag:s23] =	ssyncset.done $0x0  }
0xa4: {  	s25 =	simm.s32 $0x1B8E;
	s24 =	sld [smem:$0x3FFE];
	[sflag:s23] =	ssyncadd.s32 $0xFFFFFFFF  }
0xa5: {  	s26 =	simm.s32 $execute0_lowered;
	[smem:$0x3FD2] =	sst s25  }
0xa6: {  	s4 =	sshll.u32 s26, $0x1;
	_ =	strace $0x8000004F;
	[dreg:$0x1] =	wrdreg $0xFFFFFFFF  }
0xa7: {  	s28 =	simm.s32 $_size_execute0_lowered;
	s2 =	sadd.s32 s2, s4;
	[dreg:$0x0] =	wrdreg $0x0  }
0xa8: {  	s4 =	sshll.u32 s28, $0x1;
	[dreg:$0x2] =	wrdreg s2  }
0xa9: {  	[dreg:$0x3] =	wrdreg s4  }
0xaa: {  	[dreg:$0x4] =	wrdreg $0xC0  }
0xab: {  	_ =	task [dreg:s6], $0x5FFFF  }
0xac: {  	[dreg:$0x1] =	wrdreg $0xFFFFFFFF  }
0xad: {  	[dreg:$0x0] =	wrdreg $0x60  }
0xae: {  	[dreg:$0x2] =	wrdreg s24  }
0xaf: {  	[dreg:$0x3] =	wrdreg $0x120000  }
0xb0: {  	[dreg:$0x4] =	wrdreg $0x170000  }
0xb1: {  	[dreg:$0x5] =	wrdreg $0x9  }
0xb2: {  	_ =	task.clear_ibuf [dreg:s6], $0x6FFFF;
	_ =	strace $0x9000004F  }
0xb3: {  	s29 =	simm.s32 $0x9;
	_ =	strace $0x80000051  }
0xb4: {  	_ =	swait.ge [sflag:s29], $0x1  }
0xb5: {  	[sflag:s29] =	ssyncadd.s32 $0xFFFFFFFF  }
0xb6: {  	_ =	strace $0x90000051  }
0xb7: {  	_ =	sfence  }
0xb8: {  	s30 =	sld [smem:$0x0];
	_ =	sdelay $0x2  }
0xb9: {  	s31 =	sshll.u32 s1, $0xD;
	s1 =	sshrl.u32 s1, $0x2  }
0xba: {  	s3 =	sand.u32 $0x4000, s31;
	s1 =	sadd.s32 s1, s30  }
0xbb: {  	s0 =	sor.u32 s3, s0;
	s1 =	sshll.u32 s1, $0x11  }
0xbc: {  	s0 =	sor.u32 s1, s0  }
0xbd: {  	s0 =	sadd.s32 $0x8F2B, s0  }
0xbe: {  	[sflag:s0] =	ssyncadd.remote.s32 $0x1  }
0xbf: {  	_ =	sfence.sel $0xFFFF  }
0xc0: {  	[dreg:$0x0] =	wrdreg $0xFFFFFFFF;
	(pc) =	sbr.abs _section_cstart, $3  }
0xc1: {  	[dreg:$0x1] =	wrdreg $0xFFFFFFFF  }
0xc2: {  	_ =	task.clear_ibuf [dreg:s6], $0x2FFFF;
	_ =	strace $0x9FFFFFFF  }
0xc3: {  	(tm) =	ssettm $0x7FFFFFFF  }
tec
execute0_lowered:
.L_overlay_start_1:
0x0: {  	(tag) =	ssettag $0x1  }
0x1: {  	s5 =	rddreg [dreg:$0x0]  }
0x2: {  	s2 =	rddreg [dreg:$0x1]  }
0x3: {  	s1 =	srdreg.scid;
	s0 =	stileid.u32  }
0x4: {  	s3 =	rddreg [dreg:$0x2];
	s4 =	simm.s32 $0x0;
	s19 =	simm.s32 $0xA000  }
0x5: {  	s20 =	simm.s32 $0x200;
	s21 =	simm.s32 $0xE000;
	s22 =	simm.s32 $0x1  }
0x6: {  	s23 =	simm.s32 $0x2;
	s8 =	sand.u32 $0x1, s1;
	s1 =	rddreg [dreg:$0x3]  }
0x7: {  	s28 =	simm.s32 $0x0;
	s6 =	sshll.u32 s0, $0x1;
	[smem:$0x7FF] =	sst s4  }
0x8: {  	s9 =	sadd.s32 $0x2BA00, s5;
	s12 =	sadd.s32 $0x35A00, s5;
	s10 =	smul.u32 $0x5000, s0  }
0x9: {  	s16 =	sshll.u32 s0, $0x6;
	s6 =	sor.u32 s8, s6;
	_ =	strace $0x80000050  }
0xa: {  	s7 =	ssub.s32 $0x2, s8;
	s15 =	smul.u32 $0x50000, s8;
	s16 =	sor.u32 $0x1C05, s16  }
0xb: {  	s6 =	smul.u32 $0xA00, s6;
	s24 =	sshrl.u32 s7, $0x1;
	s17 =	sadd.s32 s10, s2  }
0xc: {  	s25 =	sshrl.u32 s10, $0x3;
	s11 =	sadd.s32 $0x2800, s10;
	s26 =	sadd.s32 $0x4000, s10  }
0xd: {  	s13 =	ssub.s32 s7, s24;
	s7 =	sadd.s32 s9, s25;
	s14 =	sshrl.u32 s11, $0x3  }
0xe: {  	s18 =	sadd.s32 s11, s2;
	s29 =	sadd.s32 s10, s15;
	s15 =	sadd.s32 s15, s26  }
0xf: {  	s17 =	sshrl.u32 s17, $0x3;
	s24 =	simm.s32 $0x5200;
	s25 =	simm.s32 $0x3  }
0x10: {  	s6 =	sadd.s32 s6, s5;
	s8 =	sadd.s32 s9, s14;
	s9 =	sadd.s32 s10, s3  }
0x11: {  	s10 =	sadd.s32 s26, s3;
	s30 =	sshrl.u32 s29, $0x3;
	s31 =	sshrl.u32 s15, $0x3  }
0x12: {  	s13 =	smax.u32 s13, $0x1;
	s14 =	simm.s32 $0x5;
	s15 =	simm.s32 $0x5000  }
0x13: {  	s18 =	sshrl.u32 s18, $0x3;
	s26 =	simm.s32 $0x4;
	s5 =	sadd.s32 $0x3A00, s6  }
0x14: {  	v0 =	vimm.f32 $0.0e+00;
	s6 =	sadd.s32 $0x17A00, s6;
	s11 =	sadd.s32 s12, s30;
	s12 =	sadd.s32 s12, s31  }
.LBB2_1:
0x15: {  	[tilespmem:s4], [sflag:$0x5] =	stream.linear.gather [hbm4b:s5+s4], $0x5000, $0x38;
	[tilespmem:$0x1C000] =	vst v63  }
0x16: {  	_ =	swait.ge [sflag:s14], $0x5000  }
0x17: {  	[sflag:s14] =	ssyncset.done $0x0  }
0x18: {  	[sflag:s14] =	ssyncadd.s32 $0xFFFFB000  }
0x19: {  	[tilespmem:s15], [sflag:$0x5] =	stream.linear.gather [hbm4b:s6+s4], $0x5000, $0x38;
	[tilespmem:$0x1C000] =	vst v63  }
0x1a: {  	_ =	swait.ge [sflag:s14], $0x5000  }
0x1b: {  	[sflag:s14] =	ssyncset.done $0x0  }
0x1c: {  	[sflag:s14] =	ssyncadd.s32 $0xFFFFB000  }
0x1d: {  	[spmem:s17], [sflag:s16] =	dma.local [hbm:s7], $0x500  }
0x1e: {  	_ =	swait.ge [sflag:s14], $0x500  }
0x1f: {  	[sflag:s14] =	ssyncset.done $0x0  }
0x20: {  	[sflag:s14] =	ssyncadd.s32 $0xFFFFFB00  }
0x21: {  	[spmem:s18], [sflag:s16] =	dma.local [hbm:s8], $0x500  }
0x22: {  	_ =	swait.ge [sflag:s14], $0x500  }
0x23: {  	[sflag:s14] =	ssyncset.done $0x0  }
0x24: {  	s29 =	simm.s32 $0x80;
	s30 =	simm.s32 $0x0;
	[sflag:s14] =	ssyncadd.s32 $0xFFFFFB00  }
.LBB2_2:
0x25: {  	p0 =	sne.s32 s29, $0xFF80;
	[tilespmem:s30+$0xA000] =	vst v0;
	s31 =	smov.u32 s29;
	s29 =	sadd.s32 $0x80, s29  }
.Ltmp0:
0x26: {  	[tilespmem:s30+$0xA010] =	vst v0;
	(pc) =	sbr.rel @p0 .LBB2_2-.Ltmp0, $2  }
0x27: {  	_ =	sdelay $0x2  }
0x28: {  	s30 =	sshra.s32 s31, $0x2  }
0x29: {  	[tilespmem:s30+$0xA000] =	vst v0  }
0x2a: {  	[tilespmem:s30+$0xA010] =	vst v0  }
0x2b: {  	[spmem:s9] =	stream.linear.scatter [tilespmem:s19], [sflag:$0x5], $0x4000, $0x38;
	[tilespmem:$0x1C000] =	vst v63  }
0x2c: {  	_ =	swait.ge [sflag:s14], $0x4000  }
0x2d: {  	[sflag:s14] =	ssyncset.done $0x0  }
0x2e: {  	[sflag:s14] =	ssyncadd.s32 $0xFFFFC000  }
0x2f: {  	[spmem:s10] =	stream.linear.scatter [tilespmem:s19], [sflag:$0x5], $0x1000, $0x38;
	[tilespmem:$0x1C000] =	vst v63  }
0x30: {  	_ =	swait.ge [sflag:s14], $0x1000  }
0x31: {  	[sflag:s14] =	ssyncset.done $0x0  }
0x32: {  	[sflag:s14] =	ssyncadd.s32 $0xFFFFF000  }
0x33: {  	[bflag:$0x0] =	sbarrier.arrive $0xFFFF  }
0x34: {  	[tilespmem:s19], [sflag:$0x1] =	stream.indirect.gather [spmem:s2], $0x20, s4, s20, $0xb8;
	[tilespmem:$0x1C000] =	vst v63  }
0x35: {  	_ = 	snop  }
0x36: {  	[tilespmem:s21], [sflag:$0x2] =	stream.indirect.gather [spmem:s2], $0x20, s20, s20, $0xb8;
	[tilespmem:$0x1C000] =	vst v63  }
0x37: {  	_ =	swait.ge [sflag:s22], $0x4000  }
0x38: {  	[sflag:s22] =	ssyncset.done $0x0  }
0x39: {  	[sflag:s22] =	ssyncadd.s32 $0xFFFFC000  }
0x3a: {  	[spmem:s3] =	stream.indirect.scatter.add.f32 [tilespmem:s19], [sflag:$0x3], $0x20, s15, s20, $0xb8;
	[tilespmem:$0x1C000] =	vst v63  }
0x3b: {  	_ =	swait.ge [sflag:s23], $0x4000  }
0x3c: {  	[sflag:s23] =	ssyncset.done $0x0  }
0x3d: {  	[sflag:s23] =	ssyncadd.s32 $0xFFFFC000  }
0x3e: {  	[spmem:s3] =	stream.indirect.scatter.add.f32 [tilespmem:s21], [sflag:$0x4], $0x20, s24, s20, $0xb8;
	[tilespmem:$0x1C000] =	vst v63  }
0x3f: {  	_ =	swait.ge [sflag:s25], $0x4000  }
0x40: {  	[sflag:s25] =	ssyncset.done $0x0  }
0x41: {  	s29 =	simm.s32 $0x400;
	[sflag:s25] =	ssyncadd.s32 $0xFFFFC000  }
0x42: {  	[tilespmem:s19], [sflag:$0x1] =	stream.indirect.gather [spmem:s2], $0x20, s29, s20, $0xb8;
	[tilespmem:$0x1C000] =	vst v63  }
0x43: {  	_ =	swait.ge [sflag:s26], $0x4000  }
0x44: {  	[sflag:s26] =	ssyncset.done $0x0  }
0x45: {  	s29 =	simm.s32 $0x600;
	[sflag:s26] =	ssyncadd.s32 $0xFFFFC000  }
0x46: {  	[tilespmem:s21], [sflag:$0x2] =	stream.indirect.gather [spmem:s2], $0x20, s29, s20, $0xb8;
	[tilespmem:$0x1C000] =	vst v63  }
0x47: {  	_ =	swait.ge [sflag:s22], $0x4000  }
0x48: {  	[sflag:s22] =	ssyncset.done $0x0  }
0x49: {  	s29 =	simm.s32 $0x5400;
	[sflag:s22] =	ssyncadd.s32 $0xFFFFC000  }
0x4a: {  	[spmem:s3] =	stream.indirect.scatter.add.f32 [tilespmem:s19], [sflag:$0x3], $0x20, s29, s20, $0xb8;
	[tilespmem:$0x1C000] =	vst v63  }
0x4b: {  	_ =	swait.ge [sflag:s23], $0x4000  }
0x4c: {  	[sflag:s23] =	ssyncset.done $0x0  }
0x4d: {  	s30 =	simm.s32 $0x5600;
	s29 =	simm.s32 $0xFFFEE000;
	[sflag:s23] =	ssyncadd.s32 $0xFFFFC000  }
.LBB2_4:
0x4e: {  	[spmem:s3] =	stream.indirect.scatter.add.f32 [tilespmem:s21], [sflag:$0x4], $0x20, s30, s20, $0xb8;
	[tilespmem:$0x1C000] =	vst v63  }
0x4f: {  	s30 =	smov.u32 s29  }
0x50: {  	p0 =	sne.s32 s29, $0xFFFFF000;
	s29 =	sadd.s32 $0x1000, s29;
	_ =	swait.ge [sflag:s25], $0x4000  }
0x51: {  	s30 =	sshra.s32 s30, $0x2;
	[sflag:s25] =	ssyncset.done $0x0  }
0x52: {  	s31 =	sadd.s32 $0x5000, s30;
	[sflag:s25] =	ssyncadd.s32 $0xFFFFC000  }
0x53: {  	[tilespmem:s19], [sflag:$0x1] =	stream.indirect.gather [spmem:s2], $0x20, s31, s20, $0xb8;
	[tilespmem:$0x1C000] =	vst v63  }
0x54: {  	_ =	swait.ge [sflag:s26], $0x4000  }
0x55: {  	[sflag:s26] =	ssyncset.done $0x0  }
0x56: {  	s31 =	sadd.s32 $0x5200, s30;
	[sflag:s26] =	ssyncadd.s32 $0xFFFFC000  }
0x57: {  	[tilespmem:s21], [sflag:$0x2] =	stream.indirect.gather [spmem:s2], $0x20, s31, s20, $0xb8;
	[tilespmem:$0x1C000] =	vst v63  }
0x58: {  	_ =	swait.ge [sflag:s22], $0x4000  }
0x59: {  	[sflag:s22] =	ssyncset.done $0x0  }
.Ltmp1:
0x5a: {  	s31 =	sadd.s32 $0xA000, s30;
	[sflag:s22] =	ssyncadd.s32 $0xFFFFC000;
	(pc) =	sbr.rel @p0 .LBB2_4-.Ltmp1, $4  }
0x5b: {  	[spmem:s3] =	stream.indirect.scatter.add.f32 [tilespmem:s19], [sflag:$0x3], $0x20, s31, s20, $0xb8;
	[tilespmem:$0x1C000] =	vst v63  }
0x5c: {  	_ =	swait.ge [sflag:s23], $0x4000  }
0x5d: {  	[sflag:s23] =	ssyncset.done $0x0  }
0x5e: {  	s30 =	sadd.s32 $0xA200, s30;
	[sflag:s23] =	ssyncadd.s32 $0xFFFFC000  }
0x5f: {  	[spmem:s3] =	stream.indirect.scatter.add.f32 [tilespmem:s21], [sflag:$0x4], $0x20, s30, s20, $0xb8;
	[tilespmem:$0x1C000] =	vst v63  }
0x60: {  	_ =	swait.ge [sflag:s25], $0x4000  }
0x61: {  	[sflag:s25] =	ssyncset.done $0x0  }
0x62: {  	[sflag:s25] =	ssyncadd.s32 $0xFFFFC000  }
0x63: {  	_ =	swait.ge [sflag:s26], $0x4000  }
0x64: {  	[sflag:s26] =	ssyncset.done $0x0  }
0x65: {  	[sflag:s26] =	ssyncadd.s32 $0xFFFFC000  }
0x66: {  	[bflag:$0x0] =	sbarrier.arrive $0xFFFF  }
0x67: {  	[tilespmem:s19], [sflag:$0x5] =	stream.linear.gather [spmem:s9], $0x4000, $0x38;
	[tilespmem:$0x1C000] =	vst v63  }
0x68: {  	_ =	swait.ge [sflag:s14], $0x4000  }
0x69: {  	[sflag:s14] =	ssyncset.done $0x0  }
0x6a: {  	[sflag:s14] =	ssyncadd.s32 $0xFFFFC000  }
0x6b: {  	[hbm4b:s11+s4] =	stream.linear.scatter [tilespmem:s19], [sflag:$0x5], $0x4000, $0x38;
	[tilespmem:$0x1C000] =	vst v63  }
0x6c: {  	_ =	swait.ge [sflag:s14], $0x4000  }
0x6d: {  	[sflag:s14] =	ssyncset.done $0x0  }
0x6e: {  	[sflag:s14] =	ssyncadd.s32 $0xFFFFC000  }
0x6f: {  	[tilespmem:s21], [sflag:$0x5] =	stream.linear.gather [spmem:s10], $0x1000, $0x38;
	[tilespmem:$0x1C000] =	vst v63  }
0x70: {  	_ =	swait.ge [sflag:s14], $0x1000  }
0x71: {  	s28 =	sadd.s32 $0x1, s28;
	[sflag:s14] =	ssyncset.done $0x0  }
0x72: {  	p0 =	sne.s32 s28, s13;
	[sflag:s14] =	ssyncadd.s32 $0xFFFFF000  }
0x73: {  	[hbm4b:s12+s4] =	stream.linear.scatter [tilespmem:s21], [sflag:$0x5], $0x1000, $0x38;
	[tilespmem:$0x1C000] =	vst v63  }
.Ltmp2:
0x74: {  	_ =	swait.ge [sflag:s14], $0x1000;
	(pc) =	sbr.rel @p0 .LBB2_1-.Ltmp2, $3  }
0x75: {  	[sflag:s14] =	ssyncset.done $0x0  }
0x76: {  	[sflag:s14] =	ssyncadd.s32 $0xFFFFF000  }
0x77: {  	[bflag:$0x0] =	sbarrier.arrive $0xFFFF;
	_ =	sdelay $0x1  }
0x78: {  	_ =	sfence.sel $0x180000  }
0x79: {  	[bflag:$0x0] =	sbarrier.arrive $0xFFFF  }
0x7a: {  	p0 =	sne.s32 s0, $0x0;
	_ =	strace $0x90000050  }
0x7b: {  	s0 =	sadd.s32 @!p0 $0x100000, s1;
	[bflag:$0x2] =	sbarrier.arrive $0xFFFF  }
0x7c: {  	[sflag:s0] =	ssyncadd.tile.s32 @!p0 $0x1;
	_ =	shalt  }
.Lfunc_end2:
_tile_overlayer_lowered:
.L_overlay_start_2:
0x7d: {  	(tag) =	ssettag $0x2  }
0x7e: {  	s0 =	rddreg [dreg:$0x0];
	s2 =	stileid.u32  }
0x7f: {  	s1 =	rddreg [dreg:$0x1];
	p0 =	sne.s32 s2, $0x0  }
0x80: {  	s3 =	rddreg [dreg:$0x2];
	[bflag:$0x3] =	sbarrier.arrive $0xFFFF;
	s2 =	simm.s32 @!p0 $0x1C05  }
0x81: {  	[timem:s3], [sflag:s2] =	dma.local @!p0 [hbm:s0], s1  }
0x82: {  	s0 =	simm.s32 @!p0 $0x5  }
0x83: {  	_ =	swait.ge @!p0 [sflag:s0], s1  }
0x84: {  	s1 =	ssub.s32 @!p0 $0x0, s1;
	[sflag:s0] =	ssyncset.done @!p0 $0x0  }
0x85: {  	[sflag:s0] =	ssyncadd.s32 @!p0 s1  }
0x86: {  	[bflag:$0x3] =	sbarrier.arrive $0xFFFF  }
0x87: {  	_ =	shalt  }

// kernel: kernel.24.cloned.1.call-start
scs
__scs_entry_jumppad:
0x0: {  	(pc) =	sbr.rel $0x88, $3  }
0x1: {  	(tag) =	ssettag $0x0;
	lr =	simm.s32 $0x1  }
0x2: {  	[smem:$0x3F96] =	sst lr;
	_ =	strace $0xD0000000  }
0x3: {  	_ = 	snop  }
0x4: {  	_ = 	snop  }
0x5: {  	_ = 	snop  }
0x6: {  	_ = 	snop  }
0x7: {  	_ = 	snop  }
__scs_overlays_trampoline_lowered:
0x8: {  	[smem:$0x3FA5] =	sst s0  }
0x9: {  	[smem:$0x3FA6] =	sst s1  }
0xa: {  	[smem:$0x3FA7] =	sst s2  }
0xb: {  	[smem:$0x3FA8] =	sst s3  }
0xc: {  	[smem:$0x3FA9] =	sst s4  }
0xd: {  	[smem:$0x3FAA] =	sst s5  }
0xe: {  	[smem:$0x3FAB] =	sst s6  }
0xf: {  	[smem:$0x3FAC] =	sst s7  }
0x10: {  	[smem:$0x3FAD] =	sst s8  }
0x11: {  	[smem:$0x3FAE] =	sst s9;
	s0 =	simm.s32 @!p0 $0x0  }
0x12: {  	s1 =	sld [smem:$0x3F94];
	s0 =	simm.s32 @p0 $0x1  }
0x13: {  	[smem:$0x3FAF] =	sst s0;
	s0 =	simm.s32 @!p1 $0x0  }
0x14: {  	s2 =	sld [smem:$0x3F93];
	s0 =	simm.s32 @p1 $0x1  }
0x15: {  	[smem:$0x3FB0] =	sst s0;
	s0 =	simm.s32 @!p2 $0x0  }
0x16: {  	s3 =	sld [smem:$0x3FDB];
	s0 =	simm.s32 @p2 $0x1  }
0x17: {  	s4 =	simm.s32 $0x1BF5;
	[smem:$0x3FB2] =	sst s0  }
0x18: {  	s0 =	sld [smem:$0x3F95];
	_ =	swait.ge [sflag:s4], $0x0  }
0x19: {  	s7 =	sld [smem:$0x3F96]  }
0x1a: {  	s8 =	sadd.s32 $0xFFFFE003, lr  }
0x1b: {  	s9 =	sadd.s32 $0xFFFFFEF7, lr;
	s5 =	simm.s32 $0xFFFFFFFF;
	p2 =	slt.u32 s8, $0xFFFFF086  }
0x1c: {  	p1 =	slt.u32 s9, $0xF7A;
	s5 =	simm.s32 @!p2 $0x0  }
0x1d: {  	s5 =	simm.s32 @p1 $0x1;
	p0 =	seq.s32 s7, s2  }
0x1e: {  	s7 =	smul.u32 @!p0 $0xF7A, s2;
	p2 =	seq.s32 @!p0 s5, $0x0  }
0x1f: {  	s9 =	smul.u32 $0xF7A, s1;
	s8 =	simm.s32 @!p0 $0x1BF5;
	p2 =	por !p2, p0  }
0x20: {  	[sflag:s8] =	ssyncset.s32 @!p0 $0xFFFFF086;
	s6 =	sadd.s32 @!p0 s3, s7;
	s7 =	simm.s32 @!p0 $0x108  }
0x21: {  	s3 =	sadd.s32 s3, s9;
	s6 =	sadd.s32 @!p0 $0x88, s6;
	s7 =	simm.s32 @p2 $0x1082  }
0x22: {  	[simem:s7], [sflag:s8] =	dma.local @!p0 [hbm:s6], $0xF7A  }
0x23: {  	s9 =	sor.u32 $0xD0000000, s2;
	s6 =	simm.s32 $0x108;
	_ =	swait.ge @!p0 [sflag:s8], $0x0  }
0x24: {  	s3 =	sadd.s32 $0x88, s3;
	s6 =	simm.s32 @!p1 $0x1082;
	[sflag:s4] =	ssyncset.s32 $0xFFFFF086  }
0x25: {  	[simem:s6], [sflag:s4] =	dma.local [hbm:s3], $0xF7A  }
0x26: {  	[smem:$0x3F96] =	sst s1;
	(tag) =	ssettag s2;
	_ =	strace s9  }
0x27: {  	s1 =	sld [smem:$0x3FA6]  }
0x28: {  	s2 =	sld [smem:$0x3FA7]  }
0x29: {  	s4 =	sld [smem:$0x3FA9]  }
0x2a: {  	p0 =	seq.s32 s5, $0x0;
	s5 =	sld [smem:$0x3FAA]  }
0x2b: {  	s6 =	sld [smem:$0x3FAB]  }
0x2c: {  	s7 =	sld [smem:$0x3FAC]  }
0x2d: {  	s3 =	simm.s32 $0x108;
	s8 =	sld [smem:$0x3FAD]  }
0x2e: {  	s3 =	simm.s32 @!p0 $0x1082;
	s9 =	sld [smem:$0x3FAE]  }
0x2f: {  	lr =	sadd.s32 s0, s3;
	s0 =	sld [smem:$0x3FA5]  }
0x30: {  	s3 =	sld [smem:$0x3FA8]  }
0x31: {  	[smem:$0x3FB1] =	sst s10  }
0x32: {  	s10 =	sld [smem:$0x3FAF];
	_ =	sdelay $0x3  }
0x33: {  	p0 =	seq.s32 s10, $0x1;
	s10 =	sld [smem:$0x3FB1];
	_ =	sdelay $0x3  }
0x34: {  	[smem:$0x3FB1] =	sst s10  }
0x35: {  	s10 =	sld [smem:$0x3FB0];
	_ =	sdelay $0x3  }
0x36: {  	p1 =	seq.s32 s10, $0x1;
	s10 =	sld [smem:$0x3FB1];
	_ =	sdelay $0x3  }
0x37: {  	[smem:$0x3FB1] =	sst s10  }
0x38: {  	s10 =	sld [smem:$0x3FB2]  }
0x39: {  	_ = 	snop;
	(pc) =	sbr.ind lr, $3  }
0x3a: {  	_ = 	snop  }
0x3b: {  	_ = 	snop  }
0x3c: {  	p2 =	seq.s32 s10, $0x1;
	s10 =	sld [smem:$0x3FB1]  }
0x3d: {  	_ =	shalt  }
0x3e: {  	_ =	shalt  }
0x3f: {  	_ =	shalt  }
0x40: {  	_ =	shalt  }
0x41: {  	_ =	shalt  }
0x42: {  	_ =	shalt  }
0x43: {  	_ =	shalt  }
0x44: {  	_ =	shalt  }
0x45: {  	_ =	shalt  }
0x46: {  	_ =	shalt  }
0x47: {  	_ =	shalt  }
0x48: {  	_ =	shalt  }
0x49: {  	_ =	shalt  }
0x4a: {  	_ =	shalt  }
0x4b: {  	_ =	shalt  }
0x4c: {  	_ =	shalt  }
0x4d: {  	_ =	shalt  }
0x4e: {  	_ =	shalt  }
0x4f: {  	_ =	shalt  }
0x50: {  	_ =	shalt  }
0x51: {  	_ =	shalt  }
0x52: {  	_ =	shalt  }
0x53: {  	_ =	shalt  }
0x54: {  	_ =	shalt  }
0x55: {  	_ =	shalt  }
0x56: {  	_ =	shalt  }
0x57: {  	_ =	shalt  }
0x58: {  	_ =	shalt  }
0x59: {  	_ =	shalt  }
0x5a: {  	_ =	shalt  }
0x5b: {  	_ =	shalt  }
0x5c: {  	_ =	shalt  }
0x5d: {  	_ =	shalt  }
0x5e: {  	_ =	shalt  }
0x5f: {  	_ =	shalt  }
0x60: {  	_ =	shalt  }
0x61: {  	_ =	shalt  }
0x62: {  	_ =	shalt  }
0x63: {  	_ =	shalt  }
0x64: {  	_ =	shalt  }
0x65: {  	_ =	shalt  }
0x66: {  	_ =	shalt  }
0x67: {  	_ =	shalt  }
0x68: {  	_ =	shalt  }
0x69: {  	_ =	shalt  }
0x6a: {  	_ =	shalt  }
0x6b: {  	_ =	shalt  }
0x6c: {  	_ =	shalt  }
0x6d: {  	_ =	shalt  }
0x6e: {  	_ =	shalt  }
0x6f: {  	_ =	shalt  }
0x70: {  	_ =	shalt  }
0x71: {  	_ =	shalt  }
0x72: {  	_ =	shalt  }
0x73: {  	_ =	shalt  }
0x74: {  	_ =	shalt  }
0x75: {  	_ =	shalt  }
0x76: {  	_ =	shalt  }
0x77: {  	_ =	shalt  }
0x78: {  	_ =	shalt  }
0x79: {  	_ =	shalt  }
0x7a: {  	_ =	shalt  }
0x7b: {  	_ =	shalt  }
0x7c: {  	_ =	shalt  }
0x7d: {  	_ =	shalt  }
0x7e: {  	_ =	shalt  }
0x7f: {  	_ =	shalt  }
0x80: {  	_ =	shalt  }
0x81: {  	_ =	shalt  }
0x82: {  	_ =	shalt  }
0x83: {  	_ =	shalt  }
0x84: {  	_ =	shalt  }
0x85: {  	_ =	shalt  }
0x86: {  	_ =	shalt  }
0x87: {  	_ =	shalt  }
.Lfunc_end0:
.L_simem_size_0:
called_computation.4_lowered:
.L_overlay_start_0:
0x88: {  	s2 =	sld [smem:$0x3FD9]  }
0x89: {  	s3 =	sld [smem:$0x3FFE];
	_ =	sdelay $0x1  }
0x8a: {  	s1 =	srdreg.scid  }
0x8b: {  	s0 =	sand.u32 $0x1, s1  }
0x8c: {  	s16 =	sshll.u32 s0, $0xA;
	s2 =	sadd.s32 s3, s2  }
0x8d: {  	s2 =	sadd.s32 s2, s16  }
0x8e: {  	[smem:$0x3FBD] =	sst s2  }
0x8f: {  	_ = 	snop  }
0x90: {  	(tm) =	ssettm $0x1  }
0x91: {  	s17 =	sld [smem:$0x3FFB];
	_ =	sdelay $0x3  }
0x92: {  	_ =	strace s17  }
0x93: {  	s2 =	sld [smem:$0x3FFC];
	_ =	sdelay $0x3  }
0x94: {  	_ =	strace s2  }
0x95: {  	s2 =	sld [smem:$0x3FFD];
	_ =	sdelay $0x3  }
0x96: {  	_ =	strace s2  }
0x97: {  	_ =	strace $0x8FFFFFFF  }
0x98: {  	s18 =	sld [smem:$0x3FDB];
	_ =	sdelay $0x1  }
0x99: {  	s19 =	simm.s32 $_scs_section_size  }
0x9a: {  	s4 =	simm.s32 $_size__tile_overlayer_lowered;
	s5 =	simm.s32 $_tile_overlayer_lowered  }
0x9b: {  	s22 =	simm.s32 $0x1BFF;
	s21 =	sshll.u32 s5, $0x1;
	s2 =	sadd.s32 s19, s18  }
0x9c: {  	s6 =	simm.s32 $0x0;
	s20 =	sshll.u32 s4, $0x1;
	s4 =	sadd.s32 s21, s2  }
0x9d: {  	[timem:s6], [sflag:s22] =	dma.local [hbm:s4], s20  }
0x9e: {  	_ =	swait.ge [sflag:s22], s20  }
0x9f: {  	s3 =	ssub.s32 $0x0, s20;
	[sflag:s22] =	ssyncset.done $0x0  }
0xa0: {  	[sflag:s22] =	ssyncadd.s32 s3;
	_ =	sdelay $0x1  }
0xa1: {  	s23 =	simm.s32 $0x1B8B  }
0xa2: {  	_ =	swait.ge [sflag:s23], $0x1  }
0xa3: {  	[sflag:s23] =	ssyncset.done $0x0  }
0xa4: {  	s25 =	simm.s32 $0x1B8E;
	s24 =	sld [smem:$0x3FFE];
	[sflag:s23] =	ssyncadd.s32 $0xFFFFFFFF  }
0xa5: {  	s26 =	simm.s32 $execute0_lowered;
	[smem:$0x3FD2] =	sst s25  }
0xa6: {  	s4 =	sshll.u32 s26, $0x1;
	_ =	strace $0x80000052;
	[dreg:$0x1] =	wrdreg $0xFFFFFFFF  }
0xa7: {  	s28 =	simm.s32 $_size_execute0_lowered;
	s2 =	sadd.s32 s2, s4;
	[dreg:$0x0] =	wrdreg $0x0  }
0xa8: {  	s4 =	sshll.u32 s28, $0x1;
	[dreg:$0x2] =	wrdreg s2  }
0xa9: {  	[dreg:$0x3] =	wrdreg s4  }
0xaa: {  	[dreg:$0x4] =	wrdreg $0xC0  }
0xab: {  	_ =	task [dreg:s6], $0x5FFFF  }
0xac: {  	[dreg:$0x1] =	wrdreg $0xFFFFFFFF  }
0xad: {  	[dreg:$0x0] =	wrdreg $0x60  }
0xae: {  	[dreg:$0x2] =	wrdreg s24  }
0xaf: {  	[dreg:$0x3] =	wrdreg $0xE0000  }
0xb0: {  	[dreg:$0x4] =	wrdreg $0x108000  }
0xb1: {  	[dreg:$0x5] =	wrdreg $0x9  }
0xb2: {  	_ =	task.clear_ibuf [dreg:s6], $0x6FFFF;
	_ =	strace $0x90000052  }
0xb3: {  	s29 =	simm.s32 $0x9;
	_ =	strace $0x80000054  }
0xb4: {  	_ =	swait.ge [sflag:s29], $0x1  }
0xb5: {  	[sflag:s29] =	ssyncadd.s32 $0xFFFFFFFF  }
0xb6: {  	_ =	strace $0x90000054  }
0xb7: {  	_ =	sfence  }
0xb8: {  	s30 =	sld [smem:$0x0];
	_ =	sdelay $0x2  }
0xb9: {  	s31 =	sshll.u32 s1, $0xD;
	s1 =	sshrl.u32 s1, $0x2  }
0xba: {  	s3 =	sand.u32 $0x4000, s31;
	s1 =	sadd.s32 s1, s30  }
0xbb: {  	s0 =	sor.u32 s3, s0;
	s1 =	sshll.u32 s1, $0x11  }
0xbc: {  	s0 =	sor.u32 s1, s0  }
0xbd: {  	s0 =	sadd.s32 $0x8F2B, s0  }
0xbe: {  	[sflag:s0] =	ssyncadd.remote.s32 $0x1  }
0xbf: {  	_ =	sfence.sel $0xFFFF  }
0xc0: {  	[dreg:$0x0] =	wrdreg $0xFFFFFFFF;
	(pc) =	sbr.abs _section_cstart, $3  }
0xc1: {  	[dreg:$0x1] =	wrdreg $0xFFFFFFFF  }
0xc2: {  	_ =	task.clear_ibuf [dreg:s6], $0x2FFFF;
	_ =	strace $0x9FFFFFFF  }
0xc3: {  	(tm) =	ssettm $0x7FFFFFFF  }
tec
execute0_lowered:
.L_overlay_start_1:
0x0: {  	(tag) =	ssettag $0x1  }
0x1: {  	s5 =	rddreg [dreg:$0x0]  }
0x2: {  	s2 =	rddreg [dreg:$0x1]  }
0x3: {  	s1 =	srdreg.scid;
	s0 =	stileid.u32  }
0x4: {  	s3 =	rddreg [dreg:$0x2];
	s4 =	simm.s32 $0x0;
	s19 =	simm.s32 $0xA000  }
0x5: {  	s20 =	simm.s32 $0x200;
	s21 =	simm.s32 $0xC000;
	s22 =	simm.s32 $0x1  }
0x6: {  	s23 =	simm.s32 $0x2;
	s8 =	sand.u32 $0x1, s1;
	s1 =	rddreg [dreg:$0x3]  }
0x7: {  	s28 =	simm.s32 $0x0;
	s6 =	sshll.u32 s0, $0x1;
	[smem:$0x7FF] =	sst s4  }
0x8: {  	s9 =	sadd.s32 $0x2BA00, s5;
	s12 =	sadd.s32 $0x30A00, s5;
	s10 =	smul.u32 $0x2800, s0  }
0x9: {  	s16 =	sshll.u32 s0, $0x6;
	s6 =	sor.u32 s8, s6;
	_ =	strace $0x80000053  }
0xa: {  	s7 =	ssub.s32 $0x2, s8;
	s15 =	smul.u32 $0x28000, s8;
	s16 =	sor.u32 $0x1C05, s16  }
0xb: {  	s6 =	smul.u32 $0xA00, s6;
	s24 =	sshrl.u32 s7, $0x1;
	s17 =	sadd.s32 s10, s2  }
0xc: {  	s25 =	sshrl.u32 s10, $0x3;
	s11 =	sadd.s32 $0x1400, s10;
	s26 =	sadd.s32 $0x2000, s10  }
0xd: {  	s13 =	ssub.s32 s7, s24;
	s7 =	sadd.s32 s9, s25;
	s14 =	sshrl.u32 s11, $0x3  }
0xe: {  	s18 =	sadd.s32 s11, s2;
	s29 =	sadd.s32 s10, s15;
	s15 =	sadd.s32 s15, s26  }
0xf: {  	s17 =	sshrl.u32 s17, $0x3;
	s24 =	simm.s32 $0x5200;
	s25 =	simm.s32 $0x3  }
0x10: {  	s6 =	sadd.s32 s6, s5;
	s8 =	sadd.s32 s9, s14;
	s9 =	sadd.s32 s10, s3  }
0x11: {  	s10 =	sadd.s32 s26, s3;
	s30 =	sshrl.u32 s29, $0x3;
	s31 =	sshrl.u32 s15, $0x3  }
0x12: {  	s13 =	smax.u32 s13, $0x1;
	s14 =	simm.s32 $0x5;
	s15 =	simm.s32 $0x5000  }
0x13: {  	s18 =	sshrl.u32 s18, $0x3;
	s26 =	simm.s32 $0x4;
	s5 =	sadd.s32 $0x3A00, s6  }
0x14: {  	v0 =	vimm.f32 $0.0e+00;
	s6 =	sadd.s32 $0x17A00, s6;
	s11 =	sadd.s32 s12, s30;
	s12 =	sadd.s32 s12, s31  }
.LBB2_1:
0x15: {  	[tilespmem:s4], [sflag:$0x5] =	stream.linear.gather [hbm4b:s5+s4], $0x5000, $0x38;
	[tilespmem:$0x13000] =	vst v63  }
0x16: {  	_ =	swait.ge [sflag:s14], $0x5000  }
0x17: {  	[sflag:s14] =	ssyncset.done $0x0  }
0x18: {  	[sflag:s14] =	ssyncadd.s32 $0xFFFFB000  }
0x19: {  	[tilespmem:s15], [sflag:$0x5] =	stream.linear.gather [hbm4b:s6+s4], $0x5000, $0x38;
	[tilespmem:$0x13000] =	vst v63  }
0x1a: {  	_ =	swait.ge [sflag:s14], $0x5000  }
0x1b: {  	[sflag:s14] =	ssyncset.done $0x0  }
0x1c: {  	[sflag:s14] =	ssyncadd.s32 $0xFFFFB000  }
0x1d: {  	[spmem:s17], [sflag:s16] =	dma.local [hbm:s7], $0x280  }
0x1e: {  	_ =	swait.ge [sflag:s14], $0x280  }
0x1f: {  	[sflag:s14] =	ssyncset.done $0x0  }
0x20: {  	[sflag:s14] =	ssyncadd.s32 $0xFFFFFD80  }
0x21: {  	[spmem:s18], [sflag:s16] =	dma.local [hbm:s8], $0x280  }
0x22: {  	_ =	swait.ge [sflag:s14], $0x280  }
0x23: {  	[sflag:s14] =	ssyncset.done $0x0  }
0x24: {  	s29 =	simm.s32 $0x40;
	s30 =	simm.s32 $0x0;
	[sflag:s14] =	ssyncadd.s32 $0xFFFFFD80  }
.LBB2_2:
0x25: {  	p0 =	sne.s32 s29, $0x7FC0;
	[tilespmem:s30+$0xA000] =	vst v0;
	s30 =	smov.u32 s29;
	s29 =	sadd.s32 $0x40, s29  }
.Ltmp0:
0x26: {  	(pc) =	sbr.rel @p0 .LBB2_2-.Ltmp0, $2  }
0x27: {  	_ =	sdelay $0x2  }
0x28: {  	s30 =	sshra.s32 s30, $0x2  }
0x29: {  	[tilespmem:s30+$0xA000] =	vst v0  }
0x2a: {  	[spmem:s9] =	stream.linear.scatter [tilespmem:s19], [sflag:$0x5], $0x2000, $0x38;
	[tilespmem:$0x13000] =	vst v63  }
0x2b: {  	_ =	swait.ge [sflag:s14], $0x2000  }
0x2c: {  	[sflag:s14] =	ssyncset.done $0x0  }
0x2d: {  	[sflag:s14] =	ssyncadd.s32 $0xFFFFE000  }
0x2e: {  	[spmem:s10] =	stream.linear.scatter [tilespmem:s19], [sflag:$0x5], $0x800, $0x38;
	[tilespmem:$0x13000] =	vst v63  }
0x2f: {  	_ =	swait.ge [sflag:s14], $0x800  }
0x30: {  	[sflag:s14] =	ssyncset.done $0x0  }
0x31: {  	[sflag:s14] =	ssyncadd.s32 $0xFFFFF800  }
0x32: {  	[bflag:$0x0] =	sbarrier.arrive $0xFFFF  }
0x33: {  	[tilespmem:s19], [sflag:$0x1] =	stream.indirect.gather [spmem:s2], $0x10, s4, s20, $0xb8;
	[tilespmem:$0x13000] =	vst v63  }
0x34: {  	_ = 	snop  }
0x35: {  	[tilespmem:s21], [sflag:$0x2] =	stream.indirect.gather [spmem:s2], $0x10, s20, s20, $0xb8;
	[tilespmem:$0x13000] =	vst v63  }
0x36: {  	_ =	swait.ge [sflag:s22], $0x2000  }
0x37: {  	[sflag:s22] =	ssyncset.done $0x0  }
0x38: {  	[sflag:s22] =	ssyncadd.s32 $0xFFFFE000  }
0x39: {  	[spmem:s3] =	stream.indirect.scatter.add.f32 [tilespmem:s19], [sflag:$0x3], $0x10, s15, s20, $0xb8;
	[tilespmem:$0x13000] =	vst v63  }
0x3a: {  	_ =	swait.ge [sflag:s23], $0x2000  }
0x3b: {  	[sflag:s23] =	ssyncset.done $0x0  }
0x3c: {  	[sflag:s23] =	ssyncadd.s32 $0xFFFFE000  }
0x3d: {  	[spmem:s3] =	stream.indirect.scatter.add.f32 [tilespmem:s21], [sflag:$0x4], $0x10, s24, s20, $0xb8;
	[tilespmem:$0x13000] =	vst v63  }
0x3e: {  	_ =	swait.ge [sflag:s25], $0x2000  }
0x3f: {  	[sflag:s25] =	ssyncset.done $0x0  }
0x40: {  	s29 =	simm.s32 $0x400;
	[sflag:s25] =	ssyncadd.s32 $0xFFFFE000  }
0x41: {  	[tilespmem:s19], [sflag:$0x1] =	stream.indirect.gather [spmem:s2], $0x10, s29, s20, $0xb8;
	[tilespmem:$0x13000] =	vst v63  }
0x42: {  	_ =	swait.ge [sflag:s26], $0x2000  }
0x43: {  	[sflag:s26] =	ssyncset.done $0x0  }
0x44: {  	s29 =	simm.s32 $0x600;
	[sflag:s26] =	ssyncadd.s32 $0xFFFFE000  }
0x45: {  	[tilespmem:s21], [sflag:$0x2] =	stream.indirect.gather [spmem:s2], $0x10, s29, s20, $0xb8;
	[tilespmem:$0x13000] =	vst v63  }
0x46: {  	_ =	swait.ge [sflag:s22], $0x2000  }
0x47: {  	[sflag:s22] =	ssyncset.done $0x0  }
0x48: {  	s29 =	simm.s32 $0x5400;
	[sflag:s22] =	ssyncadd.s32 $0xFFFFE000  }
0x49: {  	[spmem:s3] =	stream.indirect.scatter.add.f32 [tilespmem:s19], [sflag:$0x3], $0x10, s29, s20, $0xb8;
	[tilespmem:$0x13000] =	vst v63  }
0x4a: {  	_ =	swait.ge [sflag:s23], $0x2000  }
0x4b: {  	[sflag:s23] =	ssyncset.done $0x0  }
0x4c: {  	s30 =	simm.s32 $0x5600;
	s29 =	simm.s32 $0xFFFEE000;
	[sflag:s23] =	ssyncadd.s32 $0xFFFFE000  }
.LBB2_4:
0x4d: {  	[spmem:s3] =	stream.indirect.scatter.add.f32 [tilespmem:s21], [sflag:$0x4], $0x10, s30, s20, $0xb8;
	[tilespmem:$0x13000] =	vst v63  }
0x4e: {  	s30 =	smov.u32 s29  }
0x4f: {  	p0 =	sne.s32 s29, $0xFFFFF000;
	s29 =	sadd.s32 $0x1000, s29;
	_ =	swait.ge [sflag:s25], $0x2000  }
0x50: {  	s30 =	sshra.s32 s30, $0x2;
	[sflag:s25] =	ssyncset.done $0x0  }
0x51: {  	s31 =	sadd.s32 $0x5000, s30;
	[sflag:s25] =	ssyncadd.s32 $0xFFFFE000  }
0x52: {  	[tilespmem:s19], [sflag:$0x1] =	stream.indirect.gather [spmem:s2], $0x10, s31, s20, $0xb8;
	[tilespmem:$0x13000] =	vst v63  }
0x53: {  	_ =	swait.ge [sflag:s26], $0x2000  }
0x54: {  	[sflag:s26] =	ssyncset.done $0x0  }
0x55: {  	s31 =	sadd.s32 $0x5200, s30;
	[sflag:s26] =	ssyncadd.s32 $0xFFFFE000  }
0x56: {  	[tilespmem:s21], [sflag:$0x2] =	stream.indirect.gather [spmem:s2], $0x10, s31, s20, $0xb8;
	[tilespmem:$0x13000] =	vst v63  }
0x57: {  	_ =	swait.ge [sflag:s22], $0x2000  }
0x58: {  	[sflag:s22] =	ssyncset.done $0x0  }
.Ltmp1:
0x59: {  	s31 =	sadd.s32 $0xA000, s30;
	[sflag:s22] =	ssyncadd.s32 $0xFFFFE000;
	(pc) =	sbr.rel @p0 .LBB2_4-.Ltmp1, $4  }
0x5a: {  	[spmem:s3] =	stream.indirect.scatter.add.f32 [tilespmem:s19], [sflag:$0x3], $0x10, s31, s20, $0xb8;
	[tilespmem:$0x13000] =	vst v63  }
0x5b: {  	_ =	swait.ge [sflag:s23], $0x2000  }
0x5c: {  	[sflag:s23] =	ssyncset.done $0x0  }
0x5d: {  	s30 =	sadd.s32 $0xA200, s30;
	[sflag:s23] =	ssyncadd.s32 $0xFFFFE000  }
0x5e: {  	[spmem:s3] =	stream.indirect.scatter.add.f32 [tilespmem:s21], [sflag:$0x4], $0x10, s30, s20, $0xb8;
	[tilespmem:$0x13000] =	vst v63  }
0x5f: {  	_ =	swait.ge [sflag:s25], $0x2000  }
0x60: {  	[sflag:s25] =	ssyncset.done $0x0  }
0x61: {  	[sflag:s25] =	ssyncadd.s32 $0xFFFFE000  }
0x62: {  	_ =	swait.ge [sflag:s26], $0x2000  }
0x63: {  	[sflag:s26] =	ssyncset.done $0x0  }
0x64: {  	[sflag:s26] =	ssyncadd.s32 $0xFFFFE000  }
0x65: {  	[bflag:$0x0] =	sbarrier.arrive $0xFFFF  }
0x66: {  	[tilespmem:s19], [sflag:$0x5] =	stream.linear.gather [spmem:s9], $0x2000, $0x38;
	[tilespmem:$0x13000] =	vst v63  }
0x67: {  	_ =	swait.ge [sflag:s14], $0x2000  }
0x68: {  	[sflag:s14] =	ssyncset.done $0x0  }
0x69: {  	[sflag:s14] =	ssyncadd.s32 $0xFFFFE000  }
0x6a: {  	[hbm4b:s11+s4] =	stream.linear.scatter [tilespmem:s19], [sflag:$0x5], $0x2000, $0x38;
	[tilespmem:$0x13000] =	vst v63  }
0x6b: {  	_ =	swait.ge [sflag:s14], $0x2000  }
0x6c: {  	[sflag:s14] =	ssyncset.done $0x0  }
0x6d: {  	[sflag:s14] =	ssyncadd.s32 $0xFFFFE000  }
0x6e: {  	[tilespmem:s21], [sflag:$0x5] =	stream.linear.gather [spmem:s10], $0x800, $0x38;
	[tilespmem:$0x13000] =	vst v63  }
0x6f: {  	_ =	swait.ge [sflag:s14], $0x800  }
0x70: {  	s28 =	sadd.s32 $0x1, s28;
	[sflag:s14] =	ssyncset.done $0x0  }
0x71: {  	p0 =	sne.s32 s28, s13;
	[sflag:s14] =	ssyncadd.s32 $0xFFFFF800  }
0x72: {  	[hbm4b:s12+s4] =	stream.linear.scatter [tilespmem:s21], [sflag:$0x5], $0x800, $0x38;
	[tilespmem:$0x13000] =	vst v63  }
.Ltmp2:
0x73: {  	_ =	swait.ge [sflag:s14], $0x800;
	(pc) =	sbr.rel @p0 .LBB2_1-.Ltmp2, $3  }
0x74: {  	[sflag:s14] =	ssyncset.done $0x0  }
0x75: {  	[sflag:s14] =	ssyncadd.s32 $0xFFFFF800  }
0x76: {  	[bflag:$0x0] =	sbarrier.arrive $0xFFFF;
	_ =	sdelay $0x1  }
0x77: {  	_ =	sfence.sel $0x180000  }
0x78: {  	[bflag:$0x0] =	sbarrier.arrive $0xFFFF  }
0x79: {  	p0 =	sne.s32 s0, $0x0;
	_ =	strace $0x90000053  }
0x7a: {  	s0 =	sadd.s32 @!p0 $0x100000, s1;
	[bflag:$0x2] =	sbarrier.arrive $0xFFFF  }
0x7b: {  	[sflag:s0] =	ssyncadd.tile.s32 @!p0 $0x1;
	_ =	shalt  }
.Lfunc_end2:
_tile_overlayer_lowered:
.L_overlay_start_2:
0x7c: {  	(tag) =	ssettag $0x2  }
0x7d: {  	s0 =	rddreg [dreg:$0x0];
	s2 =	stileid.u32  }
0x7e: {  	s1 =	rddreg [dreg:$0x1];
	p0 =	sne.s32 s2, $0x0  }
0x7f: {  	s3 =	rddreg [dreg:$0x2];
	[bflag:$0x3] =	sbarrier.arrive $0xFFFF;
	s2 =	simm.s32 @!p0 $0x1C05  }
0x80: {  	[timem:s3], [sflag:s2] =	dma.local @!p0 [hbm:s0], s1  }
0x81: {  	s0 =	simm.s32 @!p0 $0x5  }
0x82: {  	_ =	swait.ge @!p0 [sflag:s0], s1  }
0x83: {  	s1 =	ssub.s32 @!p0 $0x0, s1;
	[sflag:s0] =	ssyncset.done @!p0 $0x0  }
0x84: {  	[sflag:s0] =	ssyncadd.s32 @!p0 s1  }
0x85: {  	[bflag:$0x3] =	sbarrier.arrive $0xFFFF  }
0x86: {  	_ =	shalt  }

</sc_bundles>
